<compile_context>
chip_gen: v7x
topology: tpu7x:2x2x1
jax: 0.10.2.dev20260603
libtpu: 0.0.44.dev20260713+nightly
codegen_flags: <defaults>
</compile_context>

<pallas_src>
import functools

import jax
import jax.numpy as jnp
from jax import lax
from jax.experimental import pallas as pl
from jax.experimental.pallas import tpu as pltpu
from jax.experimental.pallas import tpu_sc as plsc

N_NODES = 10000
DIM = 128
N_EDGES = 320000
E_TOT = N_EDGES + N_NODES
NP = 10240
NW = 32
NG = 82
GSZ = 128
CHUNK = NG * GSZ
E_PAD = NW * CHUNK


def _proj_body(x_ref, w_ref, att8_ref, h_ref, a8_ref):
    h = jnp.dot(x_ref[...], w_ref[...], preferred_element_type=jnp.float32)
    h_ref[...] = h
    a8_ref[...] = jnp.dot(h, att8_ref[...], preferred_element_type=jnp.float32)


def _finish_body(p_ref, s_ref, bias_ref, o_ref):
    acc = p_ref[0] + p_ref[1]
    s = s_ref[0] + s_ref[1] + 1e-16
    o_ref[...] = acc / s + bias_ref[...]


_SPLAT_DNUMS = lax.GatherDimensionNumbers(
    offset_dims=(), collapsed_slice_dims=(0,), start_index_map=(0,))


def _splat(v16, lane_idx):
    return lax.gather(v16, lane_idx[:, None], _SPLAT_DNUMS, (1,),
                      mode=lax.GatherScatterMode.PROMISE_IN_BOUNDS)


def _gat_sc_body(h_hbm, asrc_hbm, adst_hbm, packed_hbm,
                 out_hbm, s_hbm,
                 packed_v, si0_v, di0_v, si1_v, di1_v,
                 av0_v, bv0_v, av1_v, bv1_v, w_v,
                 buf0_v, buf1_v, zrow_v,
                 out_acc, s_acc, sr0, sa0, sb0, sr1, sa1, sb1):
    cid = lax.axis_index("c")
    sid = lax.axis_index("s")
    wid = sid * 2 + cid

    pltpu.sync_copy(packed_hbm.at[wid], packed_v)

    zeros16 = jnp.zeros((16,), jnp.float32)

    def _zero_buf(i, _):
        for j in range(8):
            buf0_v[i, pl.ds(j * 16, 16)] = zeros16
        return 0

    lax.fori_loop(0, GSZ, _zero_buf, 0)

    def _zero_zrow(i, _):
        zrow_v[pl.ds(i * 16, 16)] = zeros16
        return 0

    lax.fori_loop(0, 40, _zero_zrow, 0)

    row0 = sid * 640
    for c in range(5):
        pltpu.sync_copy(buf0_v, out_acc.at[pl.ds(row0 + c * GSZ, GSZ)])
    pltpu.sync_copy(zrow_v, s_acc.at[pl.ds(row0, 640)])
    plsc.subcore_barrier()

    iota16 = lax.iota(jnp.int32, 16)
    ebase = wid * CHUNK
    lane_ids = [jnp.full((16,), l, jnp.int32) for l in range(16)]
    slots = ((si0_v, di0_v, av0_v, bv0_v, buf0_v, sr0, sa0, sb0),
             (si1_v, di1_v, av1_v, bv1_v, buf1_v, sr1, sa1, sb1))

    def _issue(g, slot):
        si_v, di_v, av_v, bv_v, buf_v, sr, sa, sb = slot
        for k in range(8):
            p = packed_v[g, pl.ds(k * 16, 16)]
            si_v[pl.ds(k * 16, 16)] = jnp.bitwise_and(p, 0x3FFF)
            di_v[pl.ds(k * 16, 16)] = lax.shift_right_logical(p, 14)
        pltpu.async_copy(h_hbm.at[si_v], buf_v, sr)
        pltpu.async_copy(asrc_hbm.at[si_v], av_v, sa)
        pltpu.async_copy(adst_hbm.at[di_v], bv_v, sb)

    def _process(g, slot):
        si_v, di_v, av_v, bv_v, buf_v, sr, sa, sb = slot
        pltpu.make_async_copy(asrc_hbm.at[si_v], av_v, sa).wait()
        pltpu.make_async_copy(adst_hbm.at[di_v], bv_v, sb).wait()

        for k in range(8):
            e = av_v[pl.ds(k * 16, 16)] + bv_v[pl.ds(k * 16, 16)]
            e = jnp.maximum(e, 0.2 * e)
            w = jnp.exp(e)
            gidx = ebase + g * GSZ + k * 16 + iota16
            w = jnp.where(gidx < E_TOT, w, 0.0)
            w_v[pl.ds(k * 16, 16)] = w

        pltpu.sync_copy(w_v, s_acc.at[di_v], add=True)
        pltpu.make_async_copy(h_hbm.at[si_v], buf_v, sr).wait()

        def _scale(k, _):
            w16 = w_v[pl.ds(k * 16, 16)]
            base = k * 16
            for l in range(16):
                wl = _splat(w16, lane_ids[l])
                for j in range(8):
                    buf_v[base + l, pl.ds(j * 16, 16)] = (
                        buf_v[base + l, pl.ds(j * 16, 16)] * wl)
            return 0

        lax.fori_loop(0, 8, _scale, 0)

        pltpu.sync_copy(buf_v, out_acc.at[di_v], add=True)

    _issue(0, slots[0])

    def _pair(i, _):
        g0 = 2 * i
        _issue(g0 + 1, slots[1])
        _process(g0, slots[0])

        @pl.when(g0 + 2 < NG)
        def _():
            _issue(g0 + 2, slots[0])

        _process(g0 + 1, slots[1])
        return 0

    lax.fori_loop(0, NG // 2, _pair, 0)
    plsc.subcore_barrier()

    obase = cid * NP + row0
    pltpu.sync_copy(out_acc.at[pl.ds(row0, 640)],
                    out_hbm.at[pl.ds(obase, 640)])
    pltpu.sync_copy(s_acc.at[pl.ds(row0, 640)], s_hbm.at[pl.ds(obase, 640)])


_gat_sc = pl.kernel(
    _gat_sc_body,
    out_type=(
        jax.ShapeDtypeStruct((2 * NP, DIM), jnp.float32),
        jax.ShapeDtypeStruct((2 * NP,), jnp.float32),
    ),
    mesh=plsc.VectorSubcoreMesh(core_axis_name="c", subcore_axis_name="s"),
    scratch_types=(
        pltpu.VMEM((NG, GSZ), jnp.int32),
        pltpu.VMEM((GSZ,), jnp.int32),
        pltpu.VMEM((GSZ,), jnp.int32),
        pltpu.VMEM((GSZ,), jnp.int32),
        pltpu.VMEM((GSZ,), jnp.int32),
        pltpu.VMEM((GSZ,), jnp.float32),
        pltpu.VMEM((GSZ,), jnp.float32),
        pltpu.VMEM((GSZ,), jnp.float32),
        pltpu.VMEM((GSZ,), jnp.float32),
        pltpu.VMEM((GSZ,), jnp.float32),
        pltpu.VMEM((GSZ, DIM), jnp.float32),
        pltpu.VMEM((GSZ, DIM), jnp.float32),
        pltpu.VMEM((640,), jnp.float32),
        pltpu.VMEM_SHARED((NP, DIM), jnp.float32),
        pltpu.VMEM_SHARED((NP,), jnp.float32),
        pltpu.SemaphoreType.DMA,
        pltpu.SemaphoreType.DMA,
        pltpu.SemaphoreType.DMA,
        pltpu.SemaphoreType.DMA,
        pltpu.SemaphoreType.DMA,
        pltpu.SemaphoreType.DMA,
    ),
)


def kernel(X, edge_index, W, att_src, att_dst, bias):
    xp = jnp.pad(X, ((0, NP - N_NODES), (0, 0)))
    att8 = jnp.zeros((DIM, 8), jnp.float32)
    att8 = att8.at[:, 0].set(att_src).at[:, 1].set(att_dst)

    h, a8 = pl.pallas_call(
        _proj_body,
        grid=(NP // 1024,),
        in_specs=[
            pl.BlockSpec((1024, DIM), lambda i: (i, 0)),
            pl.BlockSpec((DIM, DIM), lambda i: (0, 0)),
            pl.BlockSpec((DIM, 8), lambda i: (0, 0)),
        ],
        out_specs=[
            pl.BlockSpec((1024, DIM), lambda i: (i, 0)),
            pl.BlockSpec((1024, 8), lambda i: (i, 0)),
        ],
        out_shape=[
            jax.ShapeDtypeStruct((NP, DIM), jnp.float32),
            jax.ShapeDtypeStruct((NP, 8), jnp.float32),
        ],
    )(xp, W, att8)

    a_src_n = a8[:, 0]
    a_dst_n = a8[:, 1]

    loop = jnp.arange(N_NODES, dtype=jnp.int32)
    pad = jnp.zeros((E_PAD - E_TOT,), jnp.int32)
    srcp = jnp.concatenate([edge_index[0], loop, pad])
    dstp = jnp.concatenate([edge_index[1], loop, pad])
    packed = (srcp | (dstp << 14)).reshape(NW, NG, GSZ)

    p, s = _gat_sc(h, a_src_n, a_dst_n, packed)

    out = pl.pallas_call(
        _finish_body,
        grid=(NP // 1024,),
        in_specs=[
            pl.BlockSpec((2, 1024, DIM), lambda i: (0, i, 0)),
            pl.BlockSpec((2, 1024, 1), lambda i: (0, i, 0)),
            pl.BlockSpec((1, DIM), lambda i: (0, 0)),
        ],
        out_specs=pl.BlockSpec((1024, DIM), lambda i: (i, 0)),
        out_shape=jax.ShapeDtypeStruct((NP, DIM), jnp.float32),
    )(p.reshape(2, NP, DIM), s.reshape(2, NP, 1), bias.reshape(1, DIM))

    return out[:N_NODES]

# --- scband reference (transcript-rebuilt; emitter-appended) ---
"""Pipeline reference for scband-gnnlayer-11905649345047 (READ-ONLY COPY).

The authoritative reference and input builder live on the scoring server;
editing this copy changes nothing except your own understanding.
"""

import jax, jax.numpy as jnp
import numpy as np

N = 10000
D = 128
E = 320000


def _gat_conv(x, edge_index, W, att_src, att_dst, bias):
    # Faithful single-head GATConv (heads=1, concat=False, add_self_loops=True,
    # negative_slope=0.2, dropout=0.0), matching torch_geometric semantics.
    n = x.shape[0]
    h = x @ W  # [N, C] linear projection
    a_src = h @ att_src  # [N] per-node source attention logits
    a_dst = h @ att_dst  # [N] per-node destination attention logits
    loop = jnp.arange(n, dtype=edge_index.dtype)
    src = jnp.concatenate([edge_index[0], loop])
    dst = jnp.concatenate([edge_index[1], loop])
    e = jax.nn.leaky_relu(a_src[src] + a_dst[dst], negative_slope=0.2)  # [E+N]
    # segment softmax over incoming edges per destination node
    m = jax.ops.segment_max(e, dst, num_segments=n)
    m = jax.lax.stop_gradient(m)
    ex = jnp.exp(e - m[dst])
    s = jax.ops.segment_sum(ex, dst, num_segments=n)
    alpha = ex / (s[dst] + 1e-16)
    msg = h[src] * alpha[:, None]
    out = jax.ops.segment_sum(msg, dst, num_segments=n)  # [N, C]
    return out + bias


def setup_inputs(seed: int = 0) -> dict:
    key = jax.random.key(seed)
    k1, k2, k3, k4, k5 = jax.random.split(key, 5)
    X = jax.random.normal(k1, (N, D), dtype=jnp.float32)
    edge_index = jax.random.randint(k2, (2, E), 0, N, dtype=jnp.int32)
    W = jax.random.normal(k3, (D, D), dtype=jnp.float32) * (1.0 / np.sqrt(D))
    att_src = jax.random.normal(k4, (D,), dtype=jnp.float32) * 0.1
    att_dst = jax.random.normal(k5, (D,), dtype=jnp.float32) * 0.1
    bias = jnp.zeros((D,), dtype=jnp.float32)
    return {"X": X, "edge_index": edge_index, "W": W, "att_src": att_src, "att_dst": att_dst, "bias": bias}


def reference(X, edge_index, W, att_src, att_dst, bias):
    # GNNLayer with hidden_dims=[128,128]: only last_gnn runs (heads=1, concat=False)
    H = _gat_conv(X, edge_index, W, att_src, att_dst, bias)
    return H

if __name__ == "__main__":
    import jax
    _d = setup_inputs()
    print(jax.jit(kernel)(*tuple(_d.values())))

</pallas_src>

<mosaic_0001>
#map = affine_map<(d0, d1) -> (0, 0)>
#map1 = affine_map<(d0, d1) -> (0)>
#map2 = affine_map<(d0, d1) -> (0, 0, 0)>
module attributes {stable_mosaic.version = 14 : i64} {
  func.func @_gat_sc_body(%arg0: i32, %arg1: i32, %arg2: memref<10240x128xf32, #tpu.memory_space<hbm>>, %arg3: memref<10240xf32, #tpu.memory_space<hbm>>, %arg4: memref<10240xf32, #tpu.memory_space<hbm>>, %arg5: memref<32x82x128xi32, #tpu.memory_space<hbm>>, %arg6: memref<20480x128xf32, #tpu.memory_space<hbm>>, %arg7: memref<20480xf32, #tpu.memory_space<hbm>>, %arg8: memref<82x128xi32, #tpu.memory_space<vmem>>, %arg9: memref<128xi32, #tpu.memory_space<vmem>>, %arg10: memref<128xi32, #tpu.memory_space<vmem>>, %arg11: memref<128xi32, #tpu.memory_space<vmem>>, %arg12: memref<128xi32, #tpu.memory_space<vmem>>, %arg13: memref<128xf32, #tpu.memory_space<vmem>>, %arg14: memref<128xf32, #tpu.memory_space<vmem>>, %arg15: memref<128xf32, #tpu.memory_space<vmem>>, %arg16: memref<128xf32, #tpu.memory_space<vmem>>, %arg17: memref<128xf32, #tpu.memory_space<vmem>>, %arg18: memref<128x128xf32, #tpu.memory_space<vmem>>, %arg19: memref<128x128xf32, #tpu.memory_space<vmem>>, %arg20: memref<640xf32, #tpu.memory_space<vmem>>, %arg21: memref<10240x128xf32, #tpu.memory_space<vmem_shared>>, %arg22: memref<10240xf32, #tpu.memory_space<vmem_shared>>, %arg23: memref<!tpu.dma_semaphore, #tpu.memory_space<semaphore_mem>>, %arg24: memref<!tpu.dma_semaphore, #tpu.memory_space<semaphore_mem>>, %arg25: memref<!tpu.dma_semaphore, #tpu.memory_space<semaphore_mem>>, %arg26: memref<!tpu.dma_semaphore, #tpu.memory_space<semaphore_mem>>, %arg27: memref<!tpu.dma_semaphore, #tpu.memory_space<semaphore_mem>>, %arg28: memref<!tpu.dma_semaphore, #tpu.memory_space<semaphore_mem>>) attributes {dimension_semantics = [#tpu.dimension_semantics<core_parallel>, #tpu.dimension_semantics<subcore_parallel>], iteration_bounds = array<i64: 2, 16>, scalar_prefetch = 0 : i64, scratch_operands = 21 : i64, tpu.core_type = #tpu.core_type<sc_vector_subcore>, window_params = [{transform_indices = #map}, {transform_indices = #map1}, {transform_indices = #map1}, {transform_indices = #map2}, {transform_indices = #map}, {transform_indices = #map1}]} {
    %mul3A = arith.constant 2 : i32
    %mul3A_0 = arith.muli %arg1, %mul3A : i32
    %add3A = arith.addi %mul3A_0, %arg0 : i32
    "tpu.region"() ({
      %run_scoped3A = tpu.sem_alloc : memref<!tpu.dma_semaphore, #tpu.memory_space<semaphore_mem>>
      %dma_start3A_226 = arith.constant 0 : i32
      %dma_start3A_227 = arith.constant 0 : i32
      %dma_start3A_228 = tpu.memref_slice %arg5[%add3A, %dma_start3A_226, %dma_start3A_227] : memref<32x82x128xi32, #tpu.memory_space<hbm>> -> memref<1x82x128xi32, #tpu.memory_space<hbm>>
      %dma_start3A_229 = tpu.memref_squeeze %dma_start3A_228 : memref<1x82x128xi32, #tpu.memory_space<hbm>> -> memref<82x128xi32, #tpu.memory_space<hbm>>
      %dma_start3A_230 = arith.constant 0 : i32
      %dma_start3A_231 = arith.constant 0 : i32
      %dma_start3A_232 = tpu.memref_slice %arg5[%add3A, %dma_start3A_230, %dma_start3A_231] : memref<32x82x128xi32, #tpu.memory_space<hbm>> -> memref<1x82x128xi32, #tpu.memory_space<hbm>>
      %dma_start3A_233 = tpu.memref_squeeze %dma_start3A_232 : memref<1x82x128xi32, #tpu.memory_space<hbm>> -> memref<82x128xi32, #tpu.memory_space<hbm>>
      tpu.enqueue_dma source(%dma_start3A_233 : memref<82x128xi32, #tpu.memory_space<hbm>>) target(%arg8 : memref<82x128xi32, #tpu.memory_space<vmem>>) target_semaphore(%run_scoped3A : memref<!tpu.dma_semaphore, #tpu.memory_space<semaphore_mem>>)
      %dma_wait3A = arith.constant 0 : i32
      %dma_wait3A_234 = arith.constant 0 : i32
      %dma_wait3A_235 = tpu.memref_slice %arg5[%add3A, %dma_wait3A, %dma_wait3A_234] : memref<32x82x128xi32, #tpu.memory_space<hbm>> -> memref<1x82x128xi32, #tpu.memory_space<hbm>>
      %dma_wait3A_236 = tpu.memref_squeeze %dma_wait3A_235 : memref<1x82x128xi32, #tpu.memory_space<hbm>> -> memref<82x128xi32, #tpu.memory_space<hbm>>
      %dma_wait3A_237 = arith.constant 0 : i32
      %dma_wait3A_238 = arith.constant 0 : i32
      %dma_wait3A_239 = tpu.memref_slice %arg5[%add3A, %dma_wait3A_237, %dma_wait3A_238] : memref<32x82x128xi32, #tpu.memory_space<hbm>> -> memref<1x82x128xi32, #tpu.memory_space<hbm>>
      %dma_wait3A_240 = tpu.memref_squeeze %dma_wait3A_239 : memref<1x82x128xi32, #tpu.memory_space<hbm>> -> memref<82x128xi32, #tpu.memory_space<hbm>>
      tpu.wait_dma2 semaphore(%run_scoped3A : memref<!tpu.dma_semaphore, #tpu.memory_space<semaphore_mem>>) src(%dma_wait3A_240 : memref<82x128xi32, #tpu.memory_space<hbm>>) dst(%arg8 : memref<82x128xi32, #tpu.memory_space<vmem>>)
      tpu.yield
    }) : () -> ()
    %broadcast_in_dim3A = arith.constant 0.000000e+00 : f32
    %broadcast_in_dim3A_1 = vector.broadcast %broadcast_in_dim3A : f32 to vector<16xf32>
    %scan3A = arith.constant 0 : i32
    %scan3A_2 = arith.constant 0 : i32
    %scan3A_3 = arith.constant 128 : i32
    %scan3A_4 = arith.addi %scan3A_2, %scan3A_3 : i32
    %scan3A_5 = arith.constant 1 : i32
    %scan3A_6 = scf.for %scan3A_226 = %scan3A_2 to %scan3A_4 step %scan3A_5 iter_args(%scan3A_227 = %scan3A) -> (i32)  : i32 {
      %swap3A_228 = arith.index_cast %scan3A_226 : i32 to index
      %swap3A_229 = arith.constant 0 : index
      %swap3A_230 = tpu.vector_load %arg18[%swap3A_228, %swap3A_229] {strides = array<i32>} : memref<128x128xf32, #tpu.memory_space<vmem>>, vector<1x16xf32>,
      %swap3A_231 = vector.shape_cast %swap3A_230 : vector<1x16xf32> to vector<16xf32>
      %swap3A_232 = vector.shape_cast %broadcast_in_dim3A_1 : vector<16xf32> to vector<1x16xf32>
      tpu.vector_store %arg18[%swap3A_228, %swap3A_229], %swap3A_232 {strides = array<i32>} : memref<128x128xf32, #tpu.memory_space<vmem>>, vector<1x16xf32>,
      %swap3A_233 = arith.index_cast %scan3A_226 : i32 to index
      %swap3A_234 = arith.constant 16 : index
      %swap3A_235 = tpu.vector_load %arg18[%swap3A_233, %swap3A_234] {strides = array<i32>} : memref<128x128xf32, #tpu.memory_space<vmem>>, vector<1x16xf32>,
      %swap3A_236 = vector.shape_cast %swap3A_235 : vector<1x16xf32> to vector<16xf32>
      %swap3A_237 = vector.shape_cast %broadcast_in_dim3A_1 : vector<16xf32> to vector<1x16xf32>
      tpu.vector_store %arg18[%swap3A_233, %swap3A_234], %swap3A_237 {strides = array<i32>} : memref<128x128xf32, #tpu.memory_space<vmem>>, vector<1x16xf32>,
      %swap3A_238 = arith.index_cast %scan3A_226 : i32 to index
      %swap3A_239 = arith.constant 32 : index
      %swap3A_240 = tpu.vector_load %arg18[%swap3A_238, %swap3A_239] {strides = array<i32>} : memref<128x128xf32, #tpu.memory_space<vmem>>, vector<1x16xf32>,
      %swap3A_241 = vector.shape_cast %swap3A_240 : vector<1x16xf32> to vector<16xf32>
      %swap3A_242 = vector.shape_cast %broadcast_in_dim3A_1 : vector<16xf32> to vector<1x16xf32>
      tpu.vector_store %arg18[%swap3A_238, %swap3A_239], %swap3A_242 {strides = array<i32>} : memref<128x128xf32, #tpu.memory_space<vmem>>, vector<1x16xf32>,
      %swap3A_243 = arith.index_cast %scan3A_226 : i32 to index
      %swap3A_244 = arith.constant 48 : index
      %swap3A_245 = tpu.vector_load %arg18[%swap3A_243, %swap3A_244] {strides = array<i32>} : memref<128x128xf32, #tpu.memory_space<vmem>>, vector<1x16xf32>,
      %swap3A_246 = vector.shape_cast %swap3A_245 : vector<1x16xf32> to vector<16xf32>
      %swap3A_247 = vector.shape_cast %broadcast_in_dim3A_1 : vector<16xf32> to vector<1x16xf32>
      tpu.vector_store %arg18[%swap3A_243, %swap3A_244], %swap3A_247 {strides = array<i32>} : memref<128x128xf32, #tpu.memory_space<vmem>>, vector<1x16xf32>,
      %swap3A_248 = arith.index_cast %scan3A_226 : i32 to index
      %swap3A_249 = arith.constant 64 : index
      %swap3A_250 = tpu.vector_load %arg18[%swap3A_248, %swap3A_249] {strides = array<i32>} : memref<128x128xf32, #tpu.memory_space<vmem>>, vector<1x16xf32>,
      %swap3A_251 = vector.shape_cast %swap3A_250 : vector<1x16xf32> to vector<16xf32>
      %swap3A_252 = vector.shape_cast %broadcast_in_dim3A_1 : vector<16xf32> to vector<1x16xf32>
      tpu.vector_store %arg18[%swap3A_248, %swap3A_249], %swap3A_252 {strides = array<i32>} : memref<128x128xf32, #tpu.memory_space<vmem>>, vector<1x16xf32>,
      %swap3A_253 = arith.index_cast %scan3A_226 : i32 to index
      %swap3A_254 = arith.constant 80 : index
      %swap3A_255 = tpu.vector_load %arg18[%swap3A_253, %swap3A_254] {strides = array<i32>} : memref<128x128xf32, #tpu.memory_space<vmem>>, vector<1x16xf32>,
      %swap3A_256 = vector.shape_cast %swap3A_255 : vector<1x16xf32> to vector<16xf32>
      %swap3A_257 = vector.shape_cast %broadcast_in_dim3A_1 : vector<16xf32> to vector<1x16xf32>
      tpu.vector_store %arg18[%swap3A_253, %swap3A_254], %swap3A_257 {strides = array<i32>} : memref<128x128xf32, #tpu.memory_space<vmem>>, vector<1x16xf32>,
      %swap3A_258 = arith.index_cast %scan3A_226 : i32 to index
      %swap3A_259 = arith.constant 96 : index
      %swap3A_260 = tpu.vector_load %arg18[%swap3A_258, %swap3A_259] {strides = array<i32>} : memref<128x128xf32, #tpu.memory_space<vmem>>, vector<1x16xf32>,
      %swap3A_261 = vector.shape_cast %swap3A_260 : vector<1x16xf32> to vector<16xf32>
      %swap3A_262 = vector.shape_cast %broadcast_in_dim3A_1 : vector<16xf32> to vector<1x16xf32>
      tpu.vector_store %arg18[%swap3A_258, %swap3A_259], %swap3A_262 {strides = array<i32>} : memref<128x128xf32, #tpu.memory_space<vmem>>, vector<1x16xf32>,
      %swap3A_263 = arith.index_cast %scan3A_226 : i32 to index
      %swap3A_264 = arith.constant 112 : index
      %swap3A_265 = tpu.vector_load %arg18[%swap3A_263, %swap3A_264] {strides = array<i32>} : memref<128x128xf32, #tpu.memory_space<vmem>>, vector<1x16xf32>,
      %swap3A_266 = vector.shape_cast %swap3A_265 : vector<1x16xf32> to vector<16xf32>
      %swap3A_267 = vector.shape_cast %broadcast_in_dim3A_1 : vector<16xf32> to vector<1x16xf32>
      tpu.vector_store %arg18[%swap3A_263, %swap3A_264], %swap3A_267 {strides = array<i32>} : memref<128x128xf32, #tpu.memory_space<vmem>>, vector<1x16xf32>,
      %scan3A_268 = arith.constant 0 : i32
      scf.yield %scan3A_268 : i32
    }
    %scan3A_7 = arith.constant 128 : i32
    %scan3A_8 = arith.constant 0 : i32
    %scan3A_9 = arith.constant 0 : i32
    %scan3A_10 = arith.constant 40 : i32
    %scan3A_11 = arith.addi %scan3A_9, %scan3A_10 : i32
    %scan3A_12 = arith.constant 1 : i32
    %scan3A_13 = scf.for %scan3A_226 = %scan3A_9 to %scan3A_11 step %scan3A_12 iter_args(%scan3A_227 = %scan3A_8) -> (i32)  : i32 {
      %mul3A_228 = arith.constant 16 : i32
      %mul3A_229 = arith.muli %scan3A_226, %mul3A_228 : i32
      %swap3A_230 = arith.index_cast %mul3A_229 : i32 to index
      %swap3A_231 = tpu.vector_load %arg20[%swap3A_230] {strides = array<i32>} : memref<640xf32, #tpu.memory_space<vmem>>, vector<16xf32>,
      %swap3A_232 = vector.shape_cast %swap3A_231 : vector<16xf32> to vector<16xf32>
      %swap3A_233 = vector.shape_cast %broadcast_in_dim3A_1 : vector<16xf32> to vector<16xf32>
      tpu.vector_store %arg20[%swap3A_230], %swap3A_233 {strides = array<i32>} : memref<640xf32, #tpu.memory_space<vmem>>, vector<16xf32>,
      %scan3A_234 = arith.constant 0 : i32
      scf.yield %scan3A_234 : i32
    }
    %scan3A_14 = arith.constant 40 : i32
    %mul3A_15 = arith.constant 640 : i32
    %mul3A_16 = arith.muli %arg1, %mul3A_15 : i32
    %add3A_17 = arith.constant 0 : i32
    %add3A_18 = arith.addi %mul3A_16, %add3A_17 : i32
    "tpu.region"() ({
      %run_scoped3A = tpu.sem_alloc : memref<!tpu.dma_semaphore, #tpu.memory_space<semaphore_mem>>
      %dma_start3A_226 = arith.constant 0 : i32
      %dma_start3A_227 = tpu.memref_slice %arg21[%add3A_18, %dma_start3A_226] : memref<10240x128xf32, #tpu.memory_space<vmem_shared>> -> memref<128x128xf32, #tpu.memory_space<vmem_shared>>
      %dma_start3A_228 = arith.constant 0 : i32
      %dma_start3A_229 = tpu.memref_slice %arg21[%add3A_18, %dma_start3A_228] : memref<10240x128xf32, #tpu.memory_space<vmem_shared>> -> memref<128x128xf32, #tpu.memory_space<vmem_shared>>
      tpu.enqueue_dma source(%arg18 : memref<128x128xf32, #tpu.memory_space<vmem>>) target(%dma_start3A_229 : memref<128x128xf32, #tpu.memory_space<vmem_shared>>) target_semaphore(%run_scoped3A : memref<!tpu.dma_semaphore, #tpu.memory_space<semaphore_mem>>)
      %dma_wait3A = arith.constant 0 : i32
      %dma_wait3A_230 = tpu.memref_slice %arg21[%add3A_18, %dma_wait3A] : memref<10240x128xf32, #tpu.memory_space<vmem_shared>> -> memref<128x128xf32, #tpu.memory_space<vmem_shared>>
      %dma_wait3A_231 = arith.constant 0 : i32
      %dma_wait3A_232 = tpu.memref_slice %arg21[%add3A_18, %dma_wait3A_231] : memref<10240x128xf32, #tpu.memory_space<vmem_shared>> -> memref<128x128xf32, #tpu.memory_space<vmem_shared>>
      tpu.wait_dma2 semaphore(%run_scoped3A : memref<!tpu.dma_semaphore, #tpu.memory_space<semaphore_mem>>) src(%arg18 : memref<128x128xf32, #tpu.memory_space<vmem>>) dst(%dma_wait3A_232 : memref<128x128xf32, #tpu.memory_space<vmem_shared>>)
      tpu.yield
    }) : () -> ()
    %add3A_19 = arith.constant 128 : i32
    %add3A_20 = arith.addi %mul3A_16, %add3A_19 : i32
    "tpu.region"() ({
      %run_scoped3A = tpu.sem_alloc : memref<!tpu.dma_semaphore, #tpu.memory_space<semaphore_mem>>
      %dma_start3A_226 = arith.constant 0 : i32
      %dma_start3A_227 = tpu.memref_slice %arg21[%add3A_20, %dma_start3A_226] : memref<10240x128xf32, #tpu.memory_space<vmem_shared>> -> memref<128x128xf32, #tpu.memory_space<vmem_shared>>
      %dma_start3A_228 = arith.constant 0 : i32
      %dma_start3A_229 = tpu.memref_slice %arg21[%add3A_20, %dma_start3A_228] : memref<10240x128xf32, #tpu.memory_space<vmem_shared>> -> memref<128x128xf32, #tpu.memory_space<vmem_shared>>
      tpu.enqueue_dma source(%arg18 : memref<128x128xf32, #tpu.memory_space<vmem>>) target(%dma_start3A_229 : memref<128x128xf32, #tpu.memory_space<vmem_shared>>) target_semaphore(%run_scoped3A : memref<!tpu.dma_semaphore, #tpu.memory_space<semaphore_mem>>)
      %dma_wait3A = arith.constant 0 : i32
      %dma_wait3A_230 = tpu.memref_slice %arg21[%add3A_20, %dma_wait3A] : memref<10240x128xf32, #tpu.memory_space<vmem_shared>> -> memref<128x128xf32, #tpu.memory_space<vmem_shared>>
      %dma_wait3A_231 = arith.constant 0 : i32
      %dma_wait3A_232 = tpu.memref_slice %arg21[%add3A_20, %dma_wait3A_231] : memref<10240x128xf32, #tpu.memory_space<vmem_shared>> -> memref<128x128xf32, #tpu.memory_space<vmem_shared>>
      tpu.wait_dma2 semaphore(%run_scoped3A : memref<!tpu.dma_semaphore, #tpu.memory_space<semaphore_mem>>) src(%arg18 : memref<128x128xf32, #tpu.memory_space<vmem>>) dst(%dma_wait3A_232 : memref<128x128xf32, #tpu.memory_space<vmem_shared>>)
      tpu.yield
    }) : () -> ()
    %add3A_21 = arith.constant 256 : i32
    %add3A_22 = arith.addi %mul3A_16, %add3A_21 : i32
    "tpu.region"() ({
      %run_scoped3A = tpu.sem_alloc : memref<!tpu.dma_semaphore, #tpu.memory_space<semaphore_mem>>
      %dma_start3A_226 = arith.constant 0 : i32
      %dma_start3A_227 = tpu.memref_slice %arg21[%add3A_22, %dma_start3A_226] : memref<10240x128xf32, #tpu.memory_space<vmem_shared>> -> memref<128x128xf32, #tpu.memory_space<vmem_shared>>
      %dma_start3A_228 = arith.constant 0 : i32
      %dma_start3A_229 = tpu.memref_slice %arg21[%add3A_22, %dma_start3A_228] : memref<10240x128xf32, #tpu.memory_space<vmem_shared>> -> memref<128x128xf32, #tpu.memory_space<vmem_shared>>
      tpu.enqueue_dma source(%arg18 : memref<128x128xf32, #tpu.memory_space<vmem>>) target(%dma_start3A_229 : memref<128x128xf32, #tpu.memory_space<vmem_shared>>) target_semaphore(%run_scoped3A : memref<!tpu.dma_semaphore, #tpu.memory_space<semaphore_mem>>)
      %dma_wait3A = arith.constant 0 : i32
      %dma_wait3A_230 = tpu.memref_slice %arg21[%add3A_22, %dma_wait3A] : memref<10240x128xf32, #tpu.memory_space<vmem_shared>> -> memref<128x128xf32, #tpu.memory_space<vmem_shared>>
      %dma_wait3A_231 = arith.constant 0 : i32
      %dma_wait3A_232 = tpu.memref_slice %arg21[%add3A_22, %dma_wait3A_231] : memref<10240x128xf32, #tpu.memory_space<vmem_shared>> -> memref<128x128xf32, #tpu.memory_space<vmem_shared>>
      tpu.wait_dma2 semaphore(%run_scoped3A : memref<!tpu.dma_semaphore, #tpu.memory_space<semaphore_mem>>) src(%arg18 : memref<128x128xf32, #tpu.memory_space<vmem>>) dst(%dma_wait3A_232 : memref<128x128xf32, #tpu.memory_space<vmem_shared>>)
      tpu.yield
    }) : () -> ()
    %add3A_23 = arith.constant 384 : i32
    %add3A_24 = arith.addi %mul3A_16, %add3A_23 : i32
    "tpu.region"() ({
      %run_scoped3A = tpu.sem_alloc : memref<!tpu.dma_semaphore, #tpu.memory_space<semaphore_mem>>
      %dma_start3A_226 = arith.constant 0 : i32
      %dma_start3A_227 = tpu.memref_slice %arg21[%add3A_24, %dma_start3A_226] : memref<10240x128xf32, #tpu.memory_space<vmem_shared>> -> memref<128x128xf32, #tpu.memory_space<vmem_shared>>
      %dma_start3A_228 = arith.constant 0 : i32
      %dma_start3A_229 = tpu.memref_slice %arg21[%add3A_24, %dma_start3A_228] : memref<10240x128xf32, #tpu.memory_space<vmem_shared>> -> memref<128x128xf32, #tpu.memory_space<vmem_shared>>
      tpu.enqueue_dma source(%arg18 : memref<128x128xf32, #tpu.memory_space<vmem>>) target(%dma_start3A_229 : memref<128x128xf32, #tpu.memory_space<vmem_shared>>) target_semaphore(%run_scoped3A : memref<!tpu.dma_semaphore, #tpu.memory_space<semaphore_mem>>)
      %dma_wait3A = arith.constant 0 : i32
      %dma_wait3A_230 = tpu.memref_slice %arg21[%add3A_24, %dma_wait3A] : memref<10240x128xf32, #tpu.memory_space<vmem_shared>> -> memref<128x128xf32, #tpu.memory_space<vmem_shared>>
      %dma_wait3A_231 = arith.constant 0 : i32
      %dma_wait3A_232 = tpu.memref_slice %arg21[%add3A_24, %dma_wait3A_231] : memref<10240x128xf32, #tpu.memory_space<vmem_shared>> -> memref<128x128xf32, #tpu.memory_space<vmem_shared>>
      tpu.wait_dma2 semaphore(%run_scoped3A : memref<!tpu.dma_semaphore, #tpu.memory_space<semaphore_mem>>) src(%arg18 : memref<128x128xf32, #tpu.memory_space<vmem>>) dst(%dma_wait3A_232 : memref<128x128xf32, #tpu.memory_space<vmem_shared>>)
      tpu.yield
    }) : () -> ()
    %add3A_25 = arith.constant 512 : i32
    %add3A_26 = arith.addi %mul3A_16, %add3A_25 : i32
    "tpu.region"() ({
      %run_scoped3A = tpu.sem_alloc : memref<!tpu.dma_semaphore, #tpu.memory_space<semaphore_mem>>
      %dma_start3A_226 = arith.constant 0 : i32
      %dma_start3A_227 = tpu.memref_slice %arg21[%add3A_26, %dma_start3A_226] : memref<10240x128xf32, #tpu.memory_space<vmem_shared>> -> memref<128x128xf32, #tpu.memory_space<vmem_shared>>
      %dma_start3A_228 = arith.constant 0 : i32
      %dma_start3A_229 = tpu.memref_slice %arg21[%add3A_26, %dma_start3A_228] : memref<10240x128xf32, #tpu.memory_space<vmem_shared>> -> memref<128x128xf32, #tpu.memory_space<vmem_shared>>
      tpu.enqueue_dma source(%arg18 : memref<128x128xf32, #tpu.memory_space<vmem>>) target(%dma_start3A_229 : memref<128x128xf32, #tpu.memory_space<vmem_shared>>) target_semaphore(%run_scoped3A : memref<!tpu.dma_semaphore, #tpu.memory_space<semaphore_mem>>)
      %dma_wait3A = arith.constant 0 : i32
      %dma_wait3A_230 = tpu.memref_slice %arg21[%add3A_26, %dma_wait3A] : memref<10240x128xf32, #tpu.memory_space<vmem_shared>> -> memref<128x128xf32, #tpu.memory_space<vmem_shared>>
      %dma_wait3A_231 = arith.constant 0 : i32
      %dma_wait3A_232 = tpu.memref_slice %arg21[%add3A_26, %dma_wait3A_231] : memref<10240x128xf32, #tpu.memory_space<vmem_shared>> -> memref<128x128xf32, #tpu.memory_space<vmem_shared>>
      tpu.wait_dma2 semaphore(%run_scoped3A : memref<!tpu.dma_semaphore, #tpu.memory_space<semaphore_mem>>) src(%arg18 : memref<128x128xf32, #tpu.memory_space<vmem>>) dst(%dma_wait3A_232 : memref<128x128xf32, #tpu.memory_space<vmem_shared>>)
      tpu.yield
    }) : () -> ()
    "tpu.region"() ({
      %run_scoped3A = tpu.sem_alloc : memref<!tpu.dma_semaphore, #tpu.memory_space<semaphore_mem>>
      %dma_start3A_226 = tpu.memref_slice %arg22[%mul3A_16] : memref<10240xf32, #tpu.memory_space<vmem_shared>> -> memref<640xf32, #tpu.memory_space<vmem_shared>>
      %dma_start3A_227 = tpu.memref_slice %arg22[%mul3A_16] : memref<10240xf32, #tpu.memory_space<vmem_shared>> -> memref<640xf32, #tpu.memory_space<vmem_shared>>
      tpu.enqueue_dma source(%arg20 : memref<640xf32, #tpu.memory_space<vmem>>) target(%dma_start3A_227 : memref<640xf32, #tpu.memory_space<vmem_shared>>) target_semaphore(%run_scoped3A : memref<!tpu.dma_semaphore, #tpu.memory_space<semaphore_mem>>)
      %dma_wait3A = tpu.memref_slice %arg22[%mul3A_16] : memref<10240xf32, #tpu.memory_space<vmem_shared>> -> memref<640xf32, #tpu.memory_space<vmem_shared>>
      %dma_wait3A_228 = tpu.memref_slice %arg22[%mul3A_16] : memref<10240xf32, #tpu.memory_space<vmem_shared>> -> memref<640xf32, #tpu.memory_space<vmem_shared>>
      tpu.wait_dma2 semaphore(%run_scoped3A : memref<!tpu.dma_semaphore, #tpu.memory_space<semaphore_mem>>) src(%arg20 : memref<640xf32, #tpu.memory_space<vmem>>) dst(%dma_wait3A_228 : memref<640xf32, #tpu.memory_space<vmem_shared>>)
      tpu.yield
    }) : () -> ()
    %barrier3A = arith.constant 0 : index
    tpu.barrier barrier_id(%barrier3A)
    %iota3A = tpu.iota {dimensions = array<i32: 0>} : vector<16xi32>
    %mul3A_27 = arith.constant 10496 : i32
    %mul3A_28 = arith.muli %add3A, %mul3A_27 : i32
    %broadcast_in_dim3A_29 = arith.constant 0 : i32
    %broadcast_in_dim3A_30 = vector.broadcast %broadcast_in_dim3A_29 : i32 to vector<16xi32>
    %broadcast_in_dim3A_31 = arith.constant 1 : i32
    %broadcast_in_dim3A_32 = vector.broadcast %broadcast_in_dim3A_31 : i32 to vector<16xi32>
    %broadcast_in_dim3A_33 = arith.constant 2 : i32
    %broadcast_in_dim3A_34 = vector.broadcast %broadcast_in_dim3A_33 : i32 to vector<16xi32>
    %broadcast_in_dim3A_35 = arith.constant 3 : i32
    %broadcast_in_dim3A_36 = vector.broadcast %broadcast_in_dim3A_35 : i32 to vector<16xi32>
    %broadcast_in_dim3A_37 = arith.constant 4 : i32
    %broadcast_in_dim3A_38 = vector.broadcast %broadcast_in_dim3A_37 : i32 to vector<16xi32>
    %broadcast_in_dim3A_39 = arith.constant 5 : i32
    %broadcast_in_dim3A_40 = vector.broadcast %broadcast_in_dim3A_39 : i32 to vector<16xi32>
    %broadcast_in_dim3A_41 = arith.constant 6 : i32
    %broadcast_in_dim3A_42 = vector.broadcast %broadcast_in_dim3A_41 : i32 to vector<16xi32>
    %broadcast_in_dim3A_43 = arith.constant 7 : i32
    %broadcast_in_dim3A_44 = vector.broadcast %broadcast_in_dim3A_43 : i32 to vector<16xi32>
    %broadcast_in_dim3A_45 = arith.constant 8 : i32
    %broadcast_in_dim3A_46 = vector.broadcast %broadcast_in_dim3A_45 : i32 to vector<16xi32>
    %broadcast_in_dim3A_47 = arith.constant 9 : i32
    %broadcast_in_dim3A_48 = vector.broadcast %broadcast_in_dim3A_47 : i32 to vector<16xi32>
    %broadcast_in_dim3A_49 = arith.constant 10 : i32
    %broadcast_in_dim3A_50 = vector.broadcast %broadcast_in_dim3A_49 : i32 to vector<16xi32>
    %broadcast_in_dim3A_51 = arith.constant 11 : i32
    %broadcast_in_dim3A_52 = vector.broadcast %broadcast_in_dim3A_51 : i32 to vector<16xi32>
    %broadcast_in_dim3A_53 = arith.constant 12 : i32
    %broadcast_in_dim3A_54 = vector.broadcast %broadcast_in_dim3A_53 : i32 to vector<16xi32>
    %broadcast_in_dim3A_55 = arith.constant 13 : i32
    %broadcast_in_dim3A_56 = vector.broadcast %broadcast_in_dim3A_55 : i32 to vector<16xi32>
    %broadcast_in_dim3A_57 = arith.constant 14 : i32
    %broadcast_in_dim3A_58 = vector.broadcast %broadcast_in_dim3A_57 : i32 to vector<16xi32>
    %broadcast_in_dim3A_59 = arith.constant 15 : i32
    %broadcast_in_dim3A_60 = vector.broadcast %broadcast_in_dim3A_59 : i32 to vector<16xi32>
    %get3A = arith.constant 0 : i32
    %get3A_61 = arith.index_cast %get3A : i32 to index
    %get3A_62 = arith.constant 0 : index
    %get3A_63 = tpu.vector_load %arg8[%get3A_61, %get3A_62] {strides = array<i32>} : memref<82x128xi32, #tpu.memory_space<vmem>>, vector<1x16xi32>,
    %get3A_64 = vector.shape_cast %get3A_63 : vector<1x16xi32> to vector<16xi32>
    %and3A = arith.constant 16383 : i32
    %and3A_65 = vector.broadcast %and3A : i32 to vector<16xi32>
    %and3A_66 = arith.andi %get3A_64, %and3A_65 : vector<16xi32>
    %swap3A = arith.constant 0 : index
    %swap3A_67 = tpu.vector_load %arg9[%swap3A] {strides = array<i32>} : memref<128xi32, #tpu.memory_space<vmem>>, vector<16xi32>,
    %swap3A_68 = vector.shape_cast %swap3A_67 : vector<16xi32> to vector<16xi32>
    %swap3A_69 = vector.shape_cast %and3A_66 : vector<16xi32> to vector<16xi32>
    tpu.vector_store %arg9[%swap3A], %swap3A_69 {strides = array<i32>} : memref<128xi32, #tpu.memory_space<vmem>>, vector<16xi32>,
    %shift_right_logical3A = arith.constant 14 : i32
    %shift_right_logical3A_70 = vector.broadcast %shift_right_logical3A : i32 to vector<16xi32>
    %shift_right_logical3A_71 = arith.shrui %get3A_64, %shift_right_logical3A_70 : vector<16xi32>
    %swap3A_72 = arith.constant 0 : index
    %swap3A_73 = tpu.vector_load %arg10[%swap3A_72] {strides = array<i32>} : memref<128xi32, #tpu.memory_space<vmem>>, vector<16xi32>,
    %swap3A_74 = vector.shape_cast %swap3A_73 : vector<16xi32> to vector<16xi32>
    %swap3A_75 = vector.shape_cast %shift_right_logical3A_71 : vector<16xi32> to vector<16xi32>
    tpu.vector_store %arg10[%swap3A_72], %swap3A_75 {strides = array<i32>} : memref<128xi32, #tpu.memory_space<vmem>>, vector<16xi32>,
    %get3A_76 = arith.constant 0 : i32
    %get3A_77 = arith.index_cast %get3A_76 : i32 to index
    %get3A_78 = arith.constant 16 : index
    %get3A_79 = tpu.vector_load %arg8[%get3A_77, %get3A_78] {strides = array<i32>} : memref<82x128xi32, #tpu.memory_space<vmem>>, vector<1x16xi32>,
    %get3A_80 = vector.shape_cast %get3A_79 : vector<1x16xi32> to vector<16xi32>
    %and3A_81 = arith.constant 16383 : i32
    %and3A_82 = vector.broadcast %and3A_81 : i32 to vector<16xi32>
    %and3A_83 = arith.andi %get3A_80, %and3A_82 : vector<16xi32>
    %swap3A_84 = arith.constant 16 : index
    %swap3A_85 = tpu.vector_load %arg9[%swap3A_84] {strides = array<i32>} : memref<128xi32, #tpu.memory_space<vmem>>, vector<16xi32>,
    %swap3A_86 = vector.shape_cast %swap3A_85 : vector<16xi32> to vector<16xi32>
    %swap3A_87 = vector.shape_cast %and3A_83 : vector<16xi32> to vector<16xi32>
    tpu.vector_store %arg9[%swap3A_84], %swap3A_87 {strides = array<i32>} : memref<128xi32, #tpu.memory_space<vmem>>, vector<16xi32>,
    %shift_right_logical3A_88 = arith.constant 14 : i32
    %shift_right_logical3A_89 = vector.broadcast %shift_right_logical3A_88 : i32 to vector<16xi32>
    %shift_right_logical3A_90 = arith.shrui %get3A_80, %shift_right_logical3A_89 : vector<16xi32>
    %swap3A_91 = arith.constant 16 : index
    %swap3A_92 = tpu.vector_load %arg10[%swap3A_91] {strides = array<i32>} : memref<128xi32, #tpu.memory_space<vmem>>, vector<16xi32>,
    %swap3A_93 = vector.shape_cast %swap3A_92 : vector<16xi32> to vector<16xi32>
    %swap3A_94 = vector.shape_cast %shift_right_logical3A_90 : vector<16xi32> to vector<16xi32>
    tpu.vector_store %arg10[%swap3A_91], %swap3A_94 {strides = array<i32>} : memref<128xi32, #tpu.memory_space<vmem>>, vector<16xi32>,
    %get3A_95 = arith.constant 0 : i32
    %get3A_96 = arith.index_cast %get3A_95 : i32 to index
    %get3A_97 = arith.constant 32 : index
    %get3A_98 = tpu.vector_load %arg8[%get3A_96, %get3A_97] {strides = array<i32>} : memref<82x128xi32, #tpu.memory_space<vmem>>, vector<1x16xi32>,
    %get3A_99 = vector.shape_cast %get3A_98 : vector<1x16xi32> to vector<16xi32>
    %and3A_100 = arith.constant 16383 : i32
    %and3A_101 = vector.broadcast %and3A_100 : i32 to vector<16xi32>
    %and3A_102 = arith.andi %get3A_99, %and3A_101 : vector<16xi32>
    %swap3A_103 = arith.constant 32 : index
    %swap3A_104 = tpu.vector_load %arg9[%swap3A_103] {strides = array<i32>} : memref<128xi32, #tpu.memory_space<vmem>>, vector<16xi32>,
    %swap3A_105 = vector.shape_cast %swap3A_104 : vector<16xi32> to vector<16xi32>
    %swap3A_106 = vector.shape_cast %and3A_102 : vector<16xi32> to vector<16xi32>
    tpu.vector_store %arg9[%swap3A_103], %swap3A_106 {strides = array<i32>} : memref<128xi32, #tpu.memory_space<vmem>>, vector<16xi32>,
    %shift_right_logical3A_107 = arith.constant 14 : i32
    %shift_right_logical3A_108 = vector.broadcast %shift_right_logical3A_107 : i32 to vector<16xi32>
    %shift_right_logical3A_109 = arith.shrui %get3A_99, %shift_right_logical3A_108 : vector<16xi32>
    %swap3A_110 = arith.constant 32 : index
    %swap3A_111 = tpu.vector_load %arg10[%swap3A_110] {strides = array<i32>} : memref<128xi32, #tpu.memory_space<vmem>>, vector<16xi32>,
    %swap3A_112 = vector.shape_cast %swap3A_111 : vector<16xi32> to vector<16xi32>
    %swap3A_113 = vector.shape_cast %shift_right_logical3A_109 : vector<16xi32> to vector<16xi32>
    tpu.vector_store %arg10[%swap3A_110], %swap3A_113 {strides = array<i32>} : memref<128xi32, #tpu.memory_space<vmem>>, vector<16xi32>,
    %get3A_114 = arith.constant 0 : i32
    %get3A_115 = arith.index_cast %get3A_114 : i32 to index
    %get3A_116 = arith.constant 48 : index
    %get3A_117 = tpu.vector_load %arg8[%get3A_115, %get3A_116] {strides = array<i32>} : memref<82x128xi32, #tpu.memory_space<vmem>>, vector<1x16xi32>,
    %get3A_118 = vector.shape_cast %get3A_117 : vector<1x16xi32> to vector<16xi32>
    %and3A_119 = arith.constant 16383 : i32
    %and3A_120 = vector.broadcast %and3A_119 : i32 to vector<16xi32>
    %and3A_121 = arith.andi %get3A_118, %and3A_120 : vector<16xi32>
    %swap3A_122 = arith.constant 48 : index
    %swap3A_123 = tpu.vector_load %arg9[%swap3A_122] {strides = array<i32>} : memref<128xi32, #tpu.memory_space<vmem>>, vector<16xi32>,
    %swap3A_124 = vector.shape_cast %swap3A_123 : vector<16xi32> to vector<16xi32>
    %swap3A_125 = vector.shape_cast %and3A_121 : vector<16xi32> to vector<16xi32>
    tpu.vector_store %arg9[%swap3A_122], %swap3A_125 {strides = array<i32>} : memref<128xi32, #tpu.memory_space<vmem>>, vector<16xi32>,
    %shift_right_logical3A_126 = arith.constant 14 : i32
    %shift_right_logical3A_127 = vector.broadcast %shift_right_logical3A_126 : i32 to vector<16xi32>
    %shift_right_logical3A_128 = arith.shrui %get3A_118, %shift_right_logical3A_127 : vector<16xi32>
    %swap3A_129 = arith.constant 48 : index
    %swap3A_130 = tpu.vector_load %arg10[%swap3A_129] {strides = array<i32>} : memref<128xi32, #tpu.memory_space<vmem>>, vector<16xi32>,
    %swap3A_131 = vector.shape_cast %swap3A_130 : vector<16xi32> to vector<16xi32>
    %swap3A_132 = vector.shape_cast %shift_right_logical3A_128 : vector<16xi32> to vector<16xi32>
    tpu.vector_store %arg10[%swap3A_129], %swap3A_132 {strides = array<i32>} : memref<128xi32, #tpu.memory_space<vmem>>, vector<16xi32>,
    %get3A_133 = arith.constant 0 : i32
    %get3A_134 = arith.index_cast %get3A_133 : i32 to index
    %get3A_135 = arith.constant 64 : index
    %get3A_136 = tpu.vector_load %arg8[%get3A_134, %get3A_135] {strides = array<i32>} : memref<82x128xi32, #tpu.memory_space<vmem>>, vector<1x16xi32>,
    %get3A_137 = vector.shape_cast %get3A_136 : vector<1x16xi32> to vector<16xi32>
    %and3A_138 = arith.constant 16383 : i32
    %and3A_139 = vector.broadcast %and3A_138 : i32 to vector<16xi32>
    %and3A_140 = arith.andi %get3A_137, %and3A_139 : vector<16xi32>
    %swap3A_141 = arith.constant 64 : index
    %swap3A_142 = tpu.vector_load %arg9[%swap3A_141] {strides = array<i32>} : memref<128xi32, #tpu.memory_space<vmem>>, vector<16xi32>,
    %swap3A_143 = vector.shape_cast %swap3A_142 : vector<16xi32> to vector<16xi32>
    %swap3A_144 = vector.shape_cast %and3A_140 : vector<16xi32> to vector<16xi32>
    tpu.vector_store %arg9[%swap3A_141], %swap3A_144 {strides = array<i32>} : memref<128xi32, #tpu.memory_space<vmem>>, vector<16xi32>,
    %shift_right_logical3A_145 = arith.constant 14 : i32
    %shift_right_logical3A_146 = vector.broadcast %shift_right_logical3A_145 : i32 to vector<16xi32>
    %shift_right_logical3A_147 = arith.shrui %get3A_137, %shift_right_logical3A_146 : vector<16xi32>
    %swap3A_148 = arith.constant 64 : index
    %swap3A_149 = tpu.vector_load %arg10[%swap3A_148] {strides = array<i32>} : memref<128xi32, #tpu.memory_space<vmem>>, vector<16xi32>,
    %swap3A_150 = vector.shape_cast %swap3A_149 : vector<16xi32> to vector<16xi32>
    %swap3A_151 = vector.shape_cast %shift_right_logical3A_147 : vector<16xi32> to vector<16xi32>
    tpu.vector_store %arg10[%swap3A_148], %swap3A_151 {strides = array<i32>} : memref<128xi32, #tpu.memory_space<vmem>>, vector<16xi32>,
    %get3A_152 = arith.constant 0 : i32
    %get3A_153 = arith.index_cast %get3A_152 : i32 to index
    %get3A_154 = arith.constant 80 : index
    %get3A_155 = tpu.vector_load %arg8[%get3A_153, %get3A_154] {strides = array<i32>} : memref<82x128xi32, #tpu.memory_space<vmem>>, vector<1x16xi32>,
    %get3A_156 = vector.shape_cast %get3A_155 : vector<1x16xi32> to vector<16xi32>
    %and3A_157 = arith.constant 16383 : i32
    %and3A_158 = vector.broadcast %and3A_157 : i32 to vector<16xi32>
    %and3A_159 = arith.andi %get3A_156, %and3A_158 : vector<16xi32>
    %swap3A_160 = arith.constant 80 : index
    %swap3A_161 = tpu.vector_load %arg9[%swap3A_160] {strides = array<i32>} : memref<128xi32, #tpu.memory_space<vmem>>, vector<16xi32>,
    %swap3A_162 = vector.shape_cast %swap3A_161 : vector<16xi32> to vector<16xi32>
    %swap3A_163 = vector.shape_cast %and3A_159 : vector<16xi32> to vector<16xi32>
    tpu.vector_store %arg9[%swap3A_160], %swap3A_163 {strides = array<i32>} : memref<128xi32, #tpu.memory_space<vmem>>, vector<16xi32>,
    %shift_right_logical3A_164 = arith.constant 14 : i32
    %shift_right_logical3A_165 = vector.broadcast %shift_right_logical3A_164 : i32 to vector<16xi32>
    %shift_right_logical3A_166 = arith.shrui %get3A_156, %shift_right_logical3A_165 : vector<16xi32>
    %swap3A_167 = arith.constant 80 : index
    %swap3A_168 = tpu.vector_load %arg10[%swap3A_167] {strides = array<i32>} : memref<128xi32, #tpu.memory_space<vmem>>, vector<16xi32>,
    %swap3A_169 = vector.shape_cast %swap3A_168 : vector<16xi32> to vector<16xi32>
    %swap3A_170 = vector.shape_cast %shift_right_logical3A_166 : vector<16xi32> to vector<16xi32>
    tpu.vector_store %arg10[%swap3A_167], %swap3A_170 {strides = array<i32>} : memref<128xi32, #tpu.memory_space<vmem>>, vector<16xi32>,
    %get3A_171 = arith.constant 0 : i32
    %get3A_172 = arith.index_cast %get3A_171 : i32 to index
    %get3A_173 = arith.constant 96 : index
    %get3A_174 = tpu.vector_load %arg8[%get3A_172, %get3A_173] {strides = array<i32>} : memref<82x128xi32, #tpu.memory_space<vmem>>, vector<1x16xi32>,
    %get3A_175 = vector.shape_cast %get3A_174 : vector<1x16xi32> to vector<16xi32>
    %and3A_176 = arith.constant 16383 : i32
    %and3A_177 = vector.broadcast %and3A_176 : i32 to vector<16xi32>
    %and3A_178 = arith.andi %get3A_175, %and3A_177 : vector<16xi32>
    %swap3A_179 = arith.constant 96 : index
    %swap3A_180 = tpu.vector_load %arg9[%swap3A_179] {strides = array<i32>} : memref<128xi32, #tpu.memory_space<vmem>>, vector<16xi32>,
    %swap3A_181 = vector.shape_cast %swap3A_180 : vector<16xi32> to vector<16xi32>
    %swap3A_182 = vector.shape_cast %and3A_178 : vector<16xi32> to vector<16xi32>
    tpu.vector_store %arg9[%swap3A_179], %swap3A_182 {strides = array<i32>} : memref<128xi32, #tpu.memory_space<vmem>>, vector<16xi32>,
    %shift_right_logical3A_183 = arith.constant 14 : i32
    %shift_right_logical3A_184 = vector.broadcast %shift_right_logical3A_183 : i32 to vector<16xi32>
    %shift_right_logical3A_185 = arith.shrui %get3A_175, %shift_right_logical3A_184 : vector<16xi32>
    %swap3A_186 = arith.constant 96 : index
    %swap3A_187 = tpu.vector_load %arg10[%swap3A_186] {strides = array<i32>} : memref<128xi32, #tpu.memory_space<vmem>>, vector<16xi32>,
    %swap3A_188 = vector.shape_cast %swap3A_187 : vector<16xi32> to vector<16xi32>
    %swap3A_189 = vector.shape_cast %shift_right_logical3A_185 : vector<16xi32> to vector<16xi32>
    tpu.vector_store %arg10[%swap3A_186], %swap3A_189 {strides = array<i32>} : memref<128xi32, #tpu.memory_space<vmem>>, vector<16xi32>,
    %get3A_190 = arith.constant 0 : i32
    %get3A_191 = arith.index_cast %get3A_190 : i32 to index
    %get3A_192 = arith.constant 112 : index
    %get3A_193 = tpu.vector_load %arg8[%get3A_191, %get3A_192] {strides = array<i32>} : memref<82x128xi32, #tpu.memory_space<vmem>>, vector<1x16xi32>,
    %get3A_194 = vector.shape_cast %get3A_193 : vector<1x16xi32> to vector<16xi32>
    %and3A_195 = arith.constant 16383 : i32
    %and3A_196 = vector.broadcast %and3A_195 : i32 to vector<16xi32>
    %and3A_197 = arith.andi %get3A_194, %and3A_196 : vector<16xi32>
    %swap3A_198 = arith.constant 112 : index
    %swap3A_199 = tpu.vector_load %arg9[%swap3A_198] {strides = array<i32>} : memref<128xi32, #tpu.memory_space<vmem>>, vector<16xi32>,
    %swap3A_200 = vector.shape_cast %swap3A_199 : vector<16xi32> to vector<16xi32>
    %swap3A_201 = vector.shape_cast %and3A_197 : vector<16xi32> to vector<16xi32>
    tpu.vector_store %arg9[%swap3A_198], %swap3A_201 {strides = array<i32>} : memref<128xi32, #tpu.memory_space<vmem>>, vector<16xi32>,
    %shift_right_logical3A_202 = arith.constant 14 : i32
    %shift_right_logical3A_203 = vector.broadcast %shift_right_logical3A_202 : i32 to vector<16xi32>
    %shift_right_logical3A_204 = arith.shrui %get3A_194, %shift_right_logical3A_203 : vector<16xi32>
    %swap3A_205 = arith.constant 112 : index
    %swap3A_206 = tpu.vector_load %arg10[%swap3A_205] {strides = array<i32>} : memref<128xi32, #tpu.memory_space<vmem>>, vector<16xi32>,
    %swap3A_207 = vector.shape_cast %swap3A_206 : vector<16xi32> to vector<16xi32>
    %swap3A_208 = vector.shape_cast %shift_right_logical3A_204 : vector<16xi32> to vector<16xi32>
    tpu.vector_store %arg10[%swap3A_205], %swap3A_208 {strides = array<i32>} : memref<128xi32, #tpu.memory_space<vmem>>, vector<16xi32>,
    %dma_start3A = arith.constant 0 : i32
    %dma_start3A_209 = arith.constant 0 : i32
    %dma_start3A_210 = tpu.memref_slice %arg2[%dma_start3A, %dma_start3A_209] : memref<10240x128xf32, #tpu.memory_space<hbm>> -> memref<10240x128xf32, #tpu.memory_space<hbm>>
    tpu.enqueue_indirect_dma source(%dma_start3A_210 : memref<10240x128xf32, #tpu.memory_space<hbm>>) target(%arg18 : memref<128x128xf32, #tpu.memory_space<vmem>>) offsets(%arg9 : memref<128xi32, #tpu.memory_space<vmem>>) semaphore(%arg23 : memref<!tpu.dma_semaphore, #tpu.memory_space<semaphore_mem>>)
    %dma_start3A_211 = arith.constant 0 : i32
    %dma_start3A_212 = tpu.memref_slice %arg3[%dma_start3A_211] : memref<10240xf32, #tpu.memory_space<hbm>> -> memref<10240xf32, #tpu.memory_space<hbm>>
    tpu.enqueue_indirect_dma source(%dma_start3A_212 : memref<10240xf32, #tpu.memory_space<hbm>>) target(%arg13 : memref<128xf32, #tpu.memory_space<vmem>>) offsets(%arg9 : memref<128xi32, #tpu.memory_space<vmem>>) semaphore(%arg24 : memref<!tpu.dma_semaphore, #tpu.memory_space<semaphore_mem>>)
    %dma_start3A_213 = arith.constant 0 : i32
    %dma_start3A_214 = tpu.memref_slice %arg4[%dma_start3A_213] : memref<10240xf32, #tpu.memory_space<hbm>> -> memref<10240xf32, #tpu.memory_space<hbm>>
    tpu.enqueue_indirect_dma source(%dma_start3A_214 : memref<10240xf32, #tpu.memory_space<hbm>>) target(%arg14 : memref<128xf32, #tpu.memory_space<vmem>>) offsets(%arg10 : memref<128xi32, #tpu.memory_space<vmem>>) semaphore(%arg25 : memref<!tpu.dma_semaphore, #tpu.memory_space<semaphore_mem>>)
    %scan3A_215 = arith.constant 0 : i32
    %scan3A_216 = arith.constant 0 : i32
    %scan3A_217 = arith.constant 41 : i32
    %scan3A_218 = arith.addi %scan3A_216, %scan3A_217 : i32
    %scan3A_219 = arith.constant 1 : i32
    %scan3A_220 = scf.for %scan3A_226 = %scan3A_216 to %scan3A_218 step %scan3A_219 iter_args(%scan3A_227 = %scan3A_215) -> (i32)  : i32 {
      %mul3A_228 = arith.constant 2 : i32
      %mul3A_229 = arith.muli %mul3A_228, %scan3A_226 : i32
      %add3A_230 = arith.constant 1 : i32
      %add3A_231 = arith.addi %mul3A_229, %add3A_230 : i32
      %get3A_232 = arith.index_cast %add3A_231 : i32 to index
      %get3A_233 = arith.constant 0 : index
      %get3A_234 = tpu.vector_load %arg8[%get3A_232, %get3A_233] {strides = array<i32>} : memref<82x128xi32, #tpu.memory_space<vmem>>, vector<1x16xi32>,
      %get3A_235 = vector.shape_cast %get3A_234 : vector<1x16xi32> to vector<16xi32>
      %and3A_236 = arith.constant 16383 : i32
      %and3A_237 = vector.broadcast %and3A_236 : i32 to vector<16xi32>
      %and3A_238 = arith.andi %get3A_235, %and3A_237 : vector<16xi32>
      %swap3A_239 = arith.constant 0 : index
      %swap3A_240 = tpu.vector_load %arg11[%swap3A_239] {strides = array<i32>} : memref<128xi32, #tpu.memory_space<vmem>>, vector<16xi32>,
      %swap3A_241 = vector.shape_cast %swap3A_240 : vector<16xi32> to vector<16xi32>
      %swap3A_242 = vector.shape_cast %and3A_238 : vector<16xi32> to vector<16xi32>
      tpu.vector_store %arg11[%swap3A_239], %swap3A_242 {strides = array<i32>} : memref<128xi32, #tpu.memory_space<vmem>>, vector<16xi32>,
      %shift_right_logical3A_243 = arith.constant 14 : i32
      %shift_right_logical3A_244 = vector.broadcast %shift_right_logical3A_243 : i32 to vector<16xi32>
      %shift_right_logical3A_245 = arith.shrui %get3A_235, %shift_right_logical3A_244 : vector<16xi32>
      %swap3A_246 = arith.constant 0 : index
      %swap3A_247 = tpu.vector_load %arg12[%swap3A_246] {strides = array<i32>} : memref<128xi32, #tpu.memory_space<vmem>>, vector<16xi32>,
      %swap3A_248 = vector.shape_cast %swap3A_247 : vector<16xi32> to vector<16xi32>
      %swap3A_249 = vector.shape_cast %shift_right_logical3A_245 : vector<16xi32> to vector<16xi32>
      tpu.vector_store %arg12[%swap3A_246], %swap3A_249 {strides = array<i32>} : memref<128xi32, #tpu.memory_space<vmem>>, vector<16xi32>,
      %get3A_250 = arith.index_cast %add3A_231 : i32 to index
      %get3A_251 = arith.constant 16 : index
      %get3A_252 = tpu.vector_load %arg8[%get3A_250, %get3A_251] {strides = array<i32>} : memref<82x128xi32, #tpu.memory_space<vmem>>, vector<1x16xi32>,
      %get3A_253 = vector.shape_cast %get3A_252 : vector<1x16xi32> to vector<16xi32>
      %and3A_254 = arith.constant 16383 : i32
      %and3A_255 = vector.broadcast %and3A_254 : i32 to vector<16xi32>
      %and3A_256 = arith.andi %get3A_253, %and3A_255 : vector<16xi32>
      %swap3A_257 = arith.constant 16 : index
      %swap3A_258 = tpu.vector_load %arg11[%swap3A_257] {strides = array<i32>} : memref<128xi32, #tpu.memory_space<vmem>>, vector<16xi32>,
      %swap3A_259 = vector.shape_cast %swap3A_258 : vector<16xi32> to vector<16xi32>
      %swap3A_260 = vector.shape_cast %and3A_256 : vector<16xi32> to vector<16xi32>
      tpu.vector_store %arg11[%swap3A_257], %swap3A_260 {strides = array<i32>} : memref<128xi32, #tpu.memory_space<vmem>>, vector<16xi32>,
      %shift_right_logical3A_261 = arith.constant 14 : i32
      %shift_right_logical3A_262 = vector.broadcast %shift_right_logical3A_261 : i32 to vector<16xi32>
      %shift_right_logical3A_263 = arith.shrui %get3A_253, %shift_right_logical3A_262 : vector<16xi32>
      %swap3A_264 = arith.constant 16 : index
      %swap3A_265 = tpu.vector_load %arg12[%swap3A_264] {strides = array<i32>} : memref<128xi32, #tpu.memory_space<vmem>>, vector<16xi32>,
      %swap3A_266 = vector.shape_cast %swap3A_265 : vector<16xi32> to vector<16xi32>
      %swap3A_267 = vector.shape_cast %shift_right_logical3A_263 : vector<16xi32> to vector<16xi32>
      tpu.vector_store %arg12[%swap3A_264], %swap3A_267 {strides = array<i32>} : memref<128xi32, #tpu.memory_space<vmem>>, vector<16xi32>,
      %get3A_268 = arith.index_cast %add3A_231 : i32 to index
      %get3A_269 = arith.constant 32 : index
      %get3A_270 = tpu.vector_load %arg8[%get3A_268, %get3A_269] {strides = array<i32>} : memref<82x128xi32, #tpu.memory_space<vmem>>, vector<1x16xi32>,
      %get3A_271 = vector.shape_cast %get3A_270 : vector<1x16xi32> to vector<16xi32>
      %and3A_272 = arith.constant 16383 : i32
      %and3A_273 = vector.broadcast %and3A_272 : i32 to vector<16xi32>
      %and3A_274 = arith.andi %get3A_271, %and3A_273 : vector<16xi32>
      %swap3A_275 = arith.constant 32 : index
      %swap3A_276 = tpu.vector_load %arg11[%swap3A_275] {strides = array<i32>} : memref<128xi32, #tpu.memory_space<vmem>>, vector<16xi32>,
      %swap3A_277 = vector.shape_cast %swap3A_276 : vector<16xi32> to vector<16xi32>
      %swap3A_278 = vector.shape_cast %and3A_274 : vector<16xi32> to vector<16xi32>
      tpu.vector_store %arg11[%swap3A_275], %swap3A_278 {strides = array<i32>} : memref<128xi32, #tpu.memory_space<vmem>>, vector<16xi32>,
      %shift_right_logical3A_279 = arith.constant 14 : i32
      %shift_right_logical3A_280 = vector.broadcast %shift_right_logical3A_279 : i32 to vector<16xi32>
      %shift_right_logical3A_281 = arith.shrui %get3A_271, %shift_right_logical3A_280 : vector<16xi32>
      %swap3A_282 = arith.constant 32 : index
      %swap3A_283 = tpu.vector_load %arg12[%swap3A_282] {strides = array<i32>} : memref<128xi32, #tpu.memory_space<vmem>>, vector<16xi32>,
      %swap3A_284 = vector.shape_cast %swap3A_283 : vector<16xi32> to vector<16xi32>
      %swap3A_285 = vector.shape_cast %shift_right_logical3A_281 : vector<16xi32> to vector<16xi32>
      tpu.vector_store %arg12[%swap3A_282], %swap3A_285 {strides = array<i32>} : memref<128xi32, #tpu.memory_space<vmem>>, vector<16xi32>,
      %get3A_286 = arith.index_cast %add3A_231 : i32 to index
      %get3A_287 = arith.constant 48 : index
      %get3A_288 = tpu.vector_load %arg8[%get3A_286, %get3A_287] {strides = array<i32>} : memref<82x128xi32, #tpu.memory_space<vmem>>, vector<1x16xi32>,
      %get3A_289 = vector.shape_cast %get3A_288 : vector<1x16xi32> to vector<16xi32>
      %and3A_290 = arith.constant 16383 : i32
      %and3A_291 = vector.broadcast %and3A_290 : i32 to vector<16xi32>
      %and3A_292 = arith.andi %get3A_289, %and3A_291 : vector<16xi32>
      %swap3A_293 = arith.constant 48 : index
      %swap3A_294 = tpu.vector_load %arg11[%swap3A_293] {strides = array<i32>} : memref<128xi32, #tpu.memory_space<vmem>>, vector<16xi32>,
      %swap3A_295 = vector.shape_cast %swap3A_294 : vector<16xi32> to vector<16xi32>
      %swap3A_296 = vector.shape_cast %and3A_292 : vector<16xi32> to vector<16xi32>
      tpu.vector_store %arg11[%swap3A_293], %swap3A_296 {strides = array<i32>} : memref<128xi32, #tpu.memory_space<vmem>>, vector<16xi32>,
      %shift_right_logical3A_297 = arith.constant 14 : i32
      %shift_right_logical3A_298 = vector.broadcast %shift_right_logical3A_297 : i32 to vector<16xi32>
      %shift_right_logical3A_299 = arith.shrui %get3A_289, %shift_right_logical3A_298 : vector<16xi32>
      %swap3A_300 = arith.constant 48 : index
      %swap3A_301 = tpu.vector_load %arg12[%swap3A_300] {strides = array<i32>} : memref<128xi32, #tpu.memory_space<vmem>>, vector<16xi32>,
      %swap3A_302 = vector.shape_cast %swap3A_301 : vector<16xi32> to vector<16xi32>
      %swap3A_303 = vector.shape_cast %shift_right_logical3A_299 : vector<16xi32> to vector<16xi32>
      tpu.vector_store %arg12[%swap3A_300], %swap3A_303 {strides = array<i32>} : memref<128xi32, #tpu.memory_space<vmem>>, vector<16xi32>,
      %get3A_304 = arith.index_cast %add3A_231 : i32 to index
      %get3A_305 = arith.constant 64 : index
      %get3A_306 = tpu.vector_load %arg8[%get3A_304, %get3A_305] {strides = array<i32>} : memref<82x128xi32, #tpu.memory_space<vmem>>, vector<1x16xi32>,
      %get3A_307 = vector.shape_cast %get3A_306 : vector<1x16xi32> to vector<16xi32>
      %and3A_308 = arith.constant 16383 : i32
      %and3A_309 = vector.broadcast %and3A_308 : i32 to vector<16xi32>
      %and3A_310 = arith.andi %get3A_307, %and3A_309 : vector<16xi32>
      %swap3A_311 = arith.constant 64 : index
      %swap3A_312 = tpu.vector_load %arg11[%swap3A_311] {strides = array<i32>} : memref<128xi32, #tpu.memory_space<vmem>>, vector<16xi32>,
      %swap3A_313 = vector.shape_cast %swap3A_312 : vector<16xi32> to vector<16xi32>
      %swap3A_314 = vector.shape_cast %and3A_310 : vector<16xi32> to vector<16xi32>
      tpu.vector_store %arg11[%swap3A_311], %swap3A_314 {strides = array<i32>} : memref<128xi32, #tpu.memory_space<vmem>>, vector<16xi32>,
      %shift_right_logical3A_315 = arith.constant 14 : i32
      %shift_right_logical3A_316 = vector.broadcast %shift_right_logical3A_315 : i32 to vector<16xi32>
      %shift_right_logical3A_317 = arith.shrui %get3A_307, %shift_right_logical3A_316 : vector<16xi32>
      %swap3A_318 = arith.constant 64 : index
      %swap3A_319 = tpu.vector_load %arg12[%swap3A_318] {strides = array<i32>} : memref<128xi32, #tpu.memory_space<vmem>>, vector<16xi32>,
      %swap3A_320 = vector.shape_cast %swap3A_319 : vector<16xi32> to vector<16xi32>
      %swap3A_321 = vector.shape_cast %shift_right_logical3A_317 : vector<16xi32> to vector<16xi32>
      tpu.vector_store %arg12[%swap3A_318], %swap3A_321 {strides = array<i32>} : memref<128xi32, #tpu.memory_space<vmem>>, vector<16xi32>,
      %get3A_322 = arith.index_cast %add3A_231 : i32 to index
      %get3A_323 = arith.constant 80 : index
      %get3A_324 = tpu.vector_load %arg8[%get3A_322, %get3A_323] {strides = array<i32>} : memref<82x128xi32, #tpu.memory_space<vmem>>, vector<1x16xi32>,
      %get3A_325 = vector.shape_cast %get3A_324 : vector<1x16xi32> to vector<16xi32>
      %and3A_326 = arith.constant 16383 : i32
      %and3A_327 = vector.broadcast %and3A_326 : i32 to vector<16xi32>
      %and3A_328 = arith.andi %get3A_325, %and3A_327 : vector<16xi32>
      %swap3A_329 = arith.constant 80 : index
      %swap3A_330 = tpu.vector_load %arg11[%swap3A_329] {strides = array<i32>} : memref<128xi32, #tpu.memory_space<vmem>>, vector<16xi32>,
      %swap3A_331 = vector.shape_cast %swap3A_330 : vector<16xi32> to vector<16xi32>
      %swap3A_332 = vector.shape_cast %and3A_328 : vector<16xi32> to vector<16xi32>
      tpu.vector_store %arg11[%swap3A_329], %swap3A_332 {strides = array<i32>} : memref<128xi32, #tpu.memory_space<vmem>>, vector<16xi32>,
      %shift_right_logical3A_333 = arith.constant 14 : i32
      %shift_right_logical3A_334 = vector.broadcast %shift_right_logical3A_333 : i32 to vector<16xi32>
      %shift_right_logical3A_335 = arith.shrui %get3A_325, %shift_right_logical3A_334 : vector<16xi32>
      %swap3A_336 = arith.constant 80 : index
      %swap3A_337 = tpu.vector_load %arg12[%swap3A_336] {strides = array<i32>} : memref<128xi32, #tpu.memory_space<vmem>>, vector<16xi32>,
      %swap3A_338 = vector.shape_cast %swap3A_337 : vector<16xi32> to vector<16xi32>
      %swap3A_339 = vector.shape_cast %shift_right_logical3A_335 : vector<16xi32> to vector<16xi32>
      tpu.vector_store %arg12[%swap3A_336], %swap3A_339 {strides = array<i32>} : memref<128xi32, #tpu.memory_space<vmem>>, vector<16xi32>,
      %get3A_340 = arith.index_cast %add3A_231 : i32 to index
      %get3A_341 = arith.constant 96 : index
      %get3A_342 = tpu.vector_load %arg8[%get3A_340, %get3A_341] {strides = array<i32>} : memref<82x128xi32, #tpu.memory_space<vmem>>, vector<1x16xi32>,
      %get3A_343 = vector.shape_cast %get3A_342 : vector<1x16xi32> to vector<16xi32>
      %and3A_344 = arith.constant 16383 : i32
      %and3A_345 = vector.broadcast %and3A_344 : i32 to vector<16xi32>
      %and3A_346 = arith.andi %get3A_343, %and3A_345 : vector<16xi32>
      %swap3A_347 = arith.constant 96 : index
      %swap3A_348 = tpu.vector_load %arg11[%swap3A_347] {strides = array<i32>} : memref<128xi32, #tpu.memory_space<vmem>>, vector<16xi32>,
      %swap3A_349 = vector.shape_cast %swap3A_348 : vector<16xi32> to vector<16xi32>
      %swap3A_350 = vector.shape_cast %and3A_346 : vector<16xi32> to vector<16xi32>
      tpu.vector_store %arg11[%swap3A_347], %swap3A_350 {strides = array<i32>} : memref<128xi32, #tpu.memory_space<vmem>>, vector<16xi32>,
      %shift_right_logical3A_351 = arith.constant 14 : i32
      %shift_right_logical3A_352 = vector.broadcast %shift_right_logical3A_351 : i32 to vector<16xi32>
      %shift_right_logical3A_353 = arith.shrui %get3A_343, %shift_right_logical3A_352 : vector<16xi32>
      %swap3A_354 = arith.constant 96 : index
      %swap3A_355 = tpu.vector_load %arg12[%swap3A_354] {strides = array<i32>} : memref<128xi32, #tpu.memory_space<vmem>>, vector<16xi32>,
      %swap3A_356 = vector.shape_cast %swap3A_355 : vector<16xi32> to vector<16xi32>
      %swap3A_357 = vector.shape_cast %shift_right_logical3A_353 : vector<16xi32> to vector<16xi32>
      tpu.vector_store %arg12[%swap3A_354], %swap3A_357 {strides = array<i32>} : memref<128xi32, #tpu.memory_space<vmem>>, vector<16xi32>,
      %get3A_358 = arith.index_cast %add3A_231 : i32 to index
      %get3A_359 = arith.constant 112 : index
      %get3A_360 = tpu.vector_load %arg8[%get3A_358, %get3A_359] {strides = array<i32>} : memref<82x128xi32, #tpu.memory_space<vmem>>, vector<1x16xi32>,
      %get3A_361 = vector.shape_cast %get3A_360 : vector<1x16xi32> to vector<16xi32>
      %and3A_362 = arith.constant 16383 : i32
      %and3A_363 = vector.broadcast %and3A_362 : i32 to vector<16xi32>
      %and3A_364 = arith.andi %get3A_361, %and3A_363 : vector<16xi32>
      %swap3A_365 = arith.constant 112 : index
      %swap3A_366 = tpu.vector_load %arg11[%swap3A_365] {strides = array<i32>} : memref<128xi32, #tpu.memory_space<vmem>>, vector<16xi32>,
      %swap3A_367 = vector.shape_cast %swap3A_366 : vector<16xi32> to vector<16xi32>
      %swap3A_368 = vector.shape_cast %and3A_364 : vector<16xi32> to vector<16xi32>
      tpu.vector_store %arg11[%swap3A_365], %swap3A_368 {strides = array<i32>} : memref<128xi32, #tpu.memory_space<vmem>>, vector<16xi32>,
      %shift_right_logical3A_369 = arith.constant 14 : i32
      %shift_right_logical3A_370 = vector.broadcast %shift_right_logical3A_369 : i32 to vector<16xi32>
      %shift_right_logical3A_371 = arith.shrui %get3A_361, %shift_right_logical3A_370 : vector<16xi32>
      %swap3A_372 = arith.constant 112 : index
      %swap3A_373 = tpu.vector_load %arg12[%swap3A_372] {strides = array<i32>} : memref<128xi32, #tpu.memory_space<vmem>>, vector<16xi32>,
      %swap3A_374 = vector.shape_cast %swap3A_373 : vector<16xi32> to vector<16xi32>
      %swap3A_375 = vector.shape_cast %shift_right_logical3A_371 : vector<16xi32> to vector<16xi32>
      tpu.vector_store %arg12[%swap3A_372], %swap3A_375 {strides = array<i32>} : memref<128xi32, #tpu.memory_space<vmem>>, vector<16xi32>,
      %dma_start3A_376 = arith.constant 0 : i32
      %dma_start3A_377 = arith.constant 0 : i32
      %dma_start3A_378 = tpu.memref_slice %arg2[%dma_start3A_376, %dma_start3A_377] : memref<10240x128xf32, #tpu.memory_space<hbm>> -> memref<10240x128xf32, #tpu.memory_space<hbm>>
      tpu.enqueue_indirect_dma source(%dma_start3A_378 : memref<10240x128xf32, #tpu.memory_space<hbm>>) target(%arg19 : memref<128x128xf32, #tpu.memory_space<vmem>>) offsets(%arg11 : memref<128xi32, #tpu.memory_space<vmem>>) semaphore(%arg26 : memref<!tpu.dma_semaphore, #tpu.memory_space<semaphore_mem>>)
      %dma_start3A_379 = arith.constant 0 : i32
      %dma_start3A_380 = tpu.memref_slice %arg3[%dma_start3A_379] : memref<10240xf32, #tpu.memory_space<hbm>> -> memref<10240xf32, #tpu.memory_space<hbm>>
      tpu.enqueue_indirect_dma source(%dma_start3A_380 : memref<10240xf32, #tpu.memory_space<hbm>>) target(%arg15 : memref<128xf32, #tpu.memory_space<vmem>>) offsets(%arg11 : memref<128xi32, #tpu.memory_space<vmem>>) semaphore(%arg27 : memref<!tpu.dma_semaphore, #tpu.memory_space<semaphore_mem>>)
      %dma_start3A_381 = arith.constant 0 : i32
      %dma_start3A_382 = tpu.memref_slice %arg4[%dma_start3A_381] : memref<10240xf32, #tpu.memory_space<hbm>> -> memref<10240xf32, #tpu.memory_space<hbm>>
      tpu.enqueue_indirect_dma source(%dma_start3A_382 : memref<10240xf32, #tpu.memory_space<hbm>>) target(%arg16 : memref<128xf32, #tpu.memory_space<vmem>>) offsets(%arg12 : memref<128xi32, #tpu.memory_space<vmem>>) semaphore(%arg28 : memref<!tpu.dma_semaphore, #tpu.memory_space<semaphore_mem>>)
      %dma_wait3A = arith.constant 0 : i32
      %dma_wait3A_383 = tpu.memref_slice %arg3[%dma_wait3A] : memref<10240xf32, #tpu.memory_space<hbm>> -> memref<10240xf32, #tpu.memory_space<hbm>>
      tpu.wait_indirect_dma semaphore(%arg24 : memref<!tpu.dma_semaphore, #tpu.memory_space<semaphore_mem>>) src(%dma_wait3A_383 : memref<10240xf32, #tpu.memory_space<hbm>>) dst(%arg13 : memref<128xf32, #tpu.memory_space<vmem>>)
      %dma_wait3A_384 = arith.constant 0 : i32
      %dma_wait3A_385 = tpu.memref_slice %arg4[%dma_wait3A_384] : memref<10240xf32, #tpu.memory_space<hbm>> -> memref<10240xf32, #tpu.memory_space<hbm>>
      tpu.wait_indirect_dma semaphore(%arg25 : memref<!tpu.dma_semaphore, #tpu.memory_space<semaphore_mem>>) src(%dma_wait3A_385 : memref<10240xf32, #tpu.memory_space<hbm>>) dst(%arg14 : memref<128xf32, #tpu.memory_space<vmem>>)
      %get3A_386 = arith.constant 0 : index
      %get3A_387 = tpu.vector_load %arg13[%get3A_386] {strides = array<i32>} : memref<128xf32, #tpu.memory_space<vmem>>, vector<16xf32>,
      %get3A_388 = vector.shape_cast %get3A_387 : vector<16xf32> to vector<16xf32>
      %get3A_389 = arith.constant 0 : index
      %get3A_390 = tpu.vector_load %arg14[%get3A_389] {strides = array<i32>} : memref<128xf32, #tpu.memory_space<vmem>>, vector<16xf32>,
      %get3A_391 = vector.shape_cast %get3A_390 : vector<16xf32> to vector<16xf32>
      %add3A_392 = arith.addf %get3A_388, %get3A_391 : vector<16xf32>
      %mul3A_393 = arith.constant 2.000000e-01 : f32
      %mul3A_394 = vector.broadcast %mul3A_393 : f32 to vector<16xf32>
      %mul3A_395 = arith.mulf %mul3A_394, %add3A_392 : vector<16xf32>
      %max3A = arith.maximumf %add3A_392, %mul3A_395 : vector<16xf32>
      %exp3A = math.exp %max3A : vector<16xf32>
      %mul3A_396 = arith.constant 128 : i32
      %mul3A_397 = arith.muli %mul3A_229, %mul3A_396 : i32
      %add3A_398 = arith.addi %mul3A_28, %mul3A_397 : i32
      %add3A_399 = arith.constant 0 : i32
      %add3A_400 = arith.addi %add3A_398, %add3A_399 : i32
      %add3A_401 = vector.broadcast %add3A_400 : i32 to vector<16xi32>
      %add3A_402 = arith.addi %add3A_401, %iota3A : vector<16xi32>
      %lt3A = arith.constant 330000 : i32
      %lt3A_403 = vector.broadcast %lt3A : i32 to vector<16xi32>
      %lt3A_404 = arith.cmpi slt, %add3A_402, %lt3A_403 : vector<16xi32>
      %jit3A = arith.constant 0.000000e+00 : f32
      %broadcast_in_dim3A_405 = vector.broadcast %jit3A : f32 to vector<16xf32>
      %select_n3A = arith.select %lt3A_404, %exp3A, %broadcast_in_dim3A_405 : vector<16xi1>, vector<16xf32>
      %swap3A_406 = arith.constant 0 : index
      %swap3A_407 = tpu.vector_load %arg17[%swap3A_406] {strides = array<i32>} : memref<128xf32, #tpu.memory_space<vmem>>, vector<16xf32>,
      %swap3A_408 = vector.shape_cast %swap3A_407 : vector<16xf32> to vector<16xf32>
      %swap3A_409 = vector.shape_cast %select_n3A : vector<16xf32> to vector<16xf32>
      tpu.vector_store %arg17[%swap3A_406], %swap3A_409 {strides = array<i32>} : memref<128xf32, #tpu.memory_space<vmem>>, vector<16xf32>,
      %get3A_410 = arith.constant 16 : index
      %get3A_411 = tpu.vector_load %arg13[%get3A_410] {strides = array<i32>} : memref<128xf32, #tpu.memory_space<vmem>>, vector<16xf32>,
      %get3A_412 = vector.shape_cast %get3A_411 : vector<16xf32> to vector<16xf32>
      %get3A_413 = arith.constant 16 : index
      %get3A_414 = tpu.vector_load %arg14[%get3A_413] {strides = array<i32>} : memref<128xf32, #tpu.memory_space<vmem>>, vector<16xf32>,
      %get3A_415 = vector.shape_cast %get3A_414 : vector<16xf32> to vector<16xf32>
      %add3A_416 = arith.addf %get3A_412, %get3A_415 : vector<16xf32>
      %mul3A_417 = arith.constant 2.000000e-01 : f32
      %mul3A_418 = vector.broadcast %mul3A_417 : f32 to vector<16xf32>
      %mul3A_419 = arith.mulf %mul3A_418, %add3A_416 : vector<16xf32>
      %max3A_420 = arith.maximumf %add3A_416, %mul3A_419 : vector<16xf32>
      %exp3A_421 = math.exp %max3A_420 : vector<16xf32>
      %mul3A_422 = arith.constant 128 : i32
      %mul3A_423 = arith.muli %mul3A_229, %mul3A_422 : i32
      %add3A_424 = arith.addi %mul3A_28, %mul3A_423 : i32
      %add3A_425 = arith.constant 16 : i32
      %add3A_426 = arith.addi %add3A_424, %add3A_425 : i32
      %add3A_427 = vector.broadcast %add3A_426 : i32 to vector<16xi32>
      %add3A_428 = arith.addi %add3A_427, %iota3A : vector<16xi32>
      %lt3A_429 = arith.constant 330000 : i32
      %lt3A_430 = vector.broadcast %lt3A_429 : i32 to vector<16xi32>
      %lt3A_431 = arith.cmpi slt, %add3A_428, %lt3A_430 : vector<16xi32>
      %jit3A_432 = arith.constant 0.000000e+00 : f32
      %broadcast_in_dim3A_433 = vector.broadcast %jit3A_432 : f32 to vector<16xf32>
      %select_n3A_434 = arith.select %lt3A_431, %exp3A_421, %broadcast_in_dim3A_433 : vector<16xi1>, vector<16xf32>
      %swap3A_435 = arith.constant 16 : index
      %swap3A_436 = tpu.vector_load %arg17[%swap3A_435] {strides = array<i32>} : memref<128xf32, #tpu.memory_space<vmem>>, vector<16xf32>,
      %swap3A_437 = vector.shape_cast %swap3A_436 : vector<16xf32> to vector<16xf32>
      %swap3A_438 = vector.shape_cast %select_n3A_434 : vector<16xf32> to vector<16xf32>
      tpu.vector_store %arg17[%swap3A_435], %swap3A_438 {strides = array<i32>} : memref<128xf32, #tpu.memory_space<vmem>>, vector<16xf32>,
      %get3A_439 = arith.constant 32 : index
      %get3A_440 = tpu.vector_load %arg13[%get3A_439] {strides = array<i32>} : memref<128xf32, #tpu.memory_space<vmem>>, vector<16xf32>,
      %get3A_441 = vector.shape_cast %get3A_440 : vector<16xf32> to vector<16xf32>
      %get3A_442 = arith.constant 32 : index
      %get3A_443 = tpu.vector_load %arg14[%get3A_442] {strides = array<i32>} : memref<128xf32, #tpu.memory_space<vmem>>, vector<16xf32>,
      %get3A_444 = vector.shape_cast %get3A_443 : vector<16xf32> to vector<16xf32>
      %add3A_445 = arith.addf %get3A_441, %get3A_444 : vector<16xf32>
      %mul3A_446 = arith.constant 2.000000e-01 : f32
      %mul3A_447 = vector.broadcast %mul3A_446 : f32 to vector<16xf32>
      %mul3A_448 = arith.mulf %mul3A_447, %add3A_445 : vector<16xf32>
      %max3A_449 = arith.maximumf %add3A_445, %mul3A_448 : vector<16xf32>
      %exp3A_450 = math.exp %max3A_449 : vector<16xf32>
      %mul3A_451 = arith.constant 128 : i32
      %mul3A_452 = arith.muli %mul3A_229, %mul3A_451 : i32
      %add3A_453 = arith.addi %mul3A_28, %mul3A_452 : i32
      %add3A_454 = arith.constant 32 : i32
      %add3A_455 = arith.addi %add3A_453, %add3A_454 : i32
      %add3A_456 = vector.broadcast %add3A_455 : i32 to vector<16xi32>
      %add3A_457 = arith.addi %add3A_456, %iota3A : vector<16xi32>
      %lt3A_458 = arith.constant 330000 : i32
      %lt3A_459 = vector.broadcast %lt3A_458 : i32 to vector<16xi32>
      %lt3A_460 = arith.cmpi slt, %add3A_457, %lt3A_459 : vector<16xi32>
      %jit3A_461 = arith.constant 0.000000e+00 : f32
      %broadcast_in_dim3A_462 = vector.broadcast %jit3A_461 : f32 to vector<16xf32>
      %select_n3A_463 = arith.select %lt3A_460, %exp3A_450, %broadcast_in_dim3A_462 : vector<16xi1>, vector<16xf32>
      %swap3A_464 = arith.constant 32 : index
      %swap3A_465 = tpu.vector_load %arg17[%swap3A_464] {strides = array<i32>} : memref<128xf32, #tpu.memory_space<vmem>>, vector<16xf32>,
      %swap3A_466 = vector.shape_cast %swap3A_465 : vector<16xf32> to vector<16xf32>
      %swap3A_467 = vector.shape_cast %select_n3A_463 : vector<16xf32> to vector<16xf32>
      tpu.vector_store %arg17[%swap3A_464], %swap3A_467 {strides = array<i32>} : memref<128xf32, #tpu.memory_space<vmem>>, vector<16xf32>,
      %get3A_468 = arith.constant 48 : index
      %get3A_469 = tpu.vector_load %arg13[%get3A_468] {strides = array<i32>} : memref<128xf32, #tpu.memory_space<vmem>>, vector<16xf32>,
      %get3A_470 = vector.shape_cast %get3A_469 : vector<16xf32> to vector<16xf32>
      %get3A_471 = arith.constant 48 : index
      %get3A_472 = tpu.vector_load %arg14[%get3A_471] {strides = array<i32>} : memref<128xf32, #tpu.memory_space<vmem>>, vector<16xf32>,
      %get3A_473 = vector.shape_cast %get3A_472 : vector<16xf32> to vector<16xf32>
      %add3A_474 = arith.addf %get3A_470, %get3A_473 : vector<16xf32>
      %mul3A_475 = arith.constant 2.000000e-01 : f32
      %mul3A_476 = vector.broadcast %mul3A_475 : f32 to vector<16xf32>
      %mul3A_477 = arith.mulf %mul3A_476, %add3A_474 : vector<16xf32>
      %max3A_478 = arith.maximumf %add3A_474, %mul3A_477 : vector<16xf32>
      %exp3A_479 = math.exp %max3A_478 : vector<16xf32>
      %mul3A_480 = arith.constant 128 : i32
      %mul3A_481 = arith.muli %mul3A_229, %mul3A_480 : i32
      %add3A_482 = arith.addi %mul3A_28, %mul3A_481 : i32
      %add3A_483 = arith.constant 48 : i32
      %add3A_484 = arith.addi %add3A_482, %add3A_483 : i32
      %add3A_485 = vector.broadcast %add3A_484 : i32 to vector<16xi32>
      %add3A_486 = arith.addi %add3A_485, %iota3A : vector<16xi32>
      %lt3A_487 = arith.constant 330000 : i32
      %lt3A_488 = vector.broadcast %lt3A_487 : i32 to vector<16xi32>
      %lt3A_489 = arith.cmpi slt, %add3A_486, %lt3A_488 : vector<16xi32>
      %jit3A_490 = arith.constant 0.000000e+00 : f32
      %broadcast_in_dim3A_491 = vector.broadcast %jit3A_490 : f32 to vector<16xf32>
      %select_n3A_492 = arith.select %lt3A_489, %exp3A_479, %broadcast_in_dim3A_491 : vector<16xi1>, vector<16xf32>
      %swap3A_493 = arith.constant 48 : index
      %swap3A_494 = tpu.vector_load %arg17[%swap3A_493] {strides = array<i32>} : memref<128xf32, #tpu.memory_space<vmem>>, vector<16xf32>,
      %swap3A_495 = vector.shape_cast %swap3A_494 : vector<16xf32> to vector<16xf32>
      %swap3A_496 = vector.shape_cast %select_n3A_492 : vector<16xf32> to vector<16xf32>
      tpu.vector_store %arg17[%swap3A_493], %swap3A_496 {strides = array<i32>} : memref<128xf32, #tpu.memory_space<vmem>>, vector<16xf32>,
      %get3A_497 = arith.constant 64 : index
      %get3A_498 = tpu.vector_load %arg13[%get3A_497] {strides = array<i32>} : memref<128xf32, #tpu.memory_space<vmem>>, vector<16xf32>,
      %get3A_499 = vector.shape_cast %get3A_498 : vector<16xf32> to vector<16xf32>
      %get3A_500 = arith.constant 64 : index
      %get3A_501 = tpu.vector_load %arg14[%get3A_500] {strides = array<i32>} : memref<128xf32, #tpu.memory_space<vmem>>, vector<16xf32>,
      %get3A_502 = vector.shape_cast %get3A_501 : vector<16xf32> to vector<16xf32>
      %add3A_503 = arith.addf %get3A_499, %get3A_502 : vector<16xf32>
      %mul3A_504 = arith.constant 2.000000e-01 : f32
      %mul3A_505 = vector.broadcast %mul3A_504 : f32 to vector<16xf32>
      %mul3A_506 = arith.mulf %mul3A_505, %add3A_503 : vector<16xf32>
      %max3A_507 = arith.maximumf %add3A_503, %mul3A_506 : vector<16xf32>
      %exp3A_508 = math.exp %max3A_507 : vector<16xf32>
      %mul3A_509 = arith.constant 128 : i32
      %mul3A_510 = arith.muli %mul3A_229, %mul3A_509 : i32
      %add3A_511 = arith.addi %mul3A_28, %mul3A_510 : i32
      %add3A_512 = arith.constant 64 : i32
      %add3A_513 = arith.addi %add3A_511, %add3A_512 : i32
      %add3A_514 = vector.broadcast %add3A_513 : i32 to vector<16xi32>
      %add3A_515 = arith.addi %add3A_514, %iota3A : vector<16xi32>
      %lt3A_516 = arith.constant 330000 : i32
      %lt3A_517 = vector.broadcast %lt3A_516 : i32 to vector<16xi32>
      %lt3A_518 = arith.cmpi slt, %add3A_515, %lt3A_517 : vector<16xi32>
      %jit3A_519 = arith.constant 0.000000e+00 : f32
      %broadcast_in_dim3A_520 = vector.broadcast %jit3A_519 : f32 to vector<16xf32>
      %select_n3A_521 = arith.select %lt3A_518, %exp3A_508, %broadcast_in_dim3A_520 : vector<16xi1>, vector<16xf32>
      %swap3A_522 = arith.constant 64 : index
      %swap3A_523 = tpu.vector_load %arg17[%swap3A_522] {strides = array<i32>} : memref<128xf32, #tpu.memory_space<vmem>>, vector<16xf32>,
      %swap3A_524 = vector.shape_cast %swap3A_523 : vector<16xf32> to vector<16xf32>
      %swap3A_525 = vector.shape_cast %select_n3A_521 : vector<16xf32> to vector<16xf32>
      tpu.vector_store %arg17[%swap3A_522], %swap3A_525 {strides = array<i32>} : memref<128xf32, #tpu.memory_space<vmem>>, vector<16xf32>,
      %get3A_526 = arith.constant 80 : index
      %get3A_527 = tpu.vector_load %arg13[%get3A_526] {strides = array<i32>} : memref<128xf32, #tpu.memory_space<vmem>>, vector<16xf32>,
      %get3A_528 = vector.shape_cast %get3A_527 : vector<16xf32> to vector<16xf32>
      %get3A_529 = arith.constant 80 : index
      %get3A_530 = tpu.vector_load %arg14[%get3A_529] {strides = array<i32>} : memref<128xf32, #tpu.memory_space<vmem>>, vector<16xf32>,
      %get3A_531 = vector.shape_cast %get3A_530 : vector<16xf32> to vector<16xf32>
      %add3A_532 = arith.addf %get3A_528, %get3A_531 : vector<16xf32>
      %mul3A_533 = arith.constant 2.000000e-01 : f32
      %mul3A_534 = vector.broadcast %mul3A_533 : f32 to vector<16xf32>
      %mul3A_535 = arith.mulf %mul3A_534, %add3A_532 : vector<16xf32>
      %max3A_536 = arith.maximumf %add3A_532, %mul3A_535 : vector<16xf32>
      %exp3A_537 = math.exp %max3A_536 : vector<16xf32>
      %mul3A_538 = arith.constant 128 : i32
      %mul3A_539 = arith.muli %mul3A_229, %mul3A_538 : i32
      %add3A_540 = arith.addi %mul3A_28, %mul3A_539 : i32
      %add3A_541 = arith.constant 80 : i32
      %add3A_542 = arith.addi %add3A_540, %add3A_541 : i32
      %add3A_543 = vector.broadcast %add3A_542 : i32 to vector<16xi32>
      %add3A_544 = arith.addi %add3A_543, %iota3A : vector<16xi32>
      %lt3A_545 = arith.constant 330000 : i32
      %lt3A_546 = vector.broadcast %lt3A_545 : i32 to vector<16xi32>
      %lt3A_547 = arith.cmpi slt, %add3A_544, %lt3A_546 : vector<16xi32>
      %jit3A_548 = arith.constant 0.000000e+00 : f32
      %broadcast_in_dim3A_549 = vector.broadcast %jit3A_548 : f32 to vector<16xf32>
      %select_n3A_550 = arith.select %lt3A_547, %exp3A_537, %broadcast_in_dim3A_549 : vector<16xi1>, vector<16xf32>
      %swap3A_551 = arith.constant 80 : index
      %swap3A_552 = tpu.vector_load %arg17[%swap3A_551] {strides = array<i32>} : memref<128xf32, #tpu.memory_space<vmem>>, vector<16xf32>,
      %swap3A_553 = vector.shape_cast %swap3A_552 : vector<16xf32> to vector<16xf32>
      %swap3A_554 = vector.shape_cast %select_n3A_550 : vector<16xf32> to vector<16xf32>
      tpu.vector_store %arg17[%swap3A_551], %swap3A_554 {strides = array<i32>} : memref<128xf32, #tpu.memory_space<vmem>>, vector<16xf32>,
      %get3A_555 = arith.constant 96 : index
      %get3A_556 = tpu.vector_load %arg13[%get3A_555] {strides = array<i32>} : memref<128xf32, #tpu.memory_space<vmem>>, vector<16xf32>,
      %get3A_557 = vector.shape_cast %get3A_556 : vector<16xf32> to vector<16xf32>
      %get3A_558 = arith.constant 96 : index
      %get3A_559 = tpu.vector_load %arg14[%get3A_558] {strides = array<i32>} : memref<128xf32, #tpu.memory_space<vmem>>, vector<16xf32>,
      %get3A_560 = vector.shape_cast %get3A_559 : vector<16xf32> to vector<16xf32>
      %add3A_561 = arith.addf %get3A_557, %get3A_560 : vector<16xf32>
      %mul3A_562 = arith.constant 2.000000e-01 : f32
      %mul3A_563 = vector.broadcast %mul3A_562 : f32 to vector<16xf32>
      %mul3A_564 = arith.mulf %mul3A_563, %add3A_561 : vector<16xf32>
      %max3A_565 = arith.maximumf %add3A_561, %mul3A_564 : vector<16xf32>
      %exp3A_566 = math.exp %max3A_565 : vector<16xf32>
      %mul3A_567 = arith.constant 128 : i32
      %mul3A_568 = arith.muli %mul3A_229, %mul3A_567 : i32
      %add3A_569 = arith.addi %mul3A_28, %mul3A_568 : i32
      %add3A_570 = arith.constant 96 : i32
      %add3A_571 = arith.addi %add3A_569, %add3A_570 : i32
      %add3A_572 = vector.broadcast %add3A_571 : i32 to vector<16xi32>
      %add3A_573 = arith.addi %add3A_572, %iota3A : vector<16xi32>
      %lt3A_574 = arith.constant 330000 : i32
      %lt3A_575 = vector.broadcast %lt3A_574 : i32 to vector<16xi32>
      %lt3A_576 = arith.cmpi slt, %add3A_573, %lt3A_575 : vector<16xi32>
      %jit3A_577 = arith.constant 0.000000e+00 : f32
      %broadcast_in_dim3A_578 = vector.broadcast %jit3A_577 : f32 to vector<16xf32>
      %select_n3A_579 = arith.select %lt3A_576, %exp3A_566, %broadcast_in_dim3A_578 : vector<16xi1>, vector<16xf32>
      %swap3A_580 = arith.constant 96 : index
      %swap3A_581 = tpu.vector_load %arg17[%swap3A_580] {strides = array<i32>} : memref<128xf32, #tpu.memory_space<vmem>>, vector<16xf32>,
      %swap3A_582 = vector.shape_cast %swap3A_581 : vector<16xf32> to vector<16xf32>
      %swap3A_583 = vector.shape_cast %select_n3A_579 : vector<16xf32> to vector<16xf32>
      tpu.vector_store %arg17[%swap3A_580], %swap3A_583 {strides = array<i32>} : memref<128xf32, #tpu.memory_space<vmem>>, vector<16xf32>,
      %get3A_584 = arith.constant 112 : index
      %get3A_585 = tpu.vector_load %arg13[%get3A_584] {strides = array<i32>} : memref<128xf32, #tpu.memory_space<vmem>>, vector<16xf32>,
      %get3A_586 = vector.shape_cast %get3A_585 : vector<16xf32> to vector<16xf32>
      %get3A_587 = arith.constant 112 : index
      %get3A_588 = tpu.vector_load %arg14[%get3A_587] {strides = array<i32>} : memref<128xf32, #tpu.memory_space<vmem>>, vector<16xf32>,
      %get3A_589 = vector.shape_cast %get3A_588 : vector<16xf32> to vector<16xf32>
      %add3A_590 = arith.addf %get3A_586, %get3A_589 : vector<16xf32>
      %mul3A_591 = arith.constant 2.000000e-01 : f32
      %mul3A_592 = vector.broadcast %mul3A_591 : f32 to vector<16xf32>
      %mul3A_593 = arith.mulf %mul3A_592, %add3A_590 : vector<16xf32>
      %max3A_594 = arith.maximumf %add3A_590, %mul3A_593 : vector<16xf32>
      %exp3A_595 = math.exp %max3A_594 : vector<16xf32>
      %mul3A_596 = arith.constant 128 : i32
      %mul3A_597 = arith.muli %mul3A_229, %mul3A_596 : i32
      %add3A_598 = arith.addi %mul3A_28, %mul3A_597 : i32
      %add3A_599 = arith.constant 112 : i32
      %add3A_600 = arith.addi %add3A_598, %add3A_599 : i32
      %add3A_601 = vector.broadcast %add3A_600 : i32 to vector<16xi32>
      %add3A_602 = arith.addi %add3A_601, %iota3A : vector<16xi32>
      %lt3A_603 = arith.constant 330000 : i32
      %lt3A_604 = vector.broadcast %lt3A_603 : i32 to vector<16xi32>
      %lt3A_605 = arith.cmpi slt, %add3A_602, %lt3A_604 : vector<16xi32>
      %jit3A_606 = arith.constant 0.000000e+00 : f32
      %broadcast_in_dim3A_607 = vector.broadcast %jit3A_606 : f32 to vector<16xf32>
      %select_n3A_608 = arith.select %lt3A_605, %exp3A_595, %broadcast_in_dim3A_607 : vector<16xi1>, vector<16xf32>
      %swap3A_609 = arith.constant 112 : index
      %swap3A_610 = tpu.vector_load %arg17[%swap3A_609] {strides = array<i32>} : memref<128xf32, #tpu.memory_space<vmem>>, vector<16xf32>,
      %swap3A_611 = vector.shape_cast %swap3A_610 : vector<16xf32> to vector<16xf32>
      %swap3A_612 = vector.shape_cast %select_n3A_608 : vector<16xf32> to vector<16xf32>
      tpu.vector_store %arg17[%swap3A_609], %swap3A_612 {strides = array<i32>} : memref<128xf32, #tpu.memory_space<vmem>>, vector<16xf32>,
      "tpu.region"() ({
        %run_scoped3A = tpu.sem_alloc : memref<!tpu.dma_semaphore, #tpu.memory_space<semaphore_mem>>
        %dma_start3A_877 = arith.constant 0 : i32
        %dma_start3A_878 = tpu.memref_slice %arg22[%dma_start3A_877] : memref<10240xf32, #tpu.memory_space<vmem_shared>> -> memref<10240xf32, #tpu.memory_space<vmem_shared>>
        tpu.enqueue_indirect_dma source(%arg17 : memref<128xf32, #tpu.memory_space<vmem>>) target(%dma_start3A_878 : memref<10240xf32, #tpu.memory_space<vmem_shared>>) offsets(%arg10 : memref<128xi32, #tpu.memory_space<vmem>>) semaphore(%run_scoped3A : memref<!tpu.dma_semaphore, #tpu.memory_space<semaphore_mem>>) {add = true}
        %dma_wait3A_879 = arith.constant 0 : i32
        %dma_wait3A_880 = tpu.memref_slice %arg22[%dma_wait3A_879] : memref<10240xf32, #tpu.memory_space<vmem_shared>> -> memref<10240xf32, #tpu.memory_space<vmem_shared>>
        tpu.wait_indirect_dma semaphore(%run_scoped3A : memref<!tpu.dma_semaphore, #tpu.memory_space<semaphore_mem>>) src(%arg17 : memref<128xf32, #tpu.memory_space<vmem>>) dst(%dma_wait3A_880 : memref<10240xf32, #tpu.memory_space<vmem_shared>>)
        tpu.yield
      }) : () -> ()
      %dma_wait3A_613 = arith.constant 0 : i32
      %dma_wait3A_614 = arith.constant 0 : i32
      %dma_wait3A_615 = tpu.memref_slice %arg2[%dma_wait3A_613, %dma_wait3A_614] : memref<10240x128xf32, #tpu.memory_space<hbm>> -> memref<10240x128xf32, #tpu.memory_space<hbm>>
      tpu.wait_indirect_dma semaphore(%arg23 : memref<!tpu.dma_semaphore, #tpu.memory_space<semaphore_mem>>) src(%dma_wait3A_615 : memref<10240x128xf32, #tpu.memory_space<hbm>>) dst(%arg18 : memref<128x128xf32, #tpu.memory_space<vmem>>)
      %scan3A_616 = arith.constant 0 : i32
      %scan3A_617 = arith.constant 0 : i32
      %scan3A_618 = arith.constant 8 : i32
      %scan3A_619 = arith.addi %scan3A_617, %scan3A_618 : i32
      %scan3A_620 = arith.constant 1 : i32
      %scan3A_621 = scf.for %scan3A_877 = %scan3A_617 to %scan3A_619 step %scan3A_620 iter_args(%scan3A_878 = %scan3A_616) -> (i32)  : i32 {
        %mul3A_879 = arith.constant 16 : i32
        %mul3A_880 = arith.muli %scan3A_877, %mul3A_879 : i32
        %get3A_881 = arith.index_cast %mul3A_880 : i32 to index
        %get3A_882 = tpu.vector_load %arg17[%get3A_881] {strides = array<i32>} : memref<128xf32, #tpu.memory_space<vmem>>, vector<16xf32>,
        %get3A_883 = vector.shape_cast %get3A_882 : vector<16xf32> to vector<16xf32>
        %mul3A_884 = arith.constant 16 : i32
        %mul3A_885 = arith.muli %scan3A_877, %mul3A_884 : i32
        %broadcast_in_dim3A_886 = vector.shape_cast %broadcast_in_dim3A_30 : vector<16xi32> to vector<16x1xi32>
        %gather3A = vector.shape_cast %broadcast_in_dim3A_886 : vector<16x1xi32> to vector<16xi32>
        %gather3A_887 = tpu.dynamic_gather %get3A_883[%gather3A] in [0] : vector<16xf32>, vector<16xi32> -> vector<16xf32>
        %add3A_888 = arith.constant 0 : i32
        %add3A_889 = arith.addi %mul3A_885, %add3A_888 : i32
        %get3A_890 = arith.index_cast %add3A_889 : i32 to index
        %get3A_891 = arith.constant 0 : index
        %get3A_892 = tpu.vector_load %arg18[%get3A_890, %get3A_891] {strides = array<i32>} : memref<128x128xf32, #tpu.memory_space<vmem>>, vector<1x16xf32>,
        %get3A_893 = vector.shape_cast %get3A_892 : vector<1x16xf32> to vector<16xf32>
        %mul3A_894 = arith.mulf %get3A_893, %gather3A_887 : vector<16xf32>
        %add3A_895 = arith.constant 0 : i32
        %add3A_896 = arith.addi %mul3A_885, %add3A_895 : i32
        %swap3A_897 = arith.index_cast %add3A_896 : i32 to index
        %swap3A_898 = arith.constant 0 : index
        %swap3A_899 = tpu.vector_load %arg18[%swap3A_897, %swap3A_898] {strides = array<i32>} : memref<128x128xf32, #tpu.memory_space<vmem>>, vector<1x16xf32>,
        %swap3A_900 = vector.shape_cast %swap3A_899 : vector<1x16xf32> to vector<16xf32>
        %swap3A_901 = vector.shape_cast %mul3A_894 : vector<16xf32> to vector<1x16xf32>
        tpu.vector_store %arg18[%swap3A_897, %swap3A_898], %swap3A_901 {strides = array<i32>} : memref<128x128xf32, #tpu.memory_space<vmem>>, vector<1x16xf32>,
        %add3A_902 = arith.constant 0 : i32
        %add3A_903 = arith.addi %mul3A_885, %add3A_902 : i32
        %get3A_904 = arith.index_cast %add3A_903 : i32 to index
        %get3A_905 = arith.constant 16 : index
        %get3A_906 = tpu.vector_load %arg18[%get3A_904, %get3A_905] {strides = array<i32>} : memref<128x128xf32, #tpu.memory_space<vmem>>, vector<1x16xf32>,
        %get3A_907 = vector.shape_cast %get3A_906 : vector<1x16xf32> to vector<16xf32>
        %mul3A_908 = arith.mulf %get3A_907, %gather3A_887 : vector<16xf32>
        %add3A_909 = arith.constant 0 : i32
        %add3A_910 = arith.addi %mul3A_885, %add3A_909 : i32
        %swap3A_911 = arith.index_cast %add3A_910 : i32 to index
        %swap3A_912 = arith.constant 16 : index
        %swap3A_913 = tpu.vector_load %arg18[%swap3A_911, %swap3A_912] {strides = array<i32>} : memref<128x128xf32, #tpu.memory_space<vmem>>, vector<1x16xf32>,
        %swap3A_914 = vector.shape_cast %swap3A_913 : vector<1x16xf32> to vector<16xf32>
        %swap3A_915 = vector.shape_cast %mul3A_908 : vector<16xf32> to vector<1x16xf32>
        tpu.vector_store %arg18[%swap3A_911, %swap3A_912], %swap3A_915 {strides = array<i32>} : memref<128x128xf32, #tpu.memory_space<vmem>>, vector<1x16xf32>,
        %add3A_916 = arith.constant 0 : i32
        %add3A_917 = arith.addi %mul3A_885, %add3A_916 : i32
        %get3A_918 = arith.index_cast %add3A_917 : i32 to index
        %get3A_919 = arith.constant 32 : index
        %get3A_920 = tpu.vector_load %arg18[%get3A_918, %get3A_919] {strides = array<i32>} : memref<128x128xf32, #tpu.memory_space<vmem>>, vector<1x16xf32>,
        %get3A_921 = vector.shape_cast %get3A_920 : vector<1x16xf32> to vector<16xf32>
        %mul3A_922 = arith.mulf %get3A_921, %gather3A_887 : vector<16xf32>
        %add3A_923 = arith.constant 0 : i32
        %add3A_924 = arith.addi %mul3A_885, %add3A_923 : i32
        %swap3A_925 = arith.index_cast %add3A_924 : i32 to index
        %swap3A_926 = arith.constant 32 : index
        %swap3A_927 = tpu.vector_load %arg18[%swap3A_925, %swap3A_926] {strides = array<i32>} : memref<128x128xf32, #tpu.memory_space<vmem>>, vector<1x16xf32>,
        %swap3A_928 = vector.shape_cast %swap3A_927 : vector<1x16xf32> to vector<16xf32>
        %swap3A_929 = vector.shape_cast %mul3A_922 : vector<16xf32> to vector<1x16xf32>
        tpu.vector_store %arg18[%swap3A_925, %swap3A_926], %swap3A_929 {strides = array<i32>} : memref<128x128xf32, #tpu.memory_space<vmem>>, vector<1x16xf32>,
        %add3A_930 = arith.constant 0 : i32
        %add3A_931 = arith.addi %mul3A_885, %add3A_930 : i32
        %get3A_932 = arith.index_cast %add3A_931 : i32 to index
        %get3A_933 = arith.constant 48 : index
        %get3A_934 = tpu.vector_load %arg18[%get3A_932, %get3A_933] {strides = array<i32>} : memref<128x128xf32, #tpu.memory_space<vmem>>, vector<1x16xf32>,
        %get3A_935 = vector.shape_cast %get3A_934 : vector<1x16xf32> to vector<16xf32>
        %mul3A_936 = arith.mulf %get3A_935, %gather3A_887 : vector<16xf32>
        %add3A_937 = arith.constant 0 : i32
        %add3A_938 = arith.addi %mul3A_885, %add3A_937 : i32
        %swap3A_939 = arith.index_cast %add3A_938 : i32 to index
        %swap3A_940 = arith.constant 48 : index
        %swap3A_941 = tpu.vector_load %arg18[%swap3A_939, %swap3A_940] {strides = array<i32>} : memref<128x128xf32, #tpu.memory_space<vmem>>, vector<1x16xf32>,
        %swap3A_942 = vector.shape_cast %swap3A_941 : vector<1x16xf32> to vector<16xf32>
        %swap3A_943 = vector.shape_cast %mul3A_936 : vector<16xf32> to vector<1x16xf32>
        tpu.vector_store %arg18[%swap3A_939, %swap3A_940], %swap3A_943 {strides = array<i32>} : memref<128x128xf32, #tpu.memory_space<vmem>>, vector<1x16xf32>,
        %add3A_944 = arith.constant 0 : i32
        %add3A_945 = arith.addi %mul3A_885, %add3A_944 : i32
        %get3A_946 = arith.index_cast %add3A_945 : i32 to index
        %get3A_947 = arith.constant 64 : index
        %get3A_948 = tpu.vector_load %arg18[%get3A_946, %get3A_947] {strides = array<i32>} : memref<128x128xf32, #tpu.memory_space<vmem>>, vector<1x16xf32>,
        %get3A_949 = vector.shape_cast %get3A_948 : vector<1x16xf32> to vector<16xf32>
        %mul3A_950 = arith.mulf %get3A_949, %gather3A_887 : vector<16xf32>
        %add3A_951 = arith.constant 0 : i32
        %add3A_952 = arith.addi %mul3A_885, %add3A_951 : i32
        %swap3A_953 = arith.index_cast %add3A_952 : i32 to index
        %swap3A_954 = arith.constant 64 : index
        %swap3A_955 = tpu.vector_load %arg18[%swap3A_953, %swap3A_954] {strides = array<i32>} : memref<128x128xf32, #tpu.memory_space<vmem>>, vector<1x16xf32>,
        %swap3A_956 = vector.shape_cast %swap3A_955 : vector<1x16xf32> to vector<16xf32>
        %swap3A_957 = vector.shape_cast %mul3A_950 : vector<16xf32> to vector<1x16xf32>
        tpu.vector_store %arg18[%swap3A_953, %swap3A_954], %swap3A_957 {strides = array<i32>} : memref<128x128xf32, #tpu.memory_space<vmem>>, vector<1x16xf32>,
        %add3A_958 = arith.constant 0 : i32
        %add3A_959 = arith.addi %mul3A_885, %add3A_958 : i32
        %get3A_960 = arith.index_cast %add3A_959 : i32 to index
        %get3A_961 = arith.constant 80 : index
        %get3A_962 = tpu.vector_load %arg18[%get3A_960, %get3A_961] {strides = array<i32>} : memref<128x128xf32, #tpu.memory_space<vmem>>, vector<1x16xf32>,
        %get3A_963 = vector.shape_cast %get3A_962 : vector<1x16xf32> to vector<16xf32>
        %mul3A_964 = arith.mulf %get3A_963, %gather3A_887 : vector<16xf32>
        %add3A_965 = arith.constant 0 : i32
        %add3A_966 = arith.addi %mul3A_885, %add3A_965 : i32
        %swap3A_967 = arith.index_cast %add3A_966 : i32 to index
        %swap3A_968 = arith.constant 80 : index
        %swap3A_969 = tpu.vector_load %arg18[%swap3A_967, %swap3A_968] {strides = array<i32>} : memref<128x128xf32, #tpu.memory_space<vmem>>, vector<1x16xf32>,
        %swap3A_970 = vector.shape_cast %swap3A_969 : vector<1x16xf32> to vector<16xf32>
        %swap3A_971 = vector.shape_cast %mul3A_964 : vector<16xf32> to vector<1x16xf32>
        tpu.vector_store %arg18[%swap3A_967, %swap3A_968], %swap3A_971 {strides = array<i32>} : memref<128x128xf32, #tpu.memory_space<vmem>>, vector<1x16xf32>,
        %add3A_972 = arith.constant 0 : i32
        %add3A_973 = arith.addi %mul3A_885, %add3A_972 : i32
        %get3A_974 = arith.index_cast %add3A_973 : i32 to index
        %get3A_975 = arith.constant 96 : index
        %get3A_976 = tpu.vector_load %arg18[%get3A_974, %get3A_975] {strides = array<i32>} : memref<128x128xf32, #tpu.memory_space<vmem>>, vector<1x16xf32>,
        %get3A_977 = vector.shape_cast %get3A_976 : vector<1x16xf32> to vector<16xf32>
        %mul3A_978 = arith.mulf %get3A_977, %gather3A_887 : vector<16xf32>
        %add3A_979 = arith.constant 0 : i32
        %add3A_980 = arith.addi %mul3A_885, %add3A_979 : i32
        %swap3A_981 = arith.index_cast %add3A_980 : i32 to index
        %swap3A_982 = arith.constant 96 : index
        %swap3A_983 = tpu.vector_load %arg18[%swap3A_981, %swap3A_982] {strides = array<i32>} : memref<128x128xf32, #tpu.memory_space<vmem>>, vector<1x16xf32>,
        %swap3A_984 = vector.shape_cast %swap3A_983 : vector<1x16xf32> to vector<16xf32>
        %swap3A_985 = vector.shape_cast %mul3A_978 : vector<16xf32> to vector<1x16xf32>
        tpu.vector_store %arg18[%swap3A_981, %swap3A_982], %swap3A_985 {strides = array<i32>} : memref<128x128xf32, #tpu.memory_space<vmem>>, vector<1x16xf32>,
        %add3A_986 = arith.constant 0 : i32
        %add3A_987 = arith.addi %mul3A_885, %add3A_986 : i32
        %get3A_988 = arith.index_cast %add3A_987 : i32 to index
        %get3A_989 = arith.constant 112 : index
        %get3A_990 = tpu.vector_load %arg18[%get3A_988, %get3A_989] {strides = array<i32>} : memref<128x128xf32, #tpu.memory_space<vmem>>, vector<1x16xf32>,
        %get3A_991 = vector.shape_cast %get3A_990 : vector<1x16xf32> to vector<16xf32>
        %mul3A_992 = arith.mulf %get3A_991, %gather3A_887 : vector<16xf32>
        %add3A_993 = arith.constant 0 : i32
        %add3A_994 = arith.addi %mul3A_885, %add3A_993 : i32
        %swap3A_995 = arith.index_cast %add3A_994 : i32 to index
        %swap3A_996 = arith.constant 112 : index
        %swap3A_997 = tpu.vector_load %arg18[%swap3A_995, %swap3A_996] {strides = array<i32>} : memref<128x128xf32, #tpu.memory_space<vmem>>, vector<1x16xf32>,
        %swap3A_998 = vector.shape_cast %swap3A_997 : vector<1x16xf32> to vector<16xf32>
        %swap3A_999 = vector.shape_cast %mul3A_992 : vector<16xf32> to vector<1x16xf32>
        tpu.vector_store %arg18[%swap3A_995, %swap3A_996], %swap3A_999 {strides = array<i32>} : memref<128x128xf32, #tpu.memory_space<vmem>>, vector<1x16xf32>,
        %broadcast_in_dim3A_1000 = vector.shape_cast %broadcast_in_dim3A_32 : vector<16xi32> to vector<16x1xi32>
        %gather3A_1001 = vector.shape_cast %broadcast_in_dim3A_1000 : vector<16x1xi32> to vector<16xi32>
        %gather3A_1002 = tpu.dynamic_gather %get3A_883[%gather3A_1001] in [0] : vector<16xf32>, vector<16xi32> -> vector<16xf32>
        %add3A_1003 = arith.constant 1 : i32
        %add3A_1004 = arith.addi %mul3A_885, %add3A_1003 : i32
        %get3A_1005 = arith.index_cast %add3A_1004 : i32 to index
        %get3A_1006 = arith.constant 0 : index
        %get3A_1007 = tpu.vector_load %arg18[%get3A_1005, %get3A_1006] {strides = array<i32>} : memref<128x128xf32, #tpu.memory_space<vmem>>, vector<1x16xf32>,
        %get3A_1008 = vector.shape_cast %get3A_1007 : vector<1x16xf32> to vector<16xf32>
        %mul3A_1009 = arith.mulf %get3A_1008, %gather3A_1002 : vector<16xf32>
        %add3A_1010 = arith.constant 1 : i32
        %add3A_1011 = arith.addi %mul3A_885, %add3A_1010 : i32
        %swap3A_1012 = arith.index_cast %add3A_1011 : i32 to index
        %swap3A_1013 = arith.constant 0 : index
        %swap3A_1014 = tpu.vector_load %arg18[%swap3A_1012, %swap3A_1013] {strides = array<i32>} : memref<128x128xf32, #tpu.memory_space<vmem>>, vector<1x16xf32>,
        %swap3A_1015 = vector.shape_cast %swap3A_1014 : vector<1x16xf32> to vector<16xf32>
        %swap3A_1016 = vector.shape_cast %mul3A_1009 : vector<16xf32> to vector<1x16xf32>
        tpu.vector_store %arg18[%swap3A_1012, %swap3A_1013], %swap3A_1016 {strides = array<i32>} : memref<128x128xf32, #tpu.memory_space<vmem>>, vector<1x16xf32>,
        %add3A_1017 = arith.constant 1 : i32
        %add3A_1018 = arith.addi %mul3A_885, %add3A_1017 : i32
        %get3A_1019 = arith.index_cast %add3A_1018 : i32 to index
        %get3A_1020 = arith.constant 16 : index
        %get3A_1021 = tpu.vector_load %arg18[%get3A_1019, %get3A_1020] {strides = array<i32>} : memref<128x128xf32, #tpu.memory_space<vmem>>, vector<1x16xf32>,
        %get3A_1022 = vector.shape_cast %get3A_1021 : vector<1x16xf32> to vector<16xf32>
        %mul3A_1023 = arith.mulf %get3A_1022, %gather3A_1002 : vector<16xf32>
        %add3A_1024 = arith.constant 1 : i32
        %add3A_1025 = arith.addi %mul3A_885, %add3A_1024 : i32
        %swap3A_1026 = arith.index_cast %add3A_1025 : i32 to index
        %swap3A_1027 = arith.constant 16 : index
        %swap3A_1028 = tpu.vector_load %arg18[%swap3A_1026, %swap3A_1027] {strides = array<i32>} : memref<128x128xf32, #tpu.memory_space<vmem>>, vector<1x16xf32>,
        %swap3A_1029 = vector.shape_cast %swap3A_1028 : vector<1x16xf32> to vector<16xf32>
        %swap3A_1030 = vector.shape_cast %mul3A_1023 : vector<16xf32> to vector<1x16xf32>
        tpu.vector_store %arg18[%swap3A_1026, %swap3A_1027], %swap3A_1030 {strides = array<i32>} : memref<128x128xf32, #tpu.memory_space<vmem>>, vector<1x16xf32>,
        %add3A_1031 = arith.constant 1 : i32
        %add3A_1032 = arith.addi %mul3A_885, %add3A_1031 : i32
        %get3A_1033 = arith.index_cast %add3A_1032 : i32 to index
        %get3A_1034 = arith.constant 32 : index
        %get3A_1035 = tpu.vector_load %arg18[%get3A_1033, %get3A_1034] {strides = array<i32>} : memref<128x128xf32, #tpu.memory_space<vmem>>, vector<1x16xf32>,
        %get3A_1036 = vector.shape_cast %get3A_1035 : vector<1x16xf32> to vector<16xf32>
        %mul3A_1037 = arith.mulf %get3A_1036, %gather3A_1002 : vector<16xf32>
        %add3A_1038 = arith.constant 1 : i32
        %add3A_1039 = arith.addi %mul3A_885, %add3A_1038 : i32
        %swap3A_1040 = arith.index_cast %add3A_1039 : i32 to index
        %swap3A_1041 = arith.constant 32 : index
        %swap3A_1042 = tpu.vector_load %arg18[%swap3A_1040, %swap3A_1041] {strides = array<i32>} : memref<128x128xf32, #tpu.memory_space<vmem>>, vector<1x16xf32>,
        %swap3A_1043 = vector.shape_cast %swap3A_1042 : vector<1x16xf32> to vector<16xf32>
        %swap3A_1044 = vector.shape_cast %mul3A_1037 : vector<16xf32> to vector<1x16xf32>
        tpu.vector_store %arg18[%swap3A_1040, %swap3A_1041], %swap3A_1044 {strides = array<i32>} : memref<128x128xf32, #tpu.memory_space<vmem>>, vector<1x16xf32>,
        %add3A_1045 = arith.constant 1 : i32
        %add3A_1046 = arith.addi %mul3A_885, %add3A_1045 : i32
        %get3A_1047 = arith.index_cast %add3A_1046 : i32 to index
        %get3A_1048 = arith.constant 48 : index
        %get3A_1049 = tpu.vector_load %arg18[%get3A_1047, %get3A_1048] {strides = array<i32>} : memref<128x128xf32, #tpu.memory_space<vmem>>, vector<1x16xf32>,
        %get3A_1050 = vector.shape_cast %get3A_1049 : vector<1x16xf32> to vector<16xf32>
        %mul3A_1051 = arith.mulf %get3A_1050, %gather3A_1002 : vector<16xf32>
        %add3A_1052 = arith.constant 1 : i32
        %add3A_1053 = arith.addi %mul3A_885, %add3A_1052 : i32
        %swap3A_1054 = arith.index_cast %add3A_1053 : i32 to index
        %swap3A_1055 = arith.constant 48 : index
        %swap3A_1056 = tpu.vector_load %arg18[%swap3A_1054, %swap3A_1055] {strides = array<i32>} : memref<128x128xf32, #tpu.memory_space<vmem>>, vector<1x16xf32>,
        %swap3A_1057 = vector.shape_cast %swap3A_1056 : vector<1x16xf32> to vector<16xf32>
        %swap3A_1058 = vector.shape_cast %mul3A_1051 : vector<16xf32> to vector<1x16xf32>
        tpu.vector_store %arg18[%swap3A_1054, %swap3A_1055], %swap3A_1058 {strides = array<i32>} : memref<128x128xf32, #tpu.memory_space<vmem>>, vector<1x16xf32>,
        %add3A_1059 = arith.constant 1 : i32
        %add3A_1060 = arith.addi %mul3A_885, %add3A_1059 : i32
        %get3A_1061 = arith.index_cast %add3A_1060 : i32 to index
        %get3A_1062 = arith.constant 64 : index
        %get3A_1063 = tpu.vector_load %arg18[%get3A_1061, %get3A_1062] {strides = array<i32>} : memref<128x128xf32, #tpu.memory_space<vmem>>, vector<1x16xf32>,
        %get3A_1064 = vector.shape_cast %get3A_1063 : vector<1x16xf32> to vector<16xf32>
        %mul3A_1065 = arith.mulf %get3A_1064, %gather3A_1002 : vector<16xf32>
        %add3A_1066 = arith.constant 1 : i32
        %add3A_1067 = arith.addi %mul3A_885, %add3A_1066 : i32
        %swap3A_1068 = arith.index_cast %add3A_1067 : i32 to index
        %swap3A_1069 = arith.constant 64 : index
        %swap3A_1070 = tpu.vector_load %arg18[%swap3A_1068, %swap3A_1069] {strides = array<i32>} : memref<128x128xf32, #tpu.memory_space<vmem>>, vector<1x16xf32>,
        %swap3A_1071 = vector.shape_cast %swap3A_1070 : vector<1x16xf32> to vector<16xf32>
        %swap3A_1072 = vector.shape_cast %mul3A_1065 : vector<16xf32> to vector<1x16xf32>
        tpu.vector_store %arg18[%swap3A_1068, %swap3A_1069], %swap3A_1072 {strides = array<i32>} : memref<128x128xf32, #tpu.memory_space<vmem>>, vector<1x16xf32>,
        %add3A_1073 = arith.constant 1 : i32
        %add3A_1074 = arith.addi %mul3A_885, %add3A_1073 : i32
        %get3A_1075 = arith.index_cast %add3A_1074 : i32 to index
        %get3A_1076 = arith.constant 80 : index
        %get3A_1077 = tpu.vector_load %arg18[%get3A_1075, %get3A_1076] {strides = array<i32>} : memref<128x128xf32, #tpu.memory_space<vmem>>, vector<1x16xf32>,
        %get3A_1078 = vector.shape_cast %get3A_1077 : vector<1x16xf32> to vector<16xf32>
        %mul3A_1079 = arith.mulf %get3A_1078, %gather3A_1002 : vector<16xf32>
        %add3A_1080 = arith.constant 1 : i32
        %add3A_1081 = arith.addi %mul3A_885, %add3A_1080 : i32
        %swap3A_1082 = arith.index_cast %add3A_1081 : i32 to index
        %swap3A_1083 = arith.constant 80 : index
        %swap3A_1084 = tpu.vector_load %arg18[%swap3A_1082, %swap3A_1083] {strides = array<i32>} : memref<128x128xf32, #tpu.memory_space<vmem>>, vector<1x16xf32>,
        %swap3A_1085 = vector.shape_cast %swap3A_1084 : vector<1x16xf32> to vector<16xf32>
        %swap3A_1086 = vector.shape_cast %mul3A_1079 : vector<16xf32> to vector<1x16xf32>
        tpu.vector_store %arg18[%swap3A_1082, %swap3A_1083], %swap3A_1086 {strides = array<i32>} : memref<128x128xf32, #tpu.memory_space<vmem>>, vector<1x16xf32>,
        %add3A_1087 = arith.constant 1 : i32
        %add3A_1088 = arith.addi %mul3A_885, %add3A_1087 : i32
        %get3A_1089 = arith.index_cast %add3A_1088 : i32 to index
        %get3A_1090 = arith.constant 96 : index
        %get3A_1091 = tpu.vector_load %arg18[%get3A_1089, %get3A_1090] {strides = array<i32>} : memref<128x128xf32, #tpu.memory_space<vmem>>, vector<1x16xf32>,
        %get3A_1092 = vector.shape_cast %get3A_1091 : vector<1x16xf32> to vector<16xf32>
        %mul3A_1093 = arith.mulf %get3A_1092, %gather3A_1002 : vector<16xf32>
        %add3A_1094 = arith.constant 1 : i32
        %add3A_1095 = arith.addi %mul3A_885, %add3A_1094 : i32
        %swap3A_1096 = arith.index_cast %add3A_1095 : i32 to index
        %swap3A_1097 = arith.constant 96 : index
        %swap3A_1098 = tpu.vector_load %arg18[%swap3A_1096, %swap3A_1097] {strides = array<i32>} : memref<128x128xf32, #tpu.memory_space<vmem>>, vector<1x16xf32>,
        %swap3A_1099 = vector.shape_cast %swap3A_1098 : vector<1x16xf32> to vector<16xf32>
        %swap3A_1100 = vector.shape_cast %mul3A_1093 : vector<16xf32> to vector<1x16xf32>
        tpu.vector_store %arg18[%swap3A_1096, %swap3A_1097], %swap3A_1100 {strides = array<i32>} : memref<128x128xf32, #tpu.memory_space<vmem>>, vector<1x16xf32>,
        %add3A_1101 = arith.constant 1 : i32
        %add3A_1102 = arith.addi %mul3A_885, %add3A_1101 : i32
        %get3A_1103 = arith.index_cast %add3A_1102 : i32 to index
        %get3A_1104 = arith.constant 112 : index
        %get3A_1105 = tpu.vector_load %arg18[%get3A_1103, %get3A_1104] {strides = array<i32>} : memref<128x128xf32, #tpu.memory_space<vmem>>, vector<1x16xf32>,
        %get3A_1106 = vector.shape_cast %get3A_1105 : vector<1x16xf32> to vector<16xf32>
        %mul3A_1107 = arith.mulf %get3A_1106, %gather3A_1002 : vector<16xf32>
        %add3A_1108 = arith.constant 1 : i32
        %add3A_1109 = arith.addi %mul3A_885, %add3A_1108 : i32
        %swap3A_1110 = arith.index_cast %add3A_1109 : i32 to index
        %swap3A_1111 = arith.constant 112 : index
        %swap3A_1112 = tpu.vector_load %arg18[%swap3A_1110, %swap3A_1111] {strides = array<i32>} : memref<128x128xf32, #tpu.memory_space<vmem>>, vector<1x16xf32>,
        %swap3A_1113 = vector.shape_cast %swap3A_1112 : vector<1x16xf32> to vector<16xf32>
        %swap3A_1114 = vector.shape_cast %mul3A_1107 : vector<16xf32> to vector<1x16xf32>
        tpu.vector_store %arg18[%swap3A_1110, %swap3A_1111], %swap3A_1114 {strides = array<i32>} : memref<128x128xf32, #tpu.memory_space<vmem>>, vector<1x16xf32>,
        %broadcast_in_dim3A_1115 = vector.shape_cast %broadcast_in_dim3A_34 : vector<16xi32> to vector<16x1xi32>
        %gather3A_1116 = vector.shape_cast %broadcast_in_dim3A_1115 : vector<16x1xi32> to vector<16xi32>
        %gather3A_1117 = tpu.dynamic_gather %get3A_883[%gather3A_1116] in [0] : vector<16xf32>, vector<16xi32> -> vector<16xf32>
        %add3A_1118 = arith.constant 2 : i32
        %add3A_1119 = arith.addi %mul3A_885, %add3A_1118 : i32
        %get3A_1120 = arith.index_cast %add3A_1119 : i32 to index
        %get3A_1121 = arith.constant 0 : index
        %get3A_1122 = tpu.vector_load %arg18[%get3A_1120, %get3A_1121] {strides = array<i32>} : memref<128x128xf32, #tpu.memory_space<vmem>>, vector<1x16xf32>,
        %get3A_1123 = vector.shape_cast %get3A_1122 : vector<1x16xf32> to vector<16xf32>
        %mul3A_1124 = arith.mulf %get3A_1123, %gather3A_1117 : vector<16xf32>
        %add3A_1125 = arith.constant 2 : i32
        %add3A_1126 = arith.addi %mul3A_885, %add3A_1125 : i32
        %swap3A_1127 = arith.index_cast %add3A_1126 : i32 to index
        %swap3A_1128 = arith.constant 0 : index
        %swap3A_1129 = tpu.vector_load %arg18[%swap3A_1127, %swap3A_1128] {strides = array<i32>} : memref<128x128xf32, #tpu.memory_space<vmem>>, vector<1x16xf32>,
        %swap3A_1130 = vector.shape_cast %swap3A_1129 : vector<1x16xf32> to vector<16xf32>
        %swap3A_1131 = vector.shape_cast %mul3A_1124 : vector<16xf32> to vector<1x16xf32>
        tpu.vector_store %arg18[%swap3A_1127, %swap3A_1128], %swap3A_1131 {strides = array<i32>} : memref<128x128xf32, #tpu.memory_space<vmem>>, vector<1x16xf32>,
        %add3A_1132 = arith.constant 2 : i32
        %add3A_1133 = arith.addi %mul3A_885, %add3A_1132 : i32
        %get3A_1134 = arith.index_cast %add3A_1133 : i32 to index
        %get3A_1135 = arith.constant 16 : index
        %get3A_1136 = tpu.vector_load %arg18[%get3A_1134, %get3A_1135] {strides = array<i32>} : memref<128x128xf32, #tpu.memory_space<vmem>>, vector<1x16xf32>,
        %get3A_1137 = vector.shape_cast %get3A_1136 : vector<1x16xf32> to vector<16xf32>
        %mul3A_1138 = arith.mulf %get3A_1137, %gather3A_1117 : vector<16xf32>
        %add3A_1139 = arith.constant 2 : i32
        %add3A_1140 = arith.addi %mul3A_885, %add3A_1139 : i32
        %swap3A_1141 = arith.index_cast %add3A_1140 : i32 to index
        %swap3A_1142 = arith.constant 16 : index
        %swap3A_1143 = tpu.vector_load %arg18[%swap3A_1141, %swap3A_1142] {strides = array<i32>} : memref<128x128xf32, #tpu.memory_space<vmem>>, vector<1x16xf32>,
        %swap3A_1144 = vector.shape_cast %swap3A_1143 : vector<1x16xf32> to vector<16xf32>
        %swap3A_1145 = vector.shape_cast %mul3A_1138 : vector<16xf32> to vector<1x16xf32>
        tpu.vector_store %arg18[%swap3A_1141, %swap3A_1142], %swap3A_1145 {strides = array<i32>} : memref<128x128xf32, #tpu.memory_space<vmem>>, vector<1x16xf32>,
        %add3A_1146 = arith.constant 2 : i32
        %add3A_1147 = arith.addi %mul3A_885, %add3A_1146 : i32
        %get3A_1148 = arith.index_cast %add3A_1147 : i32 to index
        %get3A_1149 = arith.constant 32 : index
        %get3A_1150 = tpu.vector_load %arg18[%get3A_1148, %get3A_1149] {strides = array<i32>} : memref<128x128xf32, #tpu.memory_space<vmem>>, vector<1x16xf32>,
        %get3A_1151 = vector.shape_cast %get3A_1150 : vector<1x16xf32> to vector<16xf32>
        %mul3A_1152 = arith.mulf %get3A_1151, %gather3A_1117 : vector<16xf32>
        %add3A_1153 = arith.constant 2 : i32
        %add3A_1154 = arith.addi %mul3A_885, %add3A_1153 : i32
        %swap3A_1155 = arith.index_cast %add3A_1154 : i32 to index
        %swap3A_1156 = arith.constant 32 : index
        %swap3A_1157 = tpu.vector_load %arg18[%swap3A_1155, %swap3A_1156] {strides = array<i32>} : memref<128x128xf32, #tpu.memory_space<vmem>>, vector<1x16xf32>,
        %swap3A_1158 = vector.shape_cast %swap3A_1157 : vector<1x16xf32> to vector<16xf32>
        %swap3A_1159 = vector.shape_cast %mul3A_1152 : vector<16xf32> to vector<1x16xf32>
        tpu.vector_store %arg18[%swap3A_1155, %swap3A_1156], %swap3A_1159 {strides = array<i32>} : memref<128x128xf32, #tpu.memory_space<vmem>>, vector<1x16xf32>,
        %add3A_1160 = arith.constant 2 : i32
        %add3A_1161 = arith.addi %mul3A_885, %add3A_1160 : i32
        %get3A_1162 = arith.index_cast %add3A_1161 : i32 to index
        %get3A_1163 = arith.constant 48 : index
        %get3A_1164 = tpu.vector_load %arg18[%get3A_1162, %get3A_1163] {strides = array<i32>} : memref<128x128xf32, #tpu.memory_space<vmem>>, vector<1x16xf32>,
        %get3A_1165 = vector.shape_cast %get3A_1164 : vector<1x16xf32> to vector<16xf32>
        %mul3A_1166 = arith.mulf %get3A_1165, %gather3A_1117 : vector<16xf32>
        %add3A_1167 = arith.constant 2 : i32
        %add3A_1168 = arith.addi %mul3A_885, %add3A_1167 : i32
        %swap3A_1169 = arith.index_cast %add3A_1168 : i32 to index
        %swap3A_1170 = arith.constant 48 : index
        %swap3A_1171 = tpu.vector_load %arg18[%swap3A_1169, %swap3A_1170] {strides = array<i32>} : memref<128x128xf32, #tpu.memory_space<vmem>>, vector<1x16xf32>,
        %swap3A_1172 = vector.shape_cast %swap3A_1171 : vector<1x16xf32> to vector<16xf32>
        %swap3A_1173 = vector.shape_cast %mul3A_1166 : vector<16xf32> to vector<1x16xf32>
        tpu.vector_store %arg18[%swap3A_1169, %swap3A_1170], %swap3A_1173 {strides = array<i32>} : memref<128x128xf32, #tpu.memory_space<vmem>>, vector<1x16xf32>,
        %add3A_1174 = arith.constant 2 : i32
        %add3A_1175 = arith.addi %mul3A_885, %add3A_1174 : i32
        %get3A_1176 = arith.index_cast %add3A_1175 : i32 to index
        %get3A_1177 = arith.constant 64 : index
        %get3A_1178 = tpu.vector_load %arg18[%get3A_1176, %get3A_1177] {strides = array<i32>} : memref<128x128xf32, #tpu.memory_space<vmem>>, vector<1x16xf32>,
        %get3A_1179 = vector.shape_cast %get3A_1178 : vector<1x16xf32> to vector<16xf32>
        %mul3A_1180 = arith.mulf %get3A_1179, %gather3A_1117 : vector<16xf32>
        %add3A_1181 = arith.constant 2 : i32
        %add3A_1182 = arith.addi %mul3A_885, %add3A_1181 : i32
        %swap3A_1183 = arith.index_cast %add3A_1182 : i32 to index
        %swap3A_1184 = arith.constant 64 : index
        %swap3A_1185 = tpu.vector_load %arg18[%swap3A_1183, %swap3A_1184] {strides = array<i32>} : memref<128x128xf32, #tpu.memory_space<vmem>>, vector<1x16xf32>,
        %swap3A_1186 = vector.shape_cast %swap3A_1185 : vector<1x16xf32> to vector<16xf32>
        %swap3A_1187 = vector.shape_cast %mul3A_1180 : vector<16xf32> to vector<1x16xf32>
        tpu.vector_store %arg18[%swap3A_1183, %swap3A_1184], %swap3A_1187 {strides = array<i32>} : memref<128x128xf32, #tpu.memory_space<vmem>>, vector<1x16xf32>,
        %add3A_1188 = arith.constant 2 : i32
        %add3A_1189 = arith.addi %mul3A_885, %add3A_1188 : i32
        %get3A_1190 = arith.index_cast %add3A_1189 : i32 to index
        %get3A_1191 = arith.constant 80 : index
        %get3A_1192 = tpu.vector_load %arg18[%get3A_1190, %get3A_1191] {strides = array<i32>} : memref<128x128xf32, #tpu.memory_space<vmem>>, vector<1x16xf32>,
        %get3A_1193 = vector.shape_cast %get3A_1192 : vector<1x16xf32> to vector<16xf32>
        %mul3A_1194 = arith.mulf %get3A_1193, %gather3A_1117 : vector<16xf32>
        %add3A_1195 = arith.constant 2 : i32
        %add3A_1196 = arith.addi %mul3A_885, %add3A_1195 : i32
        %swap3A_1197 = arith.index_cast %add3A_1196 : i32 to index
        %swap3A_1198 = arith.constant 80 : index
        %swap3A_1199 = tpu.vector_load %arg18[%swap3A_1197, %swap3A_1198] {strides = array<i32>} : memref<128x128xf32, #tpu.memory_space<vmem>>, vector<1x16xf32>,
        %swap3A_1200 = vector.shape_cast %swap3A_1199 : vector<1x16xf32> to vector<16xf32>
        %swap3A_1201 = vector.shape_cast %mul3A_1194 : vector<16xf32> to vector<1x16xf32>
        tpu.vector_store %arg18[%swap3A_1197, %swap3A_1198], %swap3A_1201 {strides = array<i32>} : memref<128x128xf32, #tpu.memory_space<vmem>>, vector<1x16xf32>,
        %add3A_1202 = arith.constant 2 : i32
        %add3A_1203 = arith.addi %mul3A_885, %add3A_1202 : i32
        %get3A_1204 = arith.index_cast %add3A_1203 : i32 to index
        %get3A_1205 = arith.constant 96 : index
        %get3A_1206 = tpu.vector_load %arg18[%get3A_1204, %get3A_1205] {strides = array<i32>} : memref<128x128xf32, #tpu.memory_space<vmem>>, vector<1x16xf32>,
        %get3A_1207 = vector.shape_cast %get3A_1206 : vector<1x16xf32> to vector<16xf32>
        %mul3A_1208 = arith.mulf %get3A_1207, %gather3A_1117 : vector<16xf32>
        %add3A_1209 = arith.constant 2 : i32
        %add3A_1210 = arith.addi %mul3A_885, %add3A_1209 : i32
        %swap3A_1211 = arith.index_cast %add3A_1210 : i32 to index
        %swap3A_1212 = arith.constant 96 : index
        %swap3A_1213 = tpu.vector_load %arg18[%swap3A_1211, %swap3A_1212] {strides = array<i32>} : memref<128x128xf32, #tpu.memory_space<vmem>>, vector<1x16xf32>,
        %swap3A_1214 = vector.shape_cast %swap3A_1213 : vector<1x16xf32> to vector<16xf32>
        %swap3A_1215 = vector.shape_cast %mul3A_1208 : vector<16xf32> to vector<1x16xf32>
        tpu.vector_store %arg18[%swap3A_1211, %swap3A_1212], %swap3A_1215 {strides = array<i32>} : memref<128x128xf32, #tpu.memory_space<vmem>>, vector<1x16xf32>,
        %add3A_1216 = arith.constant 2 : i32
        %add3A_1217 = arith.addi %mul3A_885, %add3A_1216 : i32
        %get3A_1218 = arith.index_cast %add3A_1217 : i32 to index
        %get3A_1219 = arith.constant 112 : index
        %get3A_1220 = tpu.vector_load %arg18[%get3A_1218, %get3A_1219] {strides = array<i32>} : memref<128x128xf32, #tpu.memory_space<vmem>>, vector<1x16xf32>,
        %get3A_1221 = vector.shape_cast %get3A_1220 : vector<1x16xf32> to vector<16xf32>
        %mul3A_1222 = arith.mulf %get3A_1221, %gather3A_1117 : vector<16xf32>
        %add3A_1223 = arith.constant 2 : i32
        %add3A_1224 = arith.addi %mul3A_885, %add3A_1223 : i32
        %swap3A_1225 = arith.index_cast %add3A_1224 : i32 to index
        %swap3A_1226 = arith.constant 112 : index
        %swap3A_1227 = tpu.vector_load %arg18[%swap3A_1225, %swap3A_1226] {strides = array<i32>} : memref<128x128xf32, #tpu.memory_space<vmem>>, vector<1x16xf32>,
        %swap3A_1228 = vector.shape_cast %swap3A_1227 : vector<1x16xf32> to vector<16xf32>
        %swap3A_1229 = vector.shape_cast %mul3A_1222 : vector<16xf32> to vector<1x16xf32>
        tpu.vector_store %arg18[%swap3A_1225, %swap3A_1226], %swap3A_1229 {strides = array<i32>} : memref<128x128xf32, #tpu.memory_space<vmem>>, vector<1x16xf32>,
        %broadcast_in_dim3A_1230 = vector.shape_cast %broadcast_in_dim3A_36 : vector<16xi32> to vector<16x1xi32>
        %gather3A_1231 = vector.shape_cast %broadcast_in_dim3A_1230 : vector<16x1xi32> to vector<16xi32>
        %gather3A_1232 = tpu.dynamic_gather %get3A_883[%gather3A_1231] in [0] : vector<16xf32>, vector<16xi32> -> vector<16xf32>
        %add3A_1233 = arith.constant 3 : i32
        %add3A_1234 = arith.addi %mul3A_885, %add3A_1233 : i32
        %get3A_1235 = arith.index_cast %add3A_1234 : i32 to index
        %get3A_1236 = arith.constant 0 : index
        %get3A_1237 = tpu.vector_load %arg18[%get3A_1235, %get3A_1236] {strides = array<i32>} : memref<128x128xf32, #tpu.memory_space<vmem>>, vector<1x16xf32>,
        %get3A_1238 = vector.shape_cast %get3A_1237 : vector<1x16xf32> to vector<16xf32>
        %mul3A_1239 = arith.mulf %get3A_1238, %gather3A_1232 : vector<16xf32>
        %add3A_1240 = arith.constant 3 : i32
        %add3A_1241 = arith.addi %mul3A_885, %add3A_1240 : i32
        %swap3A_1242 = arith.index_cast %add3A_1241 : i32 to index
        %swap3A_1243 = arith.constant 0 : index
        %swap3A_1244 = tpu.vector_load %arg18[%swap3A_1242, %swap3A_1243] {strides = array<i32>} : memref<128x128xf32, #tpu.memory_space<vmem>>, vector<1x16xf32>,
        %swap3A_1245 = vector.shape_cast %swap3A_1244 : vector<1x16xf32> to vector<16xf32>
        %swap3A_1246 = vector.shape_cast %mul3A_1239 : vector<16xf32> to vector<1x16xf32>
        tpu.vector_store %arg18[%swap3A_1242, %swap3A_1243], %swap3A_1246 {strides = array<i32>} : memref<128x128xf32, #tpu.memory_space<vmem>>, vector<1x16xf32>,
        %add3A_1247 = arith.constant 3 : i32
        %add3A_1248 = arith.addi %mul3A_885, %add3A_1247 : i32
        %get3A_1249 = arith.index_cast %add3A_1248 : i32 to index
        %get3A_1250 = arith.constant 16 : index
        %get3A_1251 = tpu.vector_load %arg18[%get3A_1249, %get3A_1250] {strides = array<i32>} : memref<128x128xf32, #tpu.memory_space<vmem>>, vector<1x16xf32>,
        %get3A_1252 = vector.shape_cast %get3A_1251 : vector<1x16xf32> to vector<16xf32>
        %mul3A_1253 = arith.mulf %get3A_1252, %gather3A_1232 : vector<16xf32>
        %add3A_1254 = arith.constant 3 : i32
        %add3A_1255 = arith.addi %mul3A_885, %add3A_1254 : i32
        %swap3A_1256 = arith.index_cast %add3A_1255 : i32 to index
        %swap3A_1257 = arith.constant 16 : index
        %swap3A_1258 = tpu.vector_load %arg18[%swap3A_1256, %swap3A_1257] {strides = array<i32>} : memref<128x128xf32, #tpu.memory_space<vmem>>, vector<1x16xf32>,
        %swap3A_1259 = vector.shape_cast %swap3A_1258 : vector<1x16xf32> to vector<16xf32>
        %swap3A_1260 = vector.shape_cast %mul3A_1253 : vector<16xf32> to vector<1x16xf32>
        tpu.vector_store %arg18[%swap3A_1256, %swap3A_1257], %swap3A_1260 {strides = array<i32>} : memref<128x128xf32, #tpu.memory_space<vmem>>, vector<1x16xf32>,
        %add3A_1261 = arith.constant 3 : i32
        %add3A_1262 = arith.addi %mul3A_885, %add3A_1261 : i32
        %get3A_1263 = arith.index_cast %add3A_1262 : i32 to index
        %get3A_1264 = arith.constant 32 : index
        %get3A_1265 = tpu.vector_load %arg18[%get3A_1263, %get3A_1264] {strides = array<i32>} : memref<128x128xf32, #tpu.memory_space<vmem>>, vector<1x16xf32>,
        %get3A_1266 = vector.shape_cast %get3A_1265 : vector<1x16xf32> to vector<16xf32>
        %mul3A_1267 = arith.mulf %get3A_1266, %gather3A_1232 : vector<16xf32>
        %add3A_1268 = arith.constant 3 : i32
        %add3A_1269 = arith.addi %mul3A_885, %add3A_1268 : i32
        %swap3A_1270 = arith.index_cast %add3A_1269 : i32 to index
        %swap3A_1271 = arith.constant 32 : index
        %swap3A_1272 = tpu.vector_load %arg18[%swap3A_1270, %swap3A_1271] {strides = array<i32>} : memref<128x128xf32, #tpu.memory_space<vmem>>, vector<1x16xf32>,
        %swap3A_1273 = vector.shape_cast %swap3A_1272 : vector<1x16xf32> to vector<16xf32>
        %swap3A_1274 = vector.shape_cast %mul3A_1267 : vector<16xf32> to vector<1x16xf32>
        tpu.vector_store %arg18[%swap3A_1270, %swap3A_1271], %swap3A_1274 {strides = array<i32>} : memref<128x128xf32, #tpu.memory_space<vmem>>, vector<1x16xf32>,
        %add3A_1275 = arith.constant 3 : i32
        %add3A_1276 = arith.addi %mul3A_885, %add3A_1275 : i32
        %get3A_1277 = arith.index_cast %add3A_1276 : i32 to index
        %get3A_1278 = arith.constant 48 : index
        %get3A_1279 = tpu.vector_load %arg18[%get3A_1277, %get3A_1278] {strides = array<i32>} : memref<128x128xf32, #tpu.memory_space<vmem>>, vector<1x16xf32>,
        %get3A_1280 = vector.shape_cast %get3A_1279 : vector<1x16xf32> to vector<16xf32>
        %mul3A_1281 = arith.mulf %get3A_1280, %gather3A_1232 : vector<16xf32>
        %add3A_1282 = arith.constant 3 : i32
        %add3A_1283 = arith.addi %mul3A_885, %add3A_1282 : i32
        %swap3A_1284 = arith.index_cast %add3A_1283 : i32 to index
        %swap3A_1285 = arith.constant 48 : index
        %swap3A_1286 = tpu.vector_load %arg18[%swap3A_1284, %swap3A_1285] {strides = array<i32>} : memref<128x128xf32, #tpu.memory_space<vmem>>, vector<1x16xf32>,
        %swap3A_1287 = vector.shape_cast %swap3A_1286 : vector<1x16xf32> to vector<16xf32>
        %swap3A_1288 = vector.shape_cast %mul3A_1281 : vector<16xf32> to vector<1x16xf32>
        tpu.vector_store %arg18[%swap3A_1284, %swap3A_1285], %swap3A_1288 {strides = array<i32>} : memref<128x128xf32, #tpu.memory_space<vmem>>, vector<1x16xf32>,
        %add3A_1289 = arith.constant 3 : i32
        %add3A_1290 = arith.addi %mul3A_885, %add3A_1289 : i32
        %get3A_1291 = arith.index_cast %add3A_1290 : i32 to index
        %get3A_1292 = arith.constant 64 : index
        %get3A_1293 = tpu.vector_load %arg18[%get3A_1291, %get3A_1292] {strides = array<i32>} : memref<128x128xf32, #tpu.memory_space<vmem>>, vector<1x16xf32>,
        %get3A_1294 = vector.shape_cast %get3A_1293 : vector<1x16xf32> to vector<16xf32>
        %mul3A_1295 = arith.mulf %get3A_1294, %gather3A_1232 : vector<16xf32>
        %add3A_1296 = arith.constant 3 : i32
        %add3A_1297 = arith.addi %mul3A_885, %add3A_1296 : i32
        %swap3A_1298 = arith.index_cast %add3A_1297 : i32 to index
        %swap3A_1299 = arith.constant 64 : index
        %swap3A_1300 = tpu.vector_load %arg18[%swap3A_1298, %swap3A_1299] {strides = array<i32>} : memref<128x128xf32, #tpu.memory_space<vmem>>, vector<1x16xf32>,
        %swap3A_1301 = vector.shape_cast %swap3A_1300 : vector<1x16xf32> to vector<16xf32>
        %swap3A_1302 = vector.shape_cast %mul3A_1295 : vector<16xf32> to vector<1x16xf32>
        tpu.vector_store %arg18[%swap3A_1298, %swap3A_1299], %swap3A_1302 {strides = array<i32>} : memref<128x128xf32, #tpu.memory_space<vmem>>, vector<1x16xf32>,
        %add3A_1303 = arith.constant 3 : i32
        %add3A_1304 = arith.addi %mul3A_885, %add3A_1303 : i32
        %get3A_1305 = arith.index_cast %add3A_1304 : i32 to index
        %get3A_1306 = arith.constant 80 : index
        %get3A_1307 = tpu.vector_load %arg18[%get3A_1305, %get3A_1306] {strides = array<i32>} : memref<128x128xf32, #tpu.memory_space<vmem>>, vector<1x16xf32>,
        %get3A_1308 = vector.shape_cast %get3A_1307 : vector<1x16xf32> to vector<16xf32>
        %mul3A_1309 = arith.mulf %get3A_1308, %gather3A_1232 : vector<16xf32>
        %add3A_1310 = arith.constant 3 : i32
        %add3A_1311 = arith.addi %mul3A_885, %add3A_1310 : i32
        %swap3A_1312 = arith.index_cast %add3A_1311 : i32 to index
        %swap3A_1313 = arith.constant 80 : index
        %swap3A_1314 = tpu.vector_load %arg18[%swap3A_1312, %swap3A_1313] {strides = array<i32>} : memref<128x128xf32, #tpu.memory_space<vmem>>, vector<1x16xf32>,
        %swap3A_1315 = vector.shape_cast %swap3A_1314 : vector<1x16xf32> to vector<16xf32>
        %swap3A_1316 = vector.shape_cast %mul3A_1309 : vector<16xf32> to vector<1x16xf32>
        tpu.vector_store %arg18[%swap3A_1312, %swap3A_1313], %swap3A_1316 {strides = array<i32>} : memref<128x128xf32, #tpu.memory_space<vmem>>, vector<1x16xf32>,
        %add3A_1317 = arith.constant 3 : i32
        %add3A_1318 = arith.addi %mul3A_885, %add3A_1317 : i32
        %get3A_1319 = arith.index_cast %add3A_1318 : i32 to index
        %get3A_1320 = arith.constant 96 : index
        %get3A_1321 = tpu.vector_load %arg18[%get3A_1319, %get3A_1320] {strides = array<i32>} : memref<128x128xf32, #tpu.memory_space<vmem>>, vector<1x16xf32>,
        %get3A_1322 = vector.shape_cast %get3A_1321 : vector<1x16xf32> to vector<16xf32>
        %mul3A_1323 = arith.mulf %get3A_1322, %gather3A_1232 : vector<16xf32>
        %add3A_1324 = arith.constant 3 : i32
        %add3A_1325 = arith.addi %mul3A_885, %add3A_1324 : i32
        %swap3A_1326 = arith.index_cast %add3A_1325 : i32 to index
        %swap3A_1327 = arith.constant 96 : index
        %swap3A_1328 = tpu.vector_load %arg18[%swap3A_1326, %swap3A_1327] {strides = array<i32>} : memref<128x128xf32, #tpu.memory_space<vmem>>, vector<1x16xf32>,
        %swap3A_1329 = vector.shape_cast %swap3A_1328 : vector<1x16xf32> to vector<16xf32>
        %swap3A_1330 = vector.shape_cast %mul3A_1323 : vector<16xf32> to vector<1x16xf32>
        tpu.vector_store %arg18[%swap3A_1326, %swap3A_1327], %swap3A_1330 {strides = array<i32>} : memref<128x128xf32, #tpu.memory_space<vmem>>, vector<1x16xf32>,
        %add3A_1331 = arith.constant 3 : i32
        %add3A_1332 = arith.addi %mul3A_885, %add3A_1331 : i32
        %get3A_1333 = arith.index_cast %add3A_1332 : i32 to index
        %get3A_1334 = arith.constant 112 : index
        %get3A_1335 = tpu.vector_load %arg18[%get3A_1333, %get3A_1334] {strides = array<i32>} : memref<128x128xf32, #tpu.memory_space<vmem>>, vector<1x16xf32>,
        %get3A_1336 = vector.shape_cast %get3A_1335 : vector<1x16xf32> to vector<16xf32>
        %mul3A_1337 = arith.mulf %get3A_1336, %gather3A_1232 : vector<16xf32>
        %add3A_1338 = arith.constant 3 : i32
        %add3A_1339 = arith.addi %mul3A_885, %add3A_1338 : i32
        %swap3A_1340 = arith.index_cast %add3A_1339 : i32 to index
        %swap3A_1341 = arith.constant 112 : index
        %swap3A_1342 = tpu.vector_load %arg18[%swap3A_1340, %swap3A_1341] {strides = array<i32>} : memref<128x128xf32, #tpu.memory_space<vmem>>, vector<1x16xf32>,
        %swap3A_1343 = vector.shape_cast %swap3A_1342 : vector<1x16xf32> to vector<16xf32>
        %swap3A_1344 = vector.shape_cast %mul3A_1337 : vector<16xf32> to vector<1x16xf32>
        tpu.vector_store %arg18[%swap3A_1340, %swap3A_1341], %swap3A_1344 {strides = array<i32>} : memref<128x128xf32, #tpu.memory_space<vmem>>, vector<1x16xf32>,
        %broadcast_in_dim3A_1345 = vector.shape_cast %broadcast_in_dim3A_38 : vector<16xi32> to vector<16x1xi32>
        %gather3A_1346 = vector.shape_cast %broadcast_in_dim3A_1345 : vector<16x1xi32> to vector<16xi32>
        %gather3A_1347 = tpu.dynamic_gather %get3A_883[%gather3A_1346] in [0] : vector<16xf32>, vector<16xi32> -> vector<16xf32>
        %add3A_1348 = arith.constant 4 : i32
        %add3A_1349 = arith.addi %mul3A_885, %add3A_1348 : i32
        %get3A_1350 = arith.index_cast %add3A_1349 : i32 to index
        %get3A_1351 = arith.constant 0 : index
        %get3A_1352 = tpu.vector_load %arg18[%get3A_1350, %get3A_1351] {strides = array<i32>} : memref<128x128xf32, #tpu.memory_space<vmem>>, vector<1x16xf32>,
        %get3A_1353 = vector.shape_cast %get3A_1352 : vector<1x16xf32> to vector<16xf32>
        %mul3A_1354 = arith.mulf %get3A_1353, %gather3A_1347 : vector<16xf32>
        %add3A_1355 = arith.constant 4 : i32
        %add3A_1356 = arith.addi %mul3A_885, %add3A_1355 : i32
        %swap3A_1357 = arith.index_cast %add3A_1356 : i32 to index
        %swap3A_1358 = arith.constant 0 : index
        %swap3A_1359 = tpu.vector_load %arg18[%swap3A_1357, %swap3A_1358] {strides = array<i32>} : memref<128x128xf32, #tpu.memory_space<vmem>>, vector<1x16xf32>,
        %swap3A_1360 = vector.shape_cast %swap3A_1359 : vector<1x16xf32> to vector<16xf32>
        %swap3A_1361 = vector.shape_cast %mul3A_1354 : vector<16xf32> to vector<1x16xf32>
        tpu.vector_store %arg18[%swap3A_1357, %swap3A_1358], %swap3A_1361 {strides = array<i32>} : memref<128x128xf32, #tpu.memory_space<vmem>>, vector<1x16xf32>,
        %add3A_1362 = arith.constant 4 : i32
        %add3A_1363 = arith.addi %mul3A_885, %add3A_1362 : i32
        %get3A_1364 = arith.index_cast %add3A_1363 : i32 to index
        %get3A_1365 = arith.constant 16 : index
        %get3A_1366 = tpu.vector_load %arg18[%get3A_1364, %get3A_1365] {strides = array<i32>} : memref<128x128xf32, #tpu.memory_space<vmem>>, vector<1x16xf32>,
        %get3A_1367 = vector.shape_cast %get3A_1366 : vector<1x16xf32> to vector<16xf32>
        %mul3A_1368 = arith.mulf %get3A_1367, %gather3A_1347 : vector<16xf32>
        %add3A_1369 = arith.constant 4 : i32
        %add3A_1370 = arith.addi %mul3A_885, %add3A_1369 : i32
        %swap3A_1371 = arith.index_cast %add3A_1370 : i32 to index
        %swap3A_1372 = arith.constant 16 : index
        %swap3A_1373 = tpu.vector_load %arg18[%swap3A_1371, %swap3A_1372] {strides = array<i32>} : memref<128x128xf32, #tpu.memory_space<vmem>>, vector<1x16xf32>,
        %swap3A_1374 = vector.shape_cast %swap3A_1373 : vector<1x16xf32> to vector<16xf32>
        %swap3A_1375 = vector.shape_cast %mul3A_1368 : vector<16xf32> to vector<1x16xf32>
        tpu.vector_store %arg18[%swap3A_1371, %swap3A_1372], %swap3A_1375 {strides = array<i32>} : memref<128x128xf32, #tpu.memory_space<vmem>>, vector<1x16xf32>,
        %add3A_1376 = arith.constant 4 : i32
        %add3A_1377 = arith.addi %mul3A_885, %add3A_1376 : i32
        %get3A_1378 = arith.index_cast %add3A_1377 : i32 to index
        %get3A_1379 = arith.constant 32 : index
        %get3A_1380 = tpu.vector_load %arg18[%get3A_1378, %get3A_1379] {strides = array<i32>} : memref<128x128xf32, #tpu.memory_space<vmem>>, vector<1x16xf32>,
        %get3A_1381 = vector.shape_cast %get3A_1380 : vector<1x16xf32> to vector<16xf32>
        %mul3A_1382 = arith.mulf %get3A_1381, %gather3A_1347 : vector<16xf32>
        %add3A_1383 = arith.constant 4 : i32
        %add3A_1384 = arith.addi %mul3A_885, %add3A_1383 : i32
        %swap3A_1385 = arith.index_cast %add3A_1384 : i32 to index
        %swap3A_1386 = arith.constant 32 : index
        %swap3A_1387 = tpu.vector_load %arg18[%swap3A_1385, %swap3A_1386] {strides = array<i32>} : memref<128x128xf32, #tpu.memory_space<vmem>>, vector<1x16xf32>,
        %swap3A_1388 = vector.shape_cast %swap3A_1387 : vector<1x16xf32> to vector<16xf32>
        %swap3A_1389 = vector.shape_cast %mul3A_1382 : vector<16xf32> to vector<1x16xf32>
        tpu.vector_store %arg18[%swap3A_1385, %swap3A_1386], %swap3A_1389 {strides = array<i32>} : memref<128x128xf32, #tpu.memory_space<vmem>>, vector<1x16xf32>,
        %add3A_1390 = arith.constant 4 : i32
        %add3A_1391 = arith.addi %mul3A_885, %add3A_1390 : i32
        %get3A_1392 = arith.index_cast %add3A_1391 : i32 to index
        %get3A_1393 = arith.constant 48 : index
        %get3A_1394 = tpu.vector_load %arg18[%get3A_1392, %get3A_1393] {strides = array<i32>} : memref<128x128xf32, #tpu.memory_space<vmem>>, vector<1x16xf32>,
        %get3A_1395 = vector.shape_cast %get3A_1394 : vector<1x16xf32> to vector<16xf32>
        %mul3A_1396 = arith.mulf %get3A_1395, %gather3A_1347 : vector<16xf32>
        %add3A_1397 = arith.constant 4 : i32
        %add3A_1398 = arith.addi %mul3A_885, %add3A_1397 : i32
        %swap3A_1399 = arith.index_cast %add3A_1398 : i32 to index
        %swap3A_1400 = arith.constant 48 : index
        %swap3A_1401 = tpu.vector_load %arg18[%swap3A_1399, %swap3A_1400] {strides = array<i32>} : memref<128x128xf32, #tpu.memory_space<vmem>>, vector<1x16xf32>,
        %swap3A_1402 = vector.shape_cast %swap3A_1401 : vector<1x16xf32> to vector<16xf32>
        %swap3A_1403 = vector.shape_cast %mul3A_1396 : vector<16xf32> to vector<1x16xf32>
        tpu.vector_store %arg18[%swap3A_1399, %swap3A_1400], %swap3A_1403 {strides = array<i32>} : memref<128x128xf32, #tpu.memory_space<vmem>>, vector<1x16xf32>,
        %add3A_1404 = arith.constant 4 : i32
        %add3A_1405 = arith.addi %mul3A_885, %add3A_1404 : i32
        %get3A_1406 = arith.index_cast %add3A_1405 : i32 to index
        %get3A_1407 = arith.constant 64 : index
        %get3A_1408 = tpu.vector_load %arg18[%get3A_1406, %get3A_1407] {strides = array<i32>} : memref<128x128xf32, #tpu.memory_space<vmem>>, vector<1x16xf32>,
        %get3A_1409 = vector.shape_cast %get3A_1408 : vector<1x16xf32> to vector<16xf32>
        %mul3A_1410 = arith.mulf %get3A_1409, %gather3A_1347 : vector<16xf32>
        %add3A_1411 = arith.constant 4 : i32
        %add3A_1412 = arith.addi %mul3A_885, %add3A_1411 : i32
        %swap3A_1413 = arith.index_cast %add3A_1412 : i32 to index
        %swap3A_1414 = arith.constant 64 : index
        %swap3A_1415 = tpu.vector_load %arg18[%swap3A_1413, %swap3A_1414] {strides = array<i32>} : memref<128x128xf32, #tpu.memory_space<vmem>>, vector<1x16xf32>,
        %swap3A_1416 = vector.shape_cast %swap3A_1415 : vector<1x16xf32> to vector<16xf32>
        %swap3A_1417 = vector.shape_cast %mul3A_1410 : vector<16xf32> to vector<1x16xf32>
        tpu.vector_store %arg18[%swap3A_1413, %swap3A_1414], %swap3A_1417 {strides = array<i32>} : memref<128x128xf32, #tpu.memory_space<vmem>>, vector<1x16xf32>,
        %add3A_1418 = arith.constant 4 : i32
        %add3A_1419 = arith.addi %mul3A_885, %add3A_1418 : i32
        %get3A_1420 = arith.index_cast %add3A_1419 : i32 to index
        %get3A_1421 = arith.constant 80 : index
        %get3A_1422 = tpu.vector_load %arg18[%get3A_1420, %get3A_1421] {strides = array<i32>} : memref<128x128xf32, #tpu.memory_space<vmem>>, vector<1x16xf32>,
        %get3A_1423 = vector.shape_cast %get3A_1422 : vector<1x16xf32> to vector<16xf32>
        %mul3A_1424 = arith.mulf %get3A_1423, %gather3A_1347 : vector<16xf32>
        %add3A_1425 = arith.constant 4 : i32
        %add3A_1426 = arith.addi %mul3A_885, %add3A_1425 : i32
        %swap3A_1427 = arith.index_cast %add3A_1426 : i32 to index
        %swap3A_1428 = arith.constant 80 : index
        %swap3A_1429 = tpu.vector_load %arg18[%swap3A_1427, %swap3A_1428] {strides = array<i32>} : memref<128x128xf32, #tpu.memory_space<vmem>>, vector<1x16xf32>,
        %swap3A_1430 = vector.shape_cast %swap3A_1429 : vector<1x16xf32> to vector<16xf32>
        %swap3A_1431 = vector.shape_cast %mul3A_1424 : vector<16xf32> to vector<1x16xf32>
        tpu.vector_store %arg18[%swap3A_1427, %swap3A_1428], %swap3A_1431 {strides = array<i32>} : memref<128x128xf32, #tpu.memory_space<vmem>>, vector<1x16xf32>,
        %add3A_1432 = arith.constant 4 : i32
        %add3A_1433 = arith.addi %mul3A_885, %add3A_1432 : i32
        %get3A_1434 = arith.index_cast %add3A_1433 : i32 to index
        %get3A_1435 = arith.constant 96 : index
        %get3A_1436 = tpu.vector_load %arg18[%get3A_1434, %get3A_1435] {strides = array<i32>} : memref<128x128xf32, #tpu.memory_space<vmem>>, vector<1x16xf32>,
        %get3A_1437 = vector.shape_cast %get3A_1436 : vector<1x16xf32> to vector<16xf32>
        %mul3A_1438 = arith.mulf %get3A_1437, %gather3A_1347 : vector<16xf32>
        %add3A_1439 = arith.constant 4 : i32
        %add3A_1440 = arith.addi %mul3A_885, %add3A_1439 : i32
        %swap3A_1441 = arith.index_cast %add3A_1440 : i32 to index
        %swap3A_1442 = arith.constant 96 : index
        %swap3A_1443 = tpu.vector_load %arg18[%swap3A_1441, %swap3A_1442] {strides = array<i32>} : memref<128x128xf32, #tpu.memory_space<vmem>>, vector<1x16xf32>,
        %swap3A_1444 = vector.shape_cast %swap3A_1443 : vector<1x16xf32> to vector<16xf32>
        %swap3A_1445 = vector.shape_cast %mul3A_1438 : vector<16xf32> to vector<1x16xf32>
        tpu.vector_store %arg18[%swap3A_1441, %swap3A_1442], %swap3A_1445 {strides = array<i32>} : memref<128x128xf32, #tpu.memory_space<vmem>>, vector<1x16xf32>,
        %add3A_1446 = arith.constant 4 : i32
        %add3A_1447 = arith.addi %mul3A_885, %add3A_1446 : i32
        %get3A_1448 = arith.index_cast %add3A_1447 : i32 to index
        %get3A_1449 = arith.constant 112 : index
        %get3A_1450 = tpu.vector_load %arg18[%get3A_1448, %get3A_1449] {strides = array<i32>} : memref<128x128xf32, #tpu.memory_space<vmem>>, vector<1x16xf32>,
        %get3A_1451 = vector.shape_cast %get3A_1450 : vector<1x16xf32> to vector<16xf32>
        %mul3A_1452 = arith.mulf %get3A_1451, %gather3A_1347 : vector<16xf32>
        %add3A_1453 = arith.constant 4 : i32
        %add3A_1454 = arith.addi %mul3A_885, %add3A_1453 : i32
        %swap3A_1455 = arith.index_cast %add3A_1454 : i32 to index
        %swap3A_1456 = arith.constant 112 : index
        %swap3A_1457 = tpu.vector_load %arg18[%swap3A_1455, %swap3A_1456] {strides = array<i32>} : memref<128x128xf32, #tpu.memory_space<vmem>>, vector<1x16xf32>,
        %swap3A_1458 = vector.shape_cast %swap3A_1457 : vector<1x16xf32> to vector<16xf32>
        %swap3A_1459 = vector.shape_cast %mul3A_1452 : vector<16xf32> to vector<1x16xf32>
        tpu.vector_store %arg18[%swap3A_1455, %swap3A_1456], %swap3A_1459 {strides = array<i32>} : memref<128x128xf32, #tpu.memory_space<vmem>>, vector<1x16xf32>,
        %broadcast_in_dim3A_1460 = vector.shape_cast %broadcast_in_dim3A_40 : vector<16xi32> to vector<16x1xi32>
        %gather3A_1461 = vector.shape_cast %broadcast_in_dim3A_1460 : vector<16x1xi32> to vector<16xi32>
        %gather3A_1462 = tpu.dynamic_gather %get3A_883[%gather3A_1461] in [0] : vector<16xf32>, vector<16xi32> -> vector<16xf32>
        %add3A_1463 = arith.constant 5 : i32
        %add3A_1464 = arith.addi %mul3A_885, %add3A_1463 : i32
        %get3A_1465 = arith.index_cast %add3A_1464 : i32 to index
        %get3A_1466 = arith.constant 0 : index
        %get3A_1467 = tpu.vector_load %arg18[%get3A_1465, %get3A_1466] {strides = array<i32>} : memref<128x128xf32, #tpu.memory_space<vmem>>, vector<1x16xf32>,
        %get3A_1468 = vector.shape_cast %get3A_1467 : vector<1x16xf32> to vector<16xf32>
        %mul3A_1469 = arith.mulf %get3A_1468, %gather3A_1462 : vector<16xf32>
        %add3A_1470 = arith.constant 5 : i32
        %add3A_1471 = arith.addi %mul3A_885, %add3A_1470 : i32
        %swap3A_1472 = arith.index_cast %add3A_1471 : i32 to index
        %swap3A_1473 = arith.constant 0 : index
        %swap3A_1474 = tpu.vector_load %arg18[%swap3A_1472, %swap3A_1473] {strides = array<i32>} : memref<128x128xf32, #tpu.memory_space<vmem>>, vector<1x16xf32>,
        %swap3A_1475 = vector.shape_cast %swap3A_1474 : vector<1x16xf32> to vector<16xf32>
        %swap3A_1476 = vector.shape_cast %mul3A_1469 : vector<16xf32> to vector<1x16xf32>
        tpu.vector_store %arg18[%swap3A_1472, %swap3A_1473], %swap3A_1476 {strides = array<i32>} : memref<128x128xf32, #tpu.memory_space<vmem>>, vector<1x16xf32>,
        %add3A_1477 = arith.constant 5 : i32
        %add3A_1478 = arith.addi %mul3A_885, %add3A_1477 : i32
        %get3A_1479 = arith.index_cast %add3A_1478 : i32 to index
        %get3A_1480 = arith.constant 16 : index
        %get3A_1481 = tpu.vector_load %arg18[%get3A_1479, %get3A_1480] {strides = array<i32>} : memref<128x128xf32, #tpu.memory_space<vmem>>, vector<1x16xf32>,
        %get3A_1482 = vector.shape_cast %get3A_1481 : vector<1x16xf32> to vector<16xf32>
        %mul3A_1483 = arith.mulf %get3A_1482, %gather3A_1462 : vector<16xf32>
        %add3A_1484 = arith.constant 5 : i32
        %add3A_1485 = arith.addi %mul3A_885, %add3A_1484 : i32
        %swap3A_1486 = arith.index_cast %add3A_1485 : i32 to index
        %swap3A_1487 = arith.constant 16 : index
        %swap3A_1488 = tpu.vector_load %arg18[%swap3A_1486, %swap3A_1487] {strides = array<i32>} : memref<128x128xf32, #tpu.memory_space<vmem>>, vector<1x16xf32>,
        %swap3A_1489 = vector.shape_cast %swap3A_1488 : vector<1x16xf32> to vector<16xf32>
        %swap3A_1490 = vector.shape_cast %mul3A_1483 : vector<16xf32> to vector<1x16xf32>
        tpu.vector_store %arg18[%swap3A_1486, %swap3A_1487], %swap3A_1490 {strides = array<i32>} : memref<128x128xf32, #tpu.memory_space<vmem>>, vector<1x16xf32>,
        %add3A_1491 = arith.constant 5 : i32
        %add3A_1492 = arith.addi %mul3A_885, %add3A_1491 : i32
        %get3A_1493 = arith.index_cast %add3A_1492 : i32 to index
        %get3A_1494 = arith.constant 32 : index
        %get3A_1495 = tpu.vector_load %arg18[%get3A_1493, %get3A_1494] {strides = array<i32>} : memref<128x128xf32, #tpu.memory_space<vmem>>, vector<1x16xf32>,
        %get3A_1496 = vector.shape_cast %get3A_1495 : vector<1x16xf32> to vector<16xf32>
        %mul3A_1497 = arith.mulf %get3A_1496, %gather3A_1462 : vector<16xf32>
        %add3A_1498 = arith.constant 5 : i32
        %add3A_1499 = arith.addi %mul3A_885, %add3A_1498 : i32
        %swap3A_1500 = arith.index_cast %add3A_1499 : i32 to index
        %swap3A_1501 = arith.constant 32 : index
        %swap3A_1502 = tpu.vector_load %arg18[%swap3A_1500, %swap3A_1501] {strides = array<i32>} : memref<128x128xf32, #tpu.memory_space<vmem>>, vector<1x16xf32>,
        %swap3A_1503 = vector.shape_cast %swap3A_1502 : vector<1x16xf32> to vector<16xf32>
        %swap3A_1504 = vector.shape_cast %mul3A_1497 : vector<16xf32> to vector<1x16xf32>
        tpu.vector_store %arg18[%swap3A_1500, %swap3A_1501], %swap3A_1504 {strides = array<i32>} : memref<128x128xf32, #tpu.memory_space<vmem>>, vector<1x16xf32>,
        %add3A_1505 = arith.constant 5 : i32
        %add3A_1506 = arith.addi %mul3A_885, %add3A_1505 : i32
        %get3A_1507 = arith.index_cast %add3A_1506 : i32 to index
        %get3A_1508 = arith.constant 48 : index
        %get3A_1509 = tpu.vector_load %arg18[%get3A_1507, %get3A_1508] {strides = array<i32>} : memref<128x128xf32, #tpu.memory_space<vmem>>, vector<1x16xf32>,
        %get3A_1510 = vector.shape_cast %get3A_1509 : vector<1x16xf32> to vector<16xf32>
        %mul3A_1511 = arith.mulf %get3A_1510, %gather3A_1462 : vector<16xf32>
        %add3A_1512 = arith.constant 5 : i32
        %add3A_1513 = arith.addi %mul3A_885, %add3A_1512 : i32
        %swap3A_1514 = arith.index_cast %add3A_1513 : i32 to index
        %swap3A_1515 = arith.constant 48 : index
        %swap3A_1516 = tpu.vector_load %arg18[%swap3A_1514, %swap3A_1515] {strides = array<i32>} : memref<128x128xf32, #tpu.memory_space<vmem>>, vector<1x16xf32>,
        %swap3A_1517 = vector.shape_cast %swap3A_1516 : vector<1x16xf32> to vector<16xf32>
        %swap3A_1518 = vector.shape_cast %mul3A_1511 : vector<16xf32> to vector<1x16xf32>
        tpu.vector_store %arg18[%swap3A_1514, %swap3A_1515], %swap3A_1518 {strides = array<i32>} : memref<128x128xf32, #tpu.memory_space<vmem>>, vector<1x16xf32>,
        %add3A_1519 = arith.constant 5 : i32
        %add3A_1520 = arith.addi %mul3A_885, %add3A_1519 : i32
        %get3A_1521 = arith.index_cast %add3A_1520 : i32 to index
        %get3A_1522 = arith.constant 64 : index
        %get3A_1523 = tpu.vector_load %arg18[%get3A_1521, %get3A_1522] {strides = array<i32>} : memref<128x128xf32, #tpu.memory_space<vmem>>, vector<1x16xf32>,
        %get3A_1524 = vector.shape_cast %get3A_1523 : vector<1x16xf32> to vector<16xf32>
        %mul3A_1525 = arith.mulf %get3A_1524, %gather3A_1462 : vector<16xf32>
        %add3A_1526 = arith.constant 5 : i32
        %add3A_1527 = arith.addi %mul3A_885, %add3A_1526 : i32
        %swap3A_1528 = arith.index_cast %add3A_1527 : i32 to index
        %swap3A_1529 = arith.constant 64 : index
        %swap3A_1530 = tpu.vector_load %arg18[%swap3A_1528, %swap3A_1529] {strides = array<i32>} : memref<128x128xf32, #tpu.memory_space<vmem>>, vector<1x16xf32>,
        %swap3A_1531 = vector.shape_cast %swap3A_1530 : vector<1x16xf32> to vector<16xf32>
        %swap3A_1532 = vector.shape_cast %mul3A_1525 : vector<16xf32> to vector<1x16xf32>
        tpu.vector_store %arg18[%swap3A_1528, %swap3A_1529], %swap3A_1532 {strides = array<i32>} : memref<128x128xf32, #tpu.memory_space<vmem>>, vector<1x16xf32>,
        %add3A_1533 = arith.constant 5 : i32
        %add3A_1534 = arith.addi %mul3A_885, %add3A_1533 : i32
        %get3A_1535 = arith.index_cast %add3A_1534 : i32 to index
        %get3A_1536 = arith.constant 80 : index
        %get3A_1537 = tpu.vector_load %arg18[%get3A_1535, %get3A_1536] {strides = array<i32>} : memref<128x128xf32, #tpu.memory_space<vmem>>, vector<1x16xf32>,
        %get3A_1538 = vector.shape_cast %get3A_1537 : vector<1x16xf32> to vector<16xf32>
        %mul3A_1539 = arith.mulf %get3A_1538, %gather3A_1462 : vector<16xf32>
        %add3A_1540 = arith.constant 5 : i32
        %add3A_1541 = arith.addi %mul3A_885, %add3A_1540 : i32
        %swap3A_1542 = arith.index_cast %add3A_1541 : i32 to index
        %swap3A_1543 = arith.constant 80 : index
        %swap3A_1544 = tpu.vector_load %arg18[%swap3A_1542, %swap3A_1543] {strides = array<i32>} : memref<128x128xf32, #tpu.memory_space<vmem>>, vector<1x16xf32>,
        %swap3A_1545 = vector.shape_cast %swap3A_1544 : vector<1x16xf32> to vector<16xf32>
        %swap3A_1546 = vector.shape_cast %mul3A_1539 : vector<16xf32> to vector<1x16xf32>
        tpu.vector_store %arg18[%swap3A_1542, %swap3A_1543], %swap3A_1546 {strides = array<i32>} : memref<128x128xf32, #tpu.memory_space<vmem>>, vector<1x16xf32>,
        %add3A_1547 = arith.constant 5 : i32
        %add3A_1548 = arith.addi %mul3A_885, %add3A_1547 : i32
        %get3A_1549 = arith.index_cast %add3A_1548 : i32 to index
        %get3A_1550 = arith.constant 96 : index
        %get3A_1551 = tpu.vector_load %arg18[%get3A_1549, %get3A_1550] {strides = array<i32>} : memref<128x128xf32, #tpu.memory_space<vmem>>, vector<1x16xf32>,
        %get3A_1552 = vector.shape_cast %get3A_1551 : vector<1x16xf32> to vector<16xf32>
        %mul3A_1553 = arith.mulf %get3A_1552, %gather3A_1462 : vector<16xf32>
        %add3A_1554 = arith.constant 5 : i32
        %add3A_1555 = arith.addi %mul3A_885, %add3A_1554 : i32
        %swap3A_1556 = arith.index_cast %add3A_1555 : i32 to index
        %swap3A_1557 = arith.constant 96 : index
        %swap3A_1558 = tpu.vector_load %arg18[%swap3A_1556, %swap3A_1557] {strides = array<i32>} : memref<128x128xf32, #tpu.memory_space<vmem>>, vector<1x16xf32>,
        %swap3A_1559 = vector.shape_cast %swap3A_1558 : vector<1x16xf32> to vector<16xf32>
        %swap3A_1560 = vector.shape_cast %mul3A_1553 : vector<16xf32> to vector<1x16xf32>
        tpu.vector_store %arg18[%swap3A_1556, %swap3A_1557], %swap3A_1560 {strides = array<i32>} : memref<128x128xf32, #tpu.memory_space<vmem>>, vector<1x16xf32>,
        %add3A_1561 = arith.constant 5 : i32
        %add3A_1562 = arith.addi %mul3A_885, %add3A_1561 : i32
        %get3A_1563 = arith.index_cast %add3A_1562 : i32 to index
        %get3A_1564 = arith.constant 112 : index
        %get3A_1565 = tpu.vector_load %arg18[%get3A_1563, %get3A_1564] {strides = array<i32>} : memref<128x128xf32, #tpu.memory_space<vmem>>, vector<1x16xf32>,
        %get3A_1566 = vector.shape_cast %get3A_1565 : vector<1x16xf32> to vector<16xf32>
        %mul3A_1567 = arith.mulf %get3A_1566, %gather3A_1462 : vector<16xf32>
        %add3A_1568 = arith.constant 5 : i32
        %add3A_1569 = arith.addi %mul3A_885, %add3A_1568 : i32
        %swap3A_1570 = arith.index_cast %add3A_1569 : i32 to index
        %swap3A_1571 = arith.constant 112 : index
        %swap3A_1572 = tpu.vector_load %arg18[%swap3A_1570, %swap3A_1571] {strides = array<i32>} : memref<128x128xf32, #tpu.memory_space<vmem>>, vector<1x16xf32>,
        %swap3A_1573 = vector.shape_cast %swap3A_1572 : vector<1x16xf32> to vector<16xf32>
        %swap3A_1574 = vector.shape_cast %mul3A_1567 : vector<16xf32> to vector<1x16xf32>
        tpu.vector_store %arg18[%swap3A_1570, %swap3A_1571], %swap3A_1574 {strides = array<i32>} : memref<128x128xf32, #tpu.memory_space<vmem>>, vector<1x16xf32>,
        %broadcast_in_dim3A_1575 = vector.shape_cast %broadcast_in_dim3A_42 : vector<16xi32> to vector<16x1xi32>
        %gather3A_1576 = vector.shape_cast %broadcast_in_dim3A_1575 : vector<16x1xi32> to vector<16xi32>
        %gather3A_1577 = tpu.dynamic_gather %get3A_883[%gather3A_1576] in [0] : vector<16xf32>, vector<16xi32> -> vector<16xf32>
        %add3A_1578 = arith.constant 6 : i32
        %add3A_1579 = arith.addi %mul3A_885, %add3A_1578 : i32
        %get3A_1580 = arith.index_cast %add3A_1579 : i32 to index
        %get3A_1581 = arith.constant 0 : index
        %get3A_1582 = tpu.vector_load %arg18[%get3A_1580, %get3A_1581] {strides = array<i32>} : memref<128x128xf32, #tpu.memory_space<vmem>>, vector<1x16xf32>,
        %get3A_1583 = vector.shape_cast %get3A_1582 : vector<1x16xf32> to vector<16xf32>
        %mul3A_1584 = arith.mulf %get3A_1583, %gather3A_1577 : vector<16xf32>
        %add3A_1585 = arith.constant 6 : i32
        %add3A_1586 = arith.addi %mul3A_885, %add3A_1585 : i32
        %swap3A_1587 = arith.index_cast %add3A_1586 : i32 to index
        %swap3A_1588 = arith.constant 0 : index
        %swap3A_1589 = tpu.vector_load %arg18[%swap3A_1587, %swap3A_1588] {strides = array<i32>} : memref<128x128xf32, #tpu.memory_space<vmem>>, vector<1x16xf32>,
        %swap3A_1590 = vector.shape_cast %swap3A_1589 : vector<1x16xf32> to vector<16xf32>
        %swap3A_1591 = vector.shape_cast %mul3A_1584 : vector<16xf32> to vector<1x16xf32>
        tpu.vector_store %arg18[%swap3A_1587, %swap3A_1588], %swap3A_1591 {strides = array<i32>} : memref<128x128xf32, #tpu.memory_space<vmem>>, vector<1x16xf32>,
        %add3A_1592 = arith.constant 6 : i32
        %add3A_1593 = arith.addi %mul3A_885, %add3A_1592 : i32
        %get3A_1594 = arith.index_cast %add3A_1593 : i32 to index
        %get3A_1595 = arith.constant 16 : index
        %get3A_1596 = tpu.vector_load %arg18[%get3A_1594, %get3A_1595] {strides = array<i32>} : memref<128x128xf32, #tpu.memory_space<vmem>>, vector<1x16xf32>,
        %get3A_1597 = vector.shape_cast %get3A_1596 : vector<1x16xf32> to vector<16xf32>
        %mul3A_1598 = arith.mulf %get3A_1597, %gather3A_1577 : vector<16xf32>
        %add3A_1599 = arith.constant 6 : i32
        %add3A_1600 = arith.addi %mul3A_885, %add3A_1599 : i32
        %swap3A_1601 = arith.index_cast %add3A_1600 : i32 to index
        %swap3A_1602 = arith.constant 16 : index
        %swap3A_1603 = tpu.vector_load %arg18[%swap3A_1601, %swap3A_1602] {strides = array<i32>} : memref<128x128xf32, #tpu.memory_space<vmem>>, vector<1x16xf32>,
        %swap3A_1604 = vector.shape_cast %swap3A_1603 : vector<1x16xf32> to vector<16xf32>
        %swap3A_1605 = vector.shape_cast %mul3A_1598 : vector<16xf32> to vector<1x16xf32>
        tpu.vector_store %arg18[%swap3A_1601, %swap3A_1602], %swap3A_1605 {strides = array<i32>} : memref<128x128xf32, #tpu.memory_space<vmem>>, vector<1x16xf32>,
        %add3A_1606 = arith.constant 6 : i32
        %add3A_1607 = arith.addi %mul3A_885, %add3A_1606 : i32
        %get3A_1608 = arith.index_cast %add3A_1607 : i32 to index
        %get3A_1609 = arith.constant 32 : index
        %get3A_1610 = tpu.vector_load %arg18[%get3A_1608, %get3A_1609] {strides = array<i32>} : memref<128x128xf32, #tpu.memory_space<vmem>>, vector<1x16xf32>,
        %get3A_1611 = vector.shape_cast %get3A_1610 : vector<1x16xf32> to vector<16xf32>
        %mul3A_1612 = arith.mulf %get3A_1611, %gather3A_1577 : vector<16xf32>
        %add3A_1613 = arith.constant 6 : i32
        %add3A_1614 = arith.addi %mul3A_885, %add3A_1613 : i32
        %swap3A_1615 = arith.index_cast %add3A_1614 : i32 to index
        %swap3A_1616 = arith.constant 32 : index
        %swap3A_1617 = tpu.vector_load %arg18[%swap3A_1615, %swap3A_1616] {strides = array<i32>} : memref<128x128xf32, #tpu.memory_space<vmem>>, vector<1x16xf32>,
        %swap3A_1618 = vector.shape_cast %swap3A_1617 : vector<1x16xf32> to vector<16xf32>
        %swap3A_1619 = vector.shape_cast %mul3A_1612 : vector<16xf32> to vector<1x16xf32>
        tpu.vector_store %arg18[%swap3A_1615, %swap3A_1616], %swap3A_1619 {strides = array<i32>} : memref<128x128xf32, #tpu.memory_space<vmem>>, vector<1x16xf32>,
        %add3A_1620 = arith.constant 6 : i32
        %add3A_1621 = arith.addi %mul3A_885, %add3A_1620 : i32
        %get3A_1622 = arith.index_cast %add3A_1621 : i32 to index
        %get3A_1623 = arith.constant 48 : index
        %get3A_1624 = tpu.vector_load %arg18[%get3A_1622, %get3A_1623] {strides = array<i32>} : memref<128x128xf32, #tpu.memory_space<vmem>>, vector<1x16xf32>,
        %get3A_1625 = vector.shape_cast %get3A_1624 : vector<1x16xf32> to vector<16xf32>
        %mul3A_1626 = arith.mulf %get3A_1625, %gather3A_1577 : vector<16xf32>
        %add3A_1627 = arith.constant 6 : i32
        %add3A_1628 = arith.addi %mul3A_885, %add3A_1627 : i32
        %swap3A_1629 = arith.index_cast %add3A_1628 : i32 to index
        %swap3A_1630 = arith.constant 48 : index
        %swap3A_1631 = tpu.vector_load %arg18[%swap3A_1629, %swap3A_1630] {strides = array<i32>} : memref<128x128xf32, #tpu.memory_space<vmem>>, vector<1x16xf32>,
        %swap3A_1632 = vector.shape_cast %swap3A_1631 : vector<1x16xf32> to vector<16xf32>
        %swap3A_1633 = vector.shape_cast %mul3A_1626 : vector<16xf32> to vector<1x16xf32>
        tpu.vector_store %arg18[%swap3A_1629, %swap3A_1630], %swap3A_1633 {strides = array<i32>} : memref<128x128xf32, #tpu.memory_space<vmem>>, vector<1x16xf32>,
        %add3A_1634 = arith.constant 6 : i32
        %add3A_1635 = arith.addi %mul3A_885, %add3A_1634 : i32
        %get3A_1636 = arith.index_cast %add3A_1635 : i32 to index
        %get3A_1637 = arith.constant 64 : index
        %get3A_1638 = tpu.vector_load %arg18[%get3A_1636, %get3A_1637] {strides = array<i32>} : memref<128x128xf32, #tpu.memory_space<vmem>>, vector<1x16xf32>,
        %get3A_1639 = vector.shape_cast %get3A_1638 : vector<1x16xf32> to vector<16xf32>
        %mul3A_1640 = arith.mulf %get3A_1639, %gather3A_1577 : vector<16xf32>
        %add3A_1641 = arith.constant 6 : i32
        %add3A_1642 = arith.addi %mul3A_885, %add3A_1641 : i32
        %swap3A_1643 = arith.index_cast %add3A_1642 : i32 to index
        %swap3A_1644 = arith.constant 64 : index
        %swap3A_1645 = tpu.vector_load %arg18[%swap3A_1643, %swap3A_1644] {strides = array<i32>} : memref<128x128xf32, #tpu.memory_space<vmem>>, vector<1x16xf32>,
        %swap3A_1646 = vector.shape_cast %swap3A_1645 : vector<1x16xf32> to vector<16xf32>
        %swap3A_1647 = vector.shape_cast %mul3A_1640 : vector<16xf32> to vector<1x16xf32>
        tpu.vector_store %arg18[%swap3A_1643, %swap3A_1644], %swap3A_1647 {strides = array<i32>} : memref<128x128xf32, #tpu.memory_space<vmem>>, vector<1x16xf32>,
        %add3A_1648 = arith.constant 6 : i32
        %add3A_1649 = arith.addi %mul3A_885, %add3A_1648 : i32
        %get3A_1650 = arith.index_cast %add3A_1649 : i32 to index
        %get3A_1651 = arith.constant 80 : index
        %get3A_1652 = tpu.vector_load %arg18[%get3A_1650, %get3A_1651] {strides = array<i32>} : memref<128x128xf32, #tpu.memory_space<vmem>>, vector<1x16xf32>,
        %get3A_1653 = vector.shape_cast %get3A_1652 : vector<1x16xf32> to vector<16xf32>
        %mul3A_1654 = arith.mulf %get3A_1653, %gather3A_1577 : vector<16xf32>
        %add3A_1655 = arith.constant 6 : i32
        %add3A_1656 = arith.addi %mul3A_885, %add3A_1655 : i32
        %swap3A_1657 = arith.index_cast %add3A_1656 : i32 to index
        %swap3A_1658 = arith.constant 80 : index
        %swap3A_1659 = tpu.vector_load %arg18[%swap3A_1657, %swap3A_1658] {strides = array<i32>} : memref<128x128xf32, #tpu.memory_space<vmem>>, vector<1x16xf32>,
        %swap3A_1660 = vector.shape_cast %swap3A_1659 : vector<1x16xf32> to vector<16xf32>
        %swap3A_1661 = vector.shape_cast %mul3A_1654 : vector<16xf32> to vector<1x16xf32>
        tpu.vector_store %arg18[%swap3A_1657, %swap3A_1658], %swap3A_1661 {strides = array<i32>} : memref<128x128xf32, #tpu.memory_space<vmem>>, vector<1x16xf32>,
        %add3A_1662 = arith.constant 6 : i32
        %add3A_1663 = arith.addi %mul3A_885, %add3A_1662 : i32
        %get3A_1664 = arith.index_cast %add3A_1663 : i32 to index
        %get3A_1665 = arith.constant 96 : index
        %get3A_1666 = tpu.vector_load %arg18[%get3A_1664, %get3A_1665] {strides = array<i32>} : memref<128x128xf32, #tpu.memory_space<vmem>>, vector<1x16xf32>,
        %get3A_1667 = vector.shape_cast %get3A_1666 : vector<1x16xf32> to vector<16xf32>
        %mul3A_1668 = arith.mulf %get3A_1667, %gather3A_1577 : vector<16xf32>
        %add3A_1669 = arith.constant 6 : i32
        %add3A_1670 = arith.addi %mul3A_885, %add3A_1669 : i32
        %swap3A_1671 = arith.index_cast %add3A_1670 : i32 to index
        %swap3A_1672 = arith.constant 96 : index
        %swap3A_1673 = tpu.vector_load %arg18[%swap3A_1671, %swap3A_1672] {strides = array<i32>} : memref<128x128xf32, #tpu.memory_space<vmem>>, vector<1x16xf32>,
        %swap3A_1674 = vector.shape_cast %swap3A_1673 : vector<1x16xf32> to vector<16xf32>
        %swap3A_1675 = vector.shape_cast %mul3A_1668 : vector<16xf32> to vector<1x16xf32>
        tpu.vector_store %arg18[%swap3A_1671, %swap3A_1672], %swap3A_1675 {strides = array<i32>} : memref<128x128xf32, #tpu.memory_space<vmem>>, vector<1x16xf32>,
        %add3A_1676 = arith.constant 6 : i32
        %add3A_1677 = arith.addi %mul3A_885, %add3A_1676 : i32
        %get3A_1678 = arith.index_cast %add3A_1677 : i32 to index
        %get3A_1679 = arith.constant 112 : index
        %get3A_1680 = tpu.vector_load %arg18[%get3A_1678, %get3A_1679] {strides = array<i32>} : memref<128x128xf32, #tpu.memory_space<vmem>>, vector<1x16xf32>,
        %get3A_1681 = vector.shape_cast %get3A_1680 : vector<1x16xf32> to vector<16xf32>
        %mul3A_1682 = arith.mulf %get3A_1681, %gather3A_1577 : vector<16xf32>
        %add3A_1683 = arith.constant 6 : i32
        %add3A_1684 = arith.addi %mul3A_885, %add3A_1683 : i32
        %swap3A_1685 = arith.index_cast %add3A_1684 : i32 to index
        %swap3A_1686 = arith.constant 112 : index
        %swap3A_1687 = tpu.vector_load %arg18[%swap3A_1685, %swap3A_1686] {strides = array<i32>} : memref<128x128xf32, #tpu.memory_space<vmem>>, vector<1x16xf32>,
        %swap3A_1688 = vector.shape_cast %swap3A_1687 : vector<1x16xf32> to vector<16xf32>
        %swap3A_1689 = vector.shape_cast %mul3A_1682 : vector<16xf32> to vector<1x16xf32>
        tpu.vector_store %arg18[%swap3A_1685, %swap3A_1686], %swap3A_1689 {strides = array<i32>} : memref<128x128xf32, #tpu.memory_space<vmem>>, vector<1x16xf32>,
        %broadcast_in_dim3A_1690 = vector.shape_cast %broadcast_in_dim3A_44 : vector<16xi32> to vector<16x1xi32>
        %gather3A_1691 = vector.shape_cast %broadcast_in_dim3A_1690 : vector<16x1xi32> to vector<16xi32>
        %gather3A_1692 = tpu.dynamic_gather %get3A_883[%gather3A_1691] in [0] : vector<16xf32>, vector<16xi32> -> vector<16xf32>
        %add3A_1693 = arith.constant 7 : i32
        %add3A_1694 = arith.addi %mul3A_885, %add3A_1693 : i32
        %get3A_1695 = arith.index_cast %add3A_1694 : i32 to index
        %get3A_1696 = arith.constant 0 : index
        %get3A_1697 = tpu.vector_load %arg18[%get3A_1695, %get3A_1696] {strides = array<i32>} : memref<128x128xf32, #tpu.memory_space<vmem>>, vector<1x16xf32>,
        %get3A_1698 = vector.shape_cast %get3A_1697 : vector<1x16xf32> to vector<16xf32>
        %mul3A_1699 = arith.mulf %get3A_1698, %gather3A_1692 : vector<16xf32>
        %add3A_1700 = arith.constant 7 : i32
        %add3A_1701 = arith.addi %mul3A_885, %add3A_1700 : i32
        %swap3A_1702 = arith.index_cast %add3A_1701 : i32 to index
        %swap3A_1703 = arith.constant 0 : index
        %swap3A_1704 = tpu.vector_load %arg18[%swap3A_1702, %swap3A_1703] {strides = array<i32>} : memref<128x128xf32, #tpu.memory_space<vmem>>, vector<1x16xf32>,
        %swap3A_1705 = vector.shape_cast %swap3A_1704 : vector<1x16xf32> to vector<16xf32>
        %swap3A_1706 = vector.shape_cast %mul3A_1699 : vector<16xf32> to vector<1x16xf32>
        tpu.vector_store %arg18[%swap3A_1702, %swap3A_1703], %swap3A_1706 {strides = array<i32>} : memref<128x128xf32, #tpu.memory_space<vmem>>, vector<1x16xf32>,
        %add3A_1707 = arith.constant 7 : i32
        %add3A_1708 = arith.addi %mul3A_885, %add3A_1707 : i32
        %get3A_1709 = arith.index_cast %add3A_1708 : i32 to index
        %get3A_1710 = arith.constant 16 : index
        %get3A_1711 = tpu.vector_load %arg18[%get3A_1709, %get3A_1710] {strides = array<i32>} : memref<128x128xf32, #tpu.memory_space<vmem>>, vector<1x16xf32>,
        %get3A_1712 = vector.shape_cast %get3A_1711 : vector<1x16xf32> to vector<16xf32>
        %mul3A_1713 = arith.mulf %get3A_1712, %gather3A_1692 : vector<16xf32>
        %add3A_1714 = arith.constant 7 : i32
        %add3A_1715 = arith.addi %mul3A_885, %add3A_1714 : i32
        %swap3A_1716 = arith.index_cast %add3A_1715 : i32 to index
        %swap3A_1717 = arith.constant 16 : index
        %swap3A_1718 = tpu.vector_load %arg18[%swap3A_1716, %swap3A_1717] {strides = array<i32>} : memref<128x128xf32, #tpu.memory_space<vmem>>, vector<1x16xf32>,
        %swap3A_1719 = vector.shape_cast %swap3A_1718 : vector<1x16xf32> to vector<16xf32>
        %swap3A_1720 = vector.shape_cast %mul3A_1713 : vector<16xf32> to vector<1x16xf32>
        tpu.vector_store %arg18[%swap3A_1716, %swap3A_1717], %swap3A_1720 {strides = array<i32>} : memref<128x128xf32, #tpu.memory_space<vmem>>, vector<1x16xf32>,
        %add3A_1721 = arith.constant 7 : i32
        %add3A_1722 = arith.addi %mul3A_885, %add3A_1721 : i32
        %get3A_1723 = arith.index_cast %add3A_1722 : i32 to index
        %get3A_1724 = arith.constant 32 : index
        %get3A_1725 = tpu.vector_load %arg18[%get3A_1723, %get3A_1724] {strides = array<i32>} : memref<128x128xf32, #tpu.memory_space<vmem>>, vector<1x16xf32>,
        %get3A_1726 = vector.shape_cast %get3A_1725 : vector<1x16xf32> to vector<16xf32>
        %mul3A_1727 = arith.mulf %get3A_1726, %gather3A_1692 : vector<16xf32>
        %add3A_1728 = arith.constant 7 : i32
        %add3A_1729 = arith.addi %mul3A_885, %add3A_1728 : i32
        %swap3A_1730 = arith.index_cast %add3A_1729 : i32 to index
        %swap3A_1731 = arith.constant 32 : index
        %swap3A_1732 = tpu.vector_load %arg18[%swap3A_1730, %swap3A_1731] {strides = array<i32>} : memref<128x128xf32, #tpu.memory_space<vmem>>, vector<1x16xf32>,
        %swap3A_1733 = vector.shape_cast %swap3A_1732 : vector<1x16xf32> to vector<16xf32>
        %swap3A_1734 = vector.shape_cast %mul3A_1727 : vector<16xf32> to vector<1x16xf32>
        tpu.vector_store %arg18[%swap3A_1730, %swap3A_1731], %swap3A_1734 {strides = array<i32>} : memref<128x128xf32, #tpu.memory_space<vmem>>, vector<1x16xf32>,
        %add3A_1735 = arith.constant 7 : i32
        %add3A_1736 = arith.addi %mul3A_885, %add3A_1735 : i32
        %get3A_1737 = arith.index_cast %add3A_1736 : i32 to index
        %get3A_1738 = arith.constant 48 : index
        %get3A_1739 = tpu.vector_load %arg18[%get3A_1737, %get3A_1738] {strides = array<i32>} : memref<128x128xf32, #tpu.memory_space<vmem>>, vector<1x16xf32>,
        %get3A_1740 = vector.shape_cast %get3A_1739 : vector<1x16xf32> to vector<16xf32>
        %mul3A_1741 = arith.mulf %get3A_1740, %gather3A_1692 : vector<16xf32>
        %add3A_1742 = arith.constant 7 : i32
        %add3A_1743 = arith.addi %mul3A_885, %add3A_1742 : i32
        %swap3A_1744 = arith.index_cast %add3A_1743 : i32 to index
        %swap3A_1745 = arith.constant 48 : index
        %swap3A_1746 = tpu.vector_load %arg18[%swap3A_1744, %swap3A_1745] {strides = array<i32>} : memref<128x128xf32, #tpu.memory_space<vmem>>, vector<1x16xf32>,
        %swap3A_1747 = vector.shape_cast %swap3A_1746 : vector<1x16xf32> to vector<16xf32>
        %swap3A_1748 = vector.shape_cast %mul3A_1741 : vector<16xf32> to vector<1x16xf32>
        tpu.vector_store %arg18[%swap3A_1744, %swap3A_1745], %swap3A_1748 {strides = array<i32>} : memref<128x128xf32, #tpu.memory_space<vmem>>, vector<1x16xf32>,
        %add3A_1749 = arith.constant 7 : i32
        %add3A_1750 = arith.addi %mul3A_885, %add3A_1749 : i32
        %get3A_1751 = arith.index_cast %add3A_1750 : i32 to index
        %get3A_1752 = arith.constant 64 : index
        %get3A_1753 = tpu.vector_load %arg18[%get3A_1751, %get3A_1752] {strides = array<i32>} : memref<128x128xf32, #tpu.memory_space<vmem>>, vector<1x16xf32>,
        %get3A_1754 = vector.shape_cast %get3A_1753 : vector<1x16xf32> to vector<16xf32>
        %mul3A_1755 = arith.mulf %get3A_1754, %gather3A_1692 : vector<16xf32>
        %add3A_1756 = arith.constant 7 : i32
        %add3A_1757 = arith.addi %mul3A_885, %add3A_1756 : i32
        %swap3A_1758 = arith.index_cast %add3A_1757 : i32 to index
        %swap3A_1759 = arith.constant 64 : index
        %swap3A_1760 = tpu.vector_load %arg18[%swap3A_1758, %swap3A_1759] {strides = array<i32>} : memref<128x128xf32, #tpu.memory_space<vmem>>, vector<1x16xf32>,
        %swap3A_1761 = vector.shape_cast %swap3A_1760 : vector<1x16xf32> to vector<16xf32>
        %swap3A_1762 = vector.shape_cast %mul3A_1755 : vector<16xf32> to vector<1x16xf32>
        tpu.vector_store %arg18[%swap3A_1758, %swap3A_1759], %swap3A_1762 {strides = array<i32>} : memref<128x128xf32, #tpu.memory_space<vmem>>, vector<1x16xf32>,
        %add3A_1763 = arith.constant 7 : i32
        %add3A_1764 = arith.addi %mul3A_885, %add3A_1763 : i32
        %get3A_1765 = arith.index_cast %add3A_1764 : i32 to index
        %get3A_1766 = arith.constant 80 : index
        %get3A_1767 = tpu.vector_load %arg18[%get3A_1765, %get3A_1766] {strides = array<i32>} : memref<128x128xf32, #tpu.memory_space<vmem>>, vector<1x16xf32>,
        %get3A_1768 = vector.shape_cast %get3A_1767 : vector<1x16xf32> to vector<16xf32>
        %mul3A_1769 = arith.mulf %get3A_1768, %gather3A_1692 : vector<16xf32>
        %add3A_1770 = arith.constant 7 : i32
        %add3A_1771 = arith.addi %mul3A_885, %add3A_1770 : i32
        %swap3A_1772 = arith.index_cast %add3A_1771 : i32 to index
        %swap3A_1773 = arith.constant 80 : index
        %swap3A_1774 = tpu.vector_load %arg18[%swap3A_1772, %swap3A_1773] {strides = array<i32>} : memref<128x128xf32, #tpu.memory_space<vmem>>, vector<1x16xf32>,
        %swap3A_1775 = vector.shape_cast %swap3A_1774 : vector<1x16xf32> to vector<16xf32>
        %swap3A_1776 = vector.shape_cast %mul3A_1769 : vector<16xf32> to vector<1x16xf32>
        tpu.vector_store %arg18[%swap3A_1772, %swap3A_1773], %swap3A_1776 {strides = array<i32>} : memref<128x128xf32, #tpu.memory_space<vmem>>, vector<1x16xf32>,
        %add3A_1777 = arith.constant 7 : i32
        %add3A_1778 = arith.addi %mul3A_885, %add3A_1777 : i32
        %get3A_1779 = arith.index_cast %add3A_1778 : i32 to index
        %get3A_1780 = arith.constant 96 : index
        %get3A_1781 = tpu.vector_load %arg18[%get3A_1779, %get3A_1780] {strides = array<i32>} : memref<128x128xf32, #tpu.memory_space<vmem>>, vector<1x16xf32>,
        %get3A_1782 = vector.shape_cast %get3A_1781 : vector<1x16xf32> to vector<16xf32>
        %mul3A_1783 = arith.mulf %get3A_1782, %gather3A_1692 : vector<16xf32>
        %add3A_1784 = arith.constant 7 : i32
        %add3A_1785 = arith.addi %mul3A_885, %add3A_1784 : i32
        %swap3A_1786 = arith.index_cast %add3A_1785 : i32 to index
        %swap3A_1787 = arith.constant 96 : index
        %swap3A_1788 = tpu.vector_load %arg18[%swap3A_1786, %swap3A_1787] {strides = array<i32>} : memref<128x128xf32, #tpu.memory_space<vmem>>, vector<1x16xf32>,
        %swap3A_1789 = vector.shape_cast %swap3A_1788 : vector<1x16xf32> to vector<16xf32>
        %swap3A_1790 = vector.shape_cast %mul3A_1783 : vector<16xf32> to vector<1x16xf32>
        tpu.vector_store %arg18[%swap3A_1786, %swap3A_1787], %swap3A_1790 {strides = array<i32>} : memref<128x128xf32, #tpu.memory_space<vmem>>, vector<1x16xf32>,
        %add3A_1791 = arith.constant 7 : i32
        %add3A_1792 = arith.addi %mul3A_885, %add3A_1791 : i32
        %get3A_1793 = arith.index_cast %add3A_1792 : i32 to index
        %get3A_1794 = arith.constant 112 : index
        %get3A_1795 = tpu.vector_load %arg18[%get3A_1793, %get3A_1794] {strides = array<i32>} : memref<128x128xf32, #tpu.memory_space<vmem>>, vector<1x16xf32>,
        %get3A_1796 = vector.shape_cast %get3A_1795 : vector<1x16xf32> to vector<16xf32>
        %mul3A_1797 = arith.mulf %get3A_1796, %gather3A_1692 : vector<16xf32>
        %add3A_1798 = arith.constant 7 : i32
        %add3A_1799 = arith.addi %mul3A_885, %add3A_1798 : i32
        %swap3A_1800 = arith.index_cast %add3A_1799 : i32 to index
        %swap3A_1801 = arith.constant 112 : index
        %swap3A_1802 = tpu.vector_load %arg18[%swap3A_1800, %swap3A_1801] {strides = array<i32>} : memref<128x128xf32, #tpu.memory_space<vmem>>, vector<1x16xf32>,
        %swap3A_1803 = vector.shape_cast %swap3A_1802 : vector<1x16xf32> to vector<16xf32>
        %swap3A_1804 = vector.shape_cast %mul3A_1797 : vector<16xf32> to vector<1x16xf32>
        tpu.vector_store %arg18[%swap3A_1800, %swap3A_1801], %swap3A_1804 {strides = array<i32>} : memref<128x128xf32, #tpu.memory_space<vmem>>, vector<1x16xf32>,
        %broadcast_in_dim3A_1805 = vector.shape_cast %broadcast_in_dim3A_46 : vector<16xi32> to vector<16x1xi32>
        %gather3A_1806 = vector.shape_cast %broadcast_in_dim3A_1805 : vector<16x1xi32> to vector<16xi32>
        %gather3A_1807 = tpu.dynamic_gather %get3A_883[%gather3A_1806] in [0] : vector<16xf32>, vector<16xi32> -> vector<16xf32>
        %add3A_1808 = arith.constant 8 : i32
        %add3A_1809 = arith.addi %mul3A_885, %add3A_1808 : i32
        %get3A_1810 = arith.index_cast %add3A_1809 : i32 to index
        %get3A_1811 = arith.constant 0 : index
        %get3A_1812 = tpu.vector_load %arg18[%get3A_1810, %get3A_1811] {strides = array<i32>} : memref<128x128xf32, #tpu.memory_space<vmem>>, vector<1x16xf32>,
        %get3A_1813 = vector.shape_cast %get3A_1812 : vector<1x16xf32> to vector<16xf32>
        %mul3A_1814 = arith.mulf %get3A_1813, %gather3A_1807 : vector<16xf32>
        %add3A_1815 = arith.constant 8 : i32
        %add3A_1816 = arith.addi %mul3A_885, %add3A_1815 : i32
        %swap3A_1817 = arith.index_cast %add3A_1816 : i32 to index
        %swap3A_1818 = arith.constant 0 : index
        %swap3A_1819 = tpu.vector_load %arg18[%swap3A_1817, %swap3A_1818] {strides = array<i32>} : memref<128x128xf32, #tpu.memory_space<vmem>>, vector<1x16xf32>,
        %swap3A_1820 = vector.shape_cast %swap3A_1819 : vector<1x16xf32> to vector<16xf32>
        %swap3A_1821 = vector.shape_cast %mul3A_1814 : vector<16xf32> to vector<1x16xf32>
        tpu.vector_store %arg18[%swap3A_1817, %swap3A_1818], %swap3A_1821 {strides = array<i32>} : memref<128x128xf32, #tpu.memory_space<vmem>>, vector<1x16xf32>,
        %add3A_1822 = arith.constant 8 : i32
        %add3A_1823 = arith.addi %mul3A_885, %add3A_1822 : i32
        %get3A_1824 = arith.index_cast %add3A_1823 : i32 to index
        %get3A_1825 = arith.constant 16 : index
        %get3A_1826 = tpu.vector_load %arg18[%get3A_1824, %get3A_1825] {strides = array<i32>} : memref<128x128xf32, #tpu.memory_space<vmem>>, vector<1x16xf32>,
        %get3A_1827 = vector.shape_cast %get3A_1826 : vector<1x16xf32> to vector<16xf32>
        %mul3A_1828 = arith.mulf %get3A_1827, %gather3A_1807 : vector<16xf32>
        %add3A_1829 = arith.constant 8 : i32
        %add3A_1830 = arith.addi %mul3A_885, %add3A_1829 : i32
        %swap3A_1831 = arith.index_cast %add3A_1830 : i32 to index
        %swap3A_1832 = arith.constant 16 : index
        %swap3A_1833 = tpu.vector_load %arg18[%swap3A_1831, %swap3A_1832] {strides = array<i32>} : memref<128x128xf32, #tpu.memory_space<vmem>>, vector<1x16xf32>,
        %swap3A_1834 = vector.shape_cast %swap3A_1833 : vector<1x16xf32> to vector<16xf32>
        %swap3A_1835 = vector.shape_cast %mul3A_1828 : vector<16xf32> to vector<1x16xf32>
        tpu.vector_store %arg18[%swap3A_1831, %swap3A_1832], %swap3A_1835 {strides = array<i32>} : memref<128x128xf32, #tpu.memory_space<vmem>>, vector<1x16xf32>,
        %add3A_1836 = arith.constant 8 : i32
        %add3A_1837 = arith.addi %mul3A_885, %add3A_1836 : i32
        %get3A_1838 = arith.index_cast %add3A_1837 : i32 to index
        %get3A_1839 = arith.constant 32 : index
        %get3A_1840 = tpu.vector_load %arg18[%get3A_1838, %get3A_1839] {strides = array<i32>} : memref<128x128xf32, #tpu.memory_space<vmem>>, vector<1x16xf32>,
        %get3A_1841 = vector.shape_cast %get3A_1840 : vector<1x16xf32> to vector<16xf32>
        %mul3A_1842 = arith.mulf %get3A_1841, %gather3A_1807 : vector<16xf32>
        %add3A_1843 = arith.constant 8 : i32
        %add3A_1844 = arith.addi %mul3A_885, %add3A_1843 : i32
        %swap3A_1845 = arith.index_cast %add3A_1844 : i32 to index
        %swap3A_1846 = arith.constant 32 : index
        %swap3A_1847 = tpu.vector_load %arg18[%swap3A_1845, %swap3A_1846] {strides = array<i32>} : memref<128x128xf32, #tpu.memory_space<vmem>>, vector<1x16xf32>,
        %swap3A_1848 = vector.shape_cast %swap3A_1847 : vector<1x16xf32> to vector<16xf32>
        %swap3A_1849 = vector.shape_cast %mul3A_1842 : vector<16xf32> to vector<1x16xf32>
        tpu.vector_store %arg18[%swap3A_1845, %swap3A_1846], %swap3A_1849 {strides = array<i32>} : memref<128x128xf32, #tpu.memory_space<vmem>>, vector<1x16xf32>,
        %add3A_1850 = arith.constant 8 : i32
        %add3A_1851 = arith.addi %mul3A_885, %add3A_1850 : i32
        %get3A_1852 = arith.index_cast %add3A_1851 : i32 to index
        %get3A_1853 = arith.constant 48 : index
        %get3A_1854 = tpu.vector_load %arg18[%get3A_1852, %get3A_1853] {strides = array<i32>} : memref<128x128xf32, #tpu.memory_space<vmem>>, vector<1x16xf32>,
        %get3A_1855 = vector.shape_cast %get3A_1854 : vector<1x16xf32> to vector<16xf32>
        %mul3A_1856 = arith.mulf %get3A_1855, %gather3A_1807 : vector<16xf32>
        %add3A_1857 = arith.constant 8 : i32
        %add3A_1858 = arith.addi %mul3A_885, %add3A_1857 : i32
        %swap3A_1859 = arith.index_cast %add3A_1858 : i32 to index
        %swap3A_1860 = arith.constant 48 : index
        %swap3A_1861 = tpu.vector_load %arg18[%swap3A_1859, %swap3A_1860] {strides = array<i32>} : memref<128x128xf32, #tpu.memory_space<vmem>>, vector<1x16xf32>,
        %swap3A_1862 = vector.shape_cast %swap3A_1861 : vector<1x16xf32> to vector<16xf32>
        %swap3A_1863 = vector.shape_cast %mul3A_1856 : vector<16xf32> to vector<1x16xf32>
        tpu.vector_store %arg18[%swap3A_1859, %swap3A_1860], %swap3A_1863 {strides = array<i32>} : memref<128x128xf32, #tpu.memory_space<vmem>>, vector<1x16xf32>,
        %add3A_1864 = arith.constant 8 : i32
        %add3A_1865 = arith.addi %mul3A_885, %add3A_1864 : i32
        %get3A_1866 = arith.index_cast %add3A_1865 : i32 to index
        %get3A_1867 = arith.constant 64 : index
        %get3A_1868 = tpu.vector_load %arg18[%get3A_1866, %get3A_1867] {strides = array<i32>} : memref<128x128xf32, #tpu.memory_space<vmem>>, vector<1x16xf32>,
        %get3A_1869 = vector.shape_cast %get3A_1868 : vector<1x16xf32> to vector<16xf32>
        %mul3A_1870 = arith.mulf %get3A_1869, %gather3A_1807 : vector<16xf32>
        %add3A_1871 = arith.constant 8 : i32
        %add3A_1872 = arith.addi %mul3A_885, %add3A_1871 : i32
        %swap3A_1873 = arith.index_cast %add3A_1872 : i32 to index
        %swap3A_1874 = arith.constant 64 : index
        %swap3A_1875 = tpu.vector_load %arg18[%swap3A_1873, %swap3A_1874] {strides = array<i32>} : memref<128x128xf32, #tpu.memory_space<vmem>>, vector<1x16xf32>,
        %swap3A_1876 = vector.shape_cast %swap3A_1875 : vector<1x16xf32> to vector<16xf32>
        %swap3A_1877 = vector.shape_cast %mul3A_1870 : vector<16xf32> to vector<1x16xf32>
        tpu.vector_store %arg18[%swap3A_1873, %swap3A_1874], %swap3A_1877 {strides = array<i32>} : memref<128x128xf32, #tpu.memory_space<vmem>>, vector<1x16xf32>,
        %add3A_1878 = arith.constant 8 : i32
        %add3A_1879 = arith.addi %mul3A_885, %add3A_1878 : i32
        %get3A_1880 = arith.index_cast %add3A_1879 : i32 to index
        %get3A_1881 = arith.constant 80 : index
        %get3A_1882 = tpu.vector_load %arg18[%get3A_1880, %get3A_1881] {strides = array<i32>} : memref<128x128xf32, #tpu.memory_space<vmem>>, vector<1x16xf32>,
        %get3A_1883 = vector.shape_cast %get3A_1882 : vector<1x16xf32> to vector<16xf32>
        %mul3A_1884 = arith.mulf %get3A_1883, %gather3A_1807 : vector<16xf32>
        %add3A_1885 = arith.constant 8 : i32
        %add3A_1886 = arith.addi %mul3A_885, %add3A_1885 : i32
        %swap3A_1887 = arith.index_cast %add3A_1886 : i32 to index
        %swap3A_1888 = arith.constant 80 : index
        %swap3A_1889 = tpu.vector_load %arg18[%swap3A_1887, %swap3A_1888] {strides = array<i32>} : memref<128x128xf32, #tpu.memory_space<vmem>>, vector<1x16xf32>,
        %swap3A_1890 = vector.shape_cast %swap3A_1889 : vector<1x16xf32> to vector<16xf32>
        %swap3A_1891 = vector.shape_cast %mul3A_1884 : vector<16xf32> to vector<1x16xf32>
        tpu.vector_store %arg18[%swap3A_1887, %swap3A_1888], %swap3A_1891 {strides = array<i32>} : memref<128x128xf32, #tpu.memory_space<vmem>>, vector<1x16xf32>,
        %add3A_1892 = arith.constant 8 : i32
        %add3A_1893 = arith.addi %mul3A_885, %add3A_1892 : i32
        %get3A_1894 = arith.index_cast %add3A_1893 : i32 to index
        %get3A_1895 = arith.constant 96 : index
        %get3A_1896 = tpu.vector_load %arg18[%get3A_1894, %get3A_1895] {strides = array<i32>} : memref<128x128xf32, #tpu.memory_space<vmem>>, vector<1x16xf32>,
        %get3A_1897 = vector.shape_cast %get3A_1896 : vector<1x16xf32> to vector<16xf32>
        %mul3A_1898 = arith.mulf %get3A_1897, %gather3A_1807 : vector<16xf32>
        %add3A_1899 = arith.constant 8 : i32
        %add3A_1900 = arith.addi %mul3A_885, %add3A_1899 : i32
        %swap3A_1901 = arith.index_cast %add3A_1900 : i32 to index
        %swap3A_1902 = arith.constant 96 : index
        %swap3A_1903 = tpu.vector_load %arg18[%swap3A_1901, %swap3A_1902] {strides = array<i32>} : memref<128x128xf32, #tpu.memory_space<vmem>>, vector<1x16xf32>,
        %swap3A_1904 = vector.shape_cast %swap3A_1903 : vector<1x16xf32> to vector<16xf32>
        %swap3A_1905 = vector.shape_cast %mul3A_1898 : vector<16xf32> to vector<1x16xf32>
        tpu.vector_store %arg18[%swap3A_1901, %swap3A_1902], %swap3A_1905 {strides = array<i32>} : memref<128x128xf32, #tpu.memory_space<vmem>>, vector<1x16xf32>,
        %add3A_1906 = arith.constant 8 : i32
        %add3A_1907 = arith.addi %mul3A_885, %add3A_1906 : i32
        %get3A_1908 = arith.index_cast %add3A_1907 : i32 to index
        %get3A_1909 = arith.constant 112 : index
        %get3A_1910 = tpu.vector_load %arg18[%get3A_1908, %get3A_1909] {strides = array<i32>} : memref<128x128xf32, #tpu.memory_space<vmem>>, vector<1x16xf32>,
        %get3A_1911 = vector.shape_cast %get3A_1910 : vector<1x16xf32> to vector<16xf32>
        %mul3A_1912 = arith.mulf %get3A_1911, %gather3A_1807 : vector<16xf32>
        %add3A_1913 = arith.constant 8 : i32
        %add3A_1914 = arith.addi %mul3A_885, %add3A_1913 : i32
        %swap3A_1915 = arith.index_cast %add3A_1914 : i32 to index
        %swap3A_1916 = arith.constant 112 : index
        %swap3A_1917 = tpu.vector_load %arg18[%swap3A_1915, %swap3A_1916] {strides = array<i32>} : memref<128x128xf32, #tpu.memory_space<vmem>>, vector<1x16xf32>,
        %swap3A_1918 = vector.shape_cast %swap3A_1917 : vector<1x16xf32> to vector<16xf32>
        %swap3A_1919 = vector.shape_cast %mul3A_1912 : vector<16xf32> to vector<1x16xf32>
        tpu.vector_store %arg18[%swap3A_1915, %swap3A_1916], %swap3A_1919 {strides = array<i32>} : memref<128x128xf32, #tpu.memory_space<vmem>>, vector<1x16xf32>,
        %broadcast_in_dim3A_1920 = vector.shape_cast %broadcast_in_dim3A_48 : vector<16xi32> to vector<16x1xi32>
        %gather3A_1921 = vector.shape_cast %broadcast_in_dim3A_1920 : vector<16x1xi32> to vector<16xi32>
        %gather3A_1922 = tpu.dynamic_gather %get3A_883[%gather3A_1921] in [0] : vector<16xf32>, vector<16xi32> -> vector<16xf32>
        %add3A_1923 = arith.constant 9 : i32
        %add3A_1924 = arith.addi %mul3A_885, %add3A_1923 : i32
        %get3A_1925 = arith.index_cast %add3A_1924 : i32 to index
        %get3A_1926 = arith.constant 0 : index
        %get3A_1927 = tpu.vector_load %arg18[%get3A_1925, %get3A_1926] {strides = array<i32>} : memref<128x128xf32, #tpu.memory_space<vmem>>, vector<1x16xf32>,
        %get3A_1928 = vector.shape_cast %get3A_1927 : vector<1x16xf32> to vector<16xf32>
        %mul3A_1929 = arith.mulf %get3A_1928, %gather3A_1922 : vector<16xf32>
        %add3A_1930 = arith.constant 9 : i32
        %add3A_1931 = arith.addi %mul3A_885, %add3A_1930 : i32
        %swap3A_1932 = arith.index_cast %add3A_1931 : i32 to index
        %swap3A_1933 = arith.constant 0 : index
        %swap3A_1934 = tpu.vector_load %arg18[%swap3A_1932, %swap3A_1933] {strides = array<i32>} : memref<128x128xf32, #tpu.memory_space<vmem>>, vector<1x16xf32>,
        %swap3A_1935 = vector.shape_cast %swap3A_1934 : vector<1x16xf32> to vector<16xf32>
        %swap3A_1936 = vector.shape_cast %mul3A_1929 : vector<16xf32> to vector<1x16xf32>
        tpu.vector_store %arg18[%swap3A_1932, %swap3A_1933], %swap3A_1936 {strides = array<i32>} : memref<128x128xf32, #tpu.memory_space<vmem>>, vector<1x16xf32>,
        %add3A_1937 = arith.constant 9 : i32
        %add3A_1938 = arith.addi %mul3A_885, %add3A_1937 : i32
        %get3A_1939 = arith.index_cast %add3A_1938 : i32 to index
        %get3A_1940 = arith.constant 16 : index
        %get3A_1941 = tpu.vector_load %arg18[%get3A_1939, %get3A_1940] {strides = array<i32>} : memref<128x128xf32, #tpu.memory_space<vmem>>, vector<1x16xf32>,
        %get3A_1942 = vector.shape_cast %get3A_1941 : vector<1x16xf32> to vector<16xf32>
        %mul3A_1943 = arith.mulf %get3A_1942, %gather3A_1922 : vector<16xf32>
        %add3A_1944 = arith.constant 9 : i32
        %add3A_1945 = arith.addi %mul3A_885, %add3A_1944 : i32
        %swap3A_1946 = arith.index_cast %add3A_1945 : i32 to index
        %swap3A_1947 = arith.constant 16 : index
        %swap3A_1948 = tpu.vector_load %arg18[%swap3A_1946, %swap3A_1947] {strides = array<i32>} : memref<128x128xf32, #tpu.memory_space<vmem>>, vector<1x16xf32>,
        %swap3A_1949 = vector.shape_cast %swap3A_1948 : vector<1x16xf32> to vector<16xf32>
        %swap3A_1950 = vector.shape_cast %mul3A_1943 : vector<16xf32> to vector<1x16xf32>
        tpu.vector_store %arg18[%swap3A_1946, %swap3A_1947], %swap3A_1950 {strides = array<i32>} : memref<128x128xf32, #tpu.memory_space<vmem>>, vector<1x16xf32>,
        %add3A_1951 = arith.constant 9 : i32
        %add3A_1952 = arith.addi %mul3A_885, %add3A_1951 : i32
        %get3A_1953 = arith.index_cast %add3A_1952 : i32 to index
        %get3A_1954 = arith.constant 32 : index
        %get3A_1955 = tpu.vector_load %arg18[%get3A_1953, %get3A_1954] {strides = array<i32>} : memref<128x128xf32, #tpu.memory_space<vmem>>, vector<1x16xf32>,
        %get3A_1956 = vector.shape_cast %get3A_1955 : vector<1x16xf32> to vector<16xf32>
        %mul3A_1957 = arith.mulf %get3A_1956, %gather3A_1922 : vector<16xf32>
        %add3A_1958 = arith.constant 9 : i32
        %add3A_1959 = arith.addi %mul3A_885, %add3A_1958 : i32
        %swap3A_1960 = arith.index_cast %add3A_1959 : i32 to index
        %swap3A_1961 = arith.constant 32 : index
        %swap3A_1962 = tpu.vector_load %arg18[%swap3A_1960, %swap3A_1961] {strides = array<i32>} : memref<128x128xf32, #tpu.memory_space<vmem>>, vector<1x16xf32>,
        %swap3A_1963 = vector.shape_cast %swap3A_1962 : vector<1x16xf32> to vector<16xf32>
        %swap3A_1964 = vector.shape_cast %mul3A_1957 : vector<16xf32> to vector<1x16xf32>
        tpu.vector_store %arg18[%swap3A_1960, %swap3A_1961], %swap3A_1964 {strides = array<i32>} : memref<128x128xf32, #tpu.memory_space<vmem>>, vector<1x16xf32>,
        %add3A_1965 = arith.constant 9 : i32
        %add3A_1966 = arith.addi %mul3A_885, %add3A_1965 : i32
        %get3A_1967 = arith.index_cast %add3A_1966 : i32 to index
        %get3A_1968 = arith.constant 48 : index
        %get3A_1969 = tpu.vector_load %arg18[%get3A_1967, %get3A_1968] {strides = array<i32>} : memref<128x128xf32, #tpu.memory_space<vmem>>, vector<1x16xf32>,
        %get3A_1970 = vector.shape_cast %get3A_1969 : vector<1x16xf32> to vector<16xf32>
        %mul3A_1971 = arith.mulf %get3A_1970, %gather3A_1922 : vector<16xf32>
        %add3A_1972 = arith.constant 9 : i32
        %add3A_1973 = arith.addi %mul3A_885, %add3A_1972 : i32
        %swap3A_1974 = arith.index_cast %add3A_1973 : i32 to index
        %swap3A_1975 = arith.constant 48 : index
        %swap3A_1976 = tpu.vector_load %arg18[%swap3A_1974, %swap3A_1975] {strides = array<i32>} : memref<128x128xf32, #tpu.memory_space<vmem>>, vector<1x16xf32>,
        %swap3A_1977 = vector.shape_cast %swap3A_1976 : vector<1x16xf32> to vector<16xf32>
        %swap3A_1978 = vector.shape_cast %mul3A_1971 : vector<16xf32> to vector<1x16xf32>
        tpu.vector_store %arg18[%swap3A_1974, %swap3A_1975], %swap3A_1978 {strides = array<i32>} : memref<128x128xf32, #tpu.memory_space<vmem>>, vector<1x16xf32>,
        %add3A_1979 = arith.constant 9 : i32
        %add3A_1980 = arith.addi %mul3A_885, %add3A_1979 : i32
        %get3A_1981 = arith.index_cast %add3A_1980 : i32 to index
        %get3A_1982 = arith.constant 64 : index
        %get3A_1983 = tpu.vector_load %arg18[%get3A_1981, %get3A_1982] {strides = array<i32>} : memref<128x128xf32, #tpu.memory_space<vmem>>, vector<1x16xf32>,
        %get3A_1984 = vector.shape_cast %get3A_1983 : vector<1x16xf32> to vector<16xf32>
        %mul3A_1985 = arith.mulf %get3A_1984, %gather3A_1922 : vector<16xf32>
        %add3A_1986 = arith.constant 9 : i32
        %add3A_1987 = arith.addi %mul3A_885, %add3A_1986 : i32
        %swap3A_1988 = arith.index_cast %add3A_1987 : i32 to index
        %swap3A_1989 = arith.constant 64 : index
        %swap3A_1990 = tpu.vector_load %arg18[%swap3A_1988, %swap3A_1989] {strides = array<i32>} : memref<128x128xf32, #tpu.memory_space<vmem>>, vector<1x16xf32>,
        %swap3A_1991 = vector.shape_cast %swap3A_1990 : vector<1x16xf32> to vector<16xf32>
        %swap3A_1992 = vector.shape_cast %mul3A_1985 : vector<16xf32> to vector<1x16xf32>
        tpu.vector_store %arg18[%swap3A_1988, %swap3A_1989], %swap3A_1992 {strides = array<i32>} : memref<128x128xf32, #tpu.memory_space<vmem>>, vector<1x16xf32>,
        %add3A_1993 = arith.constant 9 : i32
        %add3A_1994 = arith.addi %mul3A_885, %add3A_1993 : i32
        %get3A_1995 = arith.index_cast %add3A_1994 : i32 to index
        %get3A_1996 = arith.constant 80 : index
        %get3A_1997 = tpu.vector_load %arg18[%get3A_1995, %get3A_1996] {strides = array<i32>} : memref<128x128xf32, #tpu.memory_space<vmem>>, vector<1x16xf32>,
        %get3A_1998 = vector.shape_cast %get3A_1997 : vector<1x16xf32> to vector<16xf32>
        %mul3A_1999 = arith.mulf %get3A_1998, %gather3A_1922 : vector<16xf32>
        %add3A_2000 = arith.constant 9 : i32
        %add3A_2001 = arith.addi %mul3A_885, %add3A_2000 : i32
        %swap3A_2002 = arith.index_cast %add3A_2001 : i32 to index
        %swap3A_2003 = arith.constant 80 : index
        %swap3A_2004 = tpu.vector_load %arg18[%swap3A_2002, %swap3A_2003] {strides = array<i32>} : memref<128x128xf32, #tpu.memory_space<vmem>>, vector<1x16xf32>,
        %swap3A_2005 = vector.shape_cast %swap3A_2004 : vector<1x16xf32> to vector<16xf32>
        %swap3A_2006 = vector.shape_cast %mul3A_1999 : vector<16xf32> to vector<1x16xf32>
        tpu.vector_store %arg18[%swap3A_2002, %swap3A_2003], %swap3A_2006 {strides = array<i32>} : memref<128x128xf32, #tpu.memory_space<vmem>>, vector<1x16xf32>,
        %add3A_2007 = arith.constant 9 : i32
        %add3A_2008 = arith.addi %mul3A_885, %add3A_2007 : i32
        %get3A_2009 = arith.index_cast %add3A_2008 : i32 to index
        %get3A_2010 = arith.constant 96 : index
        %get3A_2011 = tpu.vector_load %arg18[%get3A_2009, %get3A_2010] {strides = array<i32>} : memref<128x128xf32, #tpu.memory_space<vmem>>, vector<1x16xf32>,
        %get3A_2012 = vector.shape_cast %get3A_2011 : vector<1x16xf32> to vector<16xf32>
        %mul3A_2013 = arith.mulf %get3A_2012, %gather3A_1922 : vector<16xf32>
        %add3A_2014 = arith.constant 9 : i32
        %add3A_2015 = arith.addi %mul3A_885, %add3A_2014 : i32
        %swap3A_2016 = arith.index_cast %add3A_2015 : i32 to index
        %swap3A_2017 = arith.constant 96 : index
        %swap3A_2018 = tpu.vector_load %arg18[%swap3A_2016, %swap3A_2017] {strides = array<i32>} : memref<128x128xf32, #tpu.memory_space<vmem>>, vector<1x16xf32>,
        %swap3A_2019 = vector.shape_cast %swap3A_2018 : vector<1x16xf32> to vector<16xf32>
        %swap3A_2020 = vector.shape_cast %mul3A_2013 : vector<16xf32> to vector<1x16xf32>
        tpu.vector_store %arg18[%swap3A_2016, %swap3A_2017], %swap3A_2020 {strides = array<i32>} : memref<128x128xf32, #tpu.memory_space<vmem>>, vector<1x16xf32>,
        %add3A_2021 = arith.constant 9 : i32
        %add3A_2022 = arith.addi %mul3A_885, %add3A_2021 : i32
        %get3A_2023 = arith.index_cast %add3A_2022 : i32 to index
        %get3A_2024 = arith.constant 112 : index
        %get3A_2025 = tpu.vector_load %arg18[%get3A_2023, %get3A_2024] {strides = array<i32>} : memref<128x128xf32, #tpu.memory_space<vmem>>, vector<1x16xf32>,
        %get3A_2026 = vector.shape_cast %get3A_2025 : vector<1x16xf32> to vector<16xf32>
        %mul3A_2027 = arith.mulf %get3A_2026, %gather3A_1922 : vector<16xf32>
        %add3A_2028 = arith.constant 9 : i32
        %add3A_2029 = arith.addi %mul3A_885, %add3A_2028 : i32
        %swap3A_2030 = arith.index_cast %add3A_2029 : i32 to index
        %swap3A_2031 = arith.constant 112 : index
        %swap3A_2032 = tpu.vector_load %arg18[%swap3A_2030, %swap3A_2031] {strides = array<i32>} : memref<128x128xf32, #tpu.memory_space<vmem>>, vector<1x16xf32>,
        %swap3A_2033 = vector.shape_cast %swap3A_2032 : vector<1x16xf32> to vector<16xf32>
        %swap3A_2034 = vector.shape_cast %mul3A_2027 : vector<16xf32> to vector<1x16xf32>
        tpu.vector_store %arg18[%swap3A_2030, %swap3A_2031], %swap3A_2034 {strides = array<i32>} : memref<128x128xf32, #tpu.memory_space<vmem>>, vector<1x16xf32>,
        %broadcast_in_dim3A_2035 = vector.shape_cast %broadcast_in_dim3A_50 : vector<16xi32> to vector<16x1xi32>
        %gather3A_2036 = vector.shape_cast %broadcast_in_dim3A_2035 : vector<16x1xi32> to vector<16xi32>
        %gather3A_2037 = tpu.dynamic_gather %get3A_883[%gather3A_2036] in [0] : vector<16xf32>, vector<16xi32> -> vector<16xf32>
        %add3A_2038 = arith.constant 10 : i32
        %add3A_2039 = arith.addi %mul3A_885, %add3A_2038 : i32
        %get3A_2040 = arith.index_cast %add3A_2039 : i32 to index
        %get3A_2041 = arith.constant 0 : index
        %get3A_2042 = tpu.vector_load %arg18[%get3A_2040, %get3A_2041] {strides = array<i32>} : memref<128x128xf32, #tpu.memory_space<vmem>>, vector<1x16xf32>,
        %get3A_2043 = vector.shape_cast %get3A_2042 : vector<1x16xf32> to vector<16xf32>
        %mul3A_2044 = arith.mulf %get3A_2043, %gather3A_2037 : vector<16xf32>
        %add3A_2045 = arith.constant 10 : i32
        %add3A_2046 = arith.addi %mul3A_885, %add3A_2045 : i32
        %swap3A_2047 = arith.index_cast %add3A_2046 : i32 to index
        %swap3A_2048 = arith.constant 0 : index
        %swap3A_2049 = tpu.vector_load %arg18[%swap3A_2047, %swap3A_2048] {strides = array<i32>} : memref<128x128xf32, #tpu.memory_space<vmem>>, vector<1x16xf32>,
        %swap3A_2050 = vector.shape_cast %swap3A_2049 : vector<1x16xf32> to vector<16xf32>
        %swap3A_2051 = vector.shape_cast %mul3A_2044 : vector<16xf32> to vector<1x16xf32>
        tpu.vector_store %arg18[%swap3A_2047, %swap3A_2048], %swap3A_2051 {strides = array<i32>} : memref<128x128xf32, #tpu.memory_space<vmem>>, vector<1x16xf32>,
        %add3A_2052 = arith.constant 10 : i32
        %add3A_2053 = arith.addi %mul3A_885, %add3A_2052 : i32
        %get3A_2054 = arith.index_cast %add3A_2053 : i32 to index
        %get3A_2055 = arith.constant 16 : index
        %get3A_2056 = tpu.vector_load %arg18[%get3A_2054, %get3A_2055] {strides = array<i32>} : memref<128x128xf32, #tpu.memory_space<vmem>>, vector<1x16xf32>,
        %get3A_2057 = vector.shape_cast %get3A_2056 : vector<1x16xf32> to vector<16xf32>
        %mul3A_2058 = arith.mulf %get3A_2057, %gather3A_2037 : vector<16xf32>
        %add3A_2059 = arith.constant 10 : i32
        %add3A_2060 = arith.addi %mul3A_885, %add3A_2059 : i32
        %swap3A_2061 = arith.index_cast %add3A_2060 : i32 to index
        %swap3A_2062 = arith.constant 16 : index
        %swap3A_2063 = tpu.vector_load %arg18[%swap3A_2061, %swap3A_2062] {strides = array<i32>} : memref<128x128xf32, #tpu.memory_space<vmem>>, vector<1x16xf32>,
        %swap3A_2064 = vector.shape_cast %swap3A_2063 : vector<1x16xf32> to vector<16xf32>
        %swap3A_2065 = vector.shape_cast %mul3A_2058 : vector<16xf32> to vector<1x16xf32>
        tpu.vector_store %arg18[%swap3A_2061, %swap3A_2062], %swap3A_2065 {strides = array<i32>} : memref<128x128xf32, #tpu.memory_space<vmem>>, vector<1x16xf32>,
        %add3A_2066 = arith.constant 10 : i32
        %add3A_2067 = arith.addi %mul3A_885, %add3A_2066 : i32
        %get3A_2068 = arith.index_cast %add3A_2067 : i32 to index
        %get3A_2069 = arith.constant 32 : index
        %get3A_2070 = tpu.vector_load %arg18[%get3A_2068, %get3A_2069] {strides = array<i32>} : memref<128x128xf32, #tpu.memory_space<vmem>>, vector<1x16xf32>,
        %get3A_2071 = vector.shape_cast %get3A_2070 : vector<1x16xf32> to vector<16xf32>
        %mul3A_2072 = arith.mulf %get3A_2071, %gather3A_2037 : vector<16xf32>
        %add3A_2073 = arith.constant 10 : i32
        %add3A_2074 = arith.addi %mul3A_885, %add3A_2073 : i32
        %swap3A_2075 = arith.index_cast %add3A_2074 : i32 to index
        %swap3A_2076 = arith.constant 32 : index
        %swap3A_2077 = tpu.vector_load %arg18[%swap3A_2075, %swap3A_2076] {strides = array<i32>} : memref<128x128xf32, #tpu.memory_space<vmem>>, vector<1x16xf32>,
        %swap3A_2078 = vector.shape_cast %swap3A_2077 : vector<1x16xf32> to vector<16xf32>
        %swap3A_2079 = vector.shape_cast %mul3A_2072 : vector<16xf32> to vector<1x16xf32>
        tpu.vector_store %arg18[%swap3A_2075, %swap3A_2076], %swap3A_2079 {strides = array<i32>} : memref<128x128xf32, #tpu.memory_space<vmem>>, vector<1x16xf32>,
        %add3A_2080 = arith.constant 10 : i32
        %add3A_2081 = arith.addi %mul3A_885, %add3A_2080 : i32
        %get3A_2082 = arith.index_cast %add3A_2081 : i32 to index
        %get3A_2083 = arith.constant 48 : index
        %get3A_2084 = tpu.vector_load %arg18[%get3A_2082, %get3A_2083] {strides = array<i32>} : memref<128x128xf32, #tpu.memory_space<vmem>>, vector<1x16xf32>,
        %get3A_2085 = vector.shape_cast %get3A_2084 : vector<1x16xf32> to vector<16xf32>
        %mul3A_2086 = arith.mulf %get3A_2085, %gather3A_2037 : vector<16xf32>
        %add3A_2087 = arith.constant 10 : i32
        %add3A_2088 = arith.addi %mul3A_885, %add3A_2087 : i32
        %swap3A_2089 = arith.index_cast %add3A_2088 : i32 to index
        %swap3A_2090 = arith.constant 48 : index
        %swap3A_2091 = tpu.vector_load %arg18[%swap3A_2089, %swap3A_2090] {strides = array<i32>} : memref<128x128xf32, #tpu.memory_space<vmem>>, vector<1x16xf32>,
        %swap3A_2092 = vector.shape_cast %swap3A_2091 : vector<1x16xf32> to vector<16xf32>
        %swap3A_2093 = vector.shape_cast %mul3A_2086 : vector<16xf32> to vector<1x16xf32>
        tpu.vector_store %arg18[%swap3A_2089, %swap3A_2090], %swap3A_2093 {strides = array<i32>} : memref<128x128xf32, #tpu.memory_space<vmem>>, vector<1x16xf32>,
        %add3A_2094 = arith.constant 10 : i32
        %add3A_2095 = arith.addi %mul3A_885, %add3A_2094 : i32
        %get3A_2096 = arith.index_cast %add3A_2095 : i32 to index
        %get3A_2097 = arith.constant 64 : index
        %get3A_2098 = tpu.vector_load %arg18[%get3A_2096, %get3A_2097] {strides = array<i32>} : memref<128x128xf32, #tpu.memory_space<vmem>>, vector<1x16xf32>,
        %get3A_2099 = vector.shape_cast %get3A_2098 : vector<1x16xf32> to vector<16xf32>
        %mul3A_2100 = arith.mulf %get3A_2099, %gather3A_2037 : vector<16xf32>
        %add3A_2101 = arith.constant 10 : i32
        %add3A_2102 = arith.addi %mul3A_885, %add3A_2101 : i32
        %swap3A_2103 = arith.index_cast %add3A_2102 : i32 to index
        %swap3A_2104 = arith.constant 64 : index
        %swap3A_2105 = tpu.vector_load %arg18[%swap3A_2103, %swap3A_2104] {strides = array<i32>} : memref<128x128xf32, #tpu.memory_space<vmem>>, vector<1x16xf32>,
        %swap3A_2106 = vector.shape_cast %swap3A_2105 : vector<1x16xf32> to vector<16xf32>
        %swap3A_2107 = vector.shape_cast %mul3A_2100 : vector<16xf32> to vector<1x16xf32>
        tpu.vector_store %arg18[%swap3A_2103, %swap3A_2104], %swap3A_2107 {strides = array<i32>} : memref<128x128xf32, #tpu.memory_space<vmem>>, vector<1x16xf32>,
        %add3A_2108 = arith.constant 10 : i32
        %add3A_2109 = arith.addi %mul3A_885, %add3A_2108 : i32
        %get3A_2110 = arith.index_cast %add3A_2109 : i32 to index
        %get3A_2111 = arith.constant 80 : index
        %get3A_2112 = tpu.vector_load %arg18[%get3A_2110, %get3A_2111] {strides = array<i32>} : memref<128x128xf32, #tpu.memory_space<vmem>>, vector<1x16xf32>,
        %get3A_2113 = vector.shape_cast %get3A_2112 : vector<1x16xf32> to vector<16xf32>
        %mul3A_2114 = arith.mulf %get3A_2113, %gather3A_2037 : vector<16xf32>
        %add3A_2115 = arith.constant 10 : i32
        %add3A_2116 = arith.addi %mul3A_885, %add3A_2115 : i32
        %swap3A_2117 = arith.index_cast %add3A_2116 : i32 to index
        %swap3A_2118 = arith.constant 80 : index
        %swap3A_2119 = tpu.vector_load %arg18[%swap3A_2117, %swap3A_2118] {strides = array<i32>} : memref<128x128xf32, #tpu.memory_space<vmem>>, vector<1x16xf32>,
        %swap3A_2120 = vector.shape_cast %swap3A_2119 : vector<1x16xf32> to vector<16xf32>
        %swap3A_2121 = vector.shape_cast %mul3A_2114 : vector<16xf32> to vector<1x16xf32>
        tpu.vector_store %arg18[%swap3A_2117, %swap3A_2118], %swap3A_2121 {strides = array<i32>} : memref<128x128xf32, #tpu.memory_space<vmem>>, vector<1x16xf32>,
        %add3A_2122 = arith.constant 10 : i32
        %add3A_2123 = arith.addi %mul3A_885, %add3A_2122 : i32
        %get3A_2124 = arith.index_cast %add3A_2123 : i32 to index
        %get3A_2125 = arith.constant 96 : index
        %get3A_2126 = tpu.vector_load %arg18[%get3A_2124, %get3A_2125] {strides = array<i32>} : memref<128x128xf32, #tpu.memory_space<vmem>>, vector<1x16xf32>,
        %get3A_2127 = vector.shape_cast %get3A_2126 : vector<1x16xf32> to vector<16xf32>
        %mul3A_2128 = arith.mulf %get3A_2127, %gather3A_2037 : vector<16xf32>
        %add3A_2129 = arith.constant 10 : i32
        %add3A_2130 = arith.addi %mul3A_885, %add3A_2129 : i32
        %swap3A_2131 = arith.index_cast %add3A_2130 : i32 to index
        %swap3A_2132 = arith.constant 96 : index
        %swap3A_2133 = tpu.vector_load %arg18[%swap3A_2131, %swap3A_2132] {strides = array<i32>} : memref<128x128xf32, #tpu.memory_space<vmem>>, vector<1x16xf32>,
        %swap3A_2134 = vector.shape_cast %swap3A_2133 : vector<1x16xf32> to vector<16xf32>
        %swap3A_2135 = vector.shape_cast %mul3A_2128 : vector<16xf32> to vector<1x16xf32>
        tpu.vector_store %arg18[%swap3A_2131, %swap3A_2132], %swap3A_2135 {strides = array<i32>} : memref<128x128xf32, #tpu.memory_space<vmem>>, vector<1x16xf32>,
        %add3A_2136 = arith.constant 10 : i32
        %add3A_2137 = arith.addi %mul3A_885, %add3A_2136 : i32
        %get3A_2138 = arith.index_cast %add3A_2137 : i32 to index
        %get3A_2139 = arith.constant 112 : index
        %get3A_2140 = tpu.vector_load %arg18[%get3A_2138, %get3A_2139] {strides = array<i32>} : memref<128x128xf32, #tpu.memory_space<vmem>>, vector<1x16xf32>,
        %get3A_2141 = vector.shape_cast %get3A_2140 : vector<1x16xf32> to vector<16xf32>
        %mul3A_2142 = arith.mulf %get3A_2141, %gather3A_2037 : vector<16xf32>
        %add3A_2143 = arith.constant 10 : i32
        %add3A_2144 = arith.addi %mul3A_885, %add3A_2143 : i32
        %swap3A_2145 = arith.index_cast %add3A_2144 : i32 to index
        %swap3A_2146 = arith.constant 112 : index
        %swap3A_2147 = tpu.vector_load %arg18[%swap3A_2145, %swap3A_2146] {strides = array<i32>} : memref<128x128xf32, #tpu.memory_space<vmem>>, vector<1x16xf32>,
        %swap3A_2148 = vector.shape_cast %swap3A_2147 : vector<1x16xf32> to vector<16xf32>
        %swap3A_2149 = vector.shape_cast %mul3A_2142 : vector<16xf32> to vector<1x16xf32>
        tpu.vector_store %arg18[%swap3A_2145, %swap3A_2146], %swap3A_2149 {strides = array<i32>} : memref<128x128xf32, #tpu.memory_space<vmem>>, vector<1x16xf32>,
        %broadcast_in_dim3A_2150 = vector.shape_cast %broadcast_in_dim3A_52 : vector<16xi32> to vector<16x1xi32>
        %gather3A_2151 = vector.shape_cast %broadcast_in_dim3A_2150 : vector<16x1xi32> to vector<16xi32>
        %gather3A_2152 = tpu.dynamic_gather %get3A_883[%gather3A_2151] in [0] : vector<16xf32>, vector<16xi32> -> vector<16xf32>
        %add3A_2153 = arith.constant 11 : i32
        %add3A_2154 = arith.addi %mul3A_885, %add3A_2153 : i32
        %get3A_2155 = arith.index_cast %add3A_2154 : i32 to index
        %get3A_2156 = arith.constant 0 : index
        %get3A_2157 = tpu.vector_load %arg18[%get3A_2155, %get3A_2156] {strides = array<i32>} : memref<128x128xf32, #tpu.memory_space<vmem>>, vector<1x16xf32>,
        %get3A_2158 = vector.shape_cast %get3A_2157 : vector<1x16xf32> to vector<16xf32>
        %mul3A_2159 = arith.mulf %get3A_2158, %gather3A_2152 : vector<16xf32>
        %add3A_2160 = arith.constant 11 : i32
        %add3A_2161 = arith.addi %mul3A_885, %add3A_2160 : i32
        %swap3A_2162 = arith.index_cast %add3A_2161 : i32 to index
        %swap3A_2163 = arith.constant 0 : index
        %swap3A_2164 = tpu.vector_load %arg18[%swap3A_2162, %swap3A_2163] {strides = array<i32>} : memref<128x128xf32, #tpu.memory_space<vmem>>, vector<1x16xf32>,
        %swap3A_2165 = vector.shape_cast %swap3A_2164 : vector<1x16xf32> to vector<16xf32>
        %swap3A_2166 = vector.shape_cast %mul3A_2159 : vector<16xf32> to vector<1x16xf32>
        tpu.vector_store %arg18[%swap3A_2162, %swap3A_2163], %swap3A_2166 {strides = array<i32>} : memref<128x128xf32, #tpu.memory_space<vmem>>, vector<1x16xf32>,
        %add3A_2167 = arith.constant 11 : i32
        %add3A_2168 = arith.addi %mul3A_885, %add3A_2167 : i32
        %get3A_2169 = arith.index_cast %add3A_2168 : i32 to index
        %get3A_2170 = arith.constant 16 : index
        %get3A_2171 = tpu.vector_load %arg18[%get3A_2169, %get3A_2170] {strides = array<i32>} : memref<128x128xf32, #tpu.memory_space<vmem>>, vector<1x16xf32>,
        %get3A_2172 = vector.shape_cast %get3A_2171 : vector<1x16xf32> to vector<16xf32>
        %mul3A_2173 = arith.mulf %get3A_2172, %gather3A_2152 : vector<16xf32>
        %add3A_2174 = arith.constant 11 : i32
        %add3A_2175 = arith.addi %mul3A_885, %add3A_2174 : i32
        %swap3A_2176 = arith.index_cast %add3A_2175 : i32 to index
        %swap3A_2177 = arith.constant 16 : index
        %swap3A_2178 = tpu.vector_load %arg18[%swap3A_2176, %swap3A_2177] {strides = array<i32>} : memref<128x128xf32, #tpu.memory_space<vmem>>, vector<1x16xf32>,
        %swap3A_2179 = vector.shape_cast %swap3A_2178 : vector<1x16xf32> to vector<16xf32>
        %swap3A_2180 = vector.shape_cast %mul3A_2173 : vector<16xf32> to vector<1x16xf32>
        tpu.vector_store %arg18[%swap3A_2176, %swap3A_2177], %swap3A_2180 {strides = array<i32>} : memref<128x128xf32, #tpu.memory_space<vmem>>, vector<1x16xf32>,
        %add3A_2181 = arith.constant 11 : i32
        %add3A_2182 = arith.addi %mul3A_885, %add3A_2181 : i32
        %get3A_2183 = arith.index_cast %add3A_2182 : i32 to index
        %get3A_2184 = arith.constant 32 : index
        %get3A_2185 = tpu.vector_load %arg18[%get3A_2183, %get3A_2184] {strides = array<i32>} : memref<128x128xf32, #tpu.memory_space<vmem>>, vector<1x16xf32>,
        %get3A_2186 = vector.shape_cast %get3A_2185 : vector<1x16xf32> to vector<16xf32>
        %mul3A_2187 = arith.mulf %get3A_2186, %gather3A_2152 : vector<16xf32>
        %add3A_2188 = arith.constant 11 : i32
        %add3A_2189 = arith.addi %mul3A_885, %add3A_2188 : i32
        %swap3A_2190 = arith.index_cast %add3A_2189 : i32 to index
        %swap3A_2191 = arith.constant 32 : index
        %swap3A_2192 = tpu.vector_load %arg18[%swap3A_2190, %swap3A_2191] {strides = array<i32>} : memref<128x128xf32, #tpu.memory_space<vmem>>, vector<1x16xf32>,
        %swap3A_2193 = vector.shape_cast %swap3A_2192 : vector<1x16xf32> to vector<16xf32>
        %swap3A_2194 = vector.shape_cast %mul3A_2187 : vector<16xf32> to vector<1x16xf32>
        tpu.vector_store %arg18[%swap3A_2190, %swap3A_2191], %swap3A_2194 {strides = array<i32>} : memref<128x128xf32, #tpu.memory_space<vmem>>, vector<1x16xf32>,
        %add3A_2195 = arith.constant 11 : i32
        %add3A_2196 = arith.addi %mul3A_885, %add3A_2195 : i32
        %get3A_2197 = arith.index_cast %add3A_2196 : i32 to index
        %get3A_2198 = arith.constant 48 : index
        %get3A_2199 = tpu.vector_load %arg18[%get3A_2197, %get3A_2198] {strides = array<i32>} : memref<128x128xf32, #tpu.memory_space<vmem>>, vector<1x16xf32>,
        %get3A_2200 = vector.shape_cast %get3A_2199 : vector<1x16xf32> to vector<16xf32>
        %mul3A_2201 = arith.mulf %get3A_2200, %gather3A_2152 : vector<16xf32>
        %add3A_2202 = arith.constant 11 : i32
        %add3A_2203 = arith.addi %mul3A_885, %add3A_2202 : i32
        %swap3A_2204 = arith.index_cast %add3A_2203 : i32 to index
        %swap3A_2205 = arith.constant 48 : index
        %swap3A_2206 = tpu.vector_load %arg18[%swap3A_2204, %swap3A_2205] {strides = array<i32>} : memref<128x128xf32, #tpu.memory_space<vmem>>, vector<1x16xf32>,
        %swap3A_2207 = vector.shape_cast %swap3A_2206 : vector<1x16xf32> to vector<16xf32>
        %swap3A_2208 = vector.shape_cast %mul3A_2201 : vector<16xf32> to vector<1x16xf32>
        tpu.vector_store %arg18[%swap3A_2204, %swap3A_2205], %swap3A_2208 {strides = array<i32>} : memref<128x128xf32, #tpu.memory_space<vmem>>, vector<1x16xf32>,
        %add3A_2209 = arith.constant 11 : i32
        %add3A_2210 = arith.addi %mul3A_885, %add3A_2209 : i32
        %get3A_2211 = arith.index_cast %add3A_2210 : i32 to index
        %get3A_2212 = arith.constant 64 : index
        %get3A_2213 = tpu.vector_load %arg18[%get3A_2211, %get3A_2212] {strides = array<i32>} : memref<128x128xf32, #tpu.memory_space<vmem>>, vector<1x16xf32>,
        %get3A_2214 = vector.shape_cast %get3A_2213 : vector<1x16xf32> to vector<16xf32>
        %mul3A_2215 = arith.mulf %get3A_2214, %gather3A_2152 : vector<16xf32>
        %add3A_2216 = arith.constant 11 : i32
        %add3A_2217 = arith.addi %mul3A_885, %add3A_2216 : i32
        %swap3A_2218 = arith.index_cast %add3A_2217 : i32 to index
        %swap3A_2219 = arith.constant 64 : index
        %swap3A_2220 = tpu.vector_load %arg18[%swap3A_2218, %swap3A_2219] {strides = array<i32>} : memref<128x128xf32, #tpu.memory_space<vmem>>, vector<1x16xf32>,
        %swap3A_2221 = vector.shape_cast %swap3A_2220 : vector<1x16xf32> to vector<16xf32>
        %swap3A_2222 = vector.shape_cast %mul3A_2215 : vector<16xf32> to vector<1x16xf32>
        tpu.vector_store %arg18[%swap3A_2218, %swap3A_2219], %swap3A_2222 {strides = array<i32>} : memref<128x128xf32, #tpu.memory_space<vmem>>, vector<1x16xf32>,
        %add3A_2223 = arith.constant 11 : i32
        %add3A_2224 = arith.addi %mul3A_885, %add3A_2223 : i32
        %get3A_2225 = arith.index_cast %add3A_2224 : i32 to index
        %get3A_2226 = arith.constant 80 : index
        %get3A_2227 = tpu.vector_load %arg18[%get3A_2225, %get3A_2226] {strides = array<i32>} : memref<128x128xf32, #tpu.memory_space<vmem>>, vector<1x16xf32>,
        %get3A_2228 = vector.shape_cast %get3A_2227 : vector<1x16xf32> to vector<16xf32>
        %mul3A_2229 = arith.mulf %get3A_2228, %gather3A_2152 : vector<16xf32>
        %add3A_2230 = arith.constant 11 : i32
        %add3A_2231 = arith.addi %mul3A_885, %add3A_2230 : i32
        %swap3A_2232 = arith.index_cast %add3A_2231 : i32 to index
        %swap3A_2233 = arith.constant 80 : index
        %swap3A_2234 = tpu.vector_load %arg18[%swap3A_2232, %swap3A_2233] {strides = array<i32>} : memref<128x128xf32, #tpu.memory_space<vmem>>, vector<1x16xf32>,
        %swap3A_2235 = vector.shape_cast %swap3A_2234 : vector<1x16xf32> to vector<16xf32>
        %swap3A_2236 = vector.shape_cast %mul3A_2229 : vector<16xf32> to vector<1x16xf32>
        tpu.vector_store %arg18[%swap3A_2232, %swap3A_2233], %swap3A_2236 {strides = array<i32>} : memref<128x128xf32, #tpu.memory_space<vmem>>, vector<1x16xf32>,
        %add3A_2237 = arith.constant 11 : i32
        %add3A_2238 = arith.addi %mul3A_885, %add3A_2237 : i32
        %get3A_2239 = arith.index_cast %add3A_2238 : i32 to index
        %get3A_2240 = arith.constant 96 : index
        %get3A_2241 = tpu.vector_load %arg18[%get3A_2239, %get3A_2240] {strides = array<i32>} : memref<128x128xf32, #tpu.memory_space<vmem>>, vector<1x16xf32>,
        %get3A_2242 = vector.shape_cast %get3A_2241 : vector<1x16xf32> to vector<16xf32>
        %mul3A_2243 = arith.mulf %get3A_2242, %gather3A_2152 : vector<16xf32>
        %add3A_2244 = arith.constant 11 : i32
        %add3A_2245 = arith.addi %mul3A_885, %add3A_2244 : i32
        %swap3A_2246 = arith.index_cast %add3A_2245 : i32 to index
        %swap3A_2247 = arith.constant 96 : index
        %swap3A_2248 = tpu.vector_load %arg18[%swap3A_2246, %swap3A_2247] {strides = array<i32>} : memref<128x128xf32, #tpu.memory_space<vmem>>, vector<1x16xf32>,
        %swap3A_2249 = vector.shape_cast %swap3A_2248 : vector<1x16xf32> to vector<16xf32>
        %swap3A_2250 = vector.shape_cast %mul3A_2243 : vector<16xf32> to vector<1x16xf32>
        tpu.vector_store %arg18[%swap3A_2246, %swap3A_2247], %swap3A_2250 {strides = array<i32>} : memref<128x128xf32, #tpu.memory_space<vmem>>, vector<1x16xf32>,
        %add3A_2251 = arith.constant 11 : i32
        %add3A_2252 = arith.addi %mul3A_885, %add3A_2251 : i32
        %get3A_2253 = arith.index_cast %add3A_2252 : i32 to index
        %get3A_2254 = arith.constant 112 : index
        %get3A_2255 = tpu.vector_load %arg18[%get3A_2253, %get3A_2254] {strides = array<i32>} : memref<128x128xf32, #tpu.memory_space<vmem>>, vector<1x16xf32>,
        %get3A_2256 = vector.shape_cast %get3A_2255 : vector<1x16xf32> to vector<16xf32>
        %mul3A_2257 = arith.mulf %get3A_2256, %gather3A_2152 : vector<16xf32>
        %add3A_2258 = arith.constant 11 : i32
        %add3A_2259 = arith.addi %mul3A_885, %add3A_2258 : i32
        %swap3A_2260 = arith.index_cast %add3A_2259 : i32 to index
        %swap3A_2261 = arith.constant 112 : index
        %swap3A_2262 = tpu.vector_load %arg18[%swap3A_2260, %swap3A_2261] {strides = array<i32>} : memref<128x128xf32, #tpu.memory_space<vmem>>, vector<1x16xf32>,
        %swap3A_2263 = vector.shape_cast %swap3A_2262 : vector<1x16xf32> to vector<16xf32>
        %swap3A_2264 = vector.shape_cast %mul3A_2257 : vector<16xf32> to vector<1x16xf32>
        tpu.vector_store %arg18[%swap3A_2260, %swap3A_2261], %swap3A_2264 {strides = array<i32>} : memref<128x128xf32, #tpu.memory_space<vmem>>, vector<1x16xf32>,
        %broadcast_in_dim3A_2265 = vector.shape_cast %broadcast_in_dim3A_54 : vector<16xi32> to vector<16x1xi32>
        %gather3A_2266 = vector.shape_cast %broadcast_in_dim3A_2265 : vector<16x1xi32> to vector<16xi32>
        %gather3A_2267 = tpu.dynamic_gather %get3A_883[%gather3A_2266] in [0] : vector<16xf32>, vector<16xi32> -> vector<16xf32>
        %add3A_2268 = arith.constant 12 : i32
        %add3A_2269 = arith.addi %mul3A_885, %add3A_2268 : i32
        %get3A_2270 = arith.index_cast %add3A_2269 : i32 to index
        %get3A_2271 = arith.constant 0 : index
        %get3A_2272 = tpu.vector_load %arg18[%get3A_2270, %get3A_2271] {strides = array<i32>} : memref<128x128xf32, #tpu.memory_space<vmem>>, vector<1x16xf32>,
        %get3A_2273 = vector.shape_cast %get3A_2272 : vector<1x16xf32> to vector<16xf32>
        %mul3A_2274 = arith.mulf %get3A_2273, %gather3A_2267 : vector<16xf32>
        %add3A_2275 = arith.constant 12 : i32
        %add3A_2276 = arith.addi %mul3A_885, %add3A_2275 : i32
        %swap3A_2277 = arith.index_cast %add3A_2276 : i32 to index
        %swap3A_2278 = arith.constant 0 : index
        %swap3A_2279 = tpu.vector_load %arg18[%swap3A_2277, %swap3A_2278] {strides = array<i32>} : memref<128x128xf32, #tpu.memory_space<vmem>>, vector<1x16xf32>,
        %swap3A_2280 = vector.shape_cast %swap3A_2279 : vector<1x16xf32> to vector<16xf32>
        %swap3A_2281 = vector.shape_cast %mul3A_2274 : vector<16xf32> to vector<1x16xf32>
        tpu.vector_store %arg18[%swap3A_2277, %swap3A_2278], %swap3A_2281 {strides = array<i32>} : memref<128x128xf32, #tpu.memory_space<vmem>>, vector<1x16xf32>,
        %add3A_2282 = arith.constant 12 : i32
        %add3A_2283 = arith.addi %mul3A_885, %add3A_2282 : i32
        %get3A_2284 = arith.index_cast %add3A_2283 : i32 to index
        %get3A_2285 = arith.constant 16 : index
        %get3A_2286 = tpu.vector_load %arg18[%get3A_2284, %get3A_2285] {strides = array<i32>} : memref<128x128xf32, #tpu.memory_space<vmem>>, vector<1x16xf32>,
        %get3A_2287 = vector.shape_cast %get3A_2286 : vector<1x16xf32> to vector<16xf32>
        %mul3A_2288 = arith.mulf %get3A_2287, %gather3A_2267 : vector<16xf32>
        %add3A_2289 = arith.constant 12 : i32
        %add3A_2290 = arith.addi %mul3A_885, %add3A_2289 : i32
        %swap3A_2291 = arith.index_cast %add3A_2290 : i32 to index
        %swap3A_2292 = arith.constant 16 : index
        %swap3A_2293 = tpu.vector_load %arg18[%swap3A_2291, %swap3A_2292] {strides = array<i32>} : memref<128x128xf32, #tpu.memory_space<vmem>>, vector<1x16xf32>,
        %swap3A_2294 = vector.shape_cast %swap3A_2293 : vector<1x16xf32> to vector<16xf32>
        %swap3A_2295 = vector.shape_cast %mul3A_2288 : vector<16xf32> to vector<1x16xf32>
        tpu.vector_store %arg18[%swap3A_2291, %swap3A_2292], %swap3A_2295 {strides = array<i32>} : memref<128x128xf32, #tpu.memory_space<vmem>>, vector<1x16xf32>,
        %add3A_2296 = arith.constant 12 : i32
        %add3A_2297 = arith.addi %mul3A_885, %add3A_2296 : i32
        %get3A_2298 = arith.index_cast %add3A_2297 : i32 to index
        %get3A_2299 = arith.constant 32 : index
        %get3A_2300 = tpu.vector_load %arg18[%get3A_2298, %get3A_2299] {strides = array<i32>} : memref<128x128xf32, #tpu.memory_space<vmem>>, vector<1x16xf32>,
        %get3A_2301 = vector.shape_cast %get3A_2300 : vector<1x16xf32> to vector<16xf32>
        %mul3A_2302 = arith.mulf %get3A_2301, %gather3A_2267 : vector<16xf32>
        %add3A_2303 = arith.constant 12 : i32
        %add3A_2304 = arith.addi %mul3A_885, %add3A_2303 : i32
        %swap3A_2305 = arith.index_cast %add3A_2304 : i32 to index
        %swap3A_2306 = arith.constant 32 : index
        %swap3A_2307 = tpu.vector_load %arg18[%swap3A_2305, %swap3A_2306] {strides = array<i32>} : memref<128x128xf32, #tpu.memory_space<vmem>>, vector<1x16xf32>,
        %swap3A_2308 = vector.shape_cast %swap3A_2307 : vector<1x16xf32> to vector<16xf32>
        %swap3A_2309 = vector.shape_cast %mul3A_2302 : vector<16xf32> to vector<1x16xf32>
        tpu.vector_store %arg18[%swap3A_2305, %swap3A_2306], %swap3A_2309 {strides = array<i32>} : memref<128x128xf32, #tpu.memory_space<vmem>>, vector<1x16xf32>,
        %add3A_2310 = arith.constant 12 : i32
        %add3A_2311 = arith.addi %mul3A_885, %add3A_2310 : i32
        %get3A_2312 = arith.index_cast %add3A_2311 : i32 to index
        %get3A_2313 = arith.constant 48 : index
        %get3A_2314 = tpu.vector_load %arg18[%get3A_2312, %get3A_2313] {strides = array<i32>} : memref<128x128xf32, #tpu.memory_space<vmem>>, vector<1x16xf32>,
        %get3A_2315 = vector.shape_cast %get3A_2314 : vector<1x16xf32> to vector<16xf32>
        %mul3A_2316 = arith.mulf %get3A_2315, %gather3A_2267 : vector<16xf32>
        %add3A_2317 = arith.constant 12 : i32
        %add3A_2318 = arith.addi %mul3A_885, %add3A_2317 : i32
        %swap3A_2319 = arith.index_cast %add3A_2318 : i32 to index
        %swap3A_2320 = arith.constant 48 : index
        %swap3A_2321 = tpu.vector_load %arg18[%swap3A_2319, %swap3A_2320] {strides = array<i32>} : memref<128x128xf32, #tpu.memory_space<vmem>>, vector<1x16xf32>,
        %swap3A_2322 = vector.shape_cast %swap3A_2321 : vector<1x16xf32> to vector<16xf32>
        %swap3A_2323 = vector.shape_cast %mul3A_2316 : vector<16xf32> to vector<1x16xf32>
        tpu.vector_store %arg18[%swap3A_2319, %swap3A_2320], %swap3A_2323 {strides = array<i32>} : memref<128x128xf32, #tpu.memory_space<vmem>>, vector<1x16xf32>,
        %add3A_2324 = arith.constant 12 : i32
        %add3A_2325 = arith.addi %mul3A_885, %add3A_2324 : i32
        %get3A_2326 = arith.index_cast %add3A_2325 : i32 to index
        %get3A_2327 = arith.constant 64 : index
        %get3A_2328 = tpu.vector_load %arg18[%get3A_2326, %get3A_2327] {strides = array<i32>} : memref<128x128xf32, #tpu.memory_space<vmem>>, vector<1x16xf32>,
        %get3A_2329 = vector.shape_cast %get3A_2328 : vector<1x16xf32> to vector<16xf32>
        %mul3A_2330 = arith.mulf %get3A_2329, %gather3A_2267 : vector<16xf32>
        %add3A_2331 = arith.constant 12 : i32
        %add3A_2332 = arith.addi %mul3A_885, %add3A_2331 : i32
        %swap3A_2333 = arith.index_cast %add3A_2332 : i32 to index
        %swap3A_2334 = arith.constant 64 : index
        %swap3A_2335 = tpu.vector_load %arg18[%swap3A_2333, %swap3A_2334] {strides = array<i32>} : memref<128x128xf32, #tpu.memory_space<vmem>>, vector<1x16xf32>,
        %swap3A_2336 = vector.shape_cast %swap3A_2335 : vector<1x16xf32> to vector<16xf32>
        %swap3A_2337 = vector.shape_cast %mul3A_2330 : vector<16xf32> to vector<1x16xf32>
        tpu.vector_store %arg18[%swap3A_2333, %swap3A_2334], %swap3A_2337 {strides = array<i32>} : memref<128x128xf32, #tpu.memory_space<vmem>>, vector<1x16xf32>,
        %add3A_2338 = arith.constant 12 : i32
        %add3A_2339 = arith.addi %mul3A_885, %add3A_2338 : i32
        %get3A_2340 = arith.index_cast %add3A_2339 : i32 to index
        %get3A_2341 = arith.constant 80 : index
        %get3A_2342 = tpu.vector_load %arg18[%get3A_2340, %get3A_2341] {strides = array<i32>} : memref<128x128xf32, #tpu.memory_space<vmem>>, vector<1x16xf32>,
        %get3A_2343 = vector.shape_cast %get3A_2342 : vector<1x16xf32> to vector<16xf32>
        %mul3A_2344 = arith.mulf %get3A_2343, %gather3A_2267 : vector<16xf32>
        %add3A_2345 = arith.constant 12 : i32
        %add3A_2346 = arith.addi %mul3A_885, %add3A_2345 : i32
        %swap3A_2347 = arith.index_cast %add3A_2346 : i32 to index
        %swap3A_2348 = arith.constant 80 : index
        %swap3A_2349 = tpu.vector_load %arg18[%swap3A_2347, %swap3A_2348] {strides = array<i32>} : memref<128x128xf32, #tpu.memory_space<vmem>>, vector<1x16xf32>,
        %swap3A_2350 = vector.shape_cast %swap3A_2349 : vector<1x16xf32> to vector<16xf32>
        %swap3A_2351 = vector.shape_cast %mul3A_2344 : vector<16xf32> to vector<1x16xf32>
        tpu.vector_store %arg18[%swap3A_2347, %swap3A_2348], %swap3A_2351 {strides = array<i32>} : memref<128x128xf32, #tpu.memory_space<vmem>>, vector<1x16xf32>,
        %add3A_2352 = arith.constant 12 : i32
        %add3A_2353 = arith.addi %mul3A_885, %add3A_2352 : i32
        %get3A_2354 = arith.index_cast %add3A_2353 : i32 to index
        %get3A_2355 = arith.constant 96 : index
        %get3A_2356 = tpu.vector_load %arg18[%get3A_2354, %get3A_2355] {strides = array<i32>} : memref<128x128xf32, #tpu.memory_space<vmem>>, vector<1x16xf32>,
        %get3A_2357 = vector.shape_cast %get3A_2356 : vector<1x16xf32> to vector<16xf32>
        %mul3A_2358 = arith.mulf %get3A_2357, %gather3A_2267 : vector<16xf32>
        %add3A_2359 = arith.constant 12 : i32
        %add3A_2360 = arith.addi %mul3A_885, %add3A_2359 : i32
        %swap3A_2361 = arith.index_cast %add3A_2360 : i32 to index
        %swap3A_2362 = arith.constant 96 : index
        %swap3A_2363 = tpu.vector_load %arg18[%swap3A_2361, %swap3A_2362] {strides = array<i32>} : memref<128x128xf32, #tpu.memory_space<vmem>>, vector<1x16xf32>,
        %swap3A_2364 = vector.shape_cast %swap3A_2363 : vector<1x16xf32> to vector<16xf32>
        %swap3A_2365 = vector.shape_cast %mul3A_2358 : vector<16xf32> to vector<1x16xf32>
        tpu.vector_store %arg18[%swap3A_2361, %swap3A_2362], %swap3A_2365 {strides = array<i32>} : memref<128x128xf32, #tpu.memory_space<vmem>>, vector<1x16xf32>,
        %add3A_2366 = arith.constant 12 : i32
        %add3A_2367 = arith.addi %mul3A_885, %add3A_2366 : i32
        %get3A_2368 = arith.index_cast %add3A_2367 : i32 to index
        %get3A_2369 = arith.constant 112 : index
        %get3A_2370 = tpu.vector_load %arg18[%get3A_2368, %get3A_2369] {strides = array<i32>} : memref<128x128xf32, #tpu.memory_space<vmem>>, vector<1x16xf32>,
        %get3A_2371 = vector.shape_cast %get3A_2370 : vector<1x16xf32> to vector<16xf32>
        %mul3A_2372 = arith.mulf %get3A_2371, %gather3A_2267 : vector<16xf32>
        %add3A_2373 = arith.constant 12 : i32
        %add3A_2374 = arith.addi %mul3A_885, %add3A_2373 : i32
        %swap3A_2375 = arith.index_cast %add3A_2374 : i32 to index
        %swap3A_2376 = arith.constant 112 : index
        %swap3A_2377 = tpu.vector_load %arg18[%swap3A_2375, %swap3A_2376] {strides = array<i32>} : memref<128x128xf32, #tpu.memory_space<vmem>>, vector<1x16xf32>,
        %swap3A_2378 = vector.shape_cast %swap3A_2377 : vector<1x16xf32> to vector<16xf32>
        %swap3A_2379 = vector.shape_cast %mul3A_2372 : vector<16xf32> to vector<1x16xf32>
        tpu.vector_store %arg18[%swap3A_2375, %swap3A_2376], %swap3A_2379 {strides = array<i32>} : memref<128x128xf32, #tpu.memory_space<vmem>>, vector<1x16xf32>,
        %broadcast_in_dim3A_2380 = vector.shape_cast %broadcast_in_dim3A_56 : vector<16xi32> to vector<16x1xi32>
        %gather3A_2381 = vector.shape_cast %broadcast_in_dim3A_2380 : vector<16x1xi32> to vector<16xi32>
        %gather3A_2382 = tpu.dynamic_gather %get3A_883[%gather3A_2381] in [0] : vector<16xf32>, vector<16xi32> -> vector<16xf32>
        %add3A_2383 = arith.constant 13 : i32
        %add3A_2384 = arith.addi %mul3A_885, %add3A_2383 : i32
        %get3A_2385 = arith.index_cast %add3A_2384 : i32 to index
        %get3A_2386 = arith.constant 0 : index
        %get3A_2387 = tpu.vector_load %arg18[%get3A_2385, %get3A_2386] {strides = array<i32>} : memref<128x128xf32, #tpu.memory_space<vmem>>, vector<1x16xf32>,
        %get3A_2388 = vector.shape_cast %get3A_2387 : vector<1x16xf32> to vector<16xf32>
        %mul3A_2389 = arith.mulf %get3A_2388, %gather3A_2382 : vector<16xf32>
        %add3A_2390 = arith.constant 13 : i32
        %add3A_2391 = arith.addi %mul3A_885, %add3A_2390 : i32
        %swap3A_2392 = arith.index_cast %add3A_2391 : i32 to index
        %swap3A_2393 = arith.constant 0 : index
        %swap3A_2394 = tpu.vector_load %arg18[%swap3A_2392, %swap3A_2393] {strides = array<i32>} : memref<128x128xf32, #tpu.memory_space<vmem>>, vector<1x16xf32>,
        %swap3A_2395 = vector.shape_cast %swap3A_2394 : vector<1x16xf32> to vector<16xf32>
        %swap3A_2396 = vector.shape_cast %mul3A_2389 : vector<16xf32> to vector<1x16xf32>
        tpu.vector_store %arg18[%swap3A_2392, %swap3A_2393], %swap3A_2396 {strides = array<i32>} : memref<128x128xf32, #tpu.memory_space<vmem>>, vector<1x16xf32>,
        %add3A_2397 = arith.constant 13 : i32
        %add3A_2398 = arith.addi %mul3A_885, %add3A_2397 : i32
        %get3A_2399 = arith.index_cast %add3A_2398 : i32 to index
        %get3A_2400 = arith.constant 16 : index
        %get3A_2401 = tpu.vector_load %arg18[%get3A_2399, %get3A_2400] {strides = array<i32>} : memref<128x128xf32, #tpu.memory_space<vmem>>, vector<1x16xf32>,
        %get3A_2402 = vector.shape_cast %get3A_2401 : vector<1x16xf32> to vector<16xf32>
        %mul3A_2403 = arith.mulf %get3A_2402, %gather3A_2382 : vector<16xf32>
        %add3A_2404 = arith.constant 13 : i32
        %add3A_2405 = arith.addi %mul3A_885, %add3A_2404 : i32
        %swap3A_2406 = arith.index_cast %add3A_2405 : i32 to index
        %swap3A_2407 = arith.constant 16 : index
        %swap3A_2408 = tpu.vector_load %arg18[%swap3A_2406, %swap3A_2407] {strides = array<i32>} : memref<128x128xf32, #tpu.memory_space<vmem>>, vector<1x16xf32>,
        %swap3A_2409 = vector.shape_cast %swap3A_2408 : vector<1x16xf32> to vector<16xf32>
        %swap3A_2410 = vector.shape_cast %mul3A_2403 : vector<16xf32> to vector<1x16xf32>
        tpu.vector_store %arg18[%swap3A_2406, %swap3A_2407], %swap3A_2410 {strides = array<i32>} : memref<128x128xf32, #tpu.memory_space<vmem>>, vector<1x16xf32>,
        %add3A_2411 = arith.constant 13 : i32
        %add3A_2412 = arith.addi %mul3A_885, %add3A_2411 : i32
        %get3A_2413 = arith.index_cast %add3A_2412 : i32 to index
        %get3A_2414 = arith.constant 32 : index
        %get3A_2415 = tpu.vector_load %arg18[%get3A_2413, %get3A_2414] {strides = array<i32>} : memref<128x128xf32, #tpu.memory_space<vmem>>, vector<1x16xf32>,
        %get3A_2416 = vector.shape_cast %get3A_2415 : vector<1x16xf32> to vector<16xf32>
        %mul3A_2417 = arith.mulf %get3A_2416, %gather3A_2382 : vector<16xf32>
        %add3A_2418 = arith.constant 13 : i32
        %add3A_2419 = arith.addi %mul3A_885, %add3A_2418 : i32
        %swap3A_2420 = arith.index_cast %add3A_2419 : i32 to index
        %swap3A_2421 = arith.constant 32 : index
        %swap3A_2422 = tpu.vector_load %arg18[%swap3A_2420, %swap3A_2421] {strides = array<i32>} : memref<128x128xf32, #tpu.memory_space<vmem>>, vector<1x16xf32>,
        %swap3A_2423 = vector.shape_cast %swap3A_2422 : vector<1x16xf32> to vector<16xf32>
        %swap3A_2424 = vector.shape_cast %mul3A_2417 : vector<16xf32> to vector<1x16xf32>
        tpu.vector_store %arg18[%swap3A_2420, %swap3A_2421], %swap3A_2424 {strides = array<i32>} : memref<128x128xf32, #tpu.memory_space<vmem>>, vector<1x16xf32>,
        %add3A_2425 = arith.constant 13 : i32
        %add3A_2426 = arith.addi %mul3A_885, %add3A_2425 : i32
        %get3A_2427 = arith.index_cast %add3A_2426 : i32 to index
        %get3A_2428 = arith.constant 48 : index
        %get3A_2429 = tpu.vector_load %arg18[%get3A_2427, %get3A_2428] {strides = array<i32>} : memref<128x128xf32, #tpu.memory_space<vmem>>, vector<1x16xf32>,
        %get3A_2430 = vector.shape_cast %get3A_2429 : vector<1x16xf32> to vector<16xf32>
        %mul3A_2431 = arith.mulf %get3A_2430, %gather3A_2382 : vector<16xf32>
        %add3A_2432 = arith.constant 13 : i32
        %add3A_2433 = arith.addi %mul3A_885, %add3A_2432 : i32
        %swap3A_2434 = arith.index_cast %add3A_2433 : i32 to index
        %swap3A_2435 = arith.constant 48 : index
        %swap3A_2436 = tpu.vector_load %arg18[%swap3A_2434, %swap3A_2435] {strides = array<i32>} : memref<128x128xf32, #tpu.memory_space<vmem>>, vector<1x16xf32>,
        %swap3A_2437 = vector.shape_cast %swap3A_2436 : vector<1x16xf32> to vector<16xf32>
        %swap3A_2438 = vector.shape_cast %mul3A_2431 : vector<16xf32> to vector<1x16xf32>
        tpu.vector_store %arg18[%swap3A_2434, %swap3A_2435], %swap3A_2438 {strides = array<i32>} : memref<128x128xf32, #tpu.memory_space<vmem>>, vector<1x16xf32>,
        %add3A_2439 = arith.constant 13 : i32
        %add3A_2440 = arith.addi %mul3A_885, %add3A_2439 : i32
        %get3A_2441 = arith.index_cast %add3A_2440 : i32 to index
        %get3A_2442 = arith.constant 64 : index
        %get3A_2443 = tpu.vector_load %arg18[%get3A_2441, %get3A_2442] {strides = array<i32>} : memref<128x128xf32, #tpu.memory_space<vmem>>, vector<1x16xf32>,
        %get3A_2444 = vector.shape_cast %get3A_2443 : vector<1x16xf32> to vector<16xf32>
        %mul3A_2445 = arith.mulf %get3A_2444, %gather3A_2382 : vector<16xf32>
        %add3A_2446 = arith.constant 13 : i32
        %add3A_2447 = arith.addi %mul3A_885, %add3A_2446 : i32
        %swap3A_2448 = arith.index_cast %add3A_2447 : i32 to index
        %swap3A_2449 = arith.constant 64 : index
        %swap3A_2450 = tpu.vector_load %arg18[%swap3A_2448, %swap3A_2449] {strides = array<i32>} : memref<128x128xf32, #tpu.memory_space<vmem>>, vector<1x16xf32>,
        %swap3A_2451 = vector.shape_cast %swap3A_2450 : vector<1x16xf32> to vector<16xf32>
        %swap3A_2452 = vector.shape_cast %mul3A_2445 : vector<16xf32> to vector<1x16xf32>
        tpu.vector_store %arg18[%swap3A_2448, %swap3A_2449], %swap3A_2452 {strides = array<i32>} : memref<128x128xf32, #tpu.memory_space<vmem>>, vector<1x16xf32>,
        %add3A_2453 = arith.constant 13 : i32
        %add3A_2454 = arith.addi %mul3A_885, %add3A_2453 : i32
        %get3A_2455 = arith.index_cast %add3A_2454 : i32 to index
        %get3A_2456 = arith.constant 80 : index
        %get3A_2457 = tpu.vector_load %arg18[%get3A_2455, %get3A_2456] {strides = array<i32>} : memref<128x128xf32, #tpu.memory_space<vmem>>, vector<1x16xf32>,
        %get3A_2458 = vector.shape_cast %get3A_2457 : vector<1x16xf32> to vector<16xf32>
        %mul3A_2459 = arith.mulf %get3A_2458, %gather3A_2382 : vector<16xf32>
        %add3A_2460 = arith.constant 13 : i32
        %add3A_2461 = arith.addi %mul3A_885, %add3A_2460 : i32
        %swap3A_2462 = arith.index_cast %add3A_2461 : i32 to index
        %swap3A_2463 = arith.constant 80 : index
        %swap3A_2464 = tpu.vector_load %arg18[%swap3A_2462, %swap3A_2463] {strides = array<i32>} : memref<128x128xf32, #tpu.memory_space<vmem>>, vector<1x16xf32>,
        %swap3A_2465 = vector.shape_cast %swap3A_2464 : vector<1x16xf32> to vector<16xf32>
        %swap3A_2466 = vector.shape_cast %mul3A_2459 : vector<16xf32> to vector<1x16xf32>
        tpu.vector_store %arg18[%swap3A_2462, %swap3A_2463], %swap3A_2466 {strides = array<i32>} : memref<128x128xf32, #tpu.memory_space<vmem>>, vector<1x16xf32>,
        %add3A_2467 = arith.constant 13 : i32
        %add3A_2468 = arith.addi %mul3A_885, %add3A_2467 : i32
        %get3A_2469 = arith.index_cast %add3A_2468 : i32 to index
        %get3A_2470 = arith.constant 96 : index
        %get3A_2471 = tpu.vector_load %arg18[%get3A_2469, %get3A_2470] {strides = array<i32>} : memref<128x128xf32, #tpu.memory_space<vmem>>, vector<1x16xf32>,
        %get3A_2472 = vector.shape_cast %get3A_2471 : vector<1x16xf32> to vector<16xf32>
        %mul3A_2473 = arith.mulf %get3A_2472, %gather3A_2382 : vector<16xf32>
        %add3A_2474 = arith.constant 13 : i32
        %add3A_2475 = arith.addi %mul3A_885, %add3A_2474 : i32
        %swap3A_2476 = arith.index_cast %add3A_2475 : i32 to index
        %swap3A_2477 = arith.constant 96 : index
        %swap3A_2478 = tpu.vector_load %arg18[%swap3A_2476, %swap3A_2477] {strides = array<i32>} : memref<128x128xf32, #tpu.memory_space<vmem>>, vector<1x16xf32>,
        %swap3A_2479 = vector.shape_cast %swap3A_2478 : vector<1x16xf32> to vector<16xf32>
        %swap3A_2480 = vector.shape_cast %mul3A_2473 : vector<16xf32> to vector<1x16xf32>
        tpu.vector_store %arg18[%swap3A_2476, %swap3A_2477], %swap3A_2480 {strides = array<i32>} : memref<128x128xf32, #tpu.memory_space<vmem>>, vector<1x16xf32>,
        %add3A_2481 = arith.constant 13 : i32
        %add3A_2482 = arith.addi %mul3A_885, %add3A_2481 : i32
        %get3A_2483 = arith.index_cast %add3A_2482 : i32 to index
        %get3A_2484 = arith.constant 112 : index
        %get3A_2485 = tpu.vector_load %arg18[%get3A_2483, %get3A_2484] {strides = array<i32>} : memref<128x128xf32, #tpu.memory_space<vmem>>, vector<1x16xf32>,
        %get3A_2486 = vector.shape_cast %get3A_2485 : vector<1x16xf32> to vector<16xf32>
        %mul3A_2487 = arith.mulf %get3A_2486, %gather3A_2382 : vector<16xf32>
        %add3A_2488 = arith.constant 13 : i32
        %add3A_2489 = arith.addi %mul3A_885, %add3A_2488 : i32
        %swap3A_2490 = arith.index_cast %add3A_2489 : i32 to index
        %swap3A_2491 = arith.constant 112 : index
        %swap3A_2492 = tpu.vector_load %arg18[%swap3A_2490, %swap3A_2491] {strides = array<i32>} : memref<128x128xf32, #tpu.memory_space<vmem>>, vector<1x16xf32>,
        %swap3A_2493 = vector.shape_cast %swap3A_2492 : vector<1x16xf32> to vector<16xf32>
        %swap3A_2494 = vector.shape_cast %mul3A_2487 : vector<16xf32> to vector<1x16xf32>
        tpu.vector_store %arg18[%swap3A_2490, %swap3A_2491], %swap3A_2494 {strides = array<i32>} : memref<128x128xf32, #tpu.memory_space<vmem>>, vector<1x16xf32>,
        %broadcast_in_dim3A_2495 = vector.shape_cast %broadcast_in_dim3A_58 : vector<16xi32> to vector<16x1xi32>
        %gather3A_2496 = vector.shape_cast %broadcast_in_dim3A_2495 : vector<16x1xi32> to vector<16xi32>
        %gather3A_2497 = tpu.dynamic_gather %get3A_883[%gather3A_2496] in [0] : vector<16xf32>, vector<16xi32> -> vector<16xf32>
        %add3A_2498 = arith.constant 14 : i32
        %add3A_2499 = arith.addi %mul3A_885, %add3A_2498 : i32
        %get3A_2500 = arith.index_cast %add3A_2499 : i32 to index
        %get3A_2501 = arith.constant 0 : index
        %get3A_2502 = tpu.vector_load %arg18[%get3A_2500, %get3A_2501] {strides = array<i32>} : memref<128x128xf32, #tpu.memory_space<vmem>>, vector<1x16xf32>,
        %get3A_2503 = vector.shape_cast %get3A_2502 : vector<1x16xf32> to vector<16xf32>
        %mul3A_2504 = arith.mulf %get3A_2503, %gather3A_2497 : vector<16xf32>
        %add3A_2505 = arith.constant 14 : i32
        %add3A_2506 = arith.addi %mul3A_885, %add3A_2505 : i32
        %swap3A_2507 = arith.index_cast %add3A_2506 : i32 to index
        %swap3A_2508 = arith.constant 0 : index
        %swap3A_2509 = tpu.vector_load %arg18[%swap3A_2507, %swap3A_2508] {strides = array<i32>} : memref<128x128xf32, #tpu.memory_space<vmem>>, vector<1x16xf32>,
        %swap3A_2510 = vector.shape_cast %swap3A_2509 : vector<1x16xf32> to vector<16xf32>
        %swap3A_2511 = vector.shape_cast %mul3A_2504 : vector<16xf32> to vector<1x16xf32>
        tpu.vector_store %arg18[%swap3A_2507, %swap3A_2508], %swap3A_2511 {strides = array<i32>} : memref<128x128xf32, #tpu.memory_space<vmem>>, vector<1x16xf32>,
        %add3A_2512 = arith.constant 14 : i32
        %add3A_2513 = arith.addi %mul3A_885, %add3A_2512 : i32
        %get3A_2514 = arith.index_cast %add3A_2513 : i32 to index
        %get3A_2515 = arith.constant 16 : index
        %get3A_2516 = tpu.vector_load %arg18[%get3A_2514, %get3A_2515] {strides = array<i32>} : memref<128x128xf32, #tpu.memory_space<vmem>>, vector<1x16xf32>,
        %get3A_2517 = vector.shape_cast %get3A_2516 : vector<1x16xf32> to vector<16xf32>
        %mul3A_2518 = arith.mulf %get3A_2517, %gather3A_2497 : vector<16xf32>
        %add3A_2519 = arith.constant 14 : i32
        %add3A_2520 = arith.addi %mul3A_885, %add3A_2519 : i32
        %swap3A_2521 = arith.index_cast %add3A_2520 : i32 to index
        %swap3A_2522 = arith.constant 16 : index
        %swap3A_2523 = tpu.vector_load %arg18[%swap3A_2521, %swap3A_2522] {strides = array<i32>} : memref<128x128xf32, #tpu.memory_space<vmem>>, vector<1x16xf32>,
        %swap3A_2524 = vector.shape_cast %swap3A_2523 : vector<1x16xf32> to vector<16xf32>
        %swap3A_2525 = vector.shape_cast %mul3A_2518 : vector<16xf32> to vector<1x16xf32>
        tpu.vector_store %arg18[%swap3A_2521, %swap3A_2522], %swap3A_2525 {strides = array<i32>} : memref<128x128xf32, #tpu.memory_space<vmem>>, vector<1x16xf32>,
        %add3A_2526 = arith.constant 14 : i32
        %add3A_2527 = arith.addi %mul3A_885, %add3A_2526 : i32
        %get3A_2528 = arith.index_cast %add3A_2527 : i32 to index
        %get3A_2529 = arith.constant 32 : index
        %get3A_2530 = tpu.vector_load %arg18[%get3A_2528, %get3A_2529] {strides = array<i32>} : memref<128x128xf32, #tpu.memory_space<vmem>>, vector<1x16xf32>,
        %get3A_2531 = vector.shape_cast %get3A_2530 : vector<1x16xf32> to vector<16xf32>
        %mul3A_2532 = arith.mulf %get3A_2531, %gather3A_2497 : vector<16xf32>
        %add3A_2533 = arith.constant 14 : i32
        %add3A_2534 = arith.addi %mul3A_885, %add3A_2533 : i32
        %swap3A_2535 = arith.index_cast %add3A_2534 : i32 to index
        %swap3A_2536 = arith.constant 32 : index
        %swap3A_2537 = tpu.vector_load %arg18[%swap3A_2535, %swap3A_2536] {strides = array<i32>} : memref<128x128xf32, #tpu.memory_space<vmem>>, vector<1x16xf32>,
        %swap3A_2538 = vector.shape_cast %swap3A_2537 : vector<1x16xf32> to vector<16xf32>
        %swap3A_2539 = vector.shape_cast %mul3A_2532 : vector<16xf32> to vector<1x16xf32>
        tpu.vector_store %arg18[%swap3A_2535, %swap3A_2536], %swap3A_2539 {strides = array<i32>} : memref<128x128xf32, #tpu.memory_space<vmem>>, vector<1x16xf32>,
        %add3A_2540 = arith.constant 14 : i32
        %add3A_2541 = arith.addi %mul3A_885, %add3A_2540 : i32
        %get3A_2542 = arith.index_cast %add3A_2541 : i32 to index
        %get3A_2543 = arith.constant 48 : index
        %get3A_2544 = tpu.vector_load %arg18[%get3A_2542, %get3A_2543] {strides = array<i32>} : memref<128x128xf32, #tpu.memory_space<vmem>>, vector<1x16xf32>,
        %get3A_2545 = vector.shape_cast %get3A_2544 : vector<1x16xf32> to vector<16xf32>
        %mul3A_2546 = arith.mulf %get3A_2545, %gather3A_2497 : vector<16xf32>
        %add3A_2547 = arith.constant 14 : i32
        %add3A_2548 = arith.addi %mul3A_885, %add3A_2547 : i32
        %swap3A_2549 = arith.index_cast %add3A_2548 : i32 to index
        %swap3A_2550 = arith.constant 48 : index
        %swap3A_2551 = tpu.vector_load %arg18[%swap3A_2549, %swap3A_2550] {strides = array<i32>} : memref<128x128xf32, #tpu.memory_space<vmem>>, vector<1x16xf32>,
        %swap3A_2552 = vector.shape_cast %swap3A_2551 : vector<1x16xf32> to vector<16xf32>
        %swap3A_2553 = vector.shape_cast %mul3A_2546 : vector<16xf32> to vector<1x16xf32>
        tpu.vector_store %arg18[%swap3A_2549, %swap3A_2550], %swap3A_2553 {strides = array<i32>} : memref<128x128xf32, #tpu.memory_space<vmem>>, vector<1x16xf32>,
        %add3A_2554 = arith.constant 14 : i32
        %add3A_2555 = arith.addi %mul3A_885, %add3A_2554 : i32
        %get3A_2556 = arith.index_cast %add3A_2555 : i32 to index
        %get3A_2557 = arith.constant 64 : index
        %get3A_2558 = tpu.vector_load %arg18[%get3A_2556, %get3A_2557] {strides = array<i32>} : memref<128x128xf32, #tpu.memory_space<vmem>>, vector<1x16xf32>,
        %get3A_2559 = vector.shape_cast %get3A_2558 : vector<1x16xf32> to vector<16xf32>
        %mul3A_2560 = arith.mulf %get3A_2559, %gather3A_2497 : vector<16xf32>
        %add3A_2561 = arith.constant 14 : i32
        %add3A_2562 = arith.addi %mul3A_885, %add3A_2561 : i32
        %swap3A_2563 = arith.index_cast %add3A_2562 : i32 to index
        %swap3A_2564 = arith.constant 64 : index
        %swap3A_2565 = tpu.vector_load %arg18[%swap3A_2563, %swap3A_2564] {strides = array<i32>} : memref<128x128xf32, #tpu.memory_space<vmem>>, vector<1x16xf32>,
        %swap3A_2566 = vector.shape_cast %swap3A_2565 : vector<1x16xf32> to vector<16xf32>
        %swap3A_2567 = vector.shape_cast %mul3A_2560 : vector<16xf32> to vector<1x16xf32>
        tpu.vector_store %arg18[%swap3A_2563, %swap3A_2564], %swap3A_2567 {strides = array<i32>} : memref<128x128xf32, #tpu.memory_space<vmem>>, vector<1x16xf32>,
        %add3A_2568 = arith.constant 14 : i32
        %add3A_2569 = arith.addi %mul3A_885, %add3A_2568 : i32
        %get3A_2570 = arith.index_cast %add3A_2569 : i32 to index
        %get3A_2571 = arith.constant 80 : index
        %get3A_2572 = tpu.vector_load %arg18[%get3A_2570, %get3A_2571] {strides = array<i32>} : memref<128x128xf32, #tpu.memory_space<vmem>>, vector<1x16xf32>,
        %get3A_2573 = vector.shape_cast %get3A_2572 : vector<1x16xf32> to vector<16xf32>
        %mul3A_2574 = arith.mulf %get3A_2573, %gather3A_2497 : vector<16xf32>
        %add3A_2575 = arith.constant 14 : i32
        %add3A_2576 = arith.addi %mul3A_885, %add3A_2575 : i32
        %swap3A_2577 = arith.index_cast %add3A_2576 : i32 to index
        %swap3A_2578 = arith.constant 80 : index
        %swap3A_2579 = tpu.vector_load %arg18[%swap3A_2577, %swap3A_2578] {strides = array<i32>} : memref<128x128xf32, #tpu.memory_space<vmem>>, vector<1x16xf32>,
        %swap3A_2580 = vector.shape_cast %swap3A_2579 : vector<1x16xf32> to vector<16xf32>
        %swap3A_2581 = vector.shape_cast %mul3A_2574 : vector<16xf32> to vector<1x16xf32>
        tpu.vector_store %arg18[%swap3A_2577, %swap3A_2578], %swap3A_2581 {strides = array<i32>} : memref<128x128xf32, #tpu.memory_space<vmem>>, vector<1x16xf32>,
        %add3A_2582 = arith.constant 14 : i32
        %add3A_2583 = arith.addi %mul3A_885, %add3A_2582 : i32
        %get3A_2584 = arith.index_cast %add3A_2583 : i32 to index
        %get3A_2585 = arith.constant 96 : index
        %get3A_2586 = tpu.vector_load %arg18[%get3A_2584, %get3A_2585] {strides = array<i32>} : memref<128x128xf32, #tpu.memory_space<vmem>>, vector<1x16xf32>,
        %get3A_2587 = vector.shape_cast %get3A_2586 : vector<1x16xf32> to vector<16xf32>
        %mul3A_2588 = arith.mulf %get3A_2587, %gather3A_2497 : vector<16xf32>
        %add3A_2589 = arith.constant 14 : i32
        %add3A_2590 = arith.addi %mul3A_885, %add3A_2589 : i32
        %swap3A_2591 = arith.index_cast %add3A_2590 : i32 to index
        %swap3A_2592 = arith.constant 96 : index
        %swap3A_2593 = tpu.vector_load %arg18[%swap3A_2591, %swap3A_2592] {strides = array<i32>} : memref<128x128xf32, #tpu.memory_space<vmem>>, vector<1x16xf32>,
        %swap3A_2594 = vector.shape_cast %swap3A_2593 : vector<1x16xf32> to vector<16xf32>
        %swap3A_2595 = vector.shape_cast %mul3A_2588 : vector<16xf32> to vector<1x16xf32>
        tpu.vector_store %arg18[%swap3A_2591, %swap3A_2592], %swap3A_2595 {strides = array<i32>} : memref<128x128xf32, #tpu.memory_space<vmem>>, vector<1x16xf32>,
        %add3A_2596 = arith.constant 14 : i32
        %add3A_2597 = arith.addi %mul3A_885, %add3A_2596 : i32
        %get3A_2598 = arith.index_cast %add3A_2597 : i32 to index
        %get3A_2599 = arith.constant 112 : index
        %get3A_2600 = tpu.vector_load %arg18[%get3A_2598, %get3A_2599] {strides = array<i32>} : memref<128x128xf32, #tpu.memory_space<vmem>>, vector<1x16xf32>,
        %get3A_2601 = vector.shape_cast %get3A_2600 : vector<1x16xf32> to vector<16xf32>
        %mul3A_2602 = arith.mulf %get3A_2601, %gather3A_2497 : vector<16xf32>
        %add3A_2603 = arith.constant 14 : i32
        %add3A_2604 = arith.addi %mul3A_885, %add3A_2603 : i32
        %swap3A_2605 = arith.index_cast %add3A_2604 : i32 to index
        %swap3A_2606 = arith.constant 112 : index
        %swap3A_2607 = tpu.vector_load %arg18[%swap3A_2605, %swap3A_2606] {strides = array<i32>} : memref<128x128xf32, #tpu.memory_space<vmem>>, vector<1x16xf32>,
        %swap3A_2608 = vector.shape_cast %swap3A_2607 : vector<1x16xf32> to vector<16xf32>
        %swap3A_2609 = vector.shape_cast %mul3A_2602 : vector<16xf32> to vector<1x16xf32>
        tpu.vector_store %arg18[%swap3A_2605, %swap3A_2606], %swap3A_2609 {strides = array<i32>} : memref<128x128xf32, #tpu.memory_space<vmem>>, vector<1x16xf32>,
        %broadcast_in_dim3A_2610 = vector.shape_cast %broadcast_in_dim3A_60 : vector<16xi32> to vector<16x1xi32>
        %gather3A_2611 = vector.shape_cast %broadcast_in_dim3A_2610 : vector<16x1xi32> to vector<16xi32>
        %gather3A_2612 = tpu.dynamic_gather %get3A_883[%gather3A_2611] in [0] : vector<16xf32>, vector<16xi32> -> vector<16xf32>
        %add3A_2613 = arith.constant 15 : i32
        %add3A_2614 = arith.addi %mul3A_885, %add3A_2613 : i32
        %get3A_2615 = arith.index_cast %add3A_2614 : i32 to index
        %get3A_2616 = arith.constant 0 : index
        %get3A_2617 = tpu.vector_load %arg18[%get3A_2615, %get3A_2616] {strides = array<i32>} : memref<128x128xf32, #tpu.memory_space<vmem>>, vector<1x16xf32>,
        %get3A_2618 = vector.shape_cast %get3A_2617 : vector<1x16xf32> to vector<16xf32>
        %mul3A_2619 = arith.mulf %get3A_2618, %gather3A_2612 : vector<16xf32>
        %add3A_2620 = arith.constant 15 : i32
        %add3A_2621 = arith.addi %mul3A_885, %add3A_2620 : i32
        %swap3A_2622 = arith.index_cast %add3A_2621 : i32 to index
        %swap3A_2623 = arith.constant 0 : index
        %swap3A_2624 = tpu.vector_load %arg18[%swap3A_2622, %swap3A_2623] {strides = array<i32>} : memref<128x128xf32, #tpu.memory_space<vmem>>, vector<1x16xf32>,
        %swap3A_2625 = vector.shape_cast %swap3A_2624 : vector<1x16xf32> to vector<16xf32>
        %swap3A_2626 = vector.shape_cast %mul3A_2619 : vector<16xf32> to vector<1x16xf32>
        tpu.vector_store %arg18[%swap3A_2622, %swap3A_2623], %swap3A_2626 {strides = array<i32>} : memref<128x128xf32, #tpu.memory_space<vmem>>, vector<1x16xf32>,
        %add3A_2627 = arith.constant 15 : i32
        %add3A_2628 = arith.addi %mul3A_885, %add3A_2627 : i32
        %get3A_2629 = arith.index_cast %add3A_2628 : i32 to index
        %get3A_2630 = arith.constant 16 : index
        %get3A_2631 = tpu.vector_load %arg18[%get3A_2629, %get3A_2630] {strides = array<i32>} : memref<128x128xf32, #tpu.memory_space<vmem>>, vector<1x16xf32>,
        %get3A_2632 = vector.shape_cast %get3A_2631 : vector<1x16xf32> to vector<16xf32>
        %mul3A_2633 = arith.mulf %get3A_2632, %gather3A_2612 : vector<16xf32>
        %add3A_2634 = arith.constant 15 : i32
        %add3A_2635 = arith.addi %mul3A_885, %add3A_2634 : i32
        %swap3A_2636 = arith.index_cast %add3A_2635 : i32 to index
        %swap3A_2637 = arith.constant 16 : index
        %swap3A_2638 = tpu.vector_load %arg18[%swap3A_2636, %swap3A_2637] {strides = array<i32>} : memref<128x128xf32, #tpu.memory_space<vmem>>, vector<1x16xf32>,
        %swap3A_2639 = vector.shape_cast %swap3A_2638 : vector<1x16xf32> to vector<16xf32>
        %swap3A_2640 = vector.shape_cast %mul3A_2633 : vector<16xf32> to vector<1x16xf32>
        tpu.vector_store %arg18[%swap3A_2636, %swap3A_2637], %swap3A_2640 {strides = array<i32>} : memref<128x128xf32, #tpu.memory_space<vmem>>, vector<1x16xf32>,
        %add3A_2641 = arith.constant 15 : i32
        %add3A_2642 = arith.addi %mul3A_885, %add3A_2641 : i32
        %get3A_2643 = arith.index_cast %add3A_2642 : i32 to index
        %get3A_2644 = arith.constant 32 : index
        %get3A_2645 = tpu.vector_load %arg18[%get3A_2643, %get3A_2644] {strides = array<i32>} : memref<128x128xf32, #tpu.memory_space<vmem>>, vector<1x16xf32>,
        %get3A_2646 = vector.shape_cast %get3A_2645 : vector<1x16xf32> to vector<16xf32>
        %mul3A_2647 = arith.mulf %get3A_2646, %gather3A_2612 : vector<16xf32>
        %add3A_2648 = arith.constant 15 : i32
        %add3A_2649 = arith.addi %mul3A_885, %add3A_2648 : i32
        %swap3A_2650 = arith.index_cast %add3A_2649 : i32 to index
        %swap3A_2651 = arith.constant 32 : index
        %swap3A_2652 = tpu.vector_load %arg18[%swap3A_2650, %swap3A_2651] {strides = array<i32>} : memref<128x128xf32, #tpu.memory_space<vmem>>, vector<1x16xf32>,
        %swap3A_2653 = vector.shape_cast %swap3A_2652 : vector<1x16xf32> to vector<16xf32>
        %swap3A_2654 = vector.shape_cast %mul3A_2647 : vector<16xf32> to vector<1x16xf32>
        tpu.vector_store %arg18[%swap3A_2650, %swap3A_2651], %swap3A_2654 {strides = array<i32>} : memref<128x128xf32, #tpu.memory_space<vmem>>, vector<1x16xf32>,
        %add3A_2655 = arith.constant 15 : i32
        %add3A_2656 = arith.addi %mul3A_885, %add3A_2655 : i32
        %get3A_2657 = arith.index_cast %add3A_2656 : i32 to index
        %get3A_2658 = arith.constant 48 : index
        %get3A_2659 = tpu.vector_load %arg18[%get3A_2657, %get3A_2658] {strides = array<i32>} : memref<128x128xf32, #tpu.memory_space<vmem>>, vector<1x16xf32>,
        %get3A_2660 = vector.shape_cast %get3A_2659 : vector<1x16xf32> to vector<16xf32>
        %mul3A_2661 = arith.mulf %get3A_2660, %gather3A_2612 : vector<16xf32>
        %add3A_2662 = arith.constant 15 : i32
        %add3A_2663 = arith.addi %mul3A_885, %add3A_2662 : i32
        %swap3A_2664 = arith.index_cast %add3A_2663 : i32 to index
        %swap3A_2665 = arith.constant 48 : index
        %swap3A_2666 = tpu.vector_load %arg18[%swap3A_2664, %swap3A_2665] {strides = array<i32>} : memref<128x128xf32, #tpu.memory_space<vmem>>, vector<1x16xf32>,
        %swap3A_2667 = vector.shape_cast %swap3A_2666 : vector<1x16xf32> to vector<16xf32>
        %swap3A_2668 = vector.shape_cast %mul3A_2661 : vector<16xf32> to vector<1x16xf32>
        tpu.vector_store %arg18[%swap3A_2664, %swap3A_2665], %swap3A_2668 {strides = array<i32>} : memref<128x128xf32, #tpu.memory_space<vmem>>, vector<1x16xf32>,
        %add3A_2669 = arith.constant 15 : i32
        %add3A_2670 = arith.addi %mul3A_885, %add3A_2669 : i32
        %get3A_2671 = arith.index_cast %add3A_2670 : i32 to index
        %get3A_2672 = arith.constant 64 : index
        %get3A_2673 = tpu.vector_load %arg18[%get3A_2671, %get3A_2672] {strides = array<i32>} : memref<128x128xf32, #tpu.memory_space<vmem>>, vector<1x16xf32>,
        %get3A_2674 = vector.shape_cast %get3A_2673 : vector<1x16xf32> to vector<16xf32>
        %mul3A_2675 = arith.mulf %get3A_2674, %gather3A_2612 : vector<16xf32>
        %add3A_2676 = arith.constant 15 : i32
        %add3A_2677 = arith.addi %mul3A_885, %add3A_2676 : i32
        %swap3A_2678 = arith.index_cast %add3A_2677 : i32 to index
        %swap3A_2679 = arith.constant 64 : index
        %swap3A_2680 = tpu.vector_load %arg18[%swap3A_2678, %swap3A_2679] {strides = array<i32>} : memref<128x128xf32, #tpu.memory_space<vmem>>, vector<1x16xf32>,
        %swap3A_2681 = vector.shape_cast %swap3A_2680 : vector<1x16xf32> to vector<16xf32>
        %swap3A_2682 = vector.shape_cast %mul3A_2675 : vector<16xf32> to vector<1x16xf32>
        tpu.vector_store %arg18[%swap3A_2678, %swap3A_2679], %swap3A_2682 {strides = array<i32>} : memref<128x128xf32, #tpu.memory_space<vmem>>, vector<1x16xf32>,
        %add3A_2683 = arith.constant 15 : i32
        %add3A_2684 = arith.addi %mul3A_885, %add3A_2683 : i32
        %get3A_2685 = arith.index_cast %add3A_2684 : i32 to index
        %get3A_2686 = arith.constant 80 : index
        %get3A_2687 = tpu.vector_load %arg18[%get3A_2685, %get3A_2686] {strides = array<i32>} : memref<128x128xf32, #tpu.memory_space<vmem>>, vector<1x16xf32>,
        %get3A_2688 = vector.shape_cast %get3A_2687 : vector<1x16xf32> to vector<16xf32>
        %mul3A_2689 = arith.mulf %get3A_2688, %gather3A_2612 : vector<16xf32>
        %add3A_2690 = arith.constant 15 : i32
        %add3A_2691 = arith.addi %mul3A_885, %add3A_2690 : i32
        %swap3A_2692 = arith.index_cast %add3A_2691 : i32 to index
        %swap3A_2693 = arith.constant 80 : index
        %swap3A_2694 = tpu.vector_load %arg18[%swap3A_2692, %swap3A_2693] {strides = array<i32>} : memref<128x128xf32, #tpu.memory_space<vmem>>, vector<1x16xf32>,
        %swap3A_2695 = vector.shape_cast %swap3A_2694 : vector<1x16xf32> to vector<16xf32>
        %swap3A_2696 = vector.shape_cast %mul3A_2689 : vector<16xf32> to vector<1x16xf32>
        tpu.vector_store %arg18[%swap3A_2692, %swap3A_2693], %swap3A_2696 {strides = array<i32>} : memref<128x128xf32, #tpu.memory_space<vmem>>, vector<1x16xf32>,
        %add3A_2697 = arith.constant 15 : i32
        %add3A_2698 = arith.addi %mul3A_885, %add3A_2697 : i32
        %get3A_2699 = arith.index_cast %add3A_2698 : i32 to index
        %get3A_2700 = arith.constant 96 : index
        %get3A_2701 = tpu.vector_load %arg18[%get3A_2699, %get3A_2700] {strides = array<i32>} : memref<128x128xf32, #tpu.memory_space<vmem>>, vector<1x16xf32>,
        %get3A_2702 = vector.shape_cast %get3A_2701 : vector<1x16xf32> to vector<16xf32>
        %mul3A_2703 = arith.mulf %get3A_2702, %gather3A_2612 : vector<16xf32>
        %add3A_2704 = arith.constant 15 : i32
        %add3A_2705 = arith.addi %mul3A_885, %add3A_2704 : i32
        %swap3A_2706 = arith.index_cast %add3A_2705 : i32 to index
        %swap3A_2707 = arith.constant 96 : index
        %swap3A_2708 = tpu.vector_load %arg18[%swap3A_2706, %swap3A_2707] {strides = array<i32>} : memref<128x128xf32, #tpu.memory_space<vmem>>, vector<1x16xf32>,
        %swap3A_2709 = vector.shape_cast %swap3A_2708 : vector<1x16xf32> to vector<16xf32>
        %swap3A_2710 = vector.shape_cast %mul3A_2703 : vector<16xf32> to vector<1x16xf32>
        tpu.vector_store %arg18[%swap3A_2706, %swap3A_2707], %swap3A_2710 {strides = array<i32>} : memref<128x128xf32, #tpu.memory_space<vmem>>, vector<1x16xf32>,
        %add3A_2711 = arith.constant 15 : i32
        %add3A_2712 = arith.addi %mul3A_885, %add3A_2711 : i32
        %get3A_2713 = arith.index_cast %add3A_2712 : i32 to index
        %get3A_2714 = arith.constant 112 : index
        %get3A_2715 = tpu.vector_load %arg18[%get3A_2713, %get3A_2714] {strides = array<i32>} : memref<128x128xf32, #tpu.memory_space<vmem>>, vector<1x16xf32>,
        %get3A_2716 = vector.shape_cast %get3A_2715 : vector<1x16xf32> to vector<16xf32>
        %mul3A_2717 = arith.mulf %get3A_2716, %gather3A_2612 : vector<16xf32>
        %add3A_2718 = arith.constant 15 : i32
        %add3A_2719 = arith.addi %mul3A_885, %add3A_2718 : i32
        %swap3A_2720 = arith.index_cast %add3A_2719 : i32 to index
        %swap3A_2721 = arith.constant 112 : index
        %swap3A_2722 = tpu.vector_load %arg18[%swap3A_2720, %swap3A_2721] {strides = array<i32>} : memref<128x128xf32, #tpu.memory_space<vmem>>, vector<1x16xf32>,
        %swap3A_2723 = vector.shape_cast %swap3A_2722 : vector<1x16xf32> to vector<16xf32>
        %swap3A_2724 = vector.shape_cast %mul3A_2717 : vector<16xf32> to vector<1x16xf32>
        tpu.vector_store %arg18[%swap3A_2720, %swap3A_2721], %swap3A_2724 {strides = array<i32>} : memref<128x128xf32, #tpu.memory_space<vmem>>, vector<1x16xf32>,
        %scan3A_2725 = arith.constant 0 : i32
        scf.yield %scan3A_2725 : i32
      }
      %scan3A_622 = arith.constant 8 : i32
      "tpu.region"() ({
        %run_scoped3A = tpu.sem_alloc : memref<!tpu.dma_semaphore, #tpu.memory_space<semaphore_mem>>
        %dma_start3A_877 = arith.constant 0 : i32
        %dma_start3A_878 = arith.constant 0 : i32
        %dma_start3A_879 = tpu.memref_slice %arg21[%dma_start3A_877, %dma_start3A_878] : memref<10240x128xf32, #tpu.memory_space<vmem_shared>> -> memref<10240x128xf32, #tpu.memory_space<vmem_shared>>
        tpu.enqueue_indirect_dma source(%arg18 : memref<128x128xf32, #tpu.memory_space<vmem>>) target(%dma_start3A_879 : memref<10240x128xf32, #tpu.memory_space<vmem_shared>>) offsets(%arg10 : memref<128xi32, #tpu.memory_space<vmem>>) semaphore(%run_scoped3A : memref<!tpu.dma_semaphore, #tpu.memory_space<semaphore_mem>>) {add = true}
        %dma_wait3A_880 = arith.constant 0 : i32
        %dma_wait3A_881 = arith.constant 0 : i32
        %dma_wait3A_882 = tpu.memref_slice %arg21[%dma_wait3A_880, %dma_wait3A_881] : memref<10240x128xf32, #tpu.memory_space<vmem_shared>> -> memref<10240x128xf32, #tpu.memory_space<vmem_shared>>
        tpu.wait_indirect_dma semaphore(%run_scoped3A : memref<!tpu.dma_semaphore, #tpu.memory_space<semaphore_mem>>) src(%arg18 : memref<128x128xf32, #tpu.memory_space<vmem>>) dst(%dma_wait3A_882 : memref<10240x128xf32, #tpu.memory_space<vmem_shared>>)
        tpu.yield
      }) : () -> ()
      %add3A_623 = arith.constant 2 : i32
      %add3A_624 = arith.addi %mul3A_229, %add3A_623 : i32
      %lt3A_625 = arith.constant 82 : i32
      %lt3A_626 = arith.cmpi slt, %add3A_624, %lt3A_625 : i32
      %convert_element_type3A = arith.extui %lt3A_626 : i1 to i32
      %cond3A = arith.constant 0 : i32
      %cond3A_627 = arith.cmpi ne, %convert_element_type3A, %cond3A : i32
      scf.if %cond3A_627 {
        %add3A_877 = arith.constant 2 : i32
        %add3A_878 = arith.addi %mul3A_229, %add3A_877 : i32
        %get3A_879 = arith.index_cast %add3A_878 : i32 to index
        %get3A_880 = arith.constant 0 : index
        %get3A_881 = tpu.vector_load %arg8[%get3A_879, %get3A_880] {strides = array<i32>} : memref<82x128xi32, #tpu.memory_space<vmem>>, vector<1x16xi32>,
        %get3A_882 = vector.shape_cast %get3A_881 : vector<1x16xi32> to vector<16xi32>
        %and3A_883 = arith.constant 16383 : i32
        %and3A_884 = vector.broadcast %and3A_883 : i32 to vector<16xi32>
        %and3A_885 = arith.andi %get3A_882, %and3A_884 : vector<16xi32>
        %swap3A_886 = arith.constant 0 : index
        %swap3A_887 = tpu.vector_load %arg9[%swap3A_886] {strides = array<i32>} : memref<128xi32, #tpu.memory_space<vmem>>, vector<16xi32>,
        %swap3A_888 = vector.shape_cast %swap3A_887 : vector<16xi32> to vector<16xi32>
        %swap3A_889 = vector.shape_cast %and3A_885 : vector<16xi32> to vector<16xi32>
        tpu.vector_store %arg9[%swap3A_886], %swap3A_889 {strides = array<i32>} : memref<128xi32, #tpu.memory_space<vmem>>, vector<16xi32>,
        %shift_right_logical3A_890 = arith.constant 14 : i32
        %shift_right_logical3A_891 = vector.broadcast %shift_right_logical3A_890 : i32 to vector<16xi32>
        %shift_right_logical3A_892 = arith.shrui %get3A_882, %shift_right_logical3A_891 : vector<16xi32>
        %swap3A_893 = arith.constant 0 : index
        %swap3A_894 = tpu.vector_load %arg10[%swap3A_893] {strides = array<i32>} : memref<128xi32, #tpu.memory_space<vmem>>, vector<16xi32>,
        %swap3A_895 = vector.shape_cast %swap3A_894 : vector<16xi32> to vector<16xi32>
        %swap3A_896 = vector.shape_cast %shift_right_logical3A_892 : vector<16xi32> to vector<16xi32>
        tpu.vector_store %arg10[%swap3A_893], %swap3A_896 {strides = array<i32>} : memref<128xi32, #tpu.memory_space<vmem>>, vector<16xi32>,
        %get3A_897 = arith.index_cast %add3A_878 : i32 to index
        %get3A_898 = arith.constant 16 : index
        %get3A_899 = tpu.vector_load %arg8[%get3A_897, %get3A_898] {strides = array<i32>} : memref<82x128xi32, #tpu.memory_space<vmem>>, vector<1x16xi32>,
        %get3A_900 = vector.shape_cast %get3A_899 : vector<1x16xi32> to vector<16xi32>
        %and3A_901 = arith.constant 16383 : i32
        %and3A_902 = vector.broadcast %and3A_901 : i32 to vector<16xi32>
        %and3A_903 = arith.andi %get3A_900, %and3A_902 : vector<16xi32>
        %swap3A_904 = arith.constant 16 : index
        %swap3A_905 = tpu.vector_load %arg9[%swap3A_904] {strides = array<i32>} : memref<128xi32, #tpu.memory_space<vmem>>, vector<16xi32>,
        %swap3A_906 = vector.shape_cast %swap3A_905 : vector<16xi32> to vector<16xi32>
        %swap3A_907 = vector.shape_cast %and3A_903 : vector<16xi32> to vector<16xi32>
        tpu.vector_store %arg9[%swap3A_904], %swap3A_907 {strides = array<i32>} : memref<128xi32, #tpu.memory_space<vmem>>, vector<16xi32>,
        %shift_right_logical3A_908 = arith.constant 14 : i32
        %shift_right_logical3A_909 = vector.broadcast %shift_right_logical3A_908 : i32 to vector<16xi32>
        %shift_right_logical3A_910 = arith.shrui %get3A_900, %shift_right_logical3A_909 : vector<16xi32>
        %swap3A_911 = arith.constant 16 : index
        %swap3A_912 = tpu.vector_load %arg10[%swap3A_911] {strides = array<i32>} : memref<128xi32, #tpu.memory_space<vmem>>, vector<16xi32>,
        %swap3A_913 = vector.shape_cast %swap3A_912 : vector<16xi32> to vector<16xi32>
        %swap3A_914 = vector.shape_cast %shift_right_logical3A_910 : vector<16xi32> to vector<16xi32>
        tpu.vector_store %arg10[%swap3A_911], %swap3A_914 {strides = array<i32>} : memref<128xi32, #tpu.memory_space<vmem>>, vector<16xi32>,
        %get3A_915 = arith.index_cast %add3A_878 : i32 to index
        %get3A_916 = arith.constant 32 : index
        %get3A_917 = tpu.vector_load %arg8[%get3A_915, %get3A_916] {strides = array<i32>} : memref<82x128xi32, #tpu.memory_space<vmem>>, vector<1x16xi32>,
        %get3A_918 = vector.shape_cast %get3A_917 : vector<1x16xi32> to vector<16xi32>
        %and3A_919 = arith.constant 16383 : i32
        %and3A_920 = vector.broadcast %and3A_919 : i32 to vector<16xi32>
        %and3A_921 = arith.andi %get3A_918, %and3A_920 : vector<16xi32>
        %swap3A_922 = arith.constant 32 : index
        %swap3A_923 = tpu.vector_load %arg9[%swap3A_922] {strides = array<i32>} : memref<128xi32, #tpu.memory_space<vmem>>, vector<16xi32>,
        %swap3A_924 = vector.shape_cast %swap3A_923 : vector<16xi32> to vector<16xi32>
        %swap3A_925 = vector.shape_cast %and3A_921 : vector<16xi32> to vector<16xi32>
        tpu.vector_store %arg9[%swap3A_922], %swap3A_925 {strides = array<i32>} : memref<128xi32, #tpu.memory_space<vmem>>, vector<16xi32>,
        %shift_right_logical3A_926 = arith.constant 14 : i32
        %shift_right_logical3A_927 = vector.broadcast %shift_right_logical3A_926 : i32 to vector<16xi32>
        %shift_right_logical3A_928 = arith.shrui %get3A_918, %shift_right_logical3A_927 : vector<16xi32>
        %swap3A_929 = arith.constant 32 : index
        %swap3A_930 = tpu.vector_load %arg10[%swap3A_929] {strides = array<i32>} : memref<128xi32, #tpu.memory_space<vmem>>, vector<16xi32>,
        %swap3A_931 = vector.shape_cast %swap3A_930 : vector<16xi32> to vector<16xi32>
        %swap3A_932 = vector.shape_cast %shift_right_logical3A_928 : vector<16xi32> to vector<16xi32>
        tpu.vector_store %arg10[%swap3A_929], %swap3A_932 {strides = array<i32>} : memref<128xi32, #tpu.memory_space<vmem>>, vector<16xi32>,
        %get3A_933 = arith.index_cast %add3A_878 : i32 to index
        %get3A_934 = arith.constant 48 : index
        %get3A_935 = tpu.vector_load %arg8[%get3A_933, %get3A_934] {strides = array<i32>} : memref<82x128xi32, #tpu.memory_space<vmem>>, vector<1x16xi32>,
        %get3A_936 = vector.shape_cast %get3A_935 : vector<1x16xi32> to vector<16xi32>
        %and3A_937 = arith.constant 16383 : i32
        %and3A_938 = vector.broadcast %and3A_937 : i32 to vector<16xi32>
        %and3A_939 = arith.andi %get3A_936, %and3A_938 : vector<16xi32>
        %swap3A_940 = arith.constant 48 : index
        %swap3A_941 = tpu.vector_load %arg9[%swap3A_940] {strides = array<i32>} : memref<128xi32, #tpu.memory_space<vmem>>, vector<16xi32>,
        %swap3A_942 = vector.shape_cast %swap3A_941 : vector<16xi32> to vector<16xi32>
        %swap3A_943 = vector.shape_cast %and3A_939 : vector<16xi32> to vector<16xi32>
        tpu.vector_store %arg9[%swap3A_940], %swap3A_943 {strides = array<i32>} : memref<128xi32, #tpu.memory_space<vmem>>, vector<16xi32>,
        %shift_right_logical3A_944 = arith.constant 14 : i32
        %shift_right_logical3A_945 = vector.broadcast %shift_right_logical3A_944 : i32 to vector<16xi32>
        %shift_right_logical3A_946 = arith.shrui %get3A_936, %shift_right_logical3A_945 : vector<16xi32>
        %swap3A_947 = arith.constant 48 : index
        %swap3A_948 = tpu.vector_load %arg10[%swap3A_947] {strides = array<i32>} : memref<128xi32, #tpu.memory_space<vmem>>, vector<16xi32>,
        %swap3A_949 = vector.shape_cast %swap3A_948 : vector<16xi32> to vector<16xi32>
        %swap3A_950 = vector.shape_cast %shift_right_logical3A_946 : vector<16xi32> to vector<16xi32>
        tpu.vector_store %arg10[%swap3A_947], %swap3A_950 {strides = array<i32>} : memref<128xi32, #tpu.memory_space<vmem>>, vector<16xi32>,
        %get3A_951 = arith.index_cast %add3A_878 : i32 to index
        %get3A_952 = arith.constant 64 : index
        %get3A_953 = tpu.vector_load %arg8[%get3A_951, %get3A_952] {strides = array<i32>} : memref<82x128xi32, #tpu.memory_space<vmem>>, vector<1x16xi32>,
        %get3A_954 = vector.shape_cast %get3A_953 : vector<1x16xi32> to vector<16xi32>
        %and3A_955 = arith.constant 16383 : i32
        %and3A_956 = vector.broadcast %and3A_955 : i32 to vector<16xi32>
        %and3A_957 = arith.andi %get3A_954, %and3A_956 : vector<16xi32>
        %swap3A_958 = arith.constant 64 : index
        %swap3A_959 = tpu.vector_load %arg9[%swap3A_958] {strides = array<i32>} : memref<128xi32, #tpu.memory_space<vmem>>, vector<16xi32>,
        %swap3A_960 = vector.shape_cast %swap3A_959 : vector<16xi32> to vector<16xi32>
        %swap3A_961 = vector.shape_cast %and3A_957 : vector<16xi32> to vector<16xi32>
        tpu.vector_store %arg9[%swap3A_958], %swap3A_961 {strides = array<i32>} : memref<128xi32, #tpu.memory_space<vmem>>, vector<16xi32>,
        %shift_right_logical3A_962 = arith.constant 14 : i32
        %shift_right_logical3A_963 = vector.broadcast %shift_right_logical3A_962 : i32 to vector<16xi32>
        %shift_right_logical3A_964 = arith.shrui %get3A_954, %shift_right_logical3A_963 : vector<16xi32>
        %swap3A_965 = arith.constant 64 : index
        %swap3A_966 = tpu.vector_load %arg10[%swap3A_965] {strides = array<i32>} : memref<128xi32, #tpu.memory_space<vmem>>, vector<16xi32>,
        %swap3A_967 = vector.shape_cast %swap3A_966 : vector<16xi32> to vector<16xi32>
        %swap3A_968 = vector.shape_cast %shift_right_logical3A_964 : vector<16xi32> to vector<16xi32>
        tpu.vector_store %arg10[%swap3A_965], %swap3A_968 {strides = array<i32>} : memref<128xi32, #tpu.memory_space<vmem>>, vector<16xi32>,
        %get3A_969 = arith.index_cast %add3A_878 : i32 to index
        %get3A_970 = arith.constant 80 : index
        %get3A_971 = tpu.vector_load %arg8[%get3A_969, %get3A_970] {strides = array<i32>} : memref<82x128xi32, #tpu.memory_space<vmem>>, vector<1x16xi32>,
        %get3A_972 = vector.shape_cast %get3A_971 : vector<1x16xi32> to vector<16xi32>
        %and3A_973 = arith.constant 16383 : i32
        %and3A_974 = vector.broadcast %and3A_973 : i32 to vector<16xi32>
        %and3A_975 = arith.andi %get3A_972, %and3A_974 : vector<16xi32>
        %swap3A_976 = arith.constant 80 : index
        %swap3A_977 = tpu.vector_load %arg9[%swap3A_976] {strides = array<i32>} : memref<128xi32, #tpu.memory_space<vmem>>, vector<16xi32>,
        %swap3A_978 = vector.shape_cast %swap3A_977 : vector<16xi32> to vector<16xi32>
        %swap3A_979 = vector.shape_cast %and3A_975 : vector<16xi32> to vector<16xi32>
        tpu.vector_store %arg9[%swap3A_976], %swap3A_979 {strides = array<i32>} : memref<128xi32, #tpu.memory_space<vmem>>, vector<16xi32>,
        %shift_right_logical3A_980 = arith.constant 14 : i32
        %shift_right_logical3A_981 = vector.broadcast %shift_right_logical3A_980 : i32 to vector<16xi32>
        %shift_right_logical3A_982 = arith.shrui %get3A_972, %shift_right_logical3A_981 : vector<16xi32>
        %swap3A_983 = arith.constant 80 : index
        %swap3A_984 = tpu.vector_load %arg10[%swap3A_983] {strides = array<i32>} : memref<128xi32, #tpu.memory_space<vmem>>, vector<16xi32>,
        %swap3A_985 = vector.shape_cast %swap3A_984 : vector<16xi32> to vector<16xi32>
        %swap3A_986 = vector.shape_cast %shift_right_logical3A_982 : vector<16xi32> to vector<16xi32>
        tpu.vector_store %arg10[%swap3A_983], %swap3A_986 {strides = array<i32>} : memref<128xi32, #tpu.memory_space<vmem>>, vector<16xi32>,
        %get3A_987 = arith.index_cast %add3A_878 : i32 to index
        %get3A_988 = arith.constant 96 : index
        %get3A_989 = tpu.vector_load %arg8[%get3A_987, %get3A_988] {strides = array<i32>} : memref<82x128xi32, #tpu.memory_space<vmem>>, vector<1x16xi32>,
        %get3A_990 = vector.shape_cast %get3A_989 : vector<1x16xi32> to vector<16xi32>
        %and3A_991 = arith.constant 16383 : i32
        %and3A_992 = vector.broadcast %and3A_991 : i32 to vector<16xi32>
        %and3A_993 = arith.andi %get3A_990, %and3A_992 : vector<16xi32>
        %swap3A_994 = arith.constant 96 : index
        %swap3A_995 = tpu.vector_load %arg9[%swap3A_994] {strides = array<i32>} : memref<128xi32, #tpu.memory_space<vmem>>, vector<16xi32>,
        %swap3A_996 = vector.shape_cast %swap3A_995 : vector<16xi32> to vector<16xi32>
        %swap3A_997 = vector.shape_cast %and3A_993 : vector<16xi32> to vector<16xi32>
        tpu.vector_store %arg9[%swap3A_994], %swap3A_997 {strides = array<i32>} : memref<128xi32, #tpu.memory_space<vmem>>, vector<16xi32>,
        %shift_right_logical3A_998 = arith.constant 14 : i32
        %shift_right_logical3A_999 = vector.broadcast %shift_right_logical3A_998 : i32 to vector<16xi32>
        %shift_right_logical3A_1000 = arith.shrui %get3A_990, %shift_right_logical3A_999 : vector<16xi32>
        %swap3A_1001 = arith.constant 96 : index
        %swap3A_1002 = tpu.vector_load %arg10[%swap3A_1001] {strides = array<i32>} : memref<128xi32, #tpu.memory_space<vmem>>, vector<16xi32>,
        %swap3A_1003 = vector.shape_cast %swap3A_1002 : vector<16xi32> to vector<16xi32>
        %swap3A_1004 = vector.shape_cast %shift_right_logical3A_1000 : vector<16xi32> to vector<16xi32>
        tpu.vector_store %arg10[%swap3A_1001], %swap3A_1004 {strides = array<i32>} : memref<128xi32, #tpu.memory_space<vmem>>, vector<16xi32>,
        %get3A_1005 = arith.index_cast %add3A_878 : i32 to index
        %get3A_1006 = arith.constant 112 : index
        %get3A_1007 = tpu.vector_load %arg8[%get3A_1005, %get3A_1006] {strides = array<i32>} : memref<82x128xi32, #tpu.memory_space<vmem>>, vector<1x16xi32>,
        %get3A_1008 = vector.shape_cast %get3A_1007 : vector<1x16xi32> to vector<16xi32>
        %and3A_1009 = arith.constant 16383 : i32
        %and3A_1010 = vector.broadcast %and3A_1009 : i32 to vector<16xi32>
        %and3A_1011 = arith.andi %get3A_1008, %and3A_1010 : vector<16xi32>
        %swap3A_1012 = arith.constant 112 : index
        %swap3A_1013 = tpu.vector_load %arg9[%swap3A_1012] {strides = array<i32>} : memref<128xi32, #tpu.memory_space<vmem>>, vector<16xi32>,
        %swap3A_1014 = vector.shape_cast %swap3A_1013 : vector<16xi32> to vector<16xi32>
        %swap3A_1015 = vector.shape_cast %and3A_1011 : vector<16xi32> to vector<16xi32>
        tpu.vector_store %arg9[%swap3A_1012], %swap3A_1015 {strides = array<i32>} : memref<128xi32, #tpu.memory_space<vmem>>, vector<16xi32>,
        %shift_right_logical3A_1016 = arith.constant 14 : i32
        %shift_right_logical3A_1017 = vector.broadcast %shift_right_logical3A_1016 : i32 to vector<16xi32>
        %shift_right_logical3A_1018 = arith.shrui %get3A_1008, %shift_right_logical3A_1017 : vector<16xi32>
        %swap3A_1019 = arith.constant 112 : index
        %swap3A_1020 = tpu.vector_load %arg10[%swap3A_1019] {strides = array<i32>} : memref<128xi32, #tpu.memory_space<vmem>>, vector<16xi32>,
        %swap3A_1021 = vector.shape_cast %swap3A_1020 : vector<16xi32> to vector<16xi32>
        %swap3A_1022 = vector.shape_cast %shift_right_logical3A_1018 : vector<16xi32> to vector<16xi32>
        tpu.vector_store %arg10[%swap3A_1019], %swap3A_1022 {strides = array<i32>} : memref<128xi32, #tpu.memory_space<vmem>>, vector<16xi32>,
        %dma_start3A_1023 = arith.constant 0 : i32
        %dma_start3A_1024 = arith.constant 0 : i32
        %dma_start3A_1025 = tpu.memref_slice %arg2[%dma_start3A_1023, %dma_start3A_1024] : memref<10240x128xf32, #tpu.memory_space<hbm>> -> memref<10240x128xf32, #tpu.memory_space<hbm>>
        tpu.enqueue_indirect_dma source(%dma_start3A_1025 : memref<10240x128xf32, #tpu.memory_space<hbm>>) target(%arg18 : memref<128x128xf32, #tpu.memory_space<vmem>>) offsets(%arg9 : memref<128xi32, #tpu.memory_space<vmem>>) semaphore(%arg23 : memref<!tpu.dma_semaphore, #tpu.memory_space<semaphore_mem>>)
        %dma_start3A_1026 = arith.constant 0 : i32
        %dma_start3A_1027 = tpu.memref_slice %arg3[%dma_start3A_1026] : memref<10240xf32, #tpu.memory_space<hbm>> -> memref<10240xf32, #tpu.memory_space<hbm>>
        tpu.enqueue_indirect_dma source(%dma_start3A_1027 : memref<10240xf32, #tpu.memory_space<hbm>>) target(%arg13 : memref<128xf32, #tpu.memory_space<vmem>>) offsets(%arg9 : memref<128xi32, #tpu.memory_space<vmem>>) semaphore(%arg24 : memref<!tpu.dma_semaphore, #tpu.memory_space<semaphore_mem>>)
        %dma_start3A_1028 = arith.constant 0 : i32
        %dma_start3A_1029 = tpu.memref_slice %arg4[%dma_start3A_1028] : memref<10240xf32, #tpu.memory_space<hbm>> -> memref<10240xf32, #tpu.memory_space<hbm>>
        tpu.enqueue_indirect_dma source(%dma_start3A_1029 : memref<10240xf32, #tpu.memory_space<hbm>>) target(%arg14 : memref<128xf32, #tpu.memory_space<vmem>>) offsets(%arg10 : memref<128xi32, #tpu.memory_space<vmem>>) semaphore(%arg25 : memref<!tpu.dma_semaphore, #tpu.memory_space<semaphore_mem>>)
      } else {
      }
      %add3A_628 = arith.constant 1 : i32
      %add3A_629 = arith.addi %mul3A_229, %add3A_628 : i32
      %dma_wait3A_630 = arith.constant 0 : i32
      %dma_wait3A_631 = tpu.memref_slice %arg3[%dma_wait3A_630] : memref<10240xf32, #tpu.memory_space<hbm>> -> memref<10240xf32, #tpu.memory_space<hbm>>
      tpu.wait_indirect_dma semaphore(%arg27 : memref<!tpu.dma_semaphore, #tpu.memory_space<semaphore_mem>>) src(%dma_wait3A_631 : memref<10240xf32, #tpu.memory_space<hbm>>) dst(%arg15 : memref<128xf32, #tpu.memory_space<vmem>>)
      %dma_wait3A_632 = arith.constant 0 : i32
      %dma_wait3A_633 = tpu.memref_slice %arg4[%dma_wait3A_632] : memref<10240xf32, #tpu.memory_space<hbm>> -> memref<10240xf32, #tpu.memory_space<hbm>>
      tpu.wait_indirect_dma semaphore(%arg28 : memref<!tpu.dma_semaphore, #tpu.memory_space<semaphore_mem>>) src(%dma_wait3A_633 : memref<10240xf32, #tpu.memory_space<hbm>>) dst(%arg16 : memref<128xf32, #tpu.memory_space<vmem>>)
      %get3A_634 = arith.constant 0 : index
      %get3A_635 = tpu.vector_load %arg15[%get3A_634] {strides = array<i32>} : memref<128xf32, #tpu.memory_space<vmem>>, vector<16xf32>,
      %get3A_636 = vector.shape_cast %get3A_635 : vector<16xf32> to vector<16xf32>
      %get3A_637 = arith.constant 0 : index
      %get3A_638 = tpu.vector_load %arg16[%get3A_637] {strides = array<i32>} : memref<128xf32, #tpu.memory_space<vmem>>, vector<16xf32>,
      %get3A_639 = vector.shape_cast %get3A_638 : vector<16xf32> to vector<16xf32>
      %add3A_640 = arith.addf %get3A_636, %get3A_639 : vector<16xf32>
      %mul3A_641 = arith.constant 2.000000e-01 : f32
      %mul3A_642 = vector.broadcast %mul3A_641 : f32 to vector<16xf32>
      %mul3A_643 = arith.mulf %mul3A_642, %add3A_640 : vector<16xf32>
      %max3A_644 = arith.maximumf %add3A_640, %mul3A_643 : vector<16xf32>
      %exp3A_645 = math.exp %max3A_644 : vector<16xf32>
      %mul3A_646 = arith.constant 128 : i32
      %mul3A_647 = arith.muli %add3A_629, %mul3A_646 : i32
      %add3A_648 = arith.addi %mul3A_28, %mul3A_647 : i32
      %add3A_649 = arith.constant 0 : i32
      %add3A_650 = arith.addi %add3A_648, %add3A_649 : i32
      %add3A_651 = vector.broadcast %add3A_650 : i32 to vector<16xi32>
      %add3A_652 = arith.addi %add3A_651, %iota3A : vector<16xi32>
      %lt3A_653 = arith.constant 330000 : i32
      %lt3A_654 = vector.broadcast %lt3A_653 : i32 to vector<16xi32>
      %lt3A_655 = arith.cmpi slt, %add3A_652, %lt3A_654 : vector<16xi32>
      %jit3A_656 = arith.constant 0.000000e+00 : f32
      %broadcast_in_dim3A_657 = vector.broadcast %jit3A_656 : f32 to vector<16xf32>
      %select_n3A_658 = arith.select %lt3A_655, %exp3A_645, %broadcast_in_dim3A_657 : vector<16xi1>, vector<16xf32>
      %swap3A_659 = arith.constant 0 : index
      %swap3A_660 = tpu.vector_load %arg17[%swap3A_659] {strides = array<i32>} : memref<128xf32, #tpu.memory_space<vmem>>, vector<16xf32>,
      %swap3A_661 = vector.shape_cast %swap3A_660 : vector<16xf32> to vector<16xf32>
      %swap3A_662 = vector.shape_cast %select_n3A_658 : vector<16xf32> to vector<16xf32>
      tpu.vector_store %arg17[%swap3A_659], %swap3A_662 {strides = array<i32>} : memref<128xf32, #tpu.memory_space<vmem>>, vector<16xf32>,
      %get3A_663 = arith.constant 16 : index
      %get3A_664 = tpu.vector_load %arg15[%get3A_663] {strides = array<i32>} : memref<128xf32, #tpu.memory_space<vmem>>, vector<16xf32>,
      %get3A_665 = vector.shape_cast %get3A_664 : vector<16xf32> to vector<16xf32>
      %get3A_666 = arith.constant 16 : index
      %get3A_667 = tpu.vector_load %arg16[%get3A_666] {strides = array<i32>} : memref<128xf32, #tpu.memory_space<vmem>>, vector<16xf32>,
      %get3A_668 = vector.shape_cast %get3A_667 : vector<16xf32> to vector<16xf32>
      %add3A_669 = arith.addf %get3A_665, %get3A_668 : vector<16xf32>
      %mul3A_670 = arith.constant 2.000000e-01 : f32
      %mul3A_671 = vector.broadcast %mul3A_670 : f32 to vector<16xf32>
      %mul3A_672 = arith.mulf %mul3A_671, %add3A_669 : vector<16xf32>
      %max3A_673 = arith.maximumf %add3A_669, %mul3A_672 : vector<16xf32>
      %exp3A_674 = math.exp %max3A_673 : vector<16xf32>
      %mul3A_675 = arith.constant 128 : i32
      %mul3A_676 = arith.muli %add3A_629, %mul3A_675 : i32
      %add3A_677 = arith.addi %mul3A_28, %mul3A_676 : i32
      %add3A_678 = arith.constant 16 : i32
      %add3A_679 = arith.addi %add3A_677, %add3A_678 : i32
      %add3A_680 = vector.broadcast %add3A_679 : i32 to vector<16xi32>
      %add3A_681 = arith.addi %add3A_680, %iota3A : vector<16xi32>
      %lt3A_682 = arith.constant 330000 : i32
      %lt3A_683 = vector.broadcast %lt3A_682 : i32 to vector<16xi32>
      %lt3A_684 = arith.cmpi slt, %add3A_681, %lt3A_683 : vector<16xi32>
      %jit3A_685 = arith.constant 0.000000e+00 : f32
      %broadcast_in_dim3A_686 = vector.broadcast %jit3A_685 : f32 to vector<16xf32>
      %select_n3A_687 = arith.select %lt3A_684, %exp3A_674, %broadcast_in_dim3A_686 : vector<16xi1>, vector<16xf32>
      %swap3A_688 = arith.constant 16 : index
      %swap3A_689 = tpu.vector_load %arg17[%swap3A_688] {strides = array<i32>} : memref<128xf32, #tpu.memory_space<vmem>>, vector<16xf32>,
      %swap3A_690 = vector.shape_cast %swap3A_689 : vector<16xf32> to vector<16xf32>
      %swap3A_691 = vector.shape_cast %select_n3A_687 : vector<16xf32> to vector<16xf32>
      tpu.vector_store %arg17[%swap3A_688], %swap3A_691 {strides = array<i32>} : memref<128xf32, #tpu.memory_space<vmem>>, vector<16xf32>,
      %get3A_692 = arith.constant 32 : index
      %get3A_693 = tpu.vector_load %arg15[%get3A_692] {strides = array<i32>} : memref<128xf32, #tpu.memory_space<vmem>>, vector<16xf32>,
      %get3A_694 = vector.shape_cast %get3A_693 : vector<16xf32> to vector<16xf32>
      %get3A_695 = arith.constant 32 : index
      %get3A_696 = tpu.vector_load %arg16[%get3A_695] {strides = array<i32>} : memref<128xf32, #tpu.memory_space<vmem>>, vector<16xf32>,
      %get3A_697 = vector.shape_cast %get3A_696 : vector<16xf32> to vector<16xf32>
      %add3A_698 = arith.addf %get3A_694, %get3A_697 : vector<16xf32>
      %mul3A_699 = arith.constant 2.000000e-01 : f32
      %mul3A_700 = vector.broadcast %mul3A_699 : f32 to vector<16xf32>
      %mul3A_701 = arith.mulf %mul3A_700, %add3A_698 : vector<16xf32>
      %max3A_702 = arith.maximumf %add3A_698, %mul3A_701 : vector<16xf32>
      %exp3A_703 = math.exp %max3A_702 : vector<16xf32>
      %mul3A_704 = arith.constant 128 : i32
      %mul3A_705 = arith.muli %add3A_629, %mul3A_704 : i32
      %add3A_706 = arith.addi %mul3A_28, %mul3A_705 : i32
      %add3A_707 = arith.constant 32 : i32
      %add3A_708 = arith.addi %add3A_706, %add3A_707 : i32
      %add3A_709 = vector.broadcast %add3A_708 : i32 to vector<16xi32>
      %add3A_710 = arith.addi %add3A_709, %iota3A : vector<16xi32>
      %lt3A_711 = arith.constant 330000 : i32
      %lt3A_712 = vector.broadcast %lt3A_711 : i32 to vector<16xi32>
      %lt3A_713 = arith.cmpi slt, %add3A_710, %lt3A_712 : vector<16xi32>
      %jit3A_714 = arith.constant 0.000000e+00 : f32
      %broadcast_in_dim3A_715 = vector.broadcast %jit3A_714 : f32 to vector<16xf32>
      %select_n3A_716 = arith.select %lt3A_713, %exp3A_703, %broadcast_in_dim3A_715 : vector<16xi1>, vector<16xf32>
      %swap3A_717 = arith.constant 32 : index
      %swap3A_718 = tpu.vector_load %arg17[%swap3A_717] {strides = array<i32>} : memref<128xf32, #tpu.memory_space<vmem>>, vector<16xf32>,
      %swap3A_719 = vector.shape_cast %swap3A_718 : vector<16xf32> to vector<16xf32>
      %swap3A_720 = vector.shape_cast %select_n3A_716 : vector<16xf32> to vector<16xf32>
      tpu.vector_store %arg17[%swap3A_717], %swap3A_720 {strides = array<i32>} : memref<128xf32, #tpu.memory_space<vmem>>, vector<16xf32>,
      %get3A_721 = arith.constant 48 : index
      %get3A_722 = tpu.vector_load %arg15[%get3A_721] {strides = array<i32>} : memref<128xf32, #tpu.memory_space<vmem>>, vector<16xf32>,
      %get3A_723 = vector.shape_cast %get3A_722 : vector<16xf32> to vector<16xf32>
      %get3A_724 = arith.constant 48 : index
      %get3A_725 = tpu.vector_load %arg16[%get3A_724] {strides = array<i32>} : memref<128xf32, #tpu.memory_space<vmem>>, vector<16xf32>,
      %get3A_726 = vector.shape_cast %get3A_725 : vector<16xf32> to vector<16xf32>
      %add3A_727 = arith.addf %get3A_723, %get3A_726 : vector<16xf32>
      %mul3A_728 = arith.constant 2.000000e-01 : f32
      %mul3A_729 = vector.broadcast %mul3A_728 : f32 to vector<16xf32>
      %mul3A_730 = arith.mulf %mul3A_729, %add3A_727 : vector<16xf32>
      %max3A_731 = arith.maximumf %add3A_727, %mul3A_730 : vector<16xf32>
      %exp3A_732 = math.exp %max3A_731 : vector<16xf32>
      %mul3A_733 = arith.constant 128 : i32
      %mul3A_734 = arith.muli %add3A_629, %mul3A_733 : i32
      %add3A_735 = arith.addi %mul3A_28, %mul3A_734 : i32
      %add3A_736 = arith.constant 48 : i32
      %add3A_737 = arith.addi %add3A_735, %add3A_736 : i32
      %add3A_738 = vector.broadcast %add3A_737 : i32 to vector<16xi32>
      %add3A_739 = arith.addi %add3A_738, %iota3A : vector<16xi32>
      %lt3A_740 = arith.constant 330000 : i32
      %lt3A_741 = vector.broadcast %lt3A_740 : i32 to vector<16xi32>
      %lt3A_742 = arith.cmpi slt, %add3A_739, %lt3A_741 : vector<16xi32>
      %jit3A_743 = arith.constant 0.000000e+00 : f32
      %broadcast_in_dim3A_744 = vector.broadcast %jit3A_743 : f32 to vector<16xf32>
      %select_n3A_745 = arith.select %lt3A_742, %exp3A_732, %broadcast_in_dim3A_744 : vector<16xi1>, vector<16xf32>
      %swap3A_746 = arith.constant 48 : index
      %swap3A_747 = tpu.vector_load %arg17[%swap3A_746] {strides = array<i32>} : memref<128xf32, #tpu.memory_space<vmem>>, vector<16xf32>,
      %swap3A_748 = vector.shape_cast %swap3A_747 : vector<16xf32> to vector<16xf32>
      %swap3A_749 = vector.shape_cast %select_n3A_745 : vector<16xf32> to vector<16xf32>
      tpu.vector_store %arg17[%swap3A_746], %swap3A_749 {strides = array<i32>} : memref<128xf32, #tpu.memory_space<vmem>>, vector<16xf32>,
      %get3A_750 = arith.constant 64 : index
      %get3A_751 = tpu.vector_load %arg15[%get3A_750] {strides = array<i32>} : memref<128xf32, #tpu.memory_space<vmem>>, vector<16xf32>,
      %get3A_752 = vector.shape_cast %get3A_751 : vector<16xf32> to vector<16xf32>
      %get3A_753 = arith.constant 64 : index
      %get3A_754 = tpu.vector_load %arg16[%get3A_753] {strides = array<i32>} : memref<128xf32, #tpu.memory_space<vmem>>, vector<16xf32>,
      %get3A_755 = vector.shape_cast %get3A_754 : vector<16xf32> to vector<16xf32>
      %add3A_756 = arith.addf %get3A_752, %get3A_755 : vector<16xf32>
      %mul3A_757 = arith.constant 2.000000e-01 : f32
      %mul3A_758 = vector.broadcast %mul3A_757 : f32 to vector<16xf32>
      %mul3A_759 = arith.mulf %mul3A_758, %add3A_756 : vector<16xf32>
      %max3A_760 = arith.maximumf %add3A_756, %mul3A_759 : vector<16xf32>
      %exp3A_761 = math.exp %max3A_760 : vector<16xf32>
      %mul3A_762 = arith.constant 128 : i32
      %mul3A_763 = arith.muli %add3A_629, %mul3A_762 : i32
      %add3A_764 = arith.addi %mul3A_28, %mul3A_763 : i32
      %add3A_765 = arith.constant 64 : i32
      %add3A_766 = arith.addi %add3A_764, %add3A_765 : i32
      %add3A_767 = vector.broadcast %add3A_766 : i32 to vector<16xi32>
      %add3A_768 = arith.addi %add3A_767, %iota3A : vector<16xi32>
      %lt3A_769 = arith.constant 330000 : i32
      %lt3A_770 = vector.broadcast %lt3A_769 : i32 to vector<16xi32>
      %lt3A_771 = arith.cmpi slt, %add3A_768, %lt3A_770 : vector<16xi32>
      %jit3A_772 = arith.constant 0.000000e+00 : f32
      %broadcast_in_dim3A_773 = vector.broadcast %jit3A_772 : f32 to vector<16xf32>
      %select_n3A_774 = arith.select %lt3A_771, %exp3A_761, %broadcast_in_dim3A_773 : vector<16xi1>, vector<16xf32>
      %swap3A_775 = arith.constant 64 : index
      %swap3A_776 = tpu.vector_load %arg17[%swap3A_775] {strides = array<i32>} : memref<128xf32, #tpu.memory_space<vmem>>, vector<16xf32>,
      %swap3A_777 = vector.shape_cast %swap3A_776 : vector<16xf32> to vector<16xf32>
      %swap3A_778 = vector.shape_cast %select_n3A_774 : vector<16xf32> to vector<16xf32>
      tpu.vector_store %arg17[%swap3A_775], %swap3A_778 {strides = array<i32>} : memref<128xf32, #tpu.memory_space<vmem>>, vector<16xf32>,
      %get3A_779 = arith.constant 80 : index
      %get3A_780 = tpu.vector_load %arg15[%get3A_779] {strides = array<i32>} : memref<128xf32, #tpu.memory_space<vmem>>, vector<16xf32>,
      %get3A_781 = vector.shape_cast %get3A_780 : vector<16xf32> to vector<16xf32>
      %get3A_782 = arith.constant 80 : index
      %get3A_783 = tpu.vector_load %arg16[%get3A_782] {strides = array<i32>} : memref<128xf32, #tpu.memory_space<vmem>>, vector<16xf32>,
      %get3A_784 = vector.shape_cast %get3A_783 : vector<16xf32> to vector<16xf32>
      %add3A_785 = arith.addf %get3A_781, %get3A_784 : vector<16xf32>
      %mul3A_786 = arith.constant 2.000000e-01 : f32
      %mul3A_787 = vector.broadcast %mul3A_786 : f32 to vector<16xf32>
      %mul3A_788 = arith.mulf %mul3A_787, %add3A_785 : vector<16xf32>
      %max3A_789 = arith.maximumf %add3A_785, %mul3A_788 : vector<16xf32>
      %exp3A_790 = math.exp %max3A_789 : vector<16xf32>
      %mul3A_791 = arith.constant 128 : i32
      %mul3A_792 = arith.muli %add3A_629, %mul3A_791 : i32
      %add3A_793 = arith.addi %mul3A_28, %mul3A_792 : i32
      %add3A_794 = arith.constant 80 : i32
      %add3A_795 = arith.addi %add3A_793, %add3A_794 : i32
      %add3A_796 = vector.broadcast %add3A_795 : i32 to vector<16xi32>
      %add3A_797 = arith.addi %add3A_796, %iota3A : vector<16xi32>
      %lt3A_798 = arith.constant 330000 : i32
      %lt3A_799 = vector.broadcast %lt3A_798 : i32 to vector<16xi32>
      %lt3A_800 = arith.cmpi slt, %add3A_797, %lt3A_799 : vector<16xi32>
      %jit3A_801 = arith.constant 0.000000e+00 : f32
      %broadcast_in_dim3A_802 = vector.broadcast %jit3A_801 : f32 to vector<16xf32>
      %select_n3A_803 = arith.select %lt3A_800, %exp3A_790, %broadcast_in_dim3A_802 : vector<16xi1>, vector<16xf32>
      %swap3A_804 = arith.constant 80 : index
      %swap3A_805 = tpu.vector_load %arg17[%swap3A_804] {strides = array<i32>} : memref<128xf32, #tpu.memory_space<vmem>>, vector<16xf32>,
      %swap3A_806 = vector.shape_cast %swap3A_805 : vector<16xf32> to vector<16xf32>
      %swap3A_807 = vector.shape_cast %select_n3A_803 : vector<16xf32> to vector<16xf32>
      tpu.vector_store %arg17[%swap3A_804], %swap3A_807 {strides = array<i32>} : memref<128xf32, #tpu.memory_space<vmem>>, vector<16xf32>,
      %get3A_808 = arith.constant 96 : index
      %get3A_809 = tpu.vector_load %arg15[%get3A_808] {strides = array<i32>} : memref<128xf32, #tpu.memory_space<vmem>>, vector<16xf32>,
      %get3A_810 = vector.shape_cast %get3A_809 : vector<16xf32> to vector<16xf32>
      %get3A_811 = arith.constant 96 : index
      %get3A_812 = tpu.vector_load %arg16[%get3A_811] {strides = array<i32>} : memref<128xf32, #tpu.memory_space<vmem>>, vector<16xf32>,
      %get3A_813 = vector.shape_cast %get3A_812 : vector<16xf32> to vector<16xf32>
      %add3A_814 = arith.addf %get3A_810, %get3A_813 : vector<16xf32>
      %mul3A_815 = arith.constant 2.000000e-01 : f32
      %mul3A_816 = vector.broadcast %mul3A_815 : f32 to vector<16xf32>
      %mul3A_817 = arith.mulf %mul3A_816, %add3A_814 : vector<16xf32>
      %max3A_818 = arith.maximumf %add3A_814, %mul3A_817 : vector<16xf32>
      %exp3A_819 = math.exp %max3A_818 : vector<16xf32>
      %mul3A_820 = arith.constant 128 : i32
      %mul3A_821 = arith.muli %add3A_629, %mul3A_820 : i32
      %add3A_822 = arith.addi %mul3A_28, %mul3A_821 : i32
      %add3A_823 = arith.constant 96 : i32
      %add3A_824 = arith.addi %add3A_822, %add3A_823 : i32
      %add3A_825 = vector.broadcast %add3A_824 : i32 to vector<16xi32>
      %add3A_826 = arith.addi %add3A_825, %iota3A : vector<16xi32>
      %lt3A_827 = arith.constant 330000 : i32
      %lt3A_828 = vector.broadcast %lt3A_827 : i32 to vector<16xi32>
      %lt3A_829 = arith.cmpi slt, %add3A_826, %lt3A_828 : vector<16xi32>
      %jit3A_830 = arith.constant 0.000000e+00 : f32
      %broadcast_in_dim3A_831 = vector.broadcast %jit3A_830 : f32 to vector<16xf32>
      %select_n3A_832 = arith.select %lt3A_829, %exp3A_819, %broadcast_in_dim3A_831 : vector<16xi1>, vector<16xf32>
      %swap3A_833 = arith.constant 96 : index
      %swap3A_834 = tpu.vector_load %arg17[%swap3A_833] {strides = array<i32>} : memref<128xf32, #tpu.memory_space<vmem>>, vector<16xf32>,
      %swap3A_835 = vector.shape_cast %swap3A_834 : vector<16xf32> to vector<16xf32>
      %swap3A_836 = vector.shape_cast %select_n3A_832 : vector<16xf32> to vector<16xf32>
      tpu.vector_store %arg17[%swap3A_833], %swap3A_836 {strides = array<i32>} : memref<128xf32, #tpu.memory_space<vmem>>, vector<16xf32>,
      %get3A_837 = arith.constant 112 : index
      %get3A_838 = tpu.vector_load %arg15[%get3A_837] {strides = array<i32>} : memref<128xf32, #tpu.memory_space<vmem>>, vector<16xf32>,
      %get3A_839 = vector.shape_cast %get3A_838 : vector<16xf32> to vector<16xf32>
      %get3A_840 = arith.constant 112 : index
      %get3A_841 = tpu.vector_load %arg16[%get3A_840] {strides = array<i32>} : memref<128xf32, #tpu.memory_space<vmem>>, vector<16xf32>,
      %get3A_842 = vector.shape_cast %get3A_841 : vector<16xf32> to vector<16xf32>
      %add3A_843 = arith.addf %get3A_839, %get3A_842 : vector<16xf32>
      %mul3A_844 = arith.constant 2.000000e-01 : f32
      %mul3A_845 = vector.broadcast %mul3A_844 : f32 to vector<16xf32>
      %mul3A_846 = arith.mulf %mul3A_845, %add3A_843 : vector<16xf32>
      %max3A_847 = arith.maximumf %add3A_843, %mul3A_846 : vector<16xf32>
      %exp3A_848 = math.exp %max3A_847 : vector<16xf32>
      %mul3A_849 = arith.constant 128 : i32
      %mul3A_850 = arith.muli %add3A_629, %mul3A_849 : i32
      %add3A_851 = arith.addi %mul3A_28, %mul3A_850 : i32
      %add3A_852 = arith.constant 112 : i32
      %add3A_853 = arith.addi %add3A_851, %add3A_852 : i32
      %add3A_854 = vector.broadcast %add3A_853 : i32 to vector<16xi32>
      %add3A_855 = arith.addi %add3A_854, %iota3A : vector<16xi32>
      %lt3A_856 = arith.constant 330000 : i32
      %lt3A_857 = vector.broadcast %lt3A_856 : i32 to vector<16xi32>
      %lt3A_858 = arith.cmpi slt, %add3A_855, %lt3A_857 : vector<16xi32>
      %jit3A_859 = arith.constant 0.000000e+00 : f32
      %broadcast_in_dim3A_860 = vector.broadcast %jit3A_859 : f32 to vector<16xf32>
      %select_n3A_861 = arith.select %lt3A_858, %exp3A_848, %broadcast_in_dim3A_860 : vector<16xi1>, vector<16xf32>
      %swap3A_862 = arith.constant 112 : index
      %swap3A_863 = tpu.vector_load %arg17[%swap3A_862] {strides = array<i32>} : memref<128xf32, #tpu.memory_space<vmem>>, vector<16xf32>,
      %swap3A_864 = vector.shape_cast %swap3A_863 : vector<16xf32> to vector<16xf32>
      %swap3A_865 = vector.shape_cast %select_n3A_861 : vector<16xf32> to vector<16xf32>
      tpu.vector_store %arg17[%swap3A_862], %swap3A_865 {strides = array<i32>} : memref<128xf32, #tpu.memory_space<vmem>>, vector<16xf32>,
      "tpu.region"() ({
        %run_scoped3A = tpu.sem_alloc : memref<!tpu.dma_semaphore, #tpu.memory_space<semaphore_mem>>
        %dma_start3A_877 = arith.constant 0 : i32
        %dma_start3A_878 = tpu.memref_slice %arg22[%dma_start3A_877] : memref<10240xf32, #tpu.memory_space<vmem_shared>> -> memref<10240xf32, #tpu.memory_space<vmem_shared>>
        tpu.enqueue_indirect_dma source(%arg17 : memref<128xf32, #tpu.memory_space<vmem>>) target(%dma_start3A_878 : memref<10240xf32, #tpu.memory_space<vmem_shared>>) offsets(%arg12 : memref<128xi32, #tpu.memory_space<vmem>>) semaphore(%run_scoped3A : memref<!tpu.dma_semaphore, #tpu.memory_space<semaphore_mem>>) {add = true}
        %dma_wait3A_879 = arith.constant 0 : i32
        %dma_wait3A_880 = tpu.memref_slice %arg22[%dma_wait3A_879] : memref<10240xf32, #tpu.memory_space<vmem_shared>> -> memref<10240xf32, #tpu.memory_space<vmem_shared>>
        tpu.wait_indirect_dma semaphore(%run_scoped3A : memref<!tpu.dma_semaphore, #tpu.memory_space<semaphore_mem>>) src(%arg17 : memref<128xf32, #tpu.memory_space<vmem>>) dst(%dma_wait3A_880 : memref<10240xf32, #tpu.memory_space<vmem_shared>>)
        tpu.yield
      }) : () -> ()
      %dma_wait3A_866 = arith.constant 0 : i32
      %dma_wait3A_867 = arith.constant 0 : i32
      %dma_wait3A_868 = tpu.memref_slice %arg2[%dma_wait3A_866, %dma_wait3A_867] : memref<10240x128xf32, #tpu.memory_space<hbm>> -> memref<10240x128xf32, #tpu.memory_space<hbm>>
      tpu.wait_indirect_dma semaphore(%arg26 : memref<!tpu.dma_semaphore, #tpu.memory_space<semaphore_mem>>) src(%dma_wait3A_868 : memref<10240x128xf32, #tpu.memory_space<hbm>>) dst(%arg19 : memref<128x128xf32, #tpu.memory_space<vmem>>)
      %scan3A_869 = arith.constant 0 : i32
      %scan3A_870 = arith.constant 0 : i32
      %scan3A_871 = arith.constant 8 : i32
      %scan3A_872 = arith.addi %scan3A_870, %scan3A_871 : i32
      %scan3A_873 = arith.constant 1 : i32
      %scan3A_874 = scf.for %scan3A_877 = %scan3A_870 to %scan3A_872 step %scan3A_873 iter_args(%scan3A_878 = %scan3A_869) -> (i32)  : i32 {
        %mul3A_879 = arith.constant 16 : i32
        %mul3A_880 = arith.muli %scan3A_877, %mul3A_879 : i32
        %get3A_881 = arith.index_cast %mul3A_880 : i32 to index
        %get3A_882 = tpu.vector_load %arg17[%get3A_881] {strides = array<i32>} : memref<128xf32, #tpu.memory_space<vmem>>, vector<16xf32>,
        %get3A_883 = vector.shape_cast %get3A_882 : vector<16xf32> to vector<16xf32>
        %mul3A_884 = arith.constant 16 : i32
        %mul3A_885 = arith.muli %scan3A_877, %mul3A_884 : i32
        %broadcast_in_dim3A_886 = vector.shape_cast %broadcast_in_dim3A_30 : vector<16xi32> to vector<16x1xi32>
        %gather3A = vector.shape_cast %broadcast_in_dim3A_886 : vector<16x1xi32> to vector<16xi32>
        %gather3A_887 = tpu.dynamic_gather %get3A_883[%gather3A] in [0] : vector<16xf32>, vector<16xi32> -> vector<16xf32>
        %add3A_888 = arith.constant 0 : i32
        %add3A_889 = arith.addi %mul3A_885, %add3A_888 : i32
        %get3A_890 = arith.index_cast %add3A_889 : i32 to index
        %get3A_891 = arith.constant 0 : index
        %get3A_892 = tpu.vector_load %arg19[%get3A_890, %get3A_891] {strides = array<i32>} : memref<128x128xf32, #tpu.memory_space<vmem>>, vector<1x16xf32>,
        %get3A_893 = vector.shape_cast %get3A_892 : vector<1x16xf32> to vector<16xf32>
        %mul3A_894 = arith.mulf %get3A_893, %gather3A_887 : vector<16xf32>
        %add3A_895 = arith.constant 0 : i32
        %add3A_896 = arith.addi %mul3A_885, %add3A_895 : i32
        %swap3A_897 = arith.index_cast %add3A_896 : i32 to index
        %swap3A_898 = arith.constant 0 : index
        %swap3A_899 = tpu.vector_load %arg19[%swap3A_897, %swap3A_898] {strides = array<i32>} : memref<128x128xf32, #tpu.memory_space<vmem>>, vector<1x16xf32>,
        %swap3A_900 = vector.shape_cast %swap3A_899 : vector<1x16xf32> to vector<16xf32>
        %swap3A_901 = vector.shape_cast %mul3A_894 : vector<16xf32> to vector<1x16xf32>
        tpu.vector_store %arg19[%swap3A_897, %swap3A_898], %swap3A_901 {strides = array<i32>} : memref<128x128xf32, #tpu.memory_space<vmem>>, vector<1x16xf32>,
        %add3A_902 = arith.constant 0 : i32
        %add3A_903 = arith.addi %mul3A_885, %add3A_902 : i32
        %get3A_904 = arith.index_cast %add3A_903 : i32 to index
        %get3A_905 = arith.constant 16 : index
        %get3A_906 = tpu.vector_load %arg19[%get3A_904, %get3A_905] {strides = array<i32>} : memref<128x128xf32, #tpu.memory_space<vmem>>, vector<1x16xf32>,
        %get3A_907 = vector.shape_cast %get3A_906 : vector<1x16xf32> to vector<16xf32>
        %mul3A_908 = arith.mulf %get3A_907, %gather3A_887 : vector<16xf32>
        %add3A_909 = arith.constant 0 : i32
        %add3A_910 = arith.addi %mul3A_885, %add3A_909 : i32
        %swap3A_911 = arith.index_cast %add3A_910 : i32 to index
        %swap3A_912 = arith.constant 16 : index
        %swap3A_913 = tpu.vector_load %arg19[%swap3A_911, %swap3A_912] {strides = array<i32>} : memref<128x128xf32, #tpu.memory_space<vmem>>, vector<1x16xf32>,
        %swap3A_914 = vector.shape_cast %swap3A_913 : vector<1x16xf32> to vector<16xf32>
        %swap3A_915 = vector.shape_cast %mul3A_908 : vector<16xf32> to vector<1x16xf32>
        tpu.vector_store %arg19[%swap3A_911, %swap3A_912], %swap3A_915 {strides = array<i32>} : memref<128x128xf32, #tpu.memory_space<vmem>>, vector<1x16xf32>,
        %add3A_916 = arith.constant 0 : i32
        %add3A_917 = arith.addi %mul3A_885, %add3A_916 : i32
        %get3A_918 = arith.index_cast %add3A_917 : i32 to index
        %get3A_919 = arith.constant 32 : index
        %get3A_920 = tpu.vector_load %arg19[%get3A_918, %get3A_919] {strides = array<i32>} : memref<128x128xf32, #tpu.memory_space<vmem>>, vector<1x16xf32>,
        %get3A_921 = vector.shape_cast %get3A_920 : vector<1x16xf32> to vector<16xf32>
        %mul3A_922 = arith.mulf %get3A_921, %gather3A_887 : vector<16xf32>
        %add3A_923 = arith.constant 0 : i32
        %add3A_924 = arith.addi %mul3A_885, %add3A_923 : i32
        %swap3A_925 = arith.index_cast %add3A_924 : i32 to index
        %swap3A_926 = arith.constant 32 : index
        %swap3A_927 = tpu.vector_load %arg19[%swap3A_925, %swap3A_926] {strides = array<i32>} : memref<128x128xf32, #tpu.memory_space<vmem>>, vector<1x16xf32>,
        %swap3A_928 = vector.shape_cast %swap3A_927 : vector<1x16xf32> to vector<16xf32>
        %swap3A_929 = vector.shape_cast %mul3A_922 : vector<16xf32> to vector<1x16xf32>
        tpu.vector_store %arg19[%swap3A_925, %swap3A_926], %swap3A_929 {strides = array<i32>} : memref<128x128xf32, #tpu.memory_space<vmem>>, vector<1x16xf32>,
        %add3A_930 = arith.constant 0 : i32
        %add3A_931 = arith.addi %mul3A_885, %add3A_930 : i32
        %get3A_932 = arith.index_cast %add3A_931 : i32 to index
        %get3A_933 = arith.constant 48 : index
        %get3A_934 = tpu.vector_load %arg19[%get3A_932, %get3A_933] {strides = array<i32>} : memref<128x128xf32, #tpu.memory_space<vmem>>, vector<1x16xf32>,
        %get3A_935 = vector.shape_cast %get3A_934 : vector<1x16xf32> to vector<16xf32>
        %mul3A_936 = arith.mulf %get3A_935, %gather3A_887 : vector<16xf32>
        %add3A_937 = arith.constant 0 : i32
        %add3A_938 = arith.addi %mul3A_885, %add3A_937 : i32
        %swap3A_939 = arith.index_cast %add3A_938 : i32 to index
        %swap3A_940 = arith.constant 48 : index
        %swap3A_941 = tpu.vector_load %arg19[%swap3A_939, %swap3A_940] {strides = array<i32>} : memref<128x128xf32, #tpu.memory_space<vmem>>, vector<1x16xf32>,
        %swap3A_942 = vector.shape_cast %swap3A_941 : vector<1x16xf32> to vector<16xf32>
        %swap3A_943 = vector.shape_cast %mul3A_936 : vector<16xf32> to vector<1x16xf32>
        tpu.vector_store %arg19[%swap3A_939, %swap3A_940], %swap3A_943 {strides = array<i32>} : memref<128x128xf32, #tpu.memory_space<vmem>>, vector<1x16xf32>,
        %add3A_944 = arith.constant 0 : i32
        %add3A_945 = arith.addi %mul3A_885, %add3A_944 : i32
        %get3A_946 = arith.index_cast %add3A_945 : i32 to index
        %get3A_947 = arith.constant 64 : index
        %get3A_948 = tpu.vector_load %arg19[%get3A_946, %get3A_947] {strides = array<i32>} : memref<128x128xf32, #tpu.memory_space<vmem>>, vector<1x16xf32>,
        %get3A_949 = vector.shape_cast %get3A_948 : vector<1x16xf32> to vector<16xf32>
        %mul3A_950 = arith.mulf %get3A_949, %gather3A_887 : vector<16xf32>
        %add3A_951 = arith.constant 0 : i32
        %add3A_952 = arith.addi %mul3A_885, %add3A_951 : i32
        %swap3A_953 = arith.index_cast %add3A_952 : i32 to index
        %swap3A_954 = arith.constant 64 : index
        %swap3A_955 = tpu.vector_load %arg19[%swap3A_953, %swap3A_954] {strides = array<i32>} : memref<128x128xf32, #tpu.memory_space<vmem>>, vector<1x16xf32>,
        %swap3A_956 = vector.shape_cast %swap3A_955 : vector<1x16xf32> to vector<16xf32>
        %swap3A_957 = vector.shape_cast %mul3A_950 : vector<16xf32> to vector<1x16xf32>
        tpu.vector_store %arg19[%swap3A_953, %swap3A_954], %swap3A_957 {strides = array<i32>} : memref<128x128xf32, #tpu.memory_space<vmem>>, vector<1x16xf32>,
        %add3A_958 = arith.constant 0 : i32
        %add3A_959 = arith.addi %mul3A_885, %add3A_958 : i32
        %get3A_960 = arith.index_cast %add3A_959 : i32 to index
        %get3A_961 = arith.constant 80 : index
        %get3A_962 = tpu.vector_load %arg19[%get3A_960, %get3A_961] {strides = array<i32>} : memref<128x128xf32, #tpu.memory_space<vmem>>, vector<1x16xf32>,
        %get3A_963 = vector.shape_cast %get3A_962 : vector<1x16xf32> to vector<16xf32>
        %mul3A_964 = arith.mulf %get3A_963, %gather3A_887 : vector<16xf32>
        %add3A_965 = arith.constant 0 : i32
        %add3A_966 = arith.addi %mul3A_885, %add3A_965 : i32
        %swap3A_967 = arith.index_cast %add3A_966 : i32 to index
        %swap3A_968 = arith.constant 80 : index
        %swap3A_969 = tpu.vector_load %arg19[%swap3A_967, %swap3A_968] {strides = array<i32>} : memref<128x128xf32, #tpu.memory_space<vmem>>, vector<1x16xf32>,
        %swap3A_970 = vector.shape_cast %swap3A_969 : vector<1x16xf32> to vector<16xf32>
        %swap3A_971 = vector.shape_cast %mul3A_964 : vector<16xf32> to vector<1x16xf32>
        tpu.vector_store %arg19[%swap3A_967, %swap3A_968], %swap3A_971 {strides = array<i32>} : memref<128x128xf32, #tpu.memory_space<vmem>>, vector<1x16xf32>,
        %add3A_972 = arith.constant 0 : i32
        %add3A_973 = arith.addi %mul3A_885, %add3A_972 : i32
        %get3A_974 = arith.index_cast %add3A_973 : i32 to index
        %get3A_975 = arith.constant 96 : index
        %get3A_976 = tpu.vector_load %arg19[%get3A_974, %get3A_975] {strides = array<i32>} : memref<128x128xf32, #tpu.memory_space<vmem>>, vector<1x16xf32>,
        %get3A_977 = vector.shape_cast %get3A_976 : vector<1x16xf32> to vector<16xf32>
        %mul3A_978 = arith.mulf %get3A_977, %gather3A_887 : vector<16xf32>
        %add3A_979 = arith.constant 0 : i32
        %add3A_980 = arith.addi %mul3A_885, %add3A_979 : i32
        %swap3A_981 = arith.index_cast %add3A_980 : i32 to index
        %swap3A_982 = arith.constant 96 : index
        %swap3A_983 = tpu.vector_load %arg19[%swap3A_981, %swap3A_982] {strides = array<i32>} : memref<128x128xf32, #tpu.memory_space<vmem>>, vector<1x16xf32>,
        %swap3A_984 = vector.shape_cast %swap3A_983 : vector<1x16xf32> to vector<16xf32>
        %swap3A_985 = vector.shape_cast %mul3A_978 : vector<16xf32> to vector<1x16xf32>
        tpu.vector_store %arg19[%swap3A_981, %swap3A_982], %swap3A_985 {strides = array<i32>} : memref<128x128xf32, #tpu.memory_space<vmem>>, vector<1x16xf32>,
        %add3A_986 = arith.constant 0 : i32
        %add3A_987 = arith.addi %mul3A_885, %add3A_986 : i32
        %get3A_988 = arith.index_cast %add3A_987 : i32 to index
        %get3A_989 = arith.constant 112 : index
        %get3A_990 = tpu.vector_load %arg19[%get3A_988, %get3A_989] {strides = array<i32>} : memref<128x128xf32, #tpu.memory_space<vmem>>, vector<1x16xf32>,
        %get3A_991 = vector.shape_cast %get3A_990 : vector<1x16xf32> to vector<16xf32>
        %mul3A_992 = arith.mulf %get3A_991, %gather3A_887 : vector<16xf32>
        %add3A_993 = arith.constant 0 : i32
        %add3A_994 = arith.addi %mul3A_885, %add3A_993 : i32
        %swap3A_995 = arith.index_cast %add3A_994 : i32 to index
        %swap3A_996 = arith.constant 112 : index
        %swap3A_997 = tpu.vector_load %arg19[%swap3A_995, %swap3A_996] {strides = array<i32>} : memref<128x128xf32, #tpu.memory_space<vmem>>, vector<1x16xf32>,
        %swap3A_998 = vector.shape_cast %swap3A_997 : vector<1x16xf32> to vector<16xf32>
        %swap3A_999 = vector.shape_cast %mul3A_992 : vector<16xf32> to vector<1x16xf32>
        tpu.vector_store %arg19[%swap3A_995, %swap3A_996], %swap3A_999 {strides = array<i32>} : memref<128x128xf32, #tpu.memory_space<vmem>>, vector<1x16xf32>,
        %broadcast_in_dim3A_1000 = vector.shape_cast %broadcast_in_dim3A_32 : vector<16xi32> to vector<16x1xi32>
        %gather3A_1001 = vector.shape_cast %broadcast_in_dim3A_1000 : vector<16x1xi32> to vector<16xi32>
        %gather3A_1002 = tpu.dynamic_gather %get3A_883[%gather3A_1001] in [0] : vector<16xf32>, vector<16xi32> -> vector<16xf32>
        %add3A_1003 = arith.constant 1 : i32
        %add3A_1004 = arith.addi %mul3A_885, %add3A_1003 : i32
        %get3A_1005 = arith.index_cast %add3A_1004 : i32 to index
        %get3A_1006 = arith.constant 0 : index
        %get3A_1007 = tpu.vector_load %arg19[%get3A_1005, %get3A_1006] {strides = array<i32>} : memref<128x128xf32, #tpu.memory_space<vmem>>, vector<1x16xf32>,
        %get3A_1008 = vector.shape_cast %get3A_1007 : vector<1x16xf32> to vector<16xf32>
        %mul3A_1009 = arith.mulf %get3A_1008, %gather3A_1002 : vector<16xf32>
        %add3A_1010 = arith.constant 1 : i32
        %add3A_1011 = arith.addi %mul3A_885, %add3A_1010 : i32
        %swap3A_1012 = arith.index_cast %add3A_1011 : i32 to index
        %swap3A_1013 = arith.constant 0 : index
        %swap3A_1014 = tpu.vector_load %arg19[%swap3A_1012, %swap3A_1013] {strides = array<i32>} : memref<128x128xf32, #tpu.memory_space<vmem>>, vector<1x16xf32>,
        %swap3A_1015 = vector.shape_cast %swap3A_1014 : vector<1x16xf32> to vector<16xf32>
        %swap3A_1016 = vector.shape_cast %mul3A_1009 : vector<16xf32> to vector<1x16xf32>
        tpu.vector_store %arg19[%swap3A_1012, %swap3A_1013], %swap3A_1016 {strides = array<i32>} : memref<128x128xf32, #tpu.memory_space<vmem>>, vector<1x16xf32>,
        %add3A_1017 = arith.constant 1 : i32
        %add3A_1018 = arith.addi %mul3A_885, %add3A_1017 : i32
        %get3A_1019 = arith.index_cast %add3A_1018 : i32 to index
        %get3A_1020 = arith.constant 16 : index
        %get3A_1021 = tpu.vector_load %arg19[%get3A_1019, %get3A_1020] {strides = array<i32>} : memref<128x128xf32, #tpu.memory_space<vmem>>, vector<1x16xf32>,
        %get3A_1022 = vector.shape_cast %get3A_1021 : vector<1x16xf32> to vector<16xf32>
        %mul3A_1023 = arith.mulf %get3A_1022, %gather3A_1002 : vector<16xf32>
        %add3A_1024 = arith.constant 1 : i32
        %add3A_1025 = arith.addi %mul3A_885, %add3A_1024 : i32
        %swap3A_1026 = arith.index_cast %add3A_1025 : i32 to index
        %swap3A_1027 = arith.constant 16 : index
        %swap3A_1028 = tpu.vector_load %arg19[%swap3A_1026, %swap3A_1027] {strides = array<i32>} : memref<128x128xf32, #tpu.memory_space<vmem>>, vector<1x16xf32>,
        %swap3A_1029 = vector.shape_cast %swap3A_1028 : vector<1x16xf32> to vector<16xf32>
        %swap3A_1030 = vector.shape_cast %mul3A_1023 : vector<16xf32> to vector<1x16xf32>
        tpu.vector_store %arg19[%swap3A_1026, %swap3A_1027], %swap3A_1030 {strides = array<i32>} : memref<128x128xf32, #tpu.memory_space<vmem>>, vector<1x16xf32>,
        %add3A_1031 = arith.constant 1 : i32
        %add3A_1032 = arith.addi %mul3A_885, %add3A_1031 : i32
        %get3A_1033 = arith.index_cast %add3A_1032 : i32 to index
        %get3A_1034 = arith.constant 32 : index
        %get3A_1035 = tpu.vector_load %arg19[%get3A_1033, %get3A_1034] {strides = array<i32>} : memref<128x128xf32, #tpu.memory_space<vmem>>, vector<1x16xf32>,
        %get3A_1036 = vector.shape_cast %get3A_1035 : vector<1x16xf32> to vector<16xf32>
        %mul3A_1037 = arith.mulf %get3A_1036, %gather3A_1002 : vector<16xf32>
        %add3A_1038 = arith.constant 1 : i32
        %add3A_1039 = arith.addi %mul3A_885, %add3A_1038 : i32
        %swap3A_1040 = arith.index_cast %add3A_1039 : i32 to index
        %swap3A_1041 = arith.constant 32 : index
        %swap3A_1042 = tpu.vector_load %arg19[%swap3A_1040, %swap3A_1041] {strides = array<i32>} : memref<128x128xf32, #tpu.memory_space<vmem>>, vector<1x16xf32>,
        %swap3A_1043 = vector.shape_cast %swap3A_1042 : vector<1x16xf32> to vector<16xf32>
        %swap3A_1044 = vector.shape_cast %mul3A_1037 : vector<16xf32> to vector<1x16xf32>
        tpu.vector_store %arg19[%swap3A_1040, %swap3A_1041], %swap3A_1044 {strides = array<i32>} : memref<128x128xf32, #tpu.memory_space<vmem>>, vector<1x16xf32>,
        %add3A_1045 = arith.constant 1 : i32
        %add3A_1046 = arith.addi %mul3A_885, %add3A_1045 : i32
        %get3A_1047 = arith.index_cast %add3A_1046 : i32 to index
        %get3A_1048 = arith.constant 48 : index
        %get3A_1049 = tpu.vector_load %arg19[%get3A_1047, %get3A_1048] {strides = array<i32>} : memref<128x128xf32, #tpu.memory_space<vmem>>, vector<1x16xf32>,
        %get3A_1050 = vector.shape_cast %get3A_1049 : vector<1x16xf32> to vector<16xf32>
        %mul3A_1051 = arith.mulf %get3A_1050, %gather3A_1002 : vector<16xf32>
        %add3A_1052 = arith.constant 1 : i32
        %add3A_1053 = arith.addi %mul3A_885, %add3A_1052 : i32
        %swap3A_1054 = arith.index_cast %add3A_1053 : i32 to index
        %swap3A_1055 = arith.constant 48 : index
        %swap3A_1056 = tpu.vector_load %arg19[%swap3A_1054, %swap3A_1055] {strides = array<i32>} : memref<128x128xf32, #tpu.memory_space<vmem>>, vector<1x16xf32>,
        %swap3A_1057 = vector.shape_cast %swap3A_1056 : vector<1x16xf32> to vector<16xf32>
        %swap3A_1058 = vector.shape_cast %mul3A_1051 : vector<16xf32> to vector<1x16xf32>
        tpu.vector_store %arg19[%swap3A_1054, %swap3A_1055], %swap3A_1058 {strides = array<i32>} : memref<128x128xf32, #tpu.memory_space<vmem>>, vector<1x16xf32>,
        %add3A_1059 = arith.constant 1 : i32
        %add3A_1060 = arith.addi %mul3A_885, %add3A_1059 : i32
        %get3A_1061 = arith.index_cast %add3A_1060 : i32 to index
        %get3A_1062 = arith.constant 64 : index
        %get3A_1063 = tpu.vector_load %arg19[%get3A_1061, %get3A_1062] {strides = array<i32>} : memref<128x128xf32, #tpu.memory_space<vmem>>, vector<1x16xf32>,
        %get3A_1064 = vector.shape_cast %get3A_1063 : vector<1x16xf32> to vector<16xf32>
        %mul3A_1065 = arith.mulf %get3A_1064, %gather3A_1002 : vector<16xf32>
        %add3A_1066 = arith.constant 1 : i32
        %add3A_1067 = arith.addi %mul3A_885, %add3A_1066 : i32
        %swap3A_1068 = arith.index_cast %add3A_1067 : i32 to index
        %swap3A_1069 = arith.constant 64 : index
        %swap3A_1070 = tpu.vector_load %arg19[%swap3A_1068, %swap3A_1069] {strides = array<i32>} : memref<128x128xf32, #tpu.memory_space<vmem>>, vector<1x16xf32>,
        %swap3A_1071 = vector.shape_cast %swap3A_1070 : vector<1x16xf32> to vector<16xf32>
        %swap3A_1072 = vector.shape_cast %mul3A_1065 : vector<16xf32> to vector<1x16xf32>
        tpu.vector_store %arg19[%swap3A_1068, %swap3A_1069], %swap3A_1072 {strides = array<i32>} : memref<128x128xf32, #tpu.memory_space<vmem>>, vector<1x16xf32>,
        %add3A_1073 = arith.constant 1 : i32
        %add3A_1074 = arith.addi %mul3A_885, %add3A_1073 : i32
        %get3A_1075 = arith.index_cast %add3A_1074 : i32 to index
        %get3A_1076 = arith.constant 80 : index
        %get3A_1077 = tpu.vector_load %arg19[%get3A_1075, %get3A_1076] {strides = array<i32>} : memref<128x128xf32, #tpu.memory_space<vmem>>, vector<1x16xf32>,
        %get3A_1078 = vector.shape_cast %get3A_1077 : vector<1x16xf32> to vector<16xf32>
        %mul3A_1079 = arith.mulf %get3A_1078, %gather3A_1002 : vector<16xf32>
        %add3A_1080 = arith.constant 1 : i32
        %add3A_1081 = arith.addi %mul3A_885, %add3A_1080 : i32
        %swap3A_1082 = arith.index_cast %add3A_1081 : i32 to index
        %swap3A_1083 = arith.constant 80 : index
        %swap3A_1084 = tpu.vector_load %arg19[%swap3A_1082, %swap3A_1083] {strides = array<i32>} : memref<128x128xf32, #tpu.memory_space<vmem>>, vector<1x16xf32>,
        %swap3A_1085 = vector.shape_cast %swap3A_1084 : vector<1x16xf32> to vector<16xf32>
        %swap3A_1086 = vector.shape_cast %mul3A_1079 : vector<16xf32> to vector<1x16xf32>
        tpu.vector_store %arg19[%swap3A_1082, %swap3A_1083], %swap3A_1086 {strides = array<i32>} : memref<128x128xf32, #tpu.memory_space<vmem>>, vector<1x16xf32>,
        %add3A_1087 = arith.constant 1 : i32
        %add3A_1088 = arith.addi %mul3A_885, %add3A_1087 : i32
        %get3A_1089 = arith.index_cast %add3A_1088 : i32 to index
        %get3A_1090 = arith.constant 96 : index
        %get3A_1091 = tpu.vector_load %arg19[%get3A_1089, %get3A_1090] {strides = array<i32>} : memref<128x128xf32, #tpu.memory_space<vmem>>, vector<1x16xf32>,
        %get3A_1092 = vector.shape_cast %get3A_1091 : vector<1x16xf32> to vector<16xf32>
        %mul3A_1093 = arith.mulf %get3A_1092, %gather3A_1002 : vector<16xf32>
        %add3A_1094 = arith.constant 1 : i32
        %add3A_1095 = arith.addi %mul3A_885, %add3A_1094 : i32
        %swap3A_1096 = arith.index_cast %add3A_1095 : i32 to index
        %swap3A_1097 = arith.constant 96 : index
        %swap3A_1098 = tpu.vector_load %arg19[%swap3A_1096, %swap3A_1097] {strides = array<i32>} : memref<128x128xf32, #tpu.memory_space<vmem>>, vector<1x16xf32>,
        %swap3A_1099 = vector.shape_cast %swap3A_1098 : vector<1x16xf32> to vector<16xf32>
        %swap3A_1100 = vector.shape_cast %mul3A_1093 : vector<16xf32> to vector<1x16xf32>
        tpu.vector_store %arg19[%swap3A_1096, %swap3A_1097], %swap3A_1100 {strides = array<i32>} : memref<128x128xf32, #tpu.memory_space<vmem>>, vector<1x16xf32>,
        %add3A_1101 = arith.constant 1 : i32
        %add3A_1102 = arith.addi %mul3A_885, %add3A_1101 : i32
        %get3A_1103 = arith.index_cast %add3A_1102 : i32 to index
        %get3A_1104 = arith.constant 112 : index
        %get3A_1105 = tpu.vector_load %arg19[%get3A_1103, %get3A_1104] {strides = array<i32>} : memref<128x128xf32, #tpu.memory_space<vmem>>, vector<1x16xf32>,
        %get3A_1106 = vector.shape_cast %get3A_1105 : vector<1x16xf32> to vector<16xf32>
        %mul3A_1107 = arith.mulf %get3A_1106, %gather3A_1002 : vector<16xf32>
        %add3A_1108 = arith.constant 1 : i32
        %add3A_1109 = arith.addi %mul3A_885, %add3A_1108 : i32
        %swap3A_1110 = arith.index_cast %add3A_1109 : i32 to index
        %swap3A_1111 = arith.constant 112 : index
        %swap3A_1112 = tpu.vector_load %arg19[%swap3A_1110, %swap3A_1111] {strides = array<i32>} : memref<128x128xf32, #tpu.memory_space<vmem>>, vector<1x16xf32>,
        %swap3A_1113 = vector.shape_cast %swap3A_1112 : vector<1x16xf32> to vector<16xf32>
        %swap3A_1114 = vector.shape_cast %mul3A_1107 : vector<16xf32> to vector<1x16xf32>
        tpu.vector_store %arg19[%swap3A_1110, %swap3A_1111], %swap3A_1114 {strides = array<i32>} : memref<128x128xf32, #tpu.memory_space<vmem>>, vector<1x16xf32>,
        %broadcast_in_dim3A_1115 = vector.shape_cast %broadcast_in_dim3A_34 : vector<16xi32> to vector<16x1xi32>
        %gather3A_1116 = vector.shape_cast %broadcast_in_dim3A_1115 : vector<16x1xi32> to vector<16xi32>
        %gather3A_1117 = tpu.dynamic_gather %get3A_883[%gather3A_1116] in [0] : vector<16xf32>, vector<16xi32> -> vector<16xf32>
        %add3A_1118 = arith.constant 2 : i32
        %add3A_1119 = arith.addi %mul3A_885, %add3A_1118 : i32
        %get3A_1120 = arith.index_cast %add3A_1119 : i32 to index
        %get3A_1121 = arith.constant 0 : index
        %get3A_1122 = tpu.vector_load %arg19[%get3A_1120, %get3A_1121] {strides = array<i32>} : memref<128x128xf32, #tpu.memory_space<vmem>>, vector<1x16xf32>,
        %get3A_1123 = vector.shape_cast %get3A_1122 : vector<1x16xf32> to vector<16xf32>
        %mul3A_1124 = arith.mulf %get3A_1123, %gather3A_1117 : vector<16xf32>
        %add3A_1125 = arith.constant 2 : i32
        %add3A_1126 = arith.addi %mul3A_885, %add3A_1125 : i32
        %swap3A_1127 = arith.index_cast %add3A_1126 : i32 to index
        %swap3A_1128 = arith.constant 0 : index
        %swap3A_1129 = tpu.vector_load %arg19[%swap3A_1127, %swap3A_1128] {strides = array<i32>} : memref<128x128xf32, #tpu.memory_space<vmem>>, vector<1x16xf32>,
        %swap3A_1130 = vector.shape_cast %swap3A_1129 : vector<1x16xf32> to vector<16xf32>
        %swap3A_1131 = vector.shape_cast %mul3A_1124 : vector<16xf32> to vector<1x16xf32>
        tpu.vector_store %arg19[%swap3A_1127, %swap3A_1128], %swap3A_1131 {strides = array<i32>} : memref<128x128xf32, #tpu.memory_space<vmem>>, vector<1x16xf32>,
        %add3A_1132 = arith.constant 2 : i32
        %add3A_1133 = arith.addi %mul3A_885, %add3A_1132 : i32
        %get3A_1134 = arith.index_cast %add3A_1133 : i32 to index
        %get3A_1135 = arith.constant 16 : index
        %get3A_1136 = tpu.vector_load %arg19[%get3A_1134, %get3A_1135] {strides = array<i32>} : memref<128x128xf32, #tpu.memory_space<vmem>>, vector<1x16xf32>,
        %get3A_1137 = vector.shape_cast %get3A_1136 : vector<1x16xf32> to vector<16xf32>
        %mul3A_1138 = arith.mulf %get3A_1137, %gather3A_1117 : vector<16xf32>
        %add3A_1139 = arith.constant 2 : i32
        %add3A_1140 = arith.addi %mul3A_885, %add3A_1139 : i32
        %swap3A_1141 = arith.index_cast %add3A_1140 : i32 to index
        %swap3A_1142 = arith.constant 16 : index
        %swap3A_1143 = tpu.vector_load %arg19[%swap3A_1141, %swap3A_1142] {strides = array<i32>} : memref<128x128xf32, #tpu.memory_space<vmem>>, vector<1x16xf32>,
        %swap3A_1144 = vector.shape_cast %swap3A_1143 : vector<1x16xf32> to vector<16xf32>
        %swap3A_1145 = vector.shape_cast %mul3A_1138 : vector<16xf32> to vector<1x16xf32>
        tpu.vector_store %arg19[%swap3A_1141, %swap3A_1142], %swap3A_1145 {strides = array<i32>} : memref<128x128xf32, #tpu.memory_space<vmem>>, vector<1x16xf32>,
        %add3A_1146 = arith.constant 2 : i32
        %add3A_1147 = arith.addi %mul3A_885, %add3A_1146 : i32
        %get3A_1148 = arith.index_cast %add3A_1147 : i32 to index
        %get3A_1149 = arith.constant 32 : index
        %get3A_1150 = tpu.vector_load %arg19[%get3A_1148, %get3A_1149] {strides = array<i32>} : memref<128x128xf32, #tpu.memory_space<vmem>>, vector<1x16xf32>,
        %get3A_1151 = vector.shape_cast %get3A_1150 : vector<1x16xf32> to vector<16xf32>
        %mul3A_1152 = arith.mulf %get3A_1151, %gather3A_1117 : vector<16xf32>
        %add3A_1153 = arith.constant 2 : i32
        %add3A_1154 = arith.addi %mul3A_885, %add3A_1153 : i32
        %swap3A_1155 = arith.index_cast %add3A_1154 : i32 to index
        %swap3A_1156 = arith.constant 32 : index
        %swap3A_1157 = tpu.vector_load %arg19[%swap3A_1155, %swap3A_1156] {strides = array<i32>} : memref<128x128xf32, #tpu.memory_space<vmem>>, vector<1x16xf32>,
        %swap3A_1158 = vector.shape_cast %swap3A_1157 : vector<1x16xf32> to vector<16xf32>
        %swap3A_1159 = vector.shape_cast %mul3A_1152 : vector<16xf32> to vector<1x16xf32>
        tpu.vector_store %arg19[%swap3A_1155, %swap3A_1156], %swap3A_1159 {strides = array<i32>} : memref<128x128xf32, #tpu.memory_space<vmem>>, vector<1x16xf32>,
        %add3A_1160 = arith.constant 2 : i32
        %add3A_1161 = arith.addi %mul3A_885, %add3A_1160 : i32
        %get3A_1162 = arith.index_cast %add3A_1161 : i32 to index
        %get3A_1163 = arith.constant 48 : index
        %get3A_1164 = tpu.vector_load %arg19[%get3A_1162, %get3A_1163] {strides = array<i32>} : memref<128x128xf32, #tpu.memory_space<vmem>>, vector<1x16xf32>,
        %get3A_1165 = vector.shape_cast %get3A_1164 : vector<1x16xf32> to vector<16xf32>
        %mul3A_1166 = arith.mulf %get3A_1165, %gather3A_1117 : vector<16xf32>
        %add3A_1167 = arith.constant 2 : i32
        %add3A_1168 = arith.addi %mul3A_885, %add3A_1167 : i32
        %swap3A_1169 = arith.index_cast %add3A_1168 : i32 to index
        %swap3A_1170 = arith.constant 48 : index
        %swap3A_1171 = tpu.vector_load %arg19[%swap3A_1169, %swap3A_1170] {strides = array<i32>} : memref<128x128xf32, #tpu.memory_space<vmem>>, vector<1x16xf32>,
        %swap3A_1172 = vector.shape_cast %swap3A_1171 : vector<1x16xf32> to vector<16xf32>
        %swap3A_1173 = vector.shape_cast %mul3A_1166 : vector<16xf32> to vector<1x16xf32>
        tpu.vector_store %arg19[%swap3A_1169, %swap3A_1170], %swap3A_1173 {strides = array<i32>} : memref<128x128xf32, #tpu.memory_space<vmem>>, vector<1x16xf32>,
        %add3A_1174 = arith.constant 2 : i32
        %add3A_1175 = arith.addi %mul3A_885, %add3A_1174 : i32
        %get3A_1176 = arith.index_cast %add3A_1175 : i32 to index
        %get3A_1177 = arith.constant 64 : index
        %get3A_1178 = tpu.vector_load %arg19[%get3A_1176, %get3A_1177] {strides = array<i32>} : memref<128x128xf32, #tpu.memory_space<vmem>>, vector<1x16xf32>,
        %get3A_1179 = vector.shape_cast %get3A_1178 : vector<1x16xf32> to vector<16xf32>
        %mul3A_1180 = arith.mulf %get3A_1179, %gather3A_1117 : vector<16xf32>
        %add3A_1181 = arith.constant 2 : i32
        %add3A_1182 = arith.addi %mul3A_885, %add3A_1181 : i32
        %swap3A_1183 = arith.index_cast %add3A_1182 : i32 to index
        %swap3A_1184 = arith.constant 64 : index
        %swap3A_1185 = tpu.vector_load %arg19[%swap3A_1183, %swap3A_1184] {strides = array<i32>} : memref<128x128xf32, #tpu.memory_space<vmem>>, vector<1x16xf32>,
        %swap3A_1186 = vector.shape_cast %swap3A_1185 : vector<1x16xf32> to vector<16xf32>
        %swap3A_1187 = vector.shape_cast %mul3A_1180 : vector<16xf32> to vector<1x16xf32>
        tpu.vector_store %arg19[%swap3A_1183, %swap3A_1184], %swap3A_1187 {strides = array<i32>} : memref<128x128xf32, #tpu.memory_space<vmem>>, vector<1x16xf32>,
        %add3A_1188 = arith.constant 2 : i32
        %add3A_1189 = arith.addi %mul3A_885, %add3A_1188 : i32
        %get3A_1190 = arith.index_cast %add3A_1189 : i32 to index
        %get3A_1191 = arith.constant 80 : index
        %get3A_1192 = tpu.vector_load %arg19[%get3A_1190, %get3A_1191] {strides = array<i32>} : memref<128x128xf32, #tpu.memory_space<vmem>>, vector<1x16xf32>,
        %get3A_1193 = vector.shape_cast %get3A_1192 : vector<1x16xf32> to vector<16xf32>
        %mul3A_1194 = arith.mulf %get3A_1193, %gather3A_1117 : vector<16xf32>
        %add3A_1195 = arith.constant 2 : i32
        %add3A_1196 = arith.addi %mul3A_885, %add3A_1195 : i32
        %swap3A_1197 = arith.index_cast %add3A_1196 : i32 to index
        %swap3A_1198 = arith.constant 80 : index
        %swap3A_1199 = tpu.vector_load %arg19[%swap3A_1197, %swap3A_1198] {strides = array<i32>} : memref<128x128xf32, #tpu.memory_space<vmem>>, vector<1x16xf32>,
        %swap3A_1200 = vector.shape_cast %swap3A_1199 : vector<1x16xf32> to vector<16xf32>
        %swap3A_1201 = vector.shape_cast %mul3A_1194 : vector<16xf32> to vector<1x16xf32>
        tpu.vector_store %arg19[%swap3A_1197, %swap3A_1198], %swap3A_1201 {strides = array<i32>} : memref<128x128xf32, #tpu.memory_space<vmem>>, vector<1x16xf32>,
        %add3A_1202 = arith.constant 2 : i32
        %add3A_1203 = arith.addi %mul3A_885, %add3A_1202 : i32
        %get3A_1204 = arith.index_cast %add3A_1203 : i32 to index
        %get3A_1205 = arith.constant 96 : index
        %get3A_1206 = tpu.vector_load %arg19[%get3A_1204, %get3A_1205] {strides = array<i32>} : memref<128x128xf32, #tpu.memory_space<vmem>>, vector<1x16xf32>,
        %get3A_1207 = vector.shape_cast %get3A_1206 : vector<1x16xf32> to vector<16xf32>
        %mul3A_1208 = arith.mulf %get3A_1207, %gather3A_1117 : vector<16xf32>
        %add3A_1209 = arith.constant 2 : i32
        %add3A_1210 = arith.addi %mul3A_885, %add3A_1209 : i32
        %swap3A_1211 = arith.index_cast %add3A_1210 : i32 to index
        %swap3A_1212 = arith.constant 96 : index
        %swap3A_1213 = tpu.vector_load %arg19[%swap3A_1211, %swap3A_1212] {strides = array<i32>} : memref<128x128xf32, #tpu.memory_space<vmem>>, vector<1x16xf32>,
        %swap3A_1214 = vector.shape_cast %swap3A_1213 : vector<1x16xf32> to vector<16xf32>
        %swap3A_1215 = vector.shape_cast %mul3A_1208 : vector<16xf32> to vector<1x16xf32>
        tpu.vector_store %arg19[%swap3A_1211, %swap3A_1212], %swap3A_1215 {strides = array<i32>} : memref<128x128xf32, #tpu.memory_space<vmem>>, vector<1x16xf32>,
        %add3A_1216 = arith.constant 2 : i32
        %add3A_1217 = arith.addi %mul3A_885, %add3A_1216 : i32
        %get3A_1218 = arith.index_cast %add3A_1217 : i32 to index
        %get3A_1219 = arith.constant 112 : index
        %get3A_1220 = tpu.vector_load %arg19[%get3A_1218, %get3A_1219] {strides = array<i32>} : memref<128x128xf32, #tpu.memory_space<vmem>>, vector<1x16xf32>,
        %get3A_1221 = vector.shape_cast %get3A_1220 : vector<1x16xf32> to vector<16xf32>
        %mul3A_1222 = arith.mulf %get3A_1221, %gather3A_1117 : vector<16xf32>
        %add3A_1223 = arith.constant 2 : i32
        %add3A_1224 = arith.addi %mul3A_885, %add3A_1223 : i32
        %swap3A_1225 = arith.index_cast %add3A_1224 : i32 to index
        %swap3A_1226 = arith.constant 112 : index
        %swap3A_1227 = tpu.vector_load %arg19[%swap3A_1225, %swap3A_1226] {strides = array<i32>} : memref<128x128xf32, #tpu.memory_space<vmem>>, vector<1x16xf32>,
        %swap3A_1228 = vector.shape_cast %swap3A_1227 : vector<1x16xf32> to vector<16xf32>
        %swap3A_1229 = vector.shape_cast %mul3A_1222 : vector<16xf32> to vector<1x16xf32>
        tpu.vector_store %arg19[%swap3A_1225, %swap3A_1226], %swap3A_1229 {strides = array<i32>} : memref<128x128xf32, #tpu.memory_space<vmem>>, vector<1x16xf32>,
        %broadcast_in_dim3A_1230 = vector.shape_cast %broadcast_in_dim3A_36 : vector<16xi32> to vector<16x1xi32>
        %gather3A_1231 = vector.shape_cast %broadcast_in_dim3A_1230 : vector<16x1xi32> to vector<16xi32>
        %gather3A_1232 = tpu.dynamic_gather %get3A_883[%gather3A_1231] in [0] : vector<16xf32>, vector<16xi32> -> vector<16xf32>
        %add3A_1233 = arith.constant 3 : i32
        %add3A_1234 = arith.addi %mul3A_885, %add3A_1233 : i32
        %get3A_1235 = arith.index_cast %add3A_1234 : i32 to index
        %get3A_1236 = arith.constant 0 : index
        %get3A_1237 = tpu.vector_load %arg19[%get3A_1235, %get3A_1236] {strides = array<i32>} : memref<128x128xf32, #tpu.memory_space<vmem>>, vector<1x16xf32>,
        %get3A_1238 = vector.shape_cast %get3A_1237 : vector<1x16xf32> to vector<16xf32>
        %mul3A_1239 = arith.mulf %get3A_1238, %gather3A_1232 : vector<16xf32>
        %add3A_1240 = arith.constant 3 : i32
        %add3A_1241 = arith.addi %mul3A_885, %add3A_1240 : i32
        %swap3A_1242 = arith.index_cast %add3A_1241 : i32 to index
        %swap3A_1243 = arith.constant 0 : index
        %swap3A_1244 = tpu.vector_load %arg19[%swap3A_1242, %swap3A_1243] {strides = array<i32>} : memref<128x128xf32, #tpu.memory_space<vmem>>, vector<1x16xf32>,
        %swap3A_1245 = vector.shape_cast %swap3A_1244 : vector<1x16xf32> to vector<16xf32>
        %swap3A_1246 = vector.shape_cast %mul3A_1239 : vector<16xf32> to vector<1x16xf32>
        tpu.vector_store %arg19[%swap3A_1242, %swap3A_1243], %swap3A_1246 {strides = array<i32>} : memref<128x128xf32, #tpu.memory_space<vmem>>, vector<1x16xf32>,
        %add3A_1247 = arith.constant 3 : i32
        %add3A_1248 = arith.addi %mul3A_885, %add3A_1247 : i32
        %get3A_1249 = arith.index_cast %add3A_1248 : i32 to index
        %get3A_1250 = arith.constant 16 : index
        %get3A_1251 = tpu.vector_load %arg19[%get3A_1249, %get3A_1250] {strides = array<i32>} : memref<128x128xf32, #tpu.memory_space<vmem>>, vector<1x16xf32>,
        %get3A_1252 = vector.shape_cast %get3A_1251 : vector<1x16xf32> to vector<16xf32>
        %mul3A_1253 = arith.mulf %get3A_1252, %gather3A_1232 : vector<16xf32>
        %add3A_1254 = arith.constant 3 : i32
        %add3A_1255 = arith.addi %mul3A_885, %add3A_1254 : i32
        %swap3A_1256 = arith.index_cast %add3A_1255 : i32 to index
        %swap3A_1257 = arith.constant 16 : index
        %swap3A_1258 = tpu.vector_load %arg19[%swap3A_1256, %swap3A_1257] {strides = array<i32>} : memref<128x128xf32, #tpu.memory_space<vmem>>, vector<1x16xf32>,
        %swap3A_1259 = vector.shape_cast %swap3A_1258 : vector<1x16xf32> to vector<16xf32>
        %swap3A_1260 = vector.shape_cast %mul3A_1253 : vector<16xf32> to vector<1x16xf32>
        tpu.vector_store %arg19[%swap3A_1256, %swap3A_1257], %swap3A_1260 {strides = array<i32>} : memref<128x128xf32, #tpu.memory_space<vmem>>, vector<1x16xf32>,
        %add3A_1261 = arith.constant 3 : i32
        %add3A_1262 = arith.addi %mul3A_885, %add3A_1261 : i32
        %get3A_1263 = arith.index_cast %add3A_1262 : i32 to index
        %get3A_1264 = arith.constant 32 : index
        %get3A_1265 = tpu.vector_load %arg19[%get3A_1263, %get3A_1264] {strides = array<i32>} : memref<128x128xf32, #tpu.memory_space<vmem>>, vector<1x16xf32>,
        %get3A_1266 = vector.shape_cast %get3A_1265 : vector<1x16xf32> to vector<16xf32>
        %mul3A_1267 = arith.mulf %get3A_1266, %gather3A_1232 : vector<16xf32>
        %add3A_1268 = arith.constant 3 : i32
        %add3A_1269 = arith.addi %mul3A_885, %add3A_1268 : i32
        %swap3A_1270 = arith.index_cast %add3A_1269 : i32 to index
        %swap3A_1271 = arith.constant 32 : index
        %swap3A_1272 = tpu.vector_load %arg19[%swap3A_1270, %swap3A_1271] {strides = array<i32>} : memref<128x128xf32, #tpu.memory_space<vmem>>, vector<1x16xf32>,
        %swap3A_1273 = vector.shape_cast %swap3A_1272 : vector<1x16xf32> to vector<16xf32>
        %swap3A_1274 = vector.shape_cast %mul3A_1267 : vector<16xf32> to vector<1x16xf32>
        tpu.vector_store %arg19[%swap3A_1270, %swap3A_1271], %swap3A_1274 {strides = array<i32>} : memref<128x128xf32, #tpu.memory_space<vmem>>, vector<1x16xf32>,
        %add3A_1275 = arith.constant 3 : i32
        %add3A_1276 = arith.addi %mul3A_885, %add3A_1275 : i32
        %get3A_1277 = arith.index_cast %add3A_1276 : i32 to index
        %get3A_1278 = arith.constant 48 : index
        %get3A_1279 = tpu.vector_load %arg19[%get3A_1277, %get3A_1278] {strides = array<i32>} : memref<128x128xf32, #tpu.memory_space<vmem>>, vector<1x16xf32>,
        %get3A_1280 = vector.shape_cast %get3A_1279 : vector<1x16xf32> to vector<16xf32>
        %mul3A_1281 = arith.mulf %get3A_1280, %gather3A_1232 : vector<16xf32>
        %add3A_1282 = arith.constant 3 : i32
        %add3A_1283 = arith.addi %mul3A_885, %add3A_1282 : i32
        %swap3A_1284 = arith.index_cast %add3A_1283 : i32 to index
        %swap3A_1285 = arith.constant 48 : index
        %swap3A_1286 = tpu.vector_load %arg19[%swap3A_1284, %swap3A_1285] {strides = array<i32>} : memref<128x128xf32, #tpu.memory_space<vmem>>, vector<1x16xf32>,
        %swap3A_1287 = vector.shape_cast %swap3A_1286 : vector<1x16xf32> to vector<16xf32>
        %swap3A_1288 = vector.shape_cast %mul3A_1281 : vector<16xf32> to vector<1x16xf32>
        tpu.vector_store %arg19[%swap3A_1284, %swap3A_1285], %swap3A_1288 {strides = array<i32>} : memref<128x128xf32, #tpu.memory_space<vmem>>, vector<1x16xf32>,
        %add3A_1289 = arith.constant 3 : i32
        %add3A_1290 = arith.addi %mul3A_885, %add3A_1289 : i32
        %get3A_1291 = arith.index_cast %add3A_1290 : i32 to index
        %get3A_1292 = arith.constant 64 : index
        %get3A_1293 = tpu.vector_load %arg19[%get3A_1291, %get3A_1292] {strides = array<i32>} : memref<128x128xf32, #tpu.memory_space<vmem>>, vector<1x16xf32>,
        %get3A_1294 = vector.shape_cast %get3A_1293 : vector<1x16xf32> to vector<16xf32>
        %mul3A_1295 = arith.mulf %get3A_1294, %gather3A_1232 : vector<16xf32>
        %add3A_1296 = arith.constant 3 : i32
        %add3A_1297 = arith.addi %mul3A_885, %add3A_1296 : i32
        %swap3A_1298 = arith.index_cast %add3A_1297 : i32 to index
        %swap3A_1299 = arith.constant 64 : index
        %swap3A_1300 = tpu.vector_load %arg19[%swap3A_1298, %swap3A_1299] {strides = array<i32>} : memref<128x128xf32, #tpu.memory_space<vmem>>, vector<1x16xf32>,
        %swap3A_1301 = vector.shape_cast %swap3A_1300 : vector<1x16xf32> to vector<16xf32>
        %swap3A_1302 = vector.shape_cast %mul3A_1295 : vector<16xf32> to vector<1x16xf32>
        tpu.vector_store %arg19[%swap3A_1298, %swap3A_1299], %swap3A_1302 {strides = array<i32>} : memref<128x128xf32, #tpu.memory_space<vmem>>, vector<1x16xf32>,
        %add3A_1303 = arith.constant 3 : i32
        %add3A_1304 = arith.addi %mul3A_885, %add3A_1303 : i32
        %get3A_1305 = arith.index_cast %add3A_1304 : i32 to index
        %get3A_1306 = arith.constant 80 : index
        %get3A_1307 = tpu.vector_load %arg19[%get3A_1305, %get3A_1306] {strides = array<i32>} : memref<128x128xf32, #tpu.memory_space<vmem>>, vector<1x16xf32>,
        %get3A_1308 = vector.shape_cast %get3A_1307 : vector<1x16xf32> to vector<16xf32>
        %mul3A_1309 = arith.mulf %get3A_1308, %gather3A_1232 : vector<16xf32>
        %add3A_1310 = arith.constant 3 : i32
        %add3A_1311 = arith.addi %mul3A_885, %add3A_1310 : i32
        %swap3A_1312 = arith.index_cast %add3A_1311 : i32 to index
        %swap3A_1313 = arith.constant 80 : index
        %swap3A_1314 = tpu.vector_load %arg19[%swap3A_1312, %swap3A_1313] {strides = array<i32>} : memref<128x128xf32, #tpu.memory_space<vmem>>, vector<1x16xf32>,
        %swap3A_1315 = vector.shape_cast %swap3A_1314 : vector<1x16xf32> to vector<16xf32>
        %swap3A_1316 = vector.shape_cast %mul3A_1309 : vector<16xf32> to vector<1x16xf32>
        tpu.vector_store %arg19[%swap3A_1312, %swap3A_1313], %swap3A_1316 {strides = array<i32>} : memref<128x128xf32, #tpu.memory_space<vmem>>, vector<1x16xf32>,
        %add3A_1317 = arith.constant 3 : i32
        %add3A_1318 = arith.addi %mul3A_885, %add3A_1317 : i32
        %get3A_1319 = arith.index_cast %add3A_1318 : i32 to index
        %get3A_1320 = arith.constant 96 : index
        %get3A_1321 = tpu.vector_load %arg19[%get3A_1319, %get3A_1320] {strides = array<i32>} : memref<128x128xf32, #tpu.memory_space<vmem>>, vector<1x16xf32>,
        %get3A_1322 = vector.shape_cast %get3A_1321 : vector<1x16xf32> to vector<16xf32>
        %mul3A_1323 = arith.mulf %get3A_1322, %gather3A_1232 : vector<16xf32>
        %add3A_1324 = arith.constant 3 : i32
        %add3A_1325 = arith.addi %mul3A_885, %add3A_1324 : i32
        %swap3A_1326 = arith.index_cast %add3A_1325 : i32 to index
        %swap3A_1327 = arith.constant 96 : index
        %swap3A_1328 = tpu.vector_load %arg19[%swap3A_1326, %swap3A_1327] {strides = array<i32>} : memref<128x128xf32, #tpu.memory_space<vmem>>, vector<1x16xf32>,
        %swap3A_1329 = vector.shape_cast %swap3A_1328 : vector<1x16xf32> to vector<16xf32>
        %swap3A_1330 = vector.shape_cast %mul3A_1323 : vector<16xf32> to vector<1x16xf32>
        tpu.vector_store %arg19[%swap3A_1326, %swap3A_1327], %swap3A_1330 {strides = array<i32>} : memref<128x128xf32, #tpu.memory_space<vmem>>, vector<1x16xf32>,
        %add3A_1331 = arith.constant 3 : i32
        %add3A_1332 = arith.addi %mul3A_885, %add3A_1331 : i32
        %get3A_1333 = arith.index_cast %add3A_1332 : i32 to index
        %get3A_1334 = arith.constant 112 : index
        %get3A_1335 = tpu.vector_load %arg19[%get3A_1333, %get3A_1334] {strides = array<i32>} : memref<128x128xf32, #tpu.memory_space<vmem>>, vector<1x16xf32>,
        %get3A_1336 = vector.shape_cast %get3A_1335 : vector<1x16xf32> to vector<16xf32>
        %mul3A_1337 = arith.mulf %get3A_1336, %gather3A_1232 : vector<16xf32>
        %add3A_1338 = arith.constant 3 : i32
        %add3A_1339 = arith.addi %mul3A_885, %add3A_1338 : i32
        %swap3A_1340 = arith.index_cast %add3A_1339 : i32 to index
        %swap3A_1341 = arith.constant 112 : index
        %swap3A_1342 = tpu.vector_load %arg19[%swap3A_1340, %swap3A_1341] {strides = array<i32>} : memref<128x128xf32, #tpu.memory_space<vmem>>, vector<1x16xf32>,
        %swap3A_1343 = vector.shape_cast %swap3A_1342 : vector<1x16xf32> to vector<16xf32>
        %swap3A_1344 = vector.shape_cast %mul3A_1337 : vector<16xf32> to vector<1x16xf32>
        tpu.vector_store %arg19[%swap3A_1340, %swap3A_1341], %swap3A_1344 {strides = array<i32>} : memref<128x128xf32, #tpu.memory_space<vmem>>, vector<1x16xf32>,
        %broadcast_in_dim3A_1345 = vector.shape_cast %broadcast_in_dim3A_38 : vector<16xi32> to vector<16x1xi32>
        %gather3A_1346 = vector.shape_cast %broadcast_in_dim3A_1345 : vector<16x1xi32> to vector<16xi32>
        %gather3A_1347 = tpu.dynamic_gather %get3A_883[%gather3A_1346] in [0] : vector<16xf32>, vector<16xi32> -> vector<16xf32>
        %add3A_1348 = arith.constant 4 : i32
        %add3A_1349 = arith.addi %mul3A_885, %add3A_1348 : i32
        %get3A_1350 = arith.index_cast %add3A_1349 : i32 to index
        %get3A_1351 = arith.constant 0 : index
        %get3A_1352 = tpu.vector_load %arg19[%get3A_1350, %get3A_1351] {strides = array<i32>} : memref<128x128xf32, #tpu.memory_space<vmem>>, vector<1x16xf32>,
        %get3A_1353 = vector.shape_cast %get3A_1352 : vector<1x16xf32> to vector<16xf32>
        %mul3A_1354 = arith.mulf %get3A_1353, %gather3A_1347 : vector<16xf32>
        %add3A_1355 = arith.constant 4 : i32
        %add3A_1356 = arith.addi %mul3A_885, %add3A_1355 : i32
        %swap3A_1357 = arith.index_cast %add3A_1356 : i32 to index
        %swap3A_1358 = arith.constant 0 : index
        %swap3A_1359 = tpu.vector_load %arg19[%swap3A_1357, %swap3A_1358] {strides = array<i32>} : memref<128x128xf32, #tpu.memory_space<vmem>>, vector<1x16xf32>,
        %swap3A_1360 = vector.shape_cast %swap3A_1359 : vector<1x16xf32> to vector<16xf32>
        %swap3A_1361 = vector.shape_cast %mul3A_1354 : vector<16xf32> to vector<1x16xf32>
        tpu.vector_store %arg19[%swap3A_1357, %swap3A_1358], %swap3A_1361 {strides = array<i32>} : memref<128x128xf32, #tpu.memory_space<vmem>>, vector<1x16xf32>,
        %add3A_1362 = arith.constant 4 : i32
        %add3A_1363 = arith.addi %mul3A_885, %add3A_1362 : i32
        %get3A_1364 = arith.index_cast %add3A_1363 : i32 to index
        %get3A_1365 = arith.constant 16 : index
        %get3A_1366 = tpu.vector_load %arg19[%get3A_1364, %get3A_1365] {strides = array<i32>} : memref<128x128xf32, #tpu.memory_space<vmem>>, vector<1x16xf32>,
        %get3A_1367 = vector.shape_cast %get3A_1366 : vector<1x16xf32> to vector<16xf32>
        %mul3A_1368 = arith.mulf %get3A_1367, %gather3A_1347 : vector<16xf32>
        %add3A_1369 = arith.constant 4 : i32
        %add3A_1370 = arith.addi %mul3A_885, %add3A_1369 : i32
        %swap3A_1371 = arith.index_cast %add3A_1370 : i32 to index
        %swap3A_1372 = arith.constant 16 : index
        %swap3A_1373 = tpu.vector_load %arg19[%swap3A_1371, %swap3A_1372] {strides = array<i32>} : memref<128x128xf32, #tpu.memory_space<vmem>>, vector<1x16xf32>,
        %swap3A_1374 = vector.shape_cast %swap3A_1373 : vector<1x16xf32> to vector<16xf32>
        %swap3A_1375 = vector.shape_cast %mul3A_1368 : vector<16xf32> to vector<1x16xf32>
        tpu.vector_store %arg19[%swap3A_1371, %swap3A_1372], %swap3A_1375 {strides = array<i32>} : memref<128x128xf32, #tpu.memory_space<vmem>>, vector<1x16xf32>,
        %add3A_1376 = arith.constant 4 : i32
        %add3A_1377 = arith.addi %mul3A_885, %add3A_1376 : i32
        %get3A_1378 = arith.index_cast %add3A_1377 : i32 to index
        %get3A_1379 = arith.constant 32 : index
        %get3A_1380 = tpu.vector_load %arg19[%get3A_1378, %get3A_1379] {strides = array<i32>} : memref<128x128xf32, #tpu.memory_space<vmem>>, vector<1x16xf32>,
        %get3A_1381 = vector.shape_cast %get3A_1380 : vector<1x16xf32> to vector<16xf32>
        %mul3A_1382 = arith.mulf %get3A_1381, %gather3A_1347 : vector<16xf32>
        %add3A_1383 = arith.constant 4 : i32
        %add3A_1384 = arith.addi %mul3A_885, %add3A_1383 : i32
        %swap3A_1385 = arith.index_cast %add3A_1384 : i32 to index
        %swap3A_1386 = arith.constant 32 : index
        %swap3A_1387 = tpu.vector_load %arg19[%swap3A_1385, %swap3A_1386] {strides = array<i32>} : memref<128x128xf32, #tpu.memory_space<vmem>>, vector<1x16xf32>,
        %swap3A_1388 = vector.shape_cast %swap3A_1387 : vector<1x16xf32> to vector<16xf32>
        %swap3A_1389 = vector.shape_cast %mul3A_1382 : vector<16xf32> to vector<1x16xf32>
        tpu.vector_store %arg19[%swap3A_1385, %swap3A_1386], %swap3A_1389 {strides = array<i32>} : memref<128x128xf32, #tpu.memory_space<vmem>>, vector<1x16xf32>,
        %add3A_1390 = arith.constant 4 : i32
        %add3A_1391 = arith.addi %mul3A_885, %add3A_1390 : i32
        %get3A_1392 = arith.index_cast %add3A_1391 : i32 to index
        %get3A_1393 = arith.constant 48 : index
        %get3A_1394 = tpu.vector_load %arg19[%get3A_1392, %get3A_1393] {strides = array<i32>} : memref<128x128xf32, #tpu.memory_space<vmem>>, vector<1x16xf32>,
        %get3A_1395 = vector.shape_cast %get3A_1394 : vector<1x16xf32> to vector<16xf32>
        %mul3A_1396 = arith.mulf %get3A_1395, %gather3A_1347 : vector<16xf32>
        %add3A_1397 = arith.constant 4 : i32
        %add3A_1398 = arith.addi %mul3A_885, %add3A_1397 : i32
        %swap3A_1399 = arith.index_cast %add3A_1398 : i32 to index
        %swap3A_1400 = arith.constant 48 : index
        %swap3A_1401 = tpu.vector_load %arg19[%swap3A_1399, %swap3A_1400] {strides = array<i32>} : memref<128x128xf32, #tpu.memory_space<vmem>>, vector<1x16xf32>,
        %swap3A_1402 = vector.shape_cast %swap3A_1401 : vector<1x16xf32> to vector<16xf32>
        %swap3A_1403 = vector.shape_cast %mul3A_1396 : vector<16xf32> to vector<1x16xf32>
        tpu.vector_store %arg19[%swap3A_1399, %swap3A_1400], %swap3A_1403 {strides = array<i32>} : memref<128x128xf32, #tpu.memory_space<vmem>>, vector<1x16xf32>,
        %add3A_1404 = arith.constant 4 : i32
        %add3A_1405 = arith.addi %mul3A_885, %add3A_1404 : i32
        %get3A_1406 = arith.index_cast %add3A_1405 : i32 to index
        %get3A_1407 = arith.constant 64 : index
        %get3A_1408 = tpu.vector_load %arg19[%get3A_1406, %get3A_1407] {strides = array<i32>} : memref<128x128xf32, #tpu.memory_space<vmem>>, vector<1x16xf32>,
        %get3A_1409 = vector.shape_cast %get3A_1408 : vector<1x16xf32> to vector<16xf32>
        %mul3A_1410 = arith.mulf %get3A_1409, %gather3A_1347 : vector<16xf32>
        %add3A_1411 = arith.constant 4 : i32
        %add3A_1412 = arith.addi %mul3A_885, %add3A_1411 : i32
        %swap3A_1413 = arith.index_cast %add3A_1412 : i32 to index
        %swap3A_1414 = arith.constant 64 : index
        %swap3A_1415 = tpu.vector_load %arg19[%swap3A_1413, %swap3A_1414] {strides = array<i32>} : memref<128x128xf32, #tpu.memory_space<vmem>>, vector<1x16xf32>,
        %swap3A_1416 = vector.shape_cast %swap3A_1415 : vector<1x16xf32> to vector<16xf32>
        %swap3A_1417 = vector.shape_cast %mul3A_1410 : vector<16xf32> to vector<1x16xf32>
        tpu.vector_store %arg19[%swap3A_1413, %swap3A_1414], %swap3A_1417 {strides = array<i32>} : memref<128x128xf32, #tpu.memory_space<vmem>>, vector<1x16xf32>,
        %add3A_1418 = arith.constant 4 : i32
        %add3A_1419 = arith.addi %mul3A_885, %add3A_1418 : i32
        %get3A_1420 = arith.index_cast %add3A_1419 : i32 to index
        %get3A_1421 = arith.constant 80 : index
        %get3A_1422 = tpu.vector_load %arg19[%get3A_1420, %get3A_1421] {strides = array<i32>} : memref<128x128xf32, #tpu.memory_space<vmem>>, vector<1x16xf32>,
        %get3A_1423 = vector.shape_cast %get3A_1422 : vector<1x16xf32> to vector<16xf32>
        %mul3A_1424 = arith.mulf %get3A_1423, %gather3A_1347 : vector<16xf32>
        %add3A_1425 = arith.constant 4 : i32
        %add3A_1426 = arith.addi %mul3A_885, %add3A_1425 : i32
        %swap3A_1427 = arith.index_cast %add3A_1426 : i32 to index
        %swap3A_1428 = arith.constant 80 : index
        %swap3A_1429 = tpu.vector_load %arg19[%swap3A_1427, %swap3A_1428] {strides = array<i32>} : memref<128x128xf32, #tpu.memory_space<vmem>>, vector<1x16xf32>,
        %swap3A_1430 = vector.shape_cast %swap3A_1429 : vector<1x16xf32> to vector<16xf32>
        %swap3A_1431 = vector.shape_cast %mul3A_1424 : vector<16xf32> to vector<1x16xf32>
        tpu.vector_store %arg19[%swap3A_1427, %swap3A_1428], %swap3A_1431 {strides = array<i32>} : memref<128x128xf32, #tpu.memory_space<vmem>>, vector<1x16xf32>,
        %add3A_1432 = arith.constant 4 : i32
        %add3A_1433 = arith.addi %mul3A_885, %add3A_1432 : i32
        %get3A_1434 = arith.index_cast %add3A_1433 : i32 to index
        %get3A_1435 = arith.constant 96 : index
        %get3A_1436 = tpu.vector_load %arg19[%get3A_1434, %get3A_1435] {strides = array<i32>} : memref<128x128xf32, #tpu.memory_space<vmem>>, vector<1x16xf32>,
        %get3A_1437 = vector.shape_cast %get3A_1436 : vector<1x16xf32> to vector<16xf32>
        %mul3A_1438 = arith.mulf %get3A_1437, %gather3A_1347 : vector<16xf32>
        %add3A_1439 = arith.constant 4 : i32
        %add3A_1440 = arith.addi %mul3A_885, %add3A_1439 : i32
        %swap3A_1441 = arith.index_cast %add3A_1440 : i32 to index
        %swap3A_1442 = arith.constant 96 : index
        %swap3A_1443 = tpu.vector_load %arg19[%swap3A_1441, %swap3A_1442] {strides = array<i32>} : memref<128x128xf32, #tpu.memory_space<vmem>>, vector<1x16xf32>,
        %swap3A_1444 = vector.shape_cast %swap3A_1443 : vector<1x16xf32> to vector<16xf32>
        %swap3A_1445 = vector.shape_cast %mul3A_1438 : vector<16xf32> to vector<1x16xf32>
        tpu.vector_store %arg19[%swap3A_1441, %swap3A_1442], %swap3A_1445 {strides = array<i32>} : memref<128x128xf32, #tpu.memory_space<vmem>>, vector<1x16xf32>,
        %add3A_1446 = arith.constant 4 : i32
        %add3A_1447 = arith.addi %mul3A_885, %add3A_1446 : i32
        %get3A_1448 = arith.index_cast %add3A_1447 : i32 to index
        %get3A_1449 = arith.constant 112 : index
        %get3A_1450 = tpu.vector_load %arg19[%get3A_1448, %get3A_1449] {strides = array<i32>} : memref<128x128xf32, #tpu.memory_space<vmem>>, vector<1x16xf32>,
        %get3A_1451 = vector.shape_cast %get3A_1450 : vector<1x16xf32> to vector<16xf32>
        %mul3A_1452 = arith.mulf %get3A_1451, %gather3A_1347 : vector<16xf32>
        %add3A_1453 = arith.constant 4 : i32
        %add3A_1454 = arith.addi %mul3A_885, %add3A_1453 : i32
        %swap3A_1455 = arith.index_cast %add3A_1454 : i32 to index
        %swap3A_1456 = arith.constant 112 : index
        %swap3A_1457 = tpu.vector_load %arg19[%swap3A_1455, %swap3A_1456] {strides = array<i32>} : memref<128x128xf32, #tpu.memory_space<vmem>>, vector<1x16xf32>,
        %swap3A_1458 = vector.shape_cast %swap3A_1457 : vector<1x16xf32> to vector<16xf32>
        %swap3A_1459 = vector.shape_cast %mul3A_1452 : vector<16xf32> to vector<1x16xf32>
        tpu.vector_store %arg19[%swap3A_1455, %swap3A_1456], %swap3A_1459 {strides = array<i32>} : memref<128x128xf32, #tpu.memory_space<vmem>>, vector<1x16xf32>,
        %broadcast_in_dim3A_1460 = vector.shape_cast %broadcast_in_dim3A_40 : vector<16xi32> to vector<16x1xi32>
        %gather3A_1461 = vector.shape_cast %broadcast_in_dim3A_1460 : vector<16x1xi32> to vector<16xi32>
        %gather3A_1462 = tpu.dynamic_gather %get3A_883[%gather3A_1461] in [0] : vector<16xf32>, vector<16xi32> -> vector<16xf32>
        %add3A_1463 = arith.constant 5 : i32
        %add3A_1464 = arith.addi %mul3A_885, %add3A_1463 : i32
        %get3A_1465 = arith.index_cast %add3A_1464 : i32 to index
        %get3A_1466 = arith.constant 0 : index
        %get3A_1467 = tpu.vector_load %arg19[%get3A_1465, %get3A_1466] {strides = array<i32>} : memref<128x128xf32, #tpu.memory_space<vmem>>, vector<1x16xf32>,
        %get3A_1468 = vector.shape_cast %get3A_1467 : vector<1x16xf32> to vector<16xf32>
        %mul3A_1469 = arith.mulf %get3A_1468, %gather3A_1462 : vector<16xf32>
        %add3A_1470 = arith.constant 5 : i32
        %add3A_1471 = arith.addi %mul3A_885, %add3A_1470 : i32
        %swap3A_1472 = arith.index_cast %add3A_1471 : i32 to index
        %swap3A_1473 = arith.constant 0 : index
        %swap3A_1474 = tpu.vector_load %arg19[%swap3A_1472, %swap3A_1473] {strides = array<i32>} : memref<128x128xf32, #tpu.memory_space<vmem>>, vector<1x16xf32>,
        %swap3A_1475 = vector.shape_cast %swap3A_1474 : vector<1x16xf32> to vector<16xf32>
        %swap3A_1476 = vector.shape_cast %mul3A_1469 : vector<16xf32> to vector<1x16xf32>
        tpu.vector_store %arg19[%swap3A_1472, %swap3A_1473], %swap3A_1476 {strides = array<i32>} : memref<128x128xf32, #tpu.memory_space<vmem>>, vector<1x16xf32>,
        %add3A_1477 = arith.constant 5 : i32
        %add3A_1478 = arith.addi %mul3A_885, %add3A_1477 : i32
        %get3A_1479 = arith.index_cast %add3A_1478 : i32 to index
        %get3A_1480 = arith.constant 16 : index
        %get3A_1481 = tpu.vector_load %arg19[%get3A_1479, %get3A_1480] {strides = array<i32>} : memref<128x128xf32, #tpu.memory_space<vmem>>, vector<1x16xf32>,
        %get3A_1482 = vector.shape_cast %get3A_1481 : vector<1x16xf32> to vector<16xf32>
        %mul3A_1483 = arith.mulf %get3A_1482, %gather3A_1462 : vector<16xf32>
        %add3A_1484 = arith.constant 5 : i32
        %add3A_1485 = arith.addi %mul3A_885, %add3A_1484 : i32
        %swap3A_1486 = arith.index_cast %add3A_1485 : i32 to index
        %swap3A_1487 = arith.constant 16 : index
        %swap3A_1488 = tpu.vector_load %arg19[%swap3A_1486, %swap3A_1487] {strides = array<i32>} : memref<128x128xf32, #tpu.memory_space<vmem>>, vector<1x16xf32>,
        %swap3A_1489 = vector.shape_cast %swap3A_1488 : vector<1x16xf32> to vector<16xf32>
        %swap3A_1490 = vector.shape_cast %mul3A_1483 : vector<16xf32> to vector<1x16xf32>
        tpu.vector_store %arg19[%swap3A_1486, %swap3A_1487], %swap3A_1490 {strides = array<i32>} : memref<128x128xf32, #tpu.memory_space<vmem>>, vector<1x16xf32>,
        %add3A_1491 = arith.constant 5 : i32
        %add3A_1492 = arith.addi %mul3A_885, %add3A_1491 : i32
        %get3A_1493 = arith.index_cast %add3A_1492 : i32 to index
        %get3A_1494 = arith.constant 32 : index
        %get3A_1495 = tpu.vector_load %arg19[%get3A_1493, %get3A_1494] {strides = array<i32>} : memref<128x128xf32, #tpu.memory_space<vmem>>, vector<1x16xf32>,
        %get3A_1496 = vector.shape_cast %get3A_1495 : vector<1x16xf32> to vector<16xf32>
        %mul3A_1497 = arith.mulf %get3A_1496, %gather3A_1462 : vector<16xf32>
        %add3A_1498 = arith.constant 5 : i32
        %add3A_1499 = arith.addi %mul3A_885, %add3A_1498 : i32
        %swap3A_1500 = arith.index_cast %add3A_1499 : i32 to index
        %swap3A_1501 = arith.constant 32 : index
        %swap3A_1502 = tpu.vector_load %arg19[%swap3A_1500, %swap3A_1501] {strides = array<i32>} : memref<128x128xf32, #tpu.memory_space<vmem>>, vector<1x16xf32>,
        %swap3A_1503 = vector.shape_cast %swap3A_1502 : vector<1x16xf32> to vector<16xf32>
        %swap3A_1504 = vector.shape_cast %mul3A_1497 : vector<16xf32> to vector<1x16xf32>
        tpu.vector_store %arg19[%swap3A_1500, %swap3A_1501], %swap3A_1504 {strides = array<i32>} : memref<128x128xf32, #tpu.memory_space<vmem>>, vector<1x16xf32>,
        %add3A_1505 = arith.constant 5 : i32
        %add3A_1506 = arith.addi %mul3A_885, %add3A_1505 : i32
        %get3A_1507 = arith.index_cast %add3A_1506 : i32 to index
        %get3A_1508 = arith.constant 48 : index
        %get3A_1509 = tpu.vector_load %arg19[%get3A_1507, %get3A_1508] {strides = array<i32>} : memref<128x128xf32, #tpu.memory_space<vmem>>, vector<1x16xf32>,
        %get3A_1510 = vector.shape_cast %get3A_1509 : vector<1x16xf32> to vector<16xf32>
        %mul3A_1511 = arith.mulf %get3A_1510, %gather3A_1462 : vector<16xf32>
        %add3A_1512 = arith.constant 5 : i32
        %add3A_1513 = arith.addi %mul3A_885, %add3A_1512 : i32
        %swap3A_1514 = arith.index_cast %add3A_1513 : i32 to index
        %swap3A_1515 = arith.constant 48 : index
        %swap3A_1516 = tpu.vector_load %arg19[%swap3A_1514, %swap3A_1515] {strides = array<i32>} : memref<128x128xf32, #tpu.memory_space<vmem>>, vector<1x16xf32>,
        %swap3A_1517 = vector.shape_cast %swap3A_1516 : vector<1x16xf32> to vector<16xf32>
        %swap3A_1518 = vector.shape_cast %mul3A_1511 : vector<16xf32> to vector<1x16xf32>
        tpu.vector_store %arg19[%swap3A_1514, %swap3A_1515], %swap3A_1518 {strides = array<i32>} : memref<128x128xf32, #tpu.memory_space<vmem>>, vector<1x16xf32>,
        %add3A_1519 = arith.constant 5 : i32
        %add3A_1520 = arith.addi %mul3A_885, %add3A_1519 : i32
        %get3A_1521 = arith.index_cast %add3A_1520 : i32 to index
        %get3A_1522 = arith.constant 64 : index
        %get3A_1523 = tpu.vector_load %arg19[%get3A_1521, %get3A_1522] {strides = array<i32>} : memref<128x128xf32, #tpu.memory_space<vmem>>, vector<1x16xf32>,
        %get3A_1524 = vector.shape_cast %get3A_1523 : vector<1x16xf32> to vector<16xf32>
        %mul3A_1525 = arith.mulf %get3A_1524, %gather3A_1462 : vector<16xf32>
        %add3A_1526 = arith.constant 5 : i32
        %add3A_1527 = arith.addi %mul3A_885, %add3A_1526 : i32
        %swap3A_1528 = arith.index_cast %add3A_1527 : i32 to index
        %swap3A_1529 = arith.constant 64 : index
        %swap3A_1530 = tpu.vector_load %arg19[%swap3A_1528, %swap3A_1529] {strides = array<i32>} : memref<128x128xf32, #tpu.memory_space<vmem>>, vector<1x16xf32>,
        %swap3A_1531 = vector.shape_cast %swap3A_1530 : vector<1x16xf32> to vector<16xf32>
        %swap3A_1532 = vector.shape_cast %mul3A_1525 : vector<16xf32> to vector<1x16xf32>
        tpu.vector_store %arg19[%swap3A_1528, %swap3A_1529], %swap3A_1532 {strides = array<i32>} : memref<128x128xf32, #tpu.memory_space<vmem>>, vector<1x16xf32>,
        %add3A_1533 = arith.constant 5 : i32
        %add3A_1534 = arith.addi %mul3A_885, %add3A_1533 : i32
        %get3A_1535 = arith.index_cast %add3A_1534 : i32 to index
        %get3A_1536 = arith.constant 80 : index
        %get3A_1537 = tpu.vector_load %arg19[%get3A_1535, %get3A_1536] {strides = array<i32>} : memref<128x128xf32, #tpu.memory_space<vmem>>, vector<1x16xf32>,
        %get3A_1538 = vector.shape_cast %get3A_1537 : vector<1x16xf32> to vector<16xf32>
        %mul3A_1539 = arith.mulf %get3A_1538, %gather3A_1462 : vector<16xf32>
        %add3A_1540 = arith.constant 5 : i32
        %add3A_1541 = arith.addi %mul3A_885, %add3A_1540 : i32
        %swap3A_1542 = arith.index_cast %add3A_1541 : i32 to index
        %swap3A_1543 = arith.constant 80 : index
        %swap3A_1544 = tpu.vector_load %arg19[%swap3A_1542, %swap3A_1543] {strides = array<i32>} : memref<128x128xf32, #tpu.memory_space<vmem>>, vector<1x16xf32>,
        %swap3A_1545 = vector.shape_cast %swap3A_1544 : vector<1x16xf32> to vector<16xf32>
        %swap3A_1546 = vector.shape_cast %mul3A_1539 : vector<16xf32> to vector<1x16xf32>
        tpu.vector_store %arg19[%swap3A_1542, %swap3A_1543], %swap3A_1546 {strides = array<i32>} : memref<128x128xf32, #tpu.memory_space<vmem>>, vector<1x16xf32>,
        %add3A_1547 = arith.constant 5 : i32
        %add3A_1548 = arith.addi %mul3A_885, %add3A_1547 : i32
        %get3A_1549 = arith.index_cast %add3A_1548 : i32 to index
        %get3A_1550 = arith.constant 96 : index
        %get3A_1551 = tpu.vector_load %arg19[%get3A_1549, %get3A_1550] {strides = array<i32>} : memref<128x128xf32, #tpu.memory_space<vmem>>, vector<1x16xf32>,
        %get3A_1552 = vector.shape_cast %get3A_1551 : vector<1x16xf32> to vector<16xf32>
        %mul3A_1553 = arith.mulf %get3A_1552, %gather3A_1462 : vector<16xf32>
        %add3A_1554 = arith.constant 5 : i32
        %add3A_1555 = arith.addi %mul3A_885, %add3A_1554 : i32
        %swap3A_1556 = arith.index_cast %add3A_1555 : i32 to index
        %swap3A_1557 = arith.constant 96 : index
        %swap3A_1558 = tpu.vector_load %arg19[%swap3A_1556, %swap3A_1557] {strides = array<i32>} : memref<128x128xf32, #tpu.memory_space<vmem>>, vector<1x16xf32>,
        %swap3A_1559 = vector.shape_cast %swap3A_1558 : vector<1x16xf32> to vector<16xf32>
        %swap3A_1560 = vector.shape_cast %mul3A_1553 : vector<16xf32> to vector<1x16xf32>
        tpu.vector_store %arg19[%swap3A_1556, %swap3A_1557], %swap3A_1560 {strides = array<i32>} : memref<128x128xf32, #tpu.memory_space<vmem>>, vector<1x16xf32>,
        %add3A_1561 = arith.constant 5 : i32
        %add3A_1562 = arith.addi %mul3A_885, %add3A_1561 : i32
        %get3A_1563 = arith.index_cast %add3A_1562 : i32 to index
        %get3A_1564 = arith.constant 112 : index
        %get3A_1565 = tpu.vector_load %arg19[%get3A_1563, %get3A_1564] {strides = array<i32>} : memref<128x128xf32, #tpu.memory_space<vmem>>, vector<1x16xf32>,
        %get3A_1566 = vector.shape_cast %get3A_1565 : vector<1x16xf32> to vector<16xf32>
        %mul3A_1567 = arith.mulf %get3A_1566, %gather3A_1462 : vector<16xf32>
        %add3A_1568 = arith.constant 5 : i32
        %add3A_1569 = arith.addi %mul3A_885, %add3A_1568 : i32
        %swap3A_1570 = arith.index_cast %add3A_1569 : i32 to index
        %swap3A_1571 = arith.constant 112 : index
        %swap3A_1572 = tpu.vector_load %arg19[%swap3A_1570, %swap3A_1571] {strides = array<i32>} : memref<128x128xf32, #tpu.memory_space<vmem>>, vector<1x16xf32>,
        %swap3A_1573 = vector.shape_cast %swap3A_1572 : vector<1x16xf32> to vector<16xf32>
        %swap3A_1574 = vector.shape_cast %mul3A_1567 : vector<16xf32> to vector<1x16xf32>
        tpu.vector_store %arg19[%swap3A_1570, %swap3A_1571], %swap3A_1574 {strides = array<i32>} : memref<128x128xf32, #tpu.memory_space<vmem>>, vector<1x16xf32>,
        %broadcast_in_dim3A_1575 = vector.shape_cast %broadcast_in_dim3A_42 : vector<16xi32> to vector<16x1xi32>
        %gather3A_1576 = vector.shape_cast %broadcast_in_dim3A_1575 : vector<16x1xi32> to vector<16xi32>
        %gather3A_1577 = tpu.dynamic_gather %get3A_883[%gather3A_1576] in [0] : vector<16xf32>, vector<16xi32> -> vector<16xf32>
        %add3A_1578 = arith.constant 6 : i32
        %add3A_1579 = arith.addi %mul3A_885, %add3A_1578 : i32
        %get3A_1580 = arith.index_cast %add3A_1579 : i32 to index
        %get3A_1581 = arith.constant 0 : index
        %get3A_1582 = tpu.vector_load %arg19[%get3A_1580, %get3A_1581] {strides = array<i32>} : memref<128x128xf32, #tpu.memory_space<vmem>>, vector<1x16xf32>,
        %get3A_1583 = vector.shape_cast %get3A_1582 : vector<1x16xf32> to vector<16xf32>
        %mul3A_1584 = arith.mulf %get3A_1583, %gather3A_1577 : vector<16xf32>
        %add3A_1585 = arith.constant 6 : i32
        %add3A_1586 = arith.addi %mul3A_885, %add3A_1585 : i32
        %swap3A_1587 = arith.index_cast %add3A_1586 : i32 to index
        %swap3A_1588 = arith.constant 0 : index
        %swap3A_1589 = tpu.vector_load %arg19[%swap3A_1587, %swap3A_1588] {strides = array<i32>} : memref<128x128xf32, #tpu.memory_space<vmem>>, vector<1x16xf32>,
        %swap3A_1590 = vector.shape_cast %swap3A_1589 : vector<1x16xf32> to vector<16xf32>
        %swap3A_1591 = vector.shape_cast %mul3A_1584 : vector<16xf32> to vector<1x16xf32>
        tpu.vector_store %arg19[%swap3A_1587, %swap3A_1588], %swap3A_1591 {strides = array<i32>} : memref<128x128xf32, #tpu.memory_space<vmem>>, vector<1x16xf32>,
        %add3A_1592 = arith.constant 6 : i32
        %add3A_1593 = arith.addi %mul3A_885, %add3A_1592 : i32
        %get3A_1594 = arith.index_cast %add3A_1593 : i32 to index
        %get3A_1595 = arith.constant 16 : index
        %get3A_1596 = tpu.vector_load %arg19[%get3A_1594, %get3A_1595] {strides = array<i32>} : memref<128x128xf32, #tpu.memory_space<vmem>>, vector<1x16xf32>,
        %get3A_1597 = vector.shape_cast %get3A_1596 : vector<1x16xf32> to vector<16xf32>
        %mul3A_1598 = arith.mulf %get3A_1597, %gather3A_1577 : vector<16xf32>
        %add3A_1599 = arith.constant 6 : i32
        %add3A_1600 = arith.addi %mul3A_885, %add3A_1599 : i32
        %swap3A_1601 = arith.index_cast %add3A_1600 : i32 to index
        %swap3A_1602 = arith.constant 16 : index
        %swap3A_1603 = tpu.vector_load %arg19[%swap3A_1601, %swap3A_1602] {strides = array<i32>} : memref<128x128xf32, #tpu.memory_space<vmem>>, vector<1x16xf32>,
        %swap3A_1604 = vector.shape_cast %swap3A_1603 : vector<1x16xf32> to vector<16xf32>
        %swap3A_1605 = vector.shape_cast %mul3A_1598 : vector<16xf32> to vector<1x16xf32>
        tpu.vector_store %arg19[%swap3A_1601, %swap3A_1602], %swap3A_1605 {strides = array<i32>} : memref<128x128xf32, #tpu.memory_space<vmem>>, vector<1x16xf32>,
        %add3A_1606 = arith.constant 6 : i32
        %add3A_1607 = arith.addi %mul3A_885, %add3A_1606 : i32
        %get3A_1608 = arith.index_cast %add3A_1607 : i32 to index
        %get3A_1609 = arith.constant 32 : index
        %get3A_1610 = tpu.vector_load %arg19[%get3A_1608, %get3A_1609] {strides = array<i32>} : memref<128x128xf32, #tpu.memory_space<vmem>>, vector<1x16xf32>,
        %get3A_1611 = vector.shape_cast %get3A_1610 : vector<1x16xf32> to vector<16xf32>
        %mul3A_1612 = arith.mulf %get3A_1611, %gather3A_1577 : vector<16xf32>
        %add3A_1613 = arith.constant 6 : i32
        %add3A_1614 = arith.addi %mul3A_885, %add3A_1613 : i32
        %swap3A_1615 = arith.index_cast %add3A_1614 : i32 to index
        %swap3A_1616 = arith.constant 32 : index
        %swap3A_1617 = tpu.vector_load %arg19[%swap3A_1615, %swap3A_1616] {strides = array<i32>} : memref<128x128xf32, #tpu.memory_space<vmem>>, vector<1x16xf32>,
        %swap3A_1618 = vector.shape_cast %swap3A_1617 : vector<1x16xf32> to vector<16xf32>
        %swap3A_1619 = vector.shape_cast %mul3A_1612 : vector<16xf32> to vector<1x16xf32>
        tpu.vector_store %arg19[%swap3A_1615, %swap3A_1616], %swap3A_1619 {strides = array<i32>} : memref<128x128xf32, #tpu.memory_space<vmem>>, vector<1x16xf32>,
        %add3A_1620 = arith.constant 6 : i32
        %add3A_1621 = arith.addi %mul3A_885, %add3A_1620 : i32
        %get3A_1622 = arith.index_cast %add3A_1621 : i32 to index
        %get3A_1623 = arith.constant 48 : index
        %get3A_1624 = tpu.vector_load %arg19[%get3A_1622, %get3A_1623] {strides = array<i32>} : memref<128x128xf32, #tpu.memory_space<vmem>>, vector<1x16xf32>,
        %get3A_1625 = vector.shape_cast %get3A_1624 : vector<1x16xf32> to vector<16xf32>
        %mul3A_1626 = arith.mulf %get3A_1625, %gather3A_1577 : vector<16xf32>
        %add3A_1627 = arith.constant 6 : i32
        %add3A_1628 = arith.addi %mul3A_885, %add3A_1627 : i32
        %swap3A_1629 = arith.index_cast %add3A_1628 : i32 to index
        %swap3A_1630 = arith.constant 48 : index
        %swap3A_1631 = tpu.vector_load %arg19[%swap3A_1629, %swap3A_1630] {strides = array<i32>} : memref<128x128xf32, #tpu.memory_space<vmem>>, vector<1x16xf32>,
        %swap3A_1632 = vector.shape_cast %swap3A_1631 : vector<1x16xf32> to vector<16xf32>
        %swap3A_1633 = vector.shape_cast %mul3A_1626 : vector<16xf32> to vector<1x16xf32>
        tpu.vector_store %arg19[%swap3A_1629, %swap3A_1630], %swap3A_1633 {strides = array<i32>} : memref<128x128xf32, #tpu.memory_space<vmem>>, vector<1x16xf32>,
        %add3A_1634 = arith.constant 6 : i32
        %add3A_1635 = arith.addi %mul3A_885, %add3A_1634 : i32
        %get3A_1636 = arith.index_cast %add3A_1635 : i32 to index
        %get3A_1637 = arith.constant 64 : index
        %get3A_1638 = tpu.vector_load %arg19[%get3A_1636, %get3A_1637] {strides = array<i32>} : memref<128x128xf32, #tpu.memory_space<vmem>>, vector<1x16xf32>,
        %get3A_1639 = vector.shape_cast %get3A_1638 : vector<1x16xf32> to vector<16xf32>
        %mul3A_1640 = arith.mulf %get3A_1639, %gather3A_1577 : vector<16xf32>
        %add3A_1641 = arith.constant 6 : i32
        %add3A_1642 = arith.addi %mul3A_885, %add3A_1641 : i32
        %swap3A_1643 = arith.index_cast %add3A_1642 : i32 to index
        %swap3A_1644 = arith.constant 64 : index
        %swap3A_1645 = tpu.vector_load %arg19[%swap3A_1643, %swap3A_1644] {strides = array<i32>} : memref<128x128xf32, #tpu.memory_space<vmem>>, vector<1x16xf32>,
        %swap3A_1646 = vector.shape_cast %swap3A_1645 : vector<1x16xf32> to vector<16xf32>
        %swap3A_1647 = vector.shape_cast %mul3A_1640 : vector<16xf32> to vector<1x16xf32>
        tpu.vector_store %arg19[%swap3A_1643, %swap3A_1644], %swap3A_1647 {strides = array<i32>} : memref<128x128xf32, #tpu.memory_space<vmem>>, vector<1x16xf32>,
        %add3A_1648 = arith.constant 6 : i32
        %add3A_1649 = arith.addi %mul3A_885, %add3A_1648 : i32
        %get3A_1650 = arith.index_cast %add3A_1649 : i32 to index
        %get3A_1651 = arith.constant 80 : index
        %get3A_1652 = tpu.vector_load %arg19[%get3A_1650, %get3A_1651] {strides = array<i32>} : memref<128x128xf32, #tpu.memory_space<vmem>>, vector<1x16xf32>,
        %get3A_1653 = vector.shape_cast %get3A_1652 : vector<1x16xf32> to vector<16xf32>
        %mul3A_1654 = arith.mulf %get3A_1653, %gather3A_1577 : vector<16xf32>
        %add3A_1655 = arith.constant 6 : i32
        %add3A_1656 = arith.addi %mul3A_885, %add3A_1655 : i32
        %swap3A_1657 = arith.index_cast %add3A_1656 : i32 to index
        %swap3A_1658 = arith.constant 80 : index
        %swap3A_1659 = tpu.vector_load %arg19[%swap3A_1657, %swap3A_1658] {strides = array<i32>} : memref<128x128xf32, #tpu.memory_space<vmem>>, vector<1x16xf32>,
        %swap3A_1660 = vector.shape_cast %swap3A_1659 : vector<1x16xf32> to vector<16xf32>
        %swap3A_1661 = vector.shape_cast %mul3A_1654 : vector<16xf32> to vector<1x16xf32>
        tpu.vector_store %arg19[%swap3A_1657, %swap3A_1658], %swap3A_1661 {strides = array<i32>} : memref<128x128xf32, #tpu.memory_space<vmem>>, vector<1x16xf32>,
        %add3A_1662 = arith.constant 6 : i32
        %add3A_1663 = arith.addi %mul3A_885, %add3A_1662 : i32
        %get3A_1664 = arith.index_cast %add3A_1663 : i32 to index
        %get3A_1665 = arith.constant 96 : index
        %get3A_1666 = tpu.vector_load %arg19[%get3A_1664, %get3A_1665] {strides = array<i32>} : memref<128x128xf32, #tpu.memory_space<vmem>>, vector<1x16xf32>,
        %get3A_1667 = vector.shape_cast %get3A_1666 : vector<1x16xf32> to vector<16xf32>
        %mul3A_1668 = arith.mulf %get3A_1667, %gather3A_1577 : vector<16xf32>
        %add3A_1669 = arith.constant 6 : i32
        %add3A_1670 = arith.addi %mul3A_885, %add3A_1669 : i32
        %swap3A_1671 = arith.index_cast %add3A_1670 : i32 to index
        %swap3A_1672 = arith.constant 96 : index
        %swap3A_1673 = tpu.vector_load %arg19[%swap3A_1671, %swap3A_1672] {strides = array<i32>} : memref<128x128xf32, #tpu.memory_space<vmem>>, vector<1x16xf32>,
        %swap3A_1674 = vector.shape_cast %swap3A_1673 : vector<1x16xf32> to vector<16xf32>
        %swap3A_1675 = vector.shape_cast %mul3A_1668 : vector<16xf32> to vector<1x16xf32>
        tpu.vector_store %arg19[%swap3A_1671, %swap3A_1672], %swap3A_1675 {strides = array<i32>} : memref<128x128xf32, #tpu.memory_space<vmem>>, vector<1x16xf32>,
        %add3A_1676 = arith.constant 6 : i32
        %add3A_1677 = arith.addi %mul3A_885, %add3A_1676 : i32
        %get3A_1678 = arith.index_cast %add3A_1677 : i32 to index
        %get3A_1679 = arith.constant 112 : index
        %get3A_1680 = tpu.vector_load %arg19[%get3A_1678, %get3A_1679] {strides = array<i32>} : memref<128x128xf32, #tpu.memory_space<vmem>>, vector<1x16xf32>,
        %get3A_1681 = vector.shape_cast %get3A_1680 : vector<1x16xf32> to vector<16xf32>
        %mul3A_1682 = arith.mulf %get3A_1681, %gather3A_1577 : vector<16xf32>
        %add3A_1683 = arith.constant 6 : i32
        %add3A_1684 = arith.addi %mul3A_885, %add3A_1683 : i32
        %swap3A_1685 = arith.index_cast %add3A_1684 : i32 to index
        %swap3A_1686 = arith.constant 112 : index
        %swap3A_1687 = tpu.vector_load %arg19[%swap3A_1685, %swap3A_1686] {strides = array<i32>} : memref<128x128xf32, #tpu.memory_space<vmem>>, vector<1x16xf32>,
        %swap3A_1688 = vector.shape_cast %swap3A_1687 : vector<1x16xf32> to vector<16xf32>
        %swap3A_1689 = vector.shape_cast %mul3A_1682 : vector<16xf32> to vector<1x16xf32>
        tpu.vector_store %arg19[%swap3A_1685, %swap3A_1686], %swap3A_1689 {strides = array<i32>} : memref<128x128xf32, #tpu.memory_space<vmem>>, vector<1x16xf32>,
        %broadcast_in_dim3A_1690 = vector.shape_cast %broadcast_in_dim3A_44 : vector<16xi32> to vector<16x1xi32>
        %gather3A_1691 = vector.shape_cast %broadcast_in_dim3A_1690 : vector<16x1xi32> to vector<16xi32>
        %gather3A_1692 = tpu.dynamic_gather %get3A_883[%gather3A_1691] in [0] : vector<16xf32>, vector<16xi32> -> vector<16xf32>
        %add3A_1693 = arith.constant 7 : i32
        %add3A_1694 = arith.addi %mul3A_885, %add3A_1693 : i32
        %get3A_1695 = arith.index_cast %add3A_1694 : i32 to index
        %get3A_1696 = arith.constant 0 : index
        %get3A_1697 = tpu.vector_load %arg19[%get3A_1695, %get3A_1696] {strides = array<i32>} : memref<128x128xf32, #tpu.memory_space<vmem>>, vector<1x16xf32>,
        %get3A_1698 = vector.shape_cast %get3A_1697 : vector<1x16xf32> to vector<16xf32>
        %mul3A_1699 = arith.mulf %get3A_1698, %gather3A_1692 : vector<16xf32>
        %add3A_1700 = arith.constant 7 : i32
        %add3A_1701 = arith.addi %mul3A_885, %add3A_1700 : i32
        %swap3A_1702 = arith.index_cast %add3A_1701 : i32 to index
        %swap3A_1703 = arith.constant 0 : index
        %swap3A_1704 = tpu.vector_load %arg19[%swap3A_1702, %swap3A_1703] {strides = array<i32>} : memref<128x128xf32, #tpu.memory_space<vmem>>, vector<1x16xf32>,
        %swap3A_1705 = vector.shape_cast %swap3A_1704 : vector<1x16xf32> to vector<16xf32>
        %swap3A_1706 = vector.shape_cast %mul3A_1699 : vector<16xf32> to vector<1x16xf32>
        tpu.vector_store %arg19[%swap3A_1702, %swap3A_1703], %swap3A_1706 {strides = array<i32>} : memref<128x128xf32, #tpu.memory_space<vmem>>, vector<1x16xf32>,
        %add3A_1707 = arith.constant 7 : i32
        %add3A_1708 = arith.addi %mul3A_885, %add3A_1707 : i32
        %get3A_1709 = arith.index_cast %add3A_1708 : i32 to index
        %get3A_1710 = arith.constant 16 : index
        %get3A_1711 = tpu.vector_load %arg19[%get3A_1709, %get3A_1710] {strides = array<i32>} : memref<128x128xf32, #tpu.memory_space<vmem>>, vector<1x16xf32>,
        %get3A_1712 = vector.shape_cast %get3A_1711 : vector<1x16xf32> to vector<16xf32>
        %mul3A_1713 = arith.mulf %get3A_1712, %gather3A_1692 : vector<16xf32>
        %add3A_1714 = arith.constant 7 : i32
        %add3A_1715 = arith.addi %mul3A_885, %add3A_1714 : i32
        %swap3A_1716 = arith.index_cast %add3A_1715 : i32 to index
        %swap3A_1717 = arith.constant 16 : index
        %swap3A_1718 = tpu.vector_load %arg19[%swap3A_1716, %swap3A_1717] {strides = array<i32>} : memref<128x128xf32, #tpu.memory_space<vmem>>, vector<1x16xf32>,
        %swap3A_1719 = vector.shape_cast %swap3A_1718 : vector<1x16xf32> to vector<16xf32>
        %swap3A_1720 = vector.shape_cast %mul3A_1713 : vector<16xf32> to vector<1x16xf32>
        tpu.vector_store %arg19[%swap3A_1716, %swap3A_1717], %swap3A_1720 {strides = array<i32>} : memref<128x128xf32, #tpu.memory_space<vmem>>, vector<1x16xf32>,
        %add3A_1721 = arith.constant 7 : i32
        %add3A_1722 = arith.addi %mul3A_885, %add3A_1721 : i32
        %get3A_1723 = arith.index_cast %add3A_1722 : i32 to index
        %get3A_1724 = arith.constant 32 : index
        %get3A_1725 = tpu.vector_load %arg19[%get3A_1723, %get3A_1724] {strides = array<i32>} : memref<128x128xf32, #tpu.memory_space<vmem>>, vector<1x16xf32>,
        %get3A_1726 = vector.shape_cast %get3A_1725 : vector<1x16xf32> to vector<16xf32>
        %mul3A_1727 = arith.mulf %get3A_1726, %gather3A_1692 : vector<16xf32>
        %add3A_1728 = arith.constant 7 : i32
        %add3A_1729 = arith.addi %mul3A_885, %add3A_1728 : i32
        %swap3A_1730 = arith.index_cast %add3A_1729 : i32 to index
        %swap3A_1731 = arith.constant 32 : index
        %swap3A_1732 = tpu.vector_load %arg19[%swap3A_1730, %swap3A_1731] {strides = array<i32>} : memref<128x128xf32, #tpu.memory_space<vmem>>, vector<1x16xf32>,
        %swap3A_1733 = vector.shape_cast %swap3A_1732 : vector<1x16xf32> to vector<16xf32>
        %swap3A_1734 = vector.shape_cast %mul3A_1727 : vector<16xf32> to vector<1x16xf32>
        tpu.vector_store %arg19[%swap3A_1730, %swap3A_1731], %swap3A_1734 {strides = array<i32>} : memref<128x128xf32, #tpu.memory_space<vmem>>, vector<1x16xf32>,
        %add3A_1735 = arith.constant 7 : i32
        %add3A_1736 = arith.addi %mul3A_885, %add3A_1735 : i32
        %get3A_1737 = arith.index_cast %add3A_1736 : i32 to index
        %get3A_1738 = arith.constant 48 : index
        %get3A_1739 = tpu.vector_load %arg19[%get3A_1737, %get3A_1738] {strides = array<i32>} : memref<128x128xf32, #tpu.memory_space<vmem>>, vector<1x16xf32>,
        %get3A_1740 = vector.shape_cast %get3A_1739 : vector<1x16xf32> to vector<16xf32>
        %mul3A_1741 = arith.mulf %get3A_1740, %gather3A_1692 : vector<16xf32>
        %add3A_1742 = arith.constant 7 : i32
        %add3A_1743 = arith.addi %mul3A_885, %add3A_1742 : i32
        %swap3A_1744 = arith.index_cast %add3A_1743 : i32 to index
        %swap3A_1745 = arith.constant 48 : index
        %swap3A_1746 = tpu.vector_load %arg19[%swap3A_1744, %swap3A_1745] {strides = array<i32>} : memref<128x128xf32, #tpu.memory_space<vmem>>, vector<1x16xf32>,
        %swap3A_1747 = vector.shape_cast %swap3A_1746 : vector<1x16xf32> to vector<16xf32>
        %swap3A_1748 = vector.shape_cast %mul3A_1741 : vector<16xf32> to vector<1x16xf32>
        tpu.vector_store %arg19[%swap3A_1744, %swap3A_1745], %swap3A_1748 {strides = array<i32>} : memref<128x128xf32, #tpu.memory_space<vmem>>, vector<1x16xf32>,
        %add3A_1749 = arith.constant 7 : i32
        %add3A_1750 = arith.addi %mul3A_885, %add3A_1749 : i32
        %get3A_1751 = arith.index_cast %add3A_1750 : i32 to index
        %get3A_1752 = arith.constant 64 : index
        %get3A_1753 = tpu.vector_load %arg19[%get3A_1751, %get3A_1752] {strides = array<i32>} : memref<128x128xf32, #tpu.memory_space<vmem>>, vector<1x16xf32>,
        %get3A_1754 = vector.shape_cast %get3A_1753 : vector<1x16xf32> to vector<16xf32>
        %mul3A_1755 = arith.mulf %get3A_1754, %gather3A_1692 : vector<16xf32>
        %add3A_1756 = arith.constant 7 : i32
        %add3A_1757 = arith.addi %mul3A_885, %add3A_1756 : i32
        %swap3A_1758 = arith.index_cast %add3A_1757 : i32 to index
        %swap3A_1759 = arith.constant 64 : index
        %swap3A_1760 = tpu.vector_load %arg19[%swap3A_1758, %swap3A_1759] {strides = array<i32>} : memref<128x128xf32, #tpu.memory_space<vmem>>, vector<1x16xf32>,
        %swap3A_1761 = vector.shape_cast %swap3A_1760 : vector<1x16xf32> to vector<16xf32>
        %swap3A_1762 = vector.shape_cast %mul3A_1755 : vector<16xf32> to vector<1x16xf32>
        tpu.vector_store %arg19[%swap3A_1758, %swap3A_1759], %swap3A_1762 {strides = array<i32>} : memref<128x128xf32, #tpu.memory_space<vmem>>, vector<1x16xf32>,
        %add3A_1763 = arith.constant 7 : i32
        %add3A_1764 = arith.addi %mul3A_885, %add3A_1763 : i32
        %get3A_1765 = arith.index_cast %add3A_1764 : i32 to index
        %get3A_1766 = arith.constant 80 : index
        %get3A_1767 = tpu.vector_load %arg19[%get3A_1765, %get3A_1766] {strides = array<i32>} : memref<128x128xf32, #tpu.memory_space<vmem>>, vector<1x16xf32>,
        %get3A_1768 = vector.shape_cast %get3A_1767 : vector<1x16xf32> to vector<16xf32>
        %mul3A_1769 = arith.mulf %get3A_1768, %gather3A_1692 : vector<16xf32>
        %add3A_1770 = arith.constant 7 : i32
        %add3A_1771 = arith.addi %mul3A_885, %add3A_1770 : i32
        %swap3A_1772 = arith.index_cast %add3A_1771 : i32 to index
        %swap3A_1773 = arith.constant 80 : index
        %swap3A_1774 = tpu.vector_load %arg19[%swap3A_1772, %swap3A_1773] {strides = array<i32>} : memref<128x128xf32, #tpu.memory_space<vmem>>, vector<1x16xf32>,
        %swap3A_1775 = vector.shape_cast %swap3A_1774 : vector<1x16xf32> to vector<16xf32>
        %swap3A_1776 = vector.shape_cast %mul3A_1769 : vector<16xf32> to vector<1x16xf32>
        tpu.vector_store %arg19[%swap3A_1772, %swap3A_1773], %swap3A_1776 {strides = array<i32>} : memref<128x128xf32, #tpu.memory_space<vmem>>, vector<1x16xf32>,
        %add3A_1777 = arith.constant 7 : i32
        %add3A_1778 = arith.addi %mul3A_885, %add3A_1777 : i32
        %get3A_1779 = arith.index_cast %add3A_1778 : i32 to index
        %get3A_1780 = arith.constant 96 : index
        %get3A_1781 = tpu.vector_load %arg19[%get3A_1779, %get3A_1780] {strides = array<i32>} : memref<128x128xf32, #tpu.memory_space<vmem>>, vector<1x16xf32>,
        %get3A_1782 = vector.shape_cast %get3A_1781 : vector<1x16xf32> to vector<16xf32>
        %mul3A_1783 = arith.mulf %get3A_1782, %gather3A_1692 : vector<16xf32>
        %add3A_1784 = arith.constant 7 : i32
        %add3A_1785 = arith.addi %mul3A_885, %add3A_1784 : i32
        %swap3A_1786 = arith.index_cast %add3A_1785 : i32 to index
        %swap3A_1787 = arith.constant 96 : index
        %swap3A_1788 = tpu.vector_load %arg19[%swap3A_1786, %swap3A_1787] {strides = array<i32>} : memref<128x128xf32, #tpu.memory_space<vmem>>, vector<1x16xf32>,
        %swap3A_1789 = vector.shape_cast %swap3A_1788 : vector<1x16xf32> to vector<16xf32>
        %swap3A_1790 = vector.shape_cast %mul3A_1783 : vector<16xf32> to vector<1x16xf32>
        tpu.vector_store %arg19[%swap3A_1786, %swap3A_1787], %swap3A_1790 {strides = array<i32>} : memref<128x128xf32, #tpu.memory_space<vmem>>, vector<1x16xf32>,
        %add3A_1791 = arith.constant 7 : i32
        %add3A_1792 = arith.addi %mul3A_885, %add3A_1791 : i32
        %get3A_1793 = arith.index_cast %add3A_1792 : i32 to index
        %get3A_1794 = arith.constant 112 : index
        %get3A_1795 = tpu.vector_load %arg19[%get3A_1793, %get3A_1794] {strides = array<i32>} : memref<128x128xf32, #tpu.memory_space<vmem>>, vector<1x16xf32>,
        %get3A_1796 = vector.shape_cast %get3A_1795 : vector<1x16xf32> to vector<16xf32>
        %mul3A_1797 = arith.mulf %get3A_1796, %gather3A_1692 : vector<16xf32>
        %add3A_1798 = arith.constant 7 : i32
        %add3A_1799 = arith.addi %mul3A_885, %add3A_1798 : i32
        %swap3A_1800 = arith.index_cast %add3A_1799 : i32 to index
        %swap3A_1801 = arith.constant 112 : index
        %swap3A_1802 = tpu.vector_load %arg19[%swap3A_1800, %swap3A_1801] {strides = array<i32>} : memref<128x128xf32, #tpu.memory_space<vmem>>, vector<1x16xf32>,
        %swap3A_1803 = vector.shape_cast %swap3A_1802 : vector<1x16xf32> to vector<16xf32>
        %swap3A_1804 = vector.shape_cast %mul3A_1797 : vector<16xf32> to vector<1x16xf32>
        tpu.vector_store %arg19[%swap3A_1800, %swap3A_1801], %swap3A_1804 {strides = array<i32>} : memref<128x128xf32, #tpu.memory_space<vmem>>, vector<1x16xf32>,
        %broadcast_in_dim3A_1805 = vector.shape_cast %broadcast_in_dim3A_46 : vector<16xi32> to vector<16x1xi32>
        %gather3A_1806 = vector.shape_cast %broadcast_in_dim3A_1805 : vector<16x1xi32> to vector<16xi32>
        %gather3A_1807 = tpu.dynamic_gather %get3A_883[%gather3A_1806] in [0] : vector<16xf32>, vector<16xi32> -> vector<16xf32>
        %add3A_1808 = arith.constant 8 : i32
        %add3A_1809 = arith.addi %mul3A_885, %add3A_1808 : i32
        %get3A_1810 = arith.index_cast %add3A_1809 : i32 to index
        %get3A_1811 = arith.constant 0 : index
        %get3A_1812 = tpu.vector_load %arg19[%get3A_1810, %get3A_1811] {strides = array<i32>} : memref<128x128xf32, #tpu.memory_space<vmem>>, vector<1x16xf32>,
        %get3A_1813 = vector.shape_cast %get3A_1812 : vector<1x16xf32> to vector<16xf32>
        %mul3A_1814 = arith.mulf %get3A_1813, %gather3A_1807 : vector<16xf32>
        %add3A_1815 = arith.constant 8 : i32
        %add3A_1816 = arith.addi %mul3A_885, %add3A_1815 : i32
        %swap3A_1817 = arith.index_cast %add3A_1816 : i32 to index
        %swap3A_1818 = arith.constant 0 : index
        %swap3A_1819 = tpu.vector_load %arg19[%swap3A_1817, %swap3A_1818] {strides = array<i32>} : memref<128x128xf32, #tpu.memory_space<vmem>>, vector<1x16xf32>,
        %swap3A_1820 = vector.shape_cast %swap3A_1819 : vector<1x16xf32> to vector<16xf32>
        %swap3A_1821 = vector.shape_cast %mul3A_1814 : vector<16xf32> to vector<1x16xf32>
        tpu.vector_store %arg19[%swap3A_1817, %swap3A_1818], %swap3A_1821 {strides = array<i32>} : memref<128x128xf32, #tpu.memory_space<vmem>>, vector<1x16xf32>,
        %add3A_1822 = arith.constant 8 : i32
        %add3A_1823 = arith.addi %mul3A_885, %add3A_1822 : i32
        %get3A_1824 = arith.index_cast %add3A_1823 : i32 to index
        %get3A_1825 = arith.constant 16 : index
        %get3A_1826 = tpu.vector_load %arg19[%get3A_1824, %get3A_1825] {strides = array<i32>} : memref<128x128xf32, #tpu.memory_space<vmem>>, vector<1x16xf32>,
        %get3A_1827 = vector.shape_cast %get3A_1826 : vector<1x16xf32> to vector<16xf32>
        %mul3A_1828 = arith.mulf %get3A_1827, %gather3A_1807 : vector<16xf32>
        %add3A_1829 = arith.constant 8 : i32
        %add3A_1830 = arith.addi %mul3A_885, %add3A_1829 : i32
        %swap3A_1831 = arith.index_cast %add3A_1830 : i32 to index
        %swap3A_1832 = arith.constant 16 : index
        %swap3A_1833 = tpu.vector_load %arg19[%swap3A_1831, %swap3A_1832] {strides = array<i32>} : memref<128x128xf32, #tpu.memory_space<vmem>>, vector<1x16xf32>,
        %swap3A_1834 = vector.shape_cast %swap3A_1833 : vector<1x16xf32> to vector<16xf32>
        %swap3A_1835 = vector.shape_cast %mul3A_1828 : vector<16xf32> to vector<1x16xf32>
        tpu.vector_store %arg19[%swap3A_1831, %swap3A_1832], %swap3A_1835 {strides = array<i32>} : memref<128x128xf32, #tpu.memory_space<vmem>>, vector<1x16xf32>,
        %add3A_1836 = arith.constant 8 : i32
        %add3A_1837 = arith.addi %mul3A_885, %add3A_1836 : i32
        %get3A_1838 = arith.index_cast %add3A_1837 : i32 to index
        %get3A_1839 = arith.constant 32 : index
        %get3A_1840 = tpu.vector_load %arg19[%get3A_1838, %get3A_1839] {strides = array<i32>} : memref<128x128xf32, #tpu.memory_space<vmem>>, vector<1x16xf32>,
        %get3A_1841 = vector.shape_cast %get3A_1840 : vector<1x16xf32> to vector<16xf32>
        %mul3A_1842 = arith.mulf %get3A_1841, %gather3A_1807 : vector<16xf32>
        %add3A_1843 = arith.constant 8 : i32
        %add3A_1844 = arith.addi %mul3A_885, %add3A_1843 : i32
        %swap3A_1845 = arith.index_cast %add3A_1844 : i32 to index
        %swap3A_1846 = arith.constant 32 : index
        %swap3A_1847 = tpu.vector_load %arg19[%swap3A_1845, %swap3A_1846] {strides = array<i32>} : memref<128x128xf32, #tpu.memory_space<vmem>>, vector<1x16xf32>,
        %swap3A_1848 = vector.shape_cast %swap3A_1847 : vector<1x16xf32> to vector<16xf32>
        %swap3A_1849 = vector.shape_cast %mul3A_1842 : vector<16xf32> to vector<1x16xf32>
        tpu.vector_store %arg19[%swap3A_1845, %swap3A_1846], %swap3A_1849 {strides = array<i32>} : memref<128x128xf32, #tpu.memory_space<vmem>>, vector<1x16xf32>,
        %add3A_1850 = arith.constant 8 : i32
        %add3A_1851 = arith.addi %mul3A_885, %add3A_1850 : i32
        %get3A_1852 = arith.index_cast %add3A_1851 : i32 to index
        %get3A_1853 = arith.constant 48 : index
        %get3A_1854 = tpu.vector_load %arg19[%get3A_1852, %get3A_1853] {strides = array<i32>} : memref<128x128xf32, #tpu.memory_space<vmem>>, vector<1x16xf32>,
        %get3A_1855 = vector.shape_cast %get3A_1854 : vector<1x16xf32> to vector<16xf32>
        %mul3A_1856 = arith.mulf %get3A_1855, %gather3A_1807 : vector<16xf32>
        %add3A_1857 = arith.constant 8 : i32
        %add3A_1858 = arith.addi %mul3A_885, %add3A_1857 : i32
        %swap3A_1859 = arith.index_cast %add3A_1858 : i32 to index
        %swap3A_1860 = arith.constant 48 : index
        %swap3A_1861 = tpu.vector_load %arg19[%swap3A_1859, %swap3A_1860] {strides = array<i32>} : memref<128x128xf32, #tpu.memory_space<vmem>>, vector<1x16xf32>,
        %swap3A_1862 = vector.shape_cast %swap3A_1861 : vector<1x16xf32> to vector<16xf32>
        %swap3A_1863 = vector.shape_cast %mul3A_1856 : vector<16xf32> to vector<1x16xf32>
        tpu.vector_store %arg19[%swap3A_1859, %swap3A_1860], %swap3A_1863 {strides = array<i32>} : memref<128x128xf32, #tpu.memory_space<vmem>>, vector<1x16xf32>,
        %add3A_1864 = arith.constant 8 : i32
        %add3A_1865 = arith.addi %mul3A_885, %add3A_1864 : i32
        %get3A_1866 = arith.index_cast %add3A_1865 : i32 to index
        %get3A_1867 = arith.constant 64 : index
        %get3A_1868 = tpu.vector_load %arg19[%get3A_1866, %get3A_1867] {strides = array<i32>} : memref<128x128xf32, #tpu.memory_space<vmem>>, vector<1x16xf32>,
        %get3A_1869 = vector.shape_cast %get3A_1868 : vector<1x16xf32> to vector<16xf32>
        %mul3A_1870 = arith.mulf %get3A_1869, %gather3A_1807 : vector<16xf32>
        %add3A_1871 = arith.constant 8 : i32
        %add3A_1872 = arith.addi %mul3A_885, %add3A_1871 : i32
        %swap3A_1873 = arith.index_cast %add3A_1872 : i32 to index
        %swap3A_1874 = arith.constant 64 : index
        %swap3A_1875 = tpu.vector_load %arg19[%swap3A_1873, %swap3A_1874] {strides = array<i32>} : memref<128x128xf32, #tpu.memory_space<vmem>>, vector<1x16xf32>,
        %swap3A_1876 = vector.shape_cast %swap3A_1875 : vector<1x16xf32> to vector<16xf32>
        %swap3A_1877 = vector.shape_cast %mul3A_1870 : vector<16xf32> to vector<1x16xf32>
        tpu.vector_store %arg19[%swap3A_1873, %swap3A_1874], %swap3A_1877 {strides = array<i32>} : memref<128x128xf32, #tpu.memory_space<vmem>>, vector<1x16xf32>,
        %add3A_1878 = arith.constant 8 : i32
        %add3A_1879 = arith.addi %mul3A_885, %add3A_1878 : i32
        %get3A_1880 = arith.index_cast %add3A_1879 : i32 to index
        %get3A_1881 = arith.constant 80 : index
        %get3A_1882 = tpu.vector_load %arg19[%get3A_1880, %get3A_1881] {strides = array<i32>} : memref<128x128xf32, #tpu.memory_space<vmem>>, vector<1x16xf32>,
        %get3A_1883 = vector.shape_cast %get3A_1882 : vector<1x16xf32> to vector<16xf32>
        %mul3A_1884 = arith.mulf %get3A_1883, %gather3A_1807 : vector<16xf32>
        %add3A_1885 = arith.constant 8 : i32
        %add3A_1886 = arith.addi %mul3A_885, %add3A_1885 : i32
        %swap3A_1887 = arith.index_cast %add3A_1886 : i32 to index
        %swap3A_1888 = arith.constant 80 : index
        %swap3A_1889 = tpu.vector_load %arg19[%swap3A_1887, %swap3A_1888] {strides = array<i32>} : memref<128x128xf32, #tpu.memory_space<vmem>>, vector<1x16xf32>,
        %swap3A_1890 = vector.shape_cast %swap3A_1889 : vector<1x16xf32> to vector<16xf32>
        %swap3A_1891 = vector.shape_cast %mul3A_1884 : vector<16xf32> to vector<1x16xf32>
        tpu.vector_store %arg19[%swap3A_1887, %swap3A_1888], %swap3A_1891 {strides = array<i32>} : memref<128x128xf32, #tpu.memory_space<vmem>>, vector<1x16xf32>,
        %add3A_1892 = arith.constant 8 : i32
        %add3A_1893 = arith.addi %mul3A_885, %add3A_1892 : i32
        %get3A_1894 = arith.index_cast %add3A_1893 : i32 to index
        %get3A_1895 = arith.constant 96 : index
        %get3A_1896 = tpu.vector_load %arg19[%get3A_1894, %get3A_1895] {strides = array<i32>} : memref<128x128xf32, #tpu.memory_space<vmem>>, vector<1x16xf32>,
        %get3A_1897 = vector.shape_cast %get3A_1896 : vector<1x16xf32> to vector<16xf32>
        %mul3A_1898 = arith.mulf %get3A_1897, %gather3A_1807 : vector<16xf32>
        %add3A_1899 = arith.constant 8 : i32
        %add3A_1900 = arith.addi %mul3A_885, %add3A_1899 : i32
        %swap3A_1901 = arith.index_cast %add3A_1900 : i32 to index
        %swap3A_1902 = arith.constant 96 : index
        %swap3A_1903 = tpu.vector_load %arg19[%swap3A_1901, %swap3A_1902] {strides = array<i32>} : memref<128x128xf32, #tpu.memory_space<vmem>>, vector<1x16xf32>,
        %swap3A_1904 = vector.shape_cast %swap3A_1903 : vector<1x16xf32> to vector<16xf32>
        %swap3A_1905 = vector.shape_cast %mul3A_1898 : vector<16xf32> to vector<1x16xf32>
        tpu.vector_store %arg19[%swap3A_1901, %swap3A_1902], %swap3A_1905 {strides = array<i32>} : memref<128x128xf32, #tpu.memory_space<vmem>>, vector<1x16xf32>,
        %add3A_1906 = arith.constant 8 : i32
        %add3A_1907 = arith.addi %mul3A_885, %add3A_1906 : i32
        %get3A_1908 = arith.index_cast %add3A_1907 : i32 to index
        %get3A_1909 = arith.constant 112 : index
        %get3A_1910 = tpu.vector_load %arg19[%get3A_1908, %get3A_1909] {strides = array<i32>} : memref<128x128xf32, #tpu.memory_space<vmem>>, vector<1x16xf32>,
        %get3A_1911 = vector.shape_cast %get3A_1910 : vector<1x16xf32> to vector<16xf32>
        %mul3A_1912 = arith.mulf %get3A_1911, %gather3A_1807 : vector<16xf32>
        %add3A_1913 = arith.constant 8 : i32
        %add3A_1914 = arith.addi %mul3A_885, %add3A_1913 : i32
        %swap3A_1915 = arith.index_cast %add3A_1914 : i32 to index
        %swap3A_1916 = arith.constant 112 : index
        %swap3A_1917 = tpu.vector_load %arg19[%swap3A_1915, %swap3A_1916] {strides = array<i32>} : memref<128x128xf32, #tpu.memory_space<vmem>>, vector<1x16xf32>,
        %swap3A_1918 = vector.shape_cast %swap3A_1917 : vector<1x16xf32> to vector<16xf32>
        %swap3A_1919 = vector.shape_cast %mul3A_1912 : vector<16xf32> to vector<1x16xf32>
        tpu.vector_store %arg19[%swap3A_1915, %swap3A_1916], %swap3A_1919 {strides = array<i32>} : memref<128x128xf32, #tpu.memory_space<vmem>>, vector<1x16xf32>,
        %broadcast_in_dim3A_1920 = vector.shape_cast %broadcast_in_dim3A_48 : vector<16xi32> to vector<16x1xi32>
        %gather3A_1921 = vector.shape_cast %broadcast_in_dim3A_1920 : vector<16x1xi32> to vector<16xi32>
        %gather3A_1922 = tpu.dynamic_gather %get3A_883[%gather3A_1921] in [0] : vector<16xf32>, vector<16xi32> -> vector<16xf32>
        %add3A_1923 = arith.constant 9 : i32
        %add3A_1924 = arith.addi %mul3A_885, %add3A_1923 : i32
        %get3A_1925 = arith.index_cast %add3A_1924 : i32 to index
        %get3A_1926 = arith.constant 0 : index
        %get3A_1927 = tpu.vector_load %arg19[%get3A_1925, %get3A_1926] {strides = array<i32>} : memref<128x128xf32, #tpu.memory_space<vmem>>, vector<1x16xf32>,
        %get3A_1928 = vector.shape_cast %get3A_1927 : vector<1x16xf32> to vector<16xf32>
        %mul3A_1929 = arith.mulf %get3A_1928, %gather3A_1922 : vector<16xf32>
        %add3A_1930 = arith.constant 9 : i32
        %add3A_1931 = arith.addi %mul3A_885, %add3A_1930 : i32
        %swap3A_1932 = arith.index_cast %add3A_1931 : i32 to index
        %swap3A_1933 = arith.constant 0 : index
        %swap3A_1934 = tpu.vector_load %arg19[%swap3A_1932, %swap3A_1933] {strides = array<i32>} : memref<128x128xf32, #tpu.memory_space<vmem>>, vector<1x16xf32>,
        %swap3A_1935 = vector.shape_cast %swap3A_1934 : vector<1x16xf32> to vector<16xf32>
        %swap3A_1936 = vector.shape_cast %mul3A_1929 : vector<16xf32> to vector<1x16xf32>
        tpu.vector_store %arg19[%swap3A_1932, %swap3A_1933], %swap3A_1936 {strides = array<i32>} : memref<128x128xf32, #tpu.memory_space<vmem>>, vector<1x16xf32>,
        %add3A_1937 = arith.constant 9 : i32
        %add3A_1938 = arith.addi %mul3A_885, %add3A_1937 : i32
        %get3A_1939 = arith.index_cast %add3A_1938 : i32 to index
        %get3A_1940 = arith.constant 16 : index
        %get3A_1941 = tpu.vector_load %arg19[%get3A_1939, %get3A_1940] {strides = array<i32>} : memref<128x128xf32, #tpu.memory_space<vmem>>, vector<1x16xf32>,
        %get3A_1942 = vector.shape_cast %get3A_1941 : vector<1x16xf32> to vector<16xf32>
        %mul3A_1943 = arith.mulf %get3A_1942, %gather3A_1922 : vector<16xf32>
        %add3A_1944 = arith.constant 9 : i32
        %add3A_1945 = arith.addi %mul3A_885, %add3A_1944 : i32
        %swap3A_1946 = arith.index_cast %add3A_1945 : i32 to index
        %swap3A_1947 = arith.constant 16 : index
        %swap3A_1948 = tpu.vector_load %arg19[%swap3A_1946, %swap3A_1947] {strides = array<i32>} : memref<128x128xf32, #tpu.memory_space<vmem>>, vector<1x16xf32>,
        %swap3A_1949 = vector.shape_cast %swap3A_1948 : vector<1x16xf32> to vector<16xf32>
        %swap3A_1950 = vector.shape_cast %mul3A_1943 : vector<16xf32> to vector<1x16xf32>
        tpu.vector_store %arg19[%swap3A_1946, %swap3A_1947], %swap3A_1950 {strides = array<i32>} : memref<128x128xf32, #tpu.memory_space<vmem>>, vector<1x16xf32>,
        %add3A_1951 = arith.constant 9 : i32
        %add3A_1952 = arith.addi %mul3A_885, %add3A_1951 : i32
        %get3A_1953 = arith.index_cast %add3A_1952 : i32 to index
        %get3A_1954 = arith.constant 32 : index
        %get3A_1955 = tpu.vector_load %arg19[%get3A_1953, %get3A_1954] {strides = array<i32>} : memref<128x128xf32, #tpu.memory_space<vmem>>, vector<1x16xf32>,
        %get3A_1956 = vector.shape_cast %get3A_1955 : vector<1x16xf32> to vector<16xf32>
        %mul3A_1957 = arith.mulf %get3A_1956, %gather3A_1922 : vector<16xf32>
        %add3A_1958 = arith.constant 9 : i32
        %add3A_1959 = arith.addi %mul3A_885, %add3A_1958 : i32
        %swap3A_1960 = arith.index_cast %add3A_1959 : i32 to index
        %swap3A_1961 = arith.constant 32 : index
        %swap3A_1962 = tpu.vector_load %arg19[%swap3A_1960, %swap3A_1961] {strides = array<i32>} : memref<128x128xf32, #tpu.memory_space<vmem>>, vector<1x16xf32>,
        %swap3A_1963 = vector.shape_cast %swap3A_1962 : vector<1x16xf32> to vector<16xf32>
        %swap3A_1964 = vector.shape_cast %mul3A_1957 : vector<16xf32> to vector<1x16xf32>
        tpu.vector_store %arg19[%swap3A_1960, %swap3A_1961], %swap3A_1964 {strides = array<i32>} : memref<128x128xf32, #tpu.memory_space<vmem>>, vector<1x16xf32>,
        %add3A_1965 = arith.constant 9 : i32
        %add3A_1966 = arith.addi %mul3A_885, %add3A_1965 : i32
        %get3A_1967 = arith.index_cast %add3A_1966 : i32 to index
        %get3A_1968 = arith.constant 48 : index
        %get3A_1969 = tpu.vector_load %arg19[%get3A_1967, %get3A_1968] {strides = array<i32>} : memref<128x128xf32, #tpu.memory_space<vmem>>, vector<1x16xf32>,
        %get3A_1970 = vector.shape_cast %get3A_1969 : vector<1x16xf32> to vector<16xf32>
        %mul3A_1971 = arith.mulf %get3A_1970, %gather3A_1922 : vector<16xf32>
        %add3A_1972 = arith.constant 9 : i32
        %add3A_1973 = arith.addi %mul3A_885, %add3A_1972 : i32
        %swap3A_1974 = arith.index_cast %add3A_1973 : i32 to index
        %swap3A_1975 = arith.constant 48 : index
        %swap3A_1976 = tpu.vector_load %arg19[%swap3A_1974, %swap3A_1975] {strides = array<i32>} : memref<128x128xf32, #tpu.memory_space<vmem>>, vector<1x16xf32>,
        %swap3A_1977 = vector.shape_cast %swap3A_1976 : vector<1x16xf32> to vector<16xf32>
        %swap3A_1978 = vector.shape_cast %mul3A_1971 : vector<16xf32> to vector<1x16xf32>
        tpu.vector_store %arg19[%swap3A_1974, %swap3A_1975], %swap3A_1978 {strides = array<i32>} : memref<128x128xf32, #tpu.memory_space<vmem>>, vector<1x16xf32>,
        %add3A_1979 = arith.constant 9 : i32
        %add3A_1980 = arith.addi %mul3A_885, %add3A_1979 : i32
        %get3A_1981 = arith.index_cast %add3A_1980 : i32 to index
        %get3A_1982 = arith.constant 64 : index
        %get3A_1983 = tpu.vector_load %arg19[%get3A_1981, %get3A_1982] {strides = array<i32>} : memref<128x128xf32, #tpu.memory_space<vmem>>, vector<1x16xf32>,
        %get3A_1984 = vector.shape_cast %get3A_1983 : vector<1x16xf32> to vector<16xf32>
        %mul3A_1985 = arith.mulf %get3A_1984, %gather3A_1922 : vector<16xf32>
        %add3A_1986 = arith.constant 9 : i32
        %add3A_1987 = arith.addi %mul3A_885, %add3A_1986 : i32
        %swap3A_1988 = arith.index_cast %add3A_1987 : i32 to index
        %swap3A_1989 = arith.constant 64 : index
        %swap3A_1990 = tpu.vector_load %arg19[%swap3A_1988, %swap3A_1989] {strides = array<i32>} : memref<128x128xf32, #tpu.memory_space<vmem>>, vector<1x16xf32>,
        %swap3A_1991 = vector.shape_cast %swap3A_1990 : vector<1x16xf32> to vector<16xf32>
        %swap3A_1992 = vector.shape_cast %mul3A_1985 : vector<16xf32> to vector<1x16xf32>
        tpu.vector_store %arg19[%swap3A_1988, %swap3A_1989], %swap3A_1992 {strides = array<i32>} : memref<128x128xf32, #tpu.memory_space<vmem>>, vector<1x16xf32>,
        %add3A_1993 = arith.constant 9 : i32
        %add3A_1994 = arith.addi %mul3A_885, %add3A_1993 : i32
        %get3A_1995 = arith.index_cast %add3A_1994 : i32 to index
        %get3A_1996 = arith.constant 80 : index
        %get3A_1997 = tpu.vector_load %arg19[%get3A_1995, %get3A_1996] {strides = array<i32>} : memref<128x128xf32, #tpu.memory_space<vmem>>, vector<1x16xf32>,
        %get3A_1998 = vector.shape_cast %get3A_1997 : vector<1x16xf32> to vector<16xf32>
        %mul3A_1999 = arith.mulf %get3A_1998, %gather3A_1922 : vector<16xf32>
        %add3A_2000 = arith.constant 9 : i32
        %add3A_2001 = arith.addi %mul3A_885, %add3A_2000 : i32
        %swap3A_2002 = arith.index_cast %add3A_2001 : i32 to index
        %swap3A_2003 = arith.constant 80 : index
        %swap3A_2004 = tpu.vector_load %arg19[%swap3A_2002, %swap3A_2003] {strides = array<i32>} : memref<128x128xf32, #tpu.memory_space<vmem>>, vector<1x16xf32>,
        %swap3A_2005 = vector.shape_cast %swap3A_2004 : vector<1x16xf32> to vector<16xf32>
        %swap3A_2006 = vector.shape_cast %mul3A_1999 : vector<16xf32> to vector<1x16xf32>
        tpu.vector_store %arg19[%swap3A_2002, %swap3A_2003], %swap3A_2006 {strides = array<i32>} : memref<128x128xf32, #tpu.memory_space<vmem>>, vector<1x16xf32>,
        %add3A_2007 = arith.constant 9 : i32
        %add3A_2008 = arith.addi %mul3A_885, %add3A_2007 : i32
        %get3A_2009 = arith.index_cast %add3A_2008 : i32 to index
        %get3A_2010 = arith.constant 96 : index
        %get3A_2011 = tpu.vector_load %arg19[%get3A_2009, %get3A_2010] {strides = array<i32>} : memref<128x128xf32, #tpu.memory_space<vmem>>, vector<1x16xf32>,
        %get3A_2012 = vector.shape_cast %get3A_2011 : vector<1x16xf32> to vector<16xf32>
        %mul3A_2013 = arith.mulf %get3A_2012, %gather3A_1922 : vector<16xf32>
        %add3A_2014 = arith.constant 9 : i32
        %add3A_2015 = arith.addi %mul3A_885, %add3A_2014 : i32
        %swap3A_2016 = arith.index_cast %add3A_2015 : i32 to index
        %swap3A_2017 = arith.constant 96 : index
        %swap3A_2018 = tpu.vector_load %arg19[%swap3A_2016, %swap3A_2017] {strides = array<i32>} : memref<128x128xf32, #tpu.memory_space<vmem>>, vector<1x16xf32>,
        %swap3A_2019 = vector.shape_cast %swap3A_2018 : vector<1x16xf32> to vector<16xf32>
        %swap3A_2020 = vector.shape_cast %mul3A_2013 : vector<16xf32> to vector<1x16xf32>
        tpu.vector_store %arg19[%swap3A_2016, %swap3A_2017], %swap3A_2020 {strides = array<i32>} : memref<128x128xf32, #tpu.memory_space<vmem>>, vector<1x16xf32>,
        %add3A_2021 = arith.constant 9 : i32
        %add3A_2022 = arith.addi %mul3A_885, %add3A_2021 : i32
        %get3A_2023 = arith.index_cast %add3A_2022 : i32 to index
        %get3A_2024 = arith.constant 112 : index
        %get3A_2025 = tpu.vector_load %arg19[%get3A_2023, %get3A_2024] {strides = array<i32>} : memref<128x128xf32, #tpu.memory_space<vmem>>, vector<1x16xf32>,
        %get3A_2026 = vector.shape_cast %get3A_2025 : vector<1x16xf32> to vector<16xf32>
        %mul3A_2027 = arith.mulf %get3A_2026, %gather3A_1922 : vector<16xf32>
        %add3A_2028 = arith.constant 9 : i32
        %add3A_2029 = arith.addi %mul3A_885, %add3A_2028 : i32
        %swap3A_2030 = arith.index_cast %add3A_2029 : i32 to index
        %swap3A_2031 = arith.constant 112 : index
        %swap3A_2032 = tpu.vector_load %arg19[%swap3A_2030, %swap3A_2031] {strides = array<i32>} : memref<128x128xf32, #tpu.memory_space<vmem>>, vector<1x16xf32>,
        %swap3A_2033 = vector.shape_cast %swap3A_2032 : vector<1x16xf32> to vector<16xf32>
        %swap3A_2034 = vector.shape_cast %mul3A_2027 : vector<16xf32> to vector<1x16xf32>
        tpu.vector_store %arg19[%swap3A_2030, %swap3A_2031], %swap3A_2034 {strides = array<i32>} : memref<128x128xf32, #tpu.memory_space<vmem>>, vector<1x16xf32>,
        %broadcast_in_dim3A_2035 = vector.shape_cast %broadcast_in_dim3A_50 : vector<16xi32> to vector<16x1xi32>
        %gather3A_2036 = vector.shape_cast %broadcast_in_dim3A_2035 : vector<16x1xi32> to vector<16xi32>
        %gather3A_2037 = tpu.dynamic_gather %get3A_883[%gather3A_2036] in [0] : vector<16xf32>, vector<16xi32> -> vector<16xf32>
        %add3A_2038 = arith.constant 10 : i32
        %add3A_2039 = arith.addi %mul3A_885, %add3A_2038 : i32
        %get3A_2040 = arith.index_cast %add3A_2039 : i32 to index
        %get3A_2041 = arith.constant 0 : index
        %get3A_2042 = tpu.vector_load %arg19[%get3A_2040, %get3A_2041] {strides = array<i32>} : memref<128x128xf32, #tpu.memory_space<vmem>>, vector<1x16xf32>,
        %get3A_2043 = vector.shape_cast %get3A_2042 : vector<1x16xf32> to vector<16xf32>
        %mul3A_2044 = arith.mulf %get3A_2043, %gather3A_2037 : vector<16xf32>
        %add3A_2045 = arith.constant 10 : i32
        %add3A_2046 = arith.addi %mul3A_885, %add3A_2045 : i32
        %swap3A_2047 = arith.index_cast %add3A_2046 : i32 to index
        %swap3A_2048 = arith.constant 0 : index
        %swap3A_2049 = tpu.vector_load %arg19[%swap3A_2047, %swap3A_2048] {strides = array<i32>} : memref<128x128xf32, #tpu.memory_space<vmem>>, vector<1x16xf32>,
        %swap3A_2050 = vector.shape_cast %swap3A_2049 : vector<1x16xf32> to vector<16xf32>
        %swap3A_2051 = vector.shape_cast %mul3A_2044 : vector<16xf32> to vector<1x16xf32>
        tpu.vector_store %arg19[%swap3A_2047, %swap3A_2048], %swap3A_2051 {strides = array<i32>} : memref<128x128xf32, #tpu.memory_space<vmem>>, vector<1x16xf32>,
        %add3A_2052 = arith.constant 10 : i32
        %add3A_2053 = arith.addi %mul3A_885, %add3A_2052 : i32
        %get3A_2054 = arith.index_cast %add3A_2053 : i32 to index
        %get3A_2055 = arith.constant 16 : index
        %get3A_2056 = tpu.vector_load %arg19[%get3A_2054, %get3A_2055] {strides = array<i32>} : memref<128x128xf32, #tpu.memory_space<vmem>>, vector<1x16xf32>,
        %get3A_2057 = vector.shape_cast %get3A_2056 : vector<1x16xf32> to vector<16xf32>
        %mul3A_2058 = arith.mulf %get3A_2057, %gather3A_2037 : vector<16xf32>
        %add3A_2059 = arith.constant 10 : i32
        %add3A_2060 = arith.addi %mul3A_885, %add3A_2059 : i32
        %swap3A_2061 = arith.index_cast %add3A_2060 : i32 to index
        %swap3A_2062 = arith.constant 16 : index
        %swap3A_2063 = tpu.vector_load %arg19[%swap3A_2061, %swap3A_2062] {strides = array<i32>} : memref<128x128xf32, #tpu.memory_space<vmem>>, vector<1x16xf32>,
        %swap3A_2064 = vector.shape_cast %swap3A_2063 : vector<1x16xf32> to vector<16xf32>
        %swap3A_2065 = vector.shape_cast %mul3A_2058 : vector<16xf32> to vector<1x16xf32>
        tpu.vector_store %arg19[%swap3A_2061, %swap3A_2062], %swap3A_2065 {strides = array<i32>} : memref<128x128xf32, #tpu.memory_space<vmem>>, vector<1x16xf32>,
        %add3A_2066 = arith.constant 10 : i32
        %add3A_2067 = arith.addi %mul3A_885, %add3A_2066 : i32
        %get3A_2068 = arith.index_cast %add3A_2067 : i32 to index
        %get3A_2069 = arith.constant 32 : index
        %get3A_2070 = tpu.vector_load %arg19[%get3A_2068, %get3A_2069] {strides = array<i32>} : memref<128x128xf32, #tpu.memory_space<vmem>>, vector<1x16xf32>,
        %get3A_2071 = vector.shape_cast %get3A_2070 : vector<1x16xf32> to vector<16xf32>
        %mul3A_2072 = arith.mulf %get3A_2071, %gather3A_2037 : vector<16xf32>
        %add3A_2073 = arith.constant 10 : i32
        %add3A_2074 = arith.addi %mul3A_885, %add3A_2073 : i32
        %swap3A_2075 = arith.index_cast %add3A_2074 : i32 to index
        %swap3A_2076 = arith.constant 32 : index
        %swap3A_2077 = tpu.vector_load %arg19[%swap3A_2075, %swap3A_2076] {strides = array<i32>} : memref<128x128xf32, #tpu.memory_space<vmem>>, vector<1x16xf32>,
        %swap3A_2078 = vector.shape_cast %swap3A_2077 : vector<1x16xf32> to vector<16xf32>
        %swap3A_2079 = vector.shape_cast %mul3A_2072 : vector<16xf32> to vector<1x16xf32>
        tpu.vector_store %arg19[%swap3A_2075, %swap3A_2076], %swap3A_2079 {strides = array<i32>} : memref<128x128xf32, #tpu.memory_space<vmem>>, vector<1x16xf32>,
        %add3A_2080 = arith.constant 10 : i32
        %add3A_2081 = arith.addi %mul3A_885, %add3A_2080 : i32
        %get3A_2082 = arith.index_cast %add3A_2081 : i32 to index
        %get3A_2083 = arith.constant 48 : index
        %get3A_2084 = tpu.vector_load %arg19[%get3A_2082, %get3A_2083] {strides = array<i32>} : memref<128x128xf32, #tpu.memory_space<vmem>>, vector<1x16xf32>,
        %get3A_2085 = vector.shape_cast %get3A_2084 : vector<1x16xf32> to vector<16xf32>
        %mul3A_2086 = arith.mulf %get3A_2085, %gather3A_2037 : vector<16xf32>
        %add3A_2087 = arith.constant 10 : i32
        %add3A_2088 = arith.addi %mul3A_885, %add3A_2087 : i32
        %swap3A_2089 = arith.index_cast %add3A_2088 : i32 to index
        %swap3A_2090 = arith.constant 48 : index
        %swap3A_2091 = tpu.vector_load %arg19[%swap3A_2089, %swap3A_2090] {strides = array<i32>} : memref<128x128xf32, #tpu.memory_space<vmem>>, vector<1x16xf32>,
        %swap3A_2092 = vector.shape_cast %swap3A_2091 : vector<1x16xf32> to vector<16xf32>
        %swap3A_2093 = vector.shape_cast %mul3A_2086 : vector<16xf32> to vector<1x16xf32>
        tpu.vector_store %arg19[%swap3A_2089, %swap3A_2090], %swap3A_2093 {strides = array<i32>} : memref<128x128xf32, #tpu.memory_space<vmem>>, vector<1x16xf32>,
        %add3A_2094 = arith.constant 10 : i32
        %add3A_2095 = arith.addi %mul3A_885, %add3A_2094 : i32
        %get3A_2096 = arith.index_cast %add3A_2095 : i32 to index
        %get3A_2097 = arith.constant 64 : index
        %get3A_2098 = tpu.vector_load %arg19[%get3A_2096, %get3A_2097] {strides = array<i32>} : memref<128x128xf32, #tpu.memory_space<vmem>>, vector<1x16xf32>,
        %get3A_2099 = vector.shape_cast %get3A_2098 : vector<1x16xf32> to vector<16xf32>
        %mul3A_2100 = arith.mulf %get3A_2099, %gather3A_2037 : vector<16xf32>
        %add3A_2101 = arith.constant 10 : i32
        %add3A_2102 = arith.addi %mul3A_885, %add3A_2101 : i32
        %swap3A_2103 = arith.index_cast %add3A_2102 : i32 to index
        %swap3A_2104 = arith.constant 64 : index
        %swap3A_2105 = tpu.vector_load %arg19[%swap3A_2103, %swap3A_2104] {strides = array<i32>} : memref<128x128xf32, #tpu.memory_space<vmem>>, vector<1x16xf32>,
        %swap3A_2106 = vector.shape_cast %swap3A_2105 : vector<1x16xf32> to vector<16xf32>
        %swap3A_2107 = vector.shape_cast %mul3A_2100 : vector<16xf32> to vector<1x16xf32>
        tpu.vector_store %arg19[%swap3A_2103, %swap3A_2104], %swap3A_2107 {strides = array<i32>} : memref<128x128xf32, #tpu.memory_space<vmem>>, vector<1x16xf32>,
        %add3A_2108 = arith.constant 10 : i32
        %add3A_2109 = arith.addi %mul3A_885, %add3A_2108 : i32
        %get3A_2110 = arith.index_cast %add3A_2109 : i32 to index
        %get3A_2111 = arith.constant 80 : index
        %get3A_2112 = tpu.vector_load %arg19[%get3A_2110, %get3A_2111] {strides = array<i32>} : memref<128x128xf32, #tpu.memory_space<vmem>>, vector<1x16xf32>,
        %get3A_2113 = vector.shape_cast %get3A_2112 : vector<1x16xf32> to vector<16xf32>
        %mul3A_2114 = arith.mulf %get3A_2113, %gather3A_2037 : vector<16xf32>
        %add3A_2115 = arith.constant 10 : i32
        %add3A_2116 = arith.addi %mul3A_885, %add3A_2115 : i32
        %swap3A_2117 = arith.index_cast %add3A_2116 : i32 to index
        %swap3A_2118 = arith.constant 80 : index
        %swap3A_2119 = tpu.vector_load %arg19[%swap3A_2117, %swap3A_2118] {strides = array<i32>} : memref<128x128xf32, #tpu.memory_space<vmem>>, vector<1x16xf32>,
        %swap3A_2120 = vector.shape_cast %swap3A_2119 : vector<1x16xf32> to vector<16xf32>
        %swap3A_2121 = vector.shape_cast %mul3A_2114 : vector<16xf32> to vector<1x16xf32>
        tpu.vector_store %arg19[%swap3A_2117, %swap3A_2118], %swap3A_2121 {strides = array<i32>} : memref<128x128xf32, #tpu.memory_space<vmem>>, vector<1x16xf32>,
        %add3A_2122 = arith.constant 10 : i32
        %add3A_2123 = arith.addi %mul3A_885, %add3A_2122 : i32
        %get3A_2124 = arith.index_cast %add3A_2123 : i32 to index
        %get3A_2125 = arith.constant 96 : index
        %get3A_2126 = tpu.vector_load %arg19[%get3A_2124, %get3A_2125] {strides = array<i32>} : memref<128x128xf32, #tpu.memory_space<vmem>>, vector<1x16xf32>,
        %get3A_2127 = vector.shape_cast %get3A_2126 : vector<1x16xf32> to vector<16xf32>
        %mul3A_2128 = arith.mulf %get3A_2127, %gather3A_2037 : vector<16xf32>
        %add3A_2129 = arith.constant 10 : i32
        %add3A_2130 = arith.addi %mul3A_885, %add3A_2129 : i32
        %swap3A_2131 = arith.index_cast %add3A_2130 : i32 to index
        %swap3A_2132 = arith.constant 96 : index
        %swap3A_2133 = tpu.vector_load %arg19[%swap3A_2131, %swap3A_2132] {strides = array<i32>} : memref<128x128xf32, #tpu.memory_space<vmem>>, vector<1x16xf32>,
        %swap3A_2134 = vector.shape_cast %swap3A_2133 : vector<1x16xf32> to vector<16xf32>
        %swap3A_2135 = vector.shape_cast %mul3A_2128 : vector<16xf32> to vector<1x16xf32>
        tpu.vector_store %arg19[%swap3A_2131, %swap3A_2132], %swap3A_2135 {strides = array<i32>} : memref<128x128xf32, #tpu.memory_space<vmem>>, vector<1x16xf32>,
        %add3A_2136 = arith.constant 10 : i32
        %add3A_2137 = arith.addi %mul3A_885, %add3A_2136 : i32
        %get3A_2138 = arith.index_cast %add3A_2137 : i32 to index
        %get3A_2139 = arith.constant 112 : index
        %get3A_2140 = tpu.vector_load %arg19[%get3A_2138, %get3A_2139] {strides = array<i32>} : memref<128x128xf32, #tpu.memory_space<vmem>>, vector<1x16xf32>,
        %get3A_2141 = vector.shape_cast %get3A_2140 : vector<1x16xf32> to vector<16xf32>
        %mul3A_2142 = arith.mulf %get3A_2141, %gather3A_2037 : vector<16xf32>
        %add3A_2143 = arith.constant 10 : i32
        %add3A_2144 = arith.addi %mul3A_885, %add3A_2143 : i32
        %swap3A_2145 = arith.index_cast %add3A_2144 : i32 to index
        %swap3A_2146 = arith.constant 112 : index
        %swap3A_2147 = tpu.vector_load %arg19[%swap3A_2145, %swap3A_2146] {strides = array<i32>} : memref<128x128xf32, #tpu.memory_space<vmem>>, vector<1x16xf32>,
        %swap3A_2148 = vector.shape_cast %swap3A_2147 : vector<1x16xf32> to vector<16xf32>
        %swap3A_2149 = vector.shape_cast %mul3A_2142 : vector<16xf32> to vector<1x16xf32>
        tpu.vector_store %arg19[%swap3A_2145, %swap3A_2146], %swap3A_2149 {strides = array<i32>} : memref<128x128xf32, #tpu.memory_space<vmem>>, vector<1x16xf32>,
        %broadcast_in_dim3A_2150 = vector.shape_cast %broadcast_in_dim3A_52 : vector<16xi32> to vector<16x1xi32>
        %gather3A_2151 = vector.shape_cast %broadcast_in_dim3A_2150 : vector<16x1xi32> to vector<16xi32>
        %gather3A_2152 = tpu.dynamic_gather %get3A_883[%gather3A_2151] in [0] : vector<16xf32>, vector<16xi32> -> vector<16xf32>
        %add3A_2153 = arith.constant 11 : i32
        %add3A_2154 = arith.addi %mul3A_885, %add3A_2153 : i32
        %get3A_2155 = arith.index_cast %add3A_2154 : i32 to index
        %get3A_2156 = arith.constant 0 : index
        %get3A_2157 = tpu.vector_load %arg19[%get3A_2155, %get3A_2156] {strides = array<i32>} : memref<128x128xf32, #tpu.memory_space<vmem>>, vector<1x16xf32>,
        %get3A_2158 = vector.shape_cast %get3A_2157 : vector<1x16xf32> to vector<16xf32>
        %mul3A_2159 = arith.mulf %get3A_2158, %gather3A_2152 : vector<16xf32>
        %add3A_2160 = arith.constant 11 : i32
        %add3A_2161 = arith.addi %mul3A_885, %add3A_2160 : i32
        %swap3A_2162 = arith.index_cast %add3A_2161 : i32 to index
        %swap3A_2163 = arith.constant 0 : index
        %swap3A_2164 = tpu.vector_load %arg19[%swap3A_2162, %swap3A_2163] {strides = array<i32>} : memref<128x128xf32, #tpu.memory_space<vmem>>, vector<1x16xf32>,
        %swap3A_2165 = vector.shape_cast %swap3A_2164 : vector<1x16xf32> to vector<16xf32>
        %swap3A_2166 = vector.shape_cast %mul3A_2159 : vector<16xf32> to vector<1x16xf32>
        tpu.vector_store %arg19[%swap3A_2162, %swap3A_2163], %swap3A_2166 {strides = array<i32>} : memref<128x128xf32, #tpu.memory_space<vmem>>, vector<1x16xf32>,
        %add3A_2167 = arith.constant 11 : i32
        %add3A_2168 = arith.addi %mul3A_885, %add3A_2167 : i32
        %get3A_2169 = arith.index_cast %add3A_2168 : i32 to index
        %get3A_2170 = arith.constant 16 : index
        %get3A_2171 = tpu.vector_load %arg19[%get3A_2169, %get3A_2170] {strides = array<i32>} : memref<128x128xf32, #tpu.memory_space<vmem>>, vector<1x16xf32>,
        %get3A_2172 = vector.shape_cast %get3A_2171 : vector<1x16xf32> to vector<16xf32>
        %mul3A_2173 = arith.mulf %get3A_2172, %gather3A_2152 : vector<16xf32>
        %add3A_2174 = arith.constant 11 : i32
        %add3A_2175 = arith.addi %mul3A_885, %add3A_2174 : i32
        %swap3A_2176 = arith.index_cast %add3A_2175 : i32 to index
        %swap3A_2177 = arith.constant 16 : index
        %swap3A_2178 = tpu.vector_load %arg19[%swap3A_2176, %swap3A_2177] {strides = array<i32>} : memref<128x128xf32, #tpu.memory_space<vmem>>, vector<1x16xf32>,
        %swap3A_2179 = vector.shape_cast %swap3A_2178 : vector<1x16xf32> to vector<16xf32>
        %swap3A_2180 = vector.shape_cast %mul3A_2173 : vector<16xf32> to vector<1x16xf32>
        tpu.vector_store %arg19[%swap3A_2176, %swap3A_2177], %swap3A_2180 {strides = array<i32>} : memref<128x128xf32, #tpu.memory_space<vmem>>, vector<1x16xf32>,
        %add3A_2181 = arith.constant 11 : i32
        %add3A_2182 = arith.addi %mul3A_885, %add3A_2181 : i32
        %get3A_2183 = arith.index_cast %add3A_2182 : i32 to index
        %get3A_2184 = arith.constant 32 : index
        %get3A_2185 = tpu.vector_load %arg19[%get3A_2183, %get3A_2184] {strides = array<i32>} : memref<128x128xf32, #tpu.memory_space<vmem>>, vector<1x16xf32>,
        %get3A_2186 = vector.shape_cast %get3A_2185 : vector<1x16xf32> to vector<16xf32>
        %mul3A_2187 = arith.mulf %get3A_2186, %gather3A_2152 : vector<16xf32>
        %add3A_2188 = arith.constant 11 : i32
        %add3A_2189 = arith.addi %mul3A_885, %add3A_2188 : i32
        %swap3A_2190 = arith.index_cast %add3A_2189 : i32 to index
        %swap3A_2191 = arith.constant 32 : index
        %swap3A_2192 = tpu.vector_load %arg19[%swap3A_2190, %swap3A_2191] {strides = array<i32>} : memref<128x128xf32, #tpu.memory_space<vmem>>, vector<1x16xf32>,
        %swap3A_2193 = vector.shape_cast %swap3A_2192 : vector<1x16xf32> to vector<16xf32>
        %swap3A_2194 = vector.shape_cast %mul3A_2187 : vector<16xf32> to vector<1x16xf32>
        tpu.vector_store %arg19[%swap3A_2190, %swap3A_2191], %swap3A_2194 {strides = array<i32>} : memref<128x128xf32, #tpu.memory_space<vmem>>, vector<1x16xf32>,
        %add3A_2195 = arith.constant 11 : i32
        %add3A_2196 = arith.addi %mul3A_885, %add3A_2195 : i32
        %get3A_2197 = arith.index_cast %add3A_2196 : i32 to index
        %get3A_2198 = arith.constant 48 : index
        %get3A_2199 = tpu.vector_load %arg19[%get3A_2197, %get3A_2198] {strides = array<i32>} : memref<128x128xf32, #tpu.memory_space<vmem>>, vector<1x16xf32>,
        %get3A_2200 = vector.shape_cast %get3A_2199 : vector<1x16xf32> to vector<16xf32>
        %mul3A_2201 = arith.mulf %get3A_2200, %gather3A_2152 : vector<16xf32>
        %add3A_2202 = arith.constant 11 : i32
        %add3A_2203 = arith.addi %mul3A_885, %add3A_2202 : i32
        %swap3A_2204 = arith.index_cast %add3A_2203 : i32 to index
        %swap3A_2205 = arith.constant 48 : index
        %swap3A_2206 = tpu.vector_load %arg19[%swap3A_2204, %swap3A_2205] {strides = array<i32>} : memref<128x128xf32, #tpu.memory_space<vmem>>, vector<1x16xf32>,
        %swap3A_2207 = vector.shape_cast %swap3A_2206 : vector<1x16xf32> to vector<16xf32>
        %swap3A_2208 = vector.shape_cast %mul3A_2201 : vector<16xf32> to vector<1x16xf32>
        tpu.vector_store %arg19[%swap3A_2204, %swap3A_2205], %swap3A_2208 {strides = array<i32>} : memref<128x128xf32, #tpu.memory_space<vmem>>, vector<1x16xf32>,
        %add3A_2209 = arith.constant 11 : i32
        %add3A_2210 = arith.addi %mul3A_885, %add3A_2209 : i32
        %get3A_2211 = arith.index_cast %add3A_2210 : i32 to index
        %get3A_2212 = arith.constant 64 : index
        %get3A_2213 = tpu.vector_load %arg19[%get3A_2211, %get3A_2212] {strides = array<i32>} : memref<128x128xf32, #tpu.memory_space<vmem>>, vector<1x16xf32>,
        %get3A_2214 = vector.shape_cast %get3A_2213 : vector<1x16xf32> to vector<16xf32>
        %mul3A_2215 = arith.mulf %get3A_2214, %gather3A_2152 : vector<16xf32>
        %add3A_2216 = arith.constant 11 : i32
        %add3A_2217 = arith.addi %mul3A_885, %add3A_2216 : i32
        %swap3A_2218 = arith.index_cast %add3A_2217 : i32 to index
        %swap3A_2219 = arith.constant 64 : index
        %swap3A_2220 = tpu.vector_load %arg19[%swap3A_2218, %swap3A_2219] {strides = array<i32>} : memref<128x128xf32, #tpu.memory_space<vmem>>, vector<1x16xf32>,
        %swap3A_2221 = vector.shape_cast %swap3A_2220 : vector<1x16xf32> to vector<16xf32>
        %swap3A_2222 = vector.shape_cast %mul3A_2215 : vector<16xf32> to vector<1x16xf32>
        tpu.vector_store %arg19[%swap3A_2218, %swap3A_2219], %swap3A_2222 {strides = array<i32>} : memref<128x128xf32, #tpu.memory_space<vmem>>, vector<1x16xf32>,
        %add3A_2223 = arith.constant 11 : i32
        %add3A_2224 = arith.addi %mul3A_885, %add3A_2223 : i32
        %get3A_2225 = arith.index_cast %add3A_2224 : i32 to index
        %get3A_2226 = arith.constant 80 : index
        %get3A_2227 = tpu.vector_load %arg19[%get3A_2225, %get3A_2226] {strides = array<i32>} : memref<128x128xf32, #tpu.memory_space<vmem>>, vector<1x16xf32>,
        %get3A_2228 = vector.shape_cast %get3A_2227 : vector<1x16xf32> to vector<16xf32>
        %mul3A_2229 = arith.mulf %get3A_2228, %gather3A_2152 : vector<16xf32>
        %add3A_2230 = arith.constant 11 : i32
        %add3A_2231 = arith.addi %mul3A_885, %add3A_2230 : i32
        %swap3A_2232 = arith.index_cast %add3A_2231 : i32 to index
        %swap3A_2233 = arith.constant 80 : index
        %swap3A_2234 = tpu.vector_load %arg19[%swap3A_2232, %swap3A_2233] {strides = array<i32>} : memref<128x128xf32, #tpu.memory_space<vmem>>, vector<1x16xf32>,
        %swap3A_2235 = vector.shape_cast %swap3A_2234 : vector<1x16xf32> to vector<16xf32>
        %swap3A_2236 = vector.shape_cast %mul3A_2229 : vector<16xf32> to vector<1x16xf32>
        tpu.vector_store %arg19[%swap3A_2232, %swap3A_2233], %swap3A_2236 {strides = array<i32>} : memref<128x128xf32, #tpu.memory_space<vmem>>, vector<1x16xf32>,
        %add3A_2237 = arith.constant 11 : i32
        %add3A_2238 = arith.addi %mul3A_885, %add3A_2237 : i32
        %get3A_2239 = arith.index_cast %add3A_2238 : i32 to index
        %get3A_2240 = arith.constant 96 : index
        %get3A_2241 = tpu.vector_load %arg19[%get3A_2239, %get3A_2240] {strides = array<i32>} : memref<128x128xf32, #tpu.memory_space<vmem>>, vector<1x16xf32>,
        %get3A_2242 = vector.shape_cast %get3A_2241 : vector<1x16xf32> to vector<16xf32>
        %mul3A_2243 = arith.mulf %get3A_2242, %gather3A_2152 : vector<16xf32>
        %add3A_2244 = arith.constant 11 : i32
        %add3A_2245 = arith.addi %mul3A_885, %add3A_2244 : i32
        %swap3A_2246 = arith.index_cast %add3A_2245 : i32 to index
        %swap3A_2247 = arith.constant 96 : index
        %swap3A_2248 = tpu.vector_load %arg19[%swap3A_2246, %swap3A_2247] {strides = array<i32>} : memref<128x128xf32, #tpu.memory_space<vmem>>, vector<1x16xf32>,
        %swap3A_2249 = vector.shape_cast %swap3A_2248 : vector<1x16xf32> to vector<16xf32>
        %swap3A_2250 = vector.shape_cast %mul3A_2243 : vector<16xf32> to vector<1x16xf32>
        tpu.vector_store %arg19[%swap3A_2246, %swap3A_2247], %swap3A_2250 {strides = array<i32>} : memref<128x128xf32, #tpu.memory_space<vmem>>, vector<1x16xf32>,
        %add3A_2251 = arith.constant 11 : i32
        %add3A_2252 = arith.addi %mul3A_885, %add3A_2251 : i32
        %get3A_2253 = arith.index_cast %add3A_2252 : i32 to index
        %get3A_2254 = arith.constant 112 : index
        %get3A_2255 = tpu.vector_load %arg19[%get3A_2253, %get3A_2254] {strides = array<i32>} : memref<128x128xf32, #tpu.memory_space<vmem>>, vector<1x16xf32>,
        %get3A_2256 = vector.shape_cast %get3A_2255 : vector<1x16xf32> to vector<16xf32>
        %mul3A_2257 = arith.mulf %get3A_2256, %gather3A_2152 : vector<16xf32>
        %add3A_2258 = arith.constant 11 : i32
        %add3A_2259 = arith.addi %mul3A_885, %add3A_2258 : i32
        %swap3A_2260 = arith.index_cast %add3A_2259 : i32 to index
        %swap3A_2261 = arith.constant 112 : index
        %swap3A_2262 = tpu.vector_load %arg19[%swap3A_2260, %swap3A_2261] {strides = array<i32>} : memref<128x128xf32, #tpu.memory_space<vmem>>, vector<1x16xf32>,
        %swap3A_2263 = vector.shape_cast %swap3A_2262 : vector<1x16xf32> to vector<16xf32>
        %swap3A_2264 = vector.shape_cast %mul3A_2257 : vector<16xf32> to vector<1x16xf32>
        tpu.vector_store %arg19[%swap3A_2260, %swap3A_2261], %swap3A_2264 {strides = array<i32>} : memref<128x128xf32, #tpu.memory_space<vmem>>, vector<1x16xf32>,
        %broadcast_in_dim3A_2265 = vector.shape_cast %broadcast_in_dim3A_54 : vector<16xi32> to vector<16x1xi32>
        %gather3A_2266 = vector.shape_cast %broadcast_in_dim3A_2265 : vector<16x1xi32> to vector<16xi32>
        %gather3A_2267 = tpu.dynamic_gather %get3A_883[%gather3A_2266] in [0] : vector<16xf32>, vector<16xi32> -> vector<16xf32>
        %add3A_2268 = arith.constant 12 : i32
        %add3A_2269 = arith.addi %mul3A_885, %add3A_2268 : i32
        %get3A_2270 = arith.index_cast %add3A_2269 : i32 to index
        %get3A_2271 = arith.constant 0 : index
        %get3A_2272 = tpu.vector_load %arg19[%get3A_2270, %get3A_2271] {strides = array<i32>} : memref<128x128xf32, #tpu.memory_space<vmem>>, vector<1x16xf32>,
        %get3A_2273 = vector.shape_cast %get3A_2272 : vector<1x16xf32> to vector<16xf32>
        %mul3A_2274 = arith.mulf %get3A_2273, %gather3A_2267 : vector<16xf32>
        %add3A_2275 = arith.constant 12 : i32
        %add3A_2276 = arith.addi %mul3A_885, %add3A_2275 : i32
        %swap3A_2277 = arith.index_cast %add3A_2276 : i32 to index
        %swap3A_2278 = arith.constant 0 : index
        %swap3A_2279 = tpu.vector_load %arg19[%swap3A_2277, %swap3A_2278] {strides = array<i32>} : memref<128x128xf32, #tpu.memory_space<vmem>>, vector<1x16xf32>,
        %swap3A_2280 = vector.shape_cast %swap3A_2279 : vector<1x16xf32> to vector<16xf32>
        %swap3A_2281 = vector.shape_cast %mul3A_2274 : vector<16xf32> to vector<1x16xf32>
        tpu.vector_store %arg19[%swap3A_2277, %swap3A_2278], %swap3A_2281 {strides = array<i32>} : memref<128x128xf32, #tpu.memory_space<vmem>>, vector<1x16xf32>,
        %add3A_2282 = arith.constant 12 : i32
        %add3A_2283 = arith.addi %mul3A_885, %add3A_2282 : i32
        %get3A_2284 = arith.index_cast %add3A_2283 : i32 to index
        %get3A_2285 = arith.constant 16 : index
        %get3A_2286 = tpu.vector_load %arg19[%get3A_2284, %get3A_2285] {strides = array<i32>} : memref<128x128xf32, #tpu.memory_space<vmem>>, vector<1x16xf32>,
        %get3A_2287 = vector.shape_cast %get3A_2286 : vector<1x16xf32> to vector<16xf32>
        %mul3A_2288 = arith.mulf %get3A_2287, %gather3A_2267 : vector<16xf32>
        %add3A_2289 = arith.constant 12 : i32
        %add3A_2290 = arith.addi %mul3A_885, %add3A_2289 : i32
        %swap3A_2291 = arith.index_cast %add3A_2290 : i32 to index
        %swap3A_2292 = arith.constant 16 : index
        %swap3A_2293 = tpu.vector_load %arg19[%swap3A_2291, %swap3A_2292] {strides = array<i32>} : memref<128x128xf32, #tpu.memory_space<vmem>>, vector<1x16xf32>,
        %swap3A_2294 = vector.shape_cast %swap3A_2293 : vector<1x16xf32> to vector<16xf32>
        %swap3A_2295 = vector.shape_cast %mul3A_2288 : vector<16xf32> to vector<1x16xf32>
        tpu.vector_store %arg19[%swap3A_2291, %swap3A_2292], %swap3A_2295 {strides = array<i32>} : memref<128x128xf32, #tpu.memory_space<vmem>>, vector<1x16xf32>,
        %add3A_2296 = arith.constant 12 : i32
        %add3A_2297 = arith.addi %mul3A_885, %add3A_2296 : i32
        %get3A_2298 = arith.index_cast %add3A_2297 : i32 to index
        %get3A_2299 = arith.constant 32 : index
        %get3A_2300 = tpu.vector_load %arg19[%get3A_2298, %get3A_2299] {strides = array<i32>} : memref<128x128xf32, #tpu.memory_space<vmem>>, vector<1x16xf32>,
        %get3A_2301 = vector.shape_cast %get3A_2300 : vector<1x16xf32> to vector<16xf32>
        %mul3A_2302 = arith.mulf %get3A_2301, %gather3A_2267 : vector<16xf32>
        %add3A_2303 = arith.constant 12 : i32
        %add3A_2304 = arith.addi %mul3A_885, %add3A_2303 : i32
        %swap3A_2305 = arith.index_cast %add3A_2304 : i32 to index
        %swap3A_2306 = arith.constant 32 : index
        %swap3A_2307 = tpu.vector_load %arg19[%swap3A_2305, %swap3A_2306] {strides = array<i32>} : memref<128x128xf32, #tpu.memory_space<vmem>>, vector<1x16xf32>,
        %swap3A_2308 = vector.shape_cast %swap3A_2307 : vector<1x16xf32> to vector<16xf32>
        %swap3A_2309 = vector.shape_cast %mul3A_2302 : vector<16xf32> to vector<1x16xf32>
        tpu.vector_store %arg19[%swap3A_2305, %swap3A_2306], %swap3A_2309 {strides = array<i32>} : memref<128x128xf32, #tpu.memory_space<vmem>>, vector<1x16xf32>,
        %add3A_2310 = arith.constant 12 : i32
        %add3A_2311 = arith.addi %mul3A_885, %add3A_2310 : i32
        %get3A_2312 = arith.index_cast %add3A_2311 : i32 to index
        %get3A_2313 = arith.constant 48 : index
        %get3A_2314 = tpu.vector_load %arg19[%get3A_2312, %get3A_2313] {strides = array<i32>} : memref<128x128xf32, #tpu.memory_space<vmem>>, vector<1x16xf32>,
        %get3A_2315 = vector.shape_cast %get3A_2314 : vector<1x16xf32> to vector<16xf32>
        %mul3A_2316 = arith.mulf %get3A_2315, %gather3A_2267 : vector<16xf32>
        %add3A_2317 = arith.constant 12 : i32
        %add3A_2318 = arith.addi %mul3A_885, %add3A_2317 : i32
        %swap3A_2319 = arith.index_cast %add3A_2318 : i32 to index
        %swap3A_2320 = arith.constant 48 : index
        %swap3A_2321 = tpu.vector_load %arg19[%swap3A_2319, %swap3A_2320] {strides = array<i32>} : memref<128x128xf32, #tpu.memory_space<vmem>>, vector<1x16xf32>,
        %swap3A_2322 = vector.shape_cast %swap3A_2321 : vector<1x16xf32> to vector<16xf32>
        %swap3A_2323 = vector.shape_cast %mul3A_2316 : vector<16xf32> to vector<1x16xf32>
        tpu.vector_store %arg19[%swap3A_2319, %swap3A_2320], %swap3A_2323 {strides = array<i32>} : memref<128x128xf32, #tpu.memory_space<vmem>>, vector<1x16xf32>,
        %add3A_2324 = arith.constant 12 : i32
        %add3A_2325 = arith.addi %mul3A_885, %add3A_2324 : i32
        %get3A_2326 = arith.index_cast %add3A_2325 : i32 to index
        %get3A_2327 = arith.constant 64 : index
        %get3A_2328 = tpu.vector_load %arg19[%get3A_2326, %get3A_2327] {strides = array<i32>} : memref<128x128xf32, #tpu.memory_space<vmem>>, vector<1x16xf32>,
        %get3A_2329 = vector.shape_cast %get3A_2328 : vector<1x16xf32> to vector<16xf32>
        %mul3A_2330 = arith.mulf %get3A_2329, %gather3A_2267 : vector<16xf32>
        %add3A_2331 = arith.constant 12 : i32
        %add3A_2332 = arith.addi %mul3A_885, %add3A_2331 : i32
        %swap3A_2333 = arith.index_cast %add3A_2332 : i32 to index
        %swap3A_2334 = arith.constant 64 : index
        %swap3A_2335 = tpu.vector_load %arg19[%swap3A_2333, %swap3A_2334] {strides = array<i32>} : memref<128x128xf32, #tpu.memory_space<vmem>>, vector<1x16xf32>,
        %swap3A_2336 = vector.shape_cast %swap3A_2335 : vector<1x16xf32> to vector<16xf32>
        %swap3A_2337 = vector.shape_cast %mul3A_2330 : vector<16xf32> to vector<1x16xf32>
        tpu.vector_store %arg19[%swap3A_2333, %swap3A_2334], %swap3A_2337 {strides = array<i32>} : memref<128x128xf32, #tpu.memory_space<vmem>>, vector<1x16xf32>,
        %add3A_2338 = arith.constant 12 : i32
        %add3A_2339 = arith.addi %mul3A_885, %add3A_2338 : i32
        %get3A_2340 = arith.index_cast %add3A_2339 : i32 to index
        %get3A_2341 = arith.constant 80 : index
        %get3A_2342 = tpu.vector_load %arg19[%get3A_2340, %get3A_2341] {strides = array<i32>} : memref<128x128xf32, #tpu.memory_space<vmem>>, vector<1x16xf32>,
        %get3A_2343 = vector.shape_cast %get3A_2342 : vector<1x16xf32> to vector<16xf32>
        %mul3A_2344 = arith.mulf %get3A_2343, %gather3A_2267 : vector<16xf32>
        %add3A_2345 = arith.constant 12 : i32
        %add3A_2346 = arith.addi %mul3A_885, %add3A_2345 : i32
        %swap3A_2347 = arith.index_cast %add3A_2346 : i32 to index
        %swap3A_2348 = arith.constant 80 : index
        %swap3A_2349 = tpu.vector_load %arg19[%swap3A_2347, %swap3A_2348] {strides = array<i32>} : memref<128x128xf32, #tpu.memory_space<vmem>>, vector<1x16xf32>,
        %swap3A_2350 = vector.shape_cast %swap3A_2349 : vector<1x16xf32> to vector<16xf32>
        %swap3A_2351 = vector.shape_cast %mul3A_2344 : vector<16xf32> to vector<1x16xf32>
        tpu.vector_store %arg19[%swap3A_2347, %swap3A_2348], %swap3A_2351 {strides = array<i32>} : memref<128x128xf32, #tpu.memory_space<vmem>>, vector<1x16xf32>,
        %add3A_2352 = arith.constant 12 : i32
        %add3A_2353 = arith.addi %mul3A_885, %add3A_2352 : i32
        %get3A_2354 = arith.index_cast %add3A_2353 : i32 to index
        %get3A_2355 = arith.constant 96 : index
        %get3A_2356 = tpu.vector_load %arg19[%get3A_2354, %get3A_2355] {strides = array<i32>} : memref<128x128xf32, #tpu.memory_space<vmem>>, vector<1x16xf32>,
        %get3A_2357 = vector.shape_cast %get3A_2356 : vector<1x16xf32> to vector<16xf32>
        %mul3A_2358 = arith.mulf %get3A_2357, %gather3A_2267 : vector<16xf32>
        %add3A_2359 = arith.constant 12 : i32
        %add3A_2360 = arith.addi %mul3A_885, %add3A_2359 : i32
        %swap3A_2361 = arith.index_cast %add3A_2360 : i32 to index
        %swap3A_2362 = arith.constant 96 : index
        %swap3A_2363 = tpu.vector_load %arg19[%swap3A_2361, %swap3A_2362] {strides = array<i32>} : memref<128x128xf32, #tpu.memory_space<vmem>>, vector<1x16xf32>,
        %swap3A_2364 = vector.shape_cast %swap3A_2363 : vector<1x16xf32> to vector<16xf32>
        %swap3A_2365 = vector.shape_cast %mul3A_2358 : vector<16xf32> to vector<1x16xf32>
        tpu.vector_store %arg19[%swap3A_2361, %swap3A_2362], %swap3A_2365 {strides = array<i32>} : memref<128x128xf32, #tpu.memory_space<vmem>>, vector<1x16xf32>,
        %add3A_2366 = arith.constant 12 : i32
        %add3A_2367 = arith.addi %mul3A_885, %add3A_2366 : i32
        %get3A_2368 = arith.index_cast %add3A_2367 : i32 to index
        %get3A_2369 = arith.constant 112 : index
        %get3A_2370 = tpu.vector_load %arg19[%get3A_2368, %get3A_2369] {strides = array<i32>} : memref<128x128xf32, #tpu.memory_space<vmem>>, vector<1x16xf32>,
        %get3A_2371 = vector.shape_cast %get3A_2370 : vector<1x16xf32> to vector<16xf32>
        %mul3A_2372 = arith.mulf %get3A_2371, %gather3A_2267 : vector<16xf32>
        %add3A_2373 = arith.constant 12 : i32
        %add3A_2374 = arith.addi %mul3A_885, %add3A_2373 : i32
        %swap3A_2375 = arith.index_cast %add3A_2374 : i32 to index
        %swap3A_2376 = arith.constant 112 : index
        %swap3A_2377 = tpu.vector_load %arg19[%swap3A_2375, %swap3A_2376] {strides = array<i32>} : memref<128x128xf32, #tpu.memory_space<vmem>>, vector<1x16xf32>,
        %swap3A_2378 = vector.shape_cast %swap3A_2377 : vector<1x16xf32> to vector<16xf32>
        %swap3A_2379 = vector.shape_cast %mul3A_2372 : vector<16xf32> to vector<1x16xf32>
        tpu.vector_store %arg19[%swap3A_2375, %swap3A_2376], %swap3A_2379 {strides = array<i32>} : memref<128x128xf32, #tpu.memory_space<vmem>>, vector<1x16xf32>,
        %broadcast_in_dim3A_2380 = vector.shape_cast %broadcast_in_dim3A_56 : vector<16xi32> to vector<16x1xi32>
        %gather3A_2381 = vector.shape_cast %broadcast_in_dim3A_2380 : vector<16x1xi32> to vector<16xi32>
        %gather3A_2382 = tpu.dynamic_gather %get3A_883[%gather3A_2381] in [0] : vector<16xf32>, vector<16xi32> -> vector<16xf32>
        %add3A_2383 = arith.constant 13 : i32
        %add3A_2384 = arith.addi %mul3A_885, %add3A_2383 : i32
        %get3A_2385 = arith.index_cast %add3A_2384 : i32 to index
        %get3A_2386 = arith.constant 0 : index
        %get3A_2387 = tpu.vector_load %arg19[%get3A_2385, %get3A_2386] {strides = array<i32>} : memref<128x128xf32, #tpu.memory_space<vmem>>, vector<1x16xf32>,
        %get3A_2388 = vector.shape_cast %get3A_2387 : vector<1x16xf32> to vector<16xf32>
        %mul3A_2389 = arith.mulf %get3A_2388, %gather3A_2382 : vector<16xf32>
        %add3A_2390 = arith.constant 13 : i32
        %add3A_2391 = arith.addi %mul3A_885, %add3A_2390 : i32
        %swap3A_2392 = arith.index_cast %add3A_2391 : i32 to index
        %swap3A_2393 = arith.constant 0 : index
        %swap3A_2394 = tpu.vector_load %arg19[%swap3A_2392, %swap3A_2393] {strides = array<i32>} : memref<128x128xf32, #tpu.memory_space<vmem>>, vector<1x16xf32>,
        %swap3A_2395 = vector.shape_cast %swap3A_2394 : vector<1x16xf32> to vector<16xf32>
        %swap3A_2396 = vector.shape_cast %mul3A_2389 : vector<16xf32> to vector<1x16xf32>
        tpu.vector_store %arg19[%swap3A_2392, %swap3A_2393], %swap3A_2396 {strides = array<i32>} : memref<128x128xf32, #tpu.memory_space<vmem>>, vector<1x16xf32>,
        %add3A_2397 = arith.constant 13 : i32
        %add3A_2398 = arith.addi %mul3A_885, %add3A_2397 : i32
        %get3A_2399 = arith.index_cast %add3A_2398 : i32 to index
        %get3A_2400 = arith.constant 16 : index
        %get3A_2401 = tpu.vector_load %arg19[%get3A_2399, %get3A_2400] {strides = array<i32>} : memref<128x128xf32, #tpu.memory_space<vmem>>, vector<1x16xf32>,
        %get3A_2402 = vector.shape_cast %get3A_2401 : vector<1x16xf32> to vector<16xf32>
        %mul3A_2403 = arith.mulf %get3A_2402, %gather3A_2382 : vector<16xf32>
        %add3A_2404 = arith.constant 13 : i32
        %add3A_2405 = arith.addi %mul3A_885, %add3A_2404 : i32
        %swap3A_2406 = arith.index_cast %add3A_2405 : i32 to index
        %swap3A_2407 = arith.constant 16 : index
        %swap3A_2408 = tpu.vector_load %arg19[%swap3A_2406, %swap3A_2407] {strides = array<i32>} : memref<128x128xf32, #tpu.memory_space<vmem>>, vector<1x16xf32>,
        %swap3A_2409 = vector.shape_cast %swap3A_2408 : vector<1x16xf32> to vector<16xf32>
        %swap3A_2410 = vector.shape_cast %mul3A_2403 : vector<16xf32> to vector<1x16xf32>
        tpu.vector_store %arg19[%swap3A_2406, %swap3A_2407], %swap3A_2410 {strides = array<i32>} : memref<128x128xf32, #tpu.memory_space<vmem>>, vector<1x16xf32>,
        %add3A_2411 = arith.constant 13 : i32
        %add3A_2412 = arith.addi %mul3A_885, %add3A_2411 : i32
        %get3A_2413 = arith.index_cast %add3A_2412 : i32 to index
        %get3A_2414 = arith.constant 32 : index
        %get3A_2415 = tpu.vector_load %arg19[%get3A_2413, %get3A_2414] {strides = array<i32>} : memref<128x128xf32, #tpu.memory_space<vmem>>, vector<1x16xf32>,
        %get3A_2416 = vector.shape_cast %get3A_2415 : vector<1x16xf32> to vector<16xf32>
        %mul3A_2417 = arith.mulf %get3A_2416, %gather3A_2382 : vector<16xf32>
        %add3A_2418 = arith.constant 13 : i32
        %add3A_2419 = arith.addi %mul3A_885, %add3A_2418 : i32
        %swap3A_2420 = arith.index_cast %add3A_2419 : i32 to index
        %swap3A_2421 = arith.constant 32 : index
        %swap3A_2422 = tpu.vector_load %arg19[%swap3A_2420, %swap3A_2421] {strides = array<i32>} : memref<128x128xf32, #tpu.memory_space<vmem>>, vector<1x16xf32>,
        %swap3A_2423 = vector.shape_cast %swap3A_2422 : vector<1x16xf32> to vector<16xf32>
        %swap3A_2424 = vector.shape_cast %mul3A_2417 : vector<16xf32> to vector<1x16xf32>
        tpu.vector_store %arg19[%swap3A_2420, %swap3A_2421], %swap3A_2424 {strides = array<i32>} : memref<128x128xf32, #tpu.memory_space<vmem>>, vector<1x16xf32>,
        %add3A_2425 = arith.constant 13 : i32
        %add3A_2426 = arith.addi %mul3A_885, %add3A_2425 : i32
        %get3A_2427 = arith.index_cast %add3A_2426 : i32 to index
        %get3A_2428 = arith.constant 48 : index
        %get3A_2429 = tpu.vector_load %arg19[%get3A_2427, %get3A_2428] {strides = array<i32>} : memref<128x128xf32, #tpu.memory_space<vmem>>, vector<1x16xf32>,
        %get3A_2430 = vector.shape_cast %get3A_2429 : vector<1x16xf32> to vector<16xf32>
        %mul3A_2431 = arith.mulf %get3A_2430, %gather3A_2382 : vector<16xf32>
        %add3A_2432 = arith.constant 13 : i32
        %add3A_2433 = arith.addi %mul3A_885, %add3A_2432 : i32
        %swap3A_2434 = arith.index_cast %add3A_2433 : i32 to index
        %swap3A_2435 = arith.constant 48 : index
        %swap3A_2436 = tpu.vector_load %arg19[%swap3A_2434, %swap3A_2435] {strides = array<i32>} : memref<128x128xf32, #tpu.memory_space<vmem>>, vector<1x16xf32>,
        %swap3A_2437 = vector.shape_cast %swap3A_2436 : vector<1x16xf32> to vector<16xf32>
        %swap3A_2438 = vector.shape_cast %mul3A_2431 : vector<16xf32> to vector<1x16xf32>
        tpu.vector_store %arg19[%swap3A_2434, %swap3A_2435], %swap3A_2438 {strides = array<i32>} : memref<128x128xf32, #tpu.memory_space<vmem>>, vector<1x16xf32>,
        %add3A_2439 = arith.constant 13 : i32
        %add3A_2440 = arith.addi %mul3A_885, %add3A_2439 : i32
        %get3A_2441 = arith.index_cast %add3A_2440 : i32 to index
        %get3A_2442 = arith.constant 64 : index
        %get3A_2443 = tpu.vector_load %arg19[%get3A_2441, %get3A_2442] {strides = array<i32>} : memref<128x128xf32, #tpu.memory_space<vmem>>, vector<1x16xf32>,
        %get3A_2444 = vector.shape_cast %get3A_2443 : vector<1x16xf32> to vector<16xf32>
        %mul3A_2445 = arith.mulf %get3A_2444, %gather3A_2382 : vector<16xf32>
        %add3A_2446 = arith.constant 13 : i32
        %add3A_2447 = arith.addi %mul3A_885, %add3A_2446 : i32
        %swap3A_2448 = arith.index_cast %add3A_2447 : i32 to index
        %swap3A_2449 = arith.constant 64 : index
        %swap3A_2450 = tpu.vector_load %arg19[%swap3A_2448, %swap3A_2449] {strides = array<i32>} : memref<128x128xf32, #tpu.memory_space<vmem>>, vector<1x16xf32>,
        %swap3A_2451 = vector.shape_cast %swap3A_2450 : vector<1x16xf32> to vector<16xf32>
        %swap3A_2452 = vector.shape_cast %mul3A_2445 : vector<16xf32> to vector<1x16xf32>
        tpu.vector_store %arg19[%swap3A_2448, %swap3A_2449], %swap3A_2452 {strides = array<i32>} : memref<128x128xf32, #tpu.memory_space<vmem>>, vector<1x16xf32>,
        %add3A_2453 = arith.constant 13 : i32
        %add3A_2454 = arith.addi %mul3A_885, %add3A_2453 : i32
        %get3A_2455 = arith.index_cast %add3A_2454 : i32 to index
        %get3A_2456 = arith.constant 80 : index
        %get3A_2457 = tpu.vector_load %arg19[%get3A_2455, %get3A_2456] {strides = array<i32>} : memref<128x128xf32, #tpu.memory_space<vmem>>, vector<1x16xf32>,
        %get3A_2458 = vector.shape_cast %get3A_2457 : vector<1x16xf32> to vector<16xf32>
        %mul3A_2459 = arith.mulf %get3A_2458, %gather3A_2382 : vector<16xf32>
        %add3A_2460 = arith.constant 13 : i32
        %add3A_2461 = arith.addi %mul3A_885, %add3A_2460 : i32
        %swap3A_2462 = arith.index_cast %add3A_2461 : i32 to index
        %swap3A_2463 = arith.constant 80 : index
        %swap3A_2464 = tpu.vector_load %arg19[%swap3A_2462, %swap3A_2463] {strides = array<i32>} : memref<128x128xf32, #tpu.memory_space<vmem>>, vector<1x16xf32>,
        %swap3A_2465 = vector.shape_cast %swap3A_2464 : vector<1x16xf32> to vector<16xf32>
        %swap3A_2466 = vector.shape_cast %mul3A_2459 : vector<16xf32> to vector<1x16xf32>
        tpu.vector_store %arg19[%swap3A_2462, %swap3A_2463], %swap3A_2466 {strides = array<i32>} : memref<128x128xf32, #tpu.memory_space<vmem>>, vector<1x16xf32>,
        %add3A_2467 = arith.constant 13 : i32
        %add3A_2468 = arith.addi %mul3A_885, %add3A_2467 : i32
        %get3A_2469 = arith.index_cast %add3A_2468 : i32 to index
        %get3A_2470 = arith.constant 96 : index
        %get3A_2471 = tpu.vector_load %arg19[%get3A_2469, %get3A_2470] {strides = array<i32>} : memref<128x128xf32, #tpu.memory_space<vmem>>, vector<1x16xf32>,
        %get3A_2472 = vector.shape_cast %get3A_2471 : vector<1x16xf32> to vector<16xf32>
        %mul3A_2473 = arith.mulf %get3A_2472, %gather3A_2382 : vector<16xf32>
        %add3A_2474 = arith.constant 13 : i32
        %add3A_2475 = arith.addi %mul3A_885, %add3A_2474 : i32
        %swap3A_2476 = arith.index_cast %add3A_2475 : i32 to index
        %swap3A_2477 = arith.constant 96 : index
        %swap3A_2478 = tpu.vector_load %arg19[%swap3A_2476, %swap3A_2477] {strides = array<i32>} : memref<128x128xf32, #tpu.memory_space<vmem>>, vector<1x16xf32>,
        %swap3A_2479 = vector.shape_cast %swap3A_2478 : vector<1x16xf32> to vector<16xf32>
        %swap3A_2480 = vector.shape_cast %mul3A_2473 : vector<16xf32> to vector<1x16xf32>
        tpu.vector_store %arg19[%swap3A_2476, %swap3A_2477], %swap3A_2480 {strides = array<i32>} : memref<128x128xf32, #tpu.memory_space<vmem>>, vector<1x16xf32>,
        %add3A_2481 = arith.constant 13 : i32
        %add3A_2482 = arith.addi %mul3A_885, %add3A_2481 : i32
        %get3A_2483 = arith.index_cast %add3A_2482 : i32 to index
        %get3A_2484 = arith.constant 112 : index
        %get3A_2485 = tpu.vector_load %arg19[%get3A_2483, %get3A_2484] {strides = array<i32>} : memref<128x128xf32, #tpu.memory_space<vmem>>, vector<1x16xf32>,
        %get3A_2486 = vector.shape_cast %get3A_2485 : vector<1x16xf32> to vector<16xf32>
        %mul3A_2487 = arith.mulf %get3A_2486, %gather3A_2382 : vector<16xf32>
        %add3A_2488 = arith.constant 13 : i32
        %add3A_2489 = arith.addi %mul3A_885, %add3A_2488 : i32
        %swap3A_2490 = arith.index_cast %add3A_2489 : i32 to index
        %swap3A_2491 = arith.constant 112 : index
        %swap3A_2492 = tpu.vector_load %arg19[%swap3A_2490, %swap3A_2491] {strides = array<i32>} : memref<128x128xf32, #tpu.memory_space<vmem>>, vector<1x16xf32>,
        %swap3A_2493 = vector.shape_cast %swap3A_2492 : vector<1x16xf32> to vector<16xf32>
        %swap3A_2494 = vector.shape_cast %mul3A_2487 : vector<16xf32> to vector<1x16xf32>
        tpu.vector_store %arg19[%swap3A_2490, %swap3A_2491], %swap3A_2494 {strides = array<i32>} : memref<128x128xf32, #tpu.memory_space<vmem>>, vector<1x16xf32>,
        %broadcast_in_dim3A_2495 = vector.shape_cast %broadcast_in_dim3A_58 : vector<16xi32> to vector<16x1xi32>
        %gather3A_2496 = vector.shape_cast %broadcast_in_dim3A_2495 : vector<16x1xi32> to vector<16xi32>
        %gather3A_2497 = tpu.dynamic_gather %get3A_883[%gather3A_2496] in [0] : vector<16xf32>, vector<16xi32> -> vector<16xf32>
        %add3A_2498 = arith.constant 14 : i32
        %add3A_2499 = arith.addi %mul3A_885, %add3A_2498 : i32
        %get3A_2500 = arith.index_cast %add3A_2499 : i32 to index
        %get3A_2501 = arith.constant 0 : index
        %get3A_2502 = tpu.vector_load %arg19[%get3A_2500, %get3A_2501] {strides = array<i32>} : memref<128x128xf32, #tpu.memory_space<vmem>>, vector<1x16xf32>,
        %get3A_2503 = vector.shape_cast %get3A_2502 : vector<1x16xf32> to vector<16xf32>
        %mul3A_2504 = arith.mulf %get3A_2503, %gather3A_2497 : vector<16xf32>
        %add3A_2505 = arith.constant 14 : i32
        %add3A_2506 = arith.addi %mul3A_885, %add3A_2505 : i32
        %swap3A_2507 = arith.index_cast %add3A_2506 : i32 to index
        %swap3A_2508 = arith.constant 0 : index
        %swap3A_2509 = tpu.vector_load %arg19[%swap3A_2507, %swap3A_2508] {strides = array<i32>} : memref<128x128xf32, #tpu.memory_space<vmem>>, vector<1x16xf32>,
        %swap3A_2510 = vector.shape_cast %swap3A_2509 : vector<1x16xf32> to vector<16xf32>
        %swap3A_2511 = vector.shape_cast %mul3A_2504 : vector<16xf32> to vector<1x16xf32>
        tpu.vector_store %arg19[%swap3A_2507, %swap3A_2508], %swap3A_2511 {strides = array<i32>} : memref<128x128xf32, #tpu.memory_space<vmem>>, vector<1x16xf32>,
        %add3A_2512 = arith.constant 14 : i32
        %add3A_2513 = arith.addi %mul3A_885, %add3A_2512 : i32
        %get3A_2514 = arith.index_cast %add3A_2513 : i32 to index
        %get3A_2515 = arith.constant 16 : index
        %get3A_2516 = tpu.vector_load %arg19[%get3A_2514, %get3A_2515] {strides = array<i32>} : memref<128x128xf32, #tpu.memory_space<vmem>>, vector<1x16xf32>,
        %get3A_2517 = vector.shape_cast %get3A_2516 : vector<1x16xf32> to vector<16xf32>
        %mul3A_2518 = arith.mulf %get3A_2517, %gather3A_2497 : vector<16xf32>
        %add3A_2519 = arith.constant 14 : i32
        %add3A_2520 = arith.addi %mul3A_885, %add3A_2519 : i32
        %swap3A_2521 = arith.index_cast %add3A_2520 : i32 to index
        %swap3A_2522 = arith.constant 16 : index
        %swap3A_2523 = tpu.vector_load %arg19[%swap3A_2521, %swap3A_2522] {strides = array<i32>} : memref<128x128xf32, #tpu.memory_space<vmem>>, vector<1x16xf32>,
        %swap3A_2524 = vector.shape_cast %swap3A_2523 : vector<1x16xf32> to vector<16xf32>
        %swap3A_2525 = vector.shape_cast %mul3A_2518 : vector<16xf32> to vector<1x16xf32>
        tpu.vector_store %arg19[%swap3A_2521, %swap3A_2522], %swap3A_2525 {strides = array<i32>} : memref<128x128xf32, #tpu.memory_space<vmem>>, vector<1x16xf32>,
        %add3A_2526 = arith.constant 14 : i32
        %add3A_2527 = arith.addi %mul3A_885, %add3A_2526 : i32
        %get3A_2528 = arith.index_cast %add3A_2527 : i32 to index
        %get3A_2529 = arith.constant 32 : index
        %get3A_2530 = tpu.vector_load %arg19[%get3A_2528, %get3A_2529] {strides = array<i32>} : memref<128x128xf32, #tpu.memory_space<vmem>>, vector<1x16xf32>,
        %get3A_2531 = vector.shape_cast %get3A_2530 : vector<1x16xf32> to vector<16xf32>
        %mul3A_2532 = arith.mulf %get3A_2531, %gather3A_2497 : vector<16xf32>
        %add3A_2533 = arith.constant 14 : i32
        %add3A_2534 = arith.addi %mul3A_885, %add3A_2533 : i32
        %swap3A_2535 = arith.index_cast %add3A_2534 : i32 to index
        %swap3A_2536 = arith.constant 32 : index
        %swap3A_2537 = tpu.vector_load %arg19[%swap3A_2535, %swap3A_2536] {strides = array<i32>} : memref<128x128xf32, #tpu.memory_space<vmem>>, vector<1x16xf32>,
        %swap3A_2538 = vector.shape_cast %swap3A_2537 : vector<1x16xf32> to vector<16xf32>
        %swap3A_2539 = vector.shape_cast %mul3A_2532 : vector<16xf32> to vector<1x16xf32>
        tpu.vector_store %arg19[%swap3A_2535, %swap3A_2536], %swap3A_2539 {strides = array<i32>} : memref<128x128xf32, #tpu.memory_space<vmem>>, vector<1x16xf32>,
        %add3A_2540 = arith.constant 14 : i32
        %add3A_2541 = arith.addi %mul3A_885, %add3A_2540 : i32
        %get3A_2542 = arith.index_cast %add3A_2541 : i32 to index
        %get3A_2543 = arith.constant 48 : index
        %get3A_2544 = tpu.vector_load %arg19[%get3A_2542, %get3A_2543] {strides = array<i32>} : memref<128x128xf32, #tpu.memory_space<vmem>>, vector<1x16xf32>,
        %get3A_2545 = vector.shape_cast %get3A_2544 : vector<1x16xf32> to vector<16xf32>
        %mul3A_2546 = arith.mulf %get3A_2545, %gather3A_2497 : vector<16xf32>
        %add3A_2547 = arith.constant 14 : i32
        %add3A_2548 = arith.addi %mul3A_885, %add3A_2547 : i32
        %swap3A_2549 = arith.index_cast %add3A_2548 : i32 to index
        %swap3A_2550 = arith.constant 48 : index
        %swap3A_2551 = tpu.vector_load %arg19[%swap3A_2549, %swap3A_2550] {strides = array<i32>} : memref<128x128xf32, #tpu.memory_space<vmem>>, vector<1x16xf32>,
        %swap3A_2552 = vector.shape_cast %swap3A_2551 : vector<1x16xf32> to vector<16xf32>
        %swap3A_2553 = vector.shape_cast %mul3A_2546 : vector<16xf32> to vector<1x16xf32>
        tpu.vector_store %arg19[%swap3A_2549, %swap3A_2550], %swap3A_2553 {strides = array<i32>} : memref<128x128xf32, #tpu.memory_space<vmem>>, vector<1x16xf32>,
        %add3A_2554 = arith.constant 14 : i32
        %add3A_2555 = arith.addi %mul3A_885, %add3A_2554 : i32
        %get3A_2556 = arith.index_cast %add3A_2555 : i32 to index
        %get3A_2557 = arith.constant 64 : index
        %get3A_2558 = tpu.vector_load %arg19[%get3A_2556, %get3A_2557] {strides = array<i32>} : memref<128x128xf32, #tpu.memory_space<vmem>>, vector<1x16xf32>,
        %get3A_2559 = vector.shape_cast %get3A_2558 : vector<1x16xf32> to vector<16xf32>
        %mul3A_2560 = arith.mulf %get3A_2559, %gather3A_2497 : vector<16xf32>
        %add3A_2561 = arith.constant 14 : i32
        %add3A_2562 = arith.addi %mul3A_885, %add3A_2561 : i32
        %swap3A_2563 = arith.index_cast %add3A_2562 : i32 to index
        %swap3A_2564 = arith.constant 64 : index
        %swap3A_2565 = tpu.vector_load %arg19[%swap3A_2563, %swap3A_2564] {strides = array<i32>} : memref<128x128xf32, #tpu.memory_space<vmem>>, vector<1x16xf32>,
        %swap3A_2566 = vector.shape_cast %swap3A_2565 : vector<1x16xf32> to vector<16xf32>
        %swap3A_2567 = vector.shape_cast %mul3A_2560 : vector<16xf32> to vector<1x16xf32>
        tpu.vector_store %arg19[%swap3A_2563, %swap3A_2564], %swap3A_2567 {strides = array<i32>} : memref<128x128xf32, #tpu.memory_space<vmem>>, vector<1x16xf32>,
        %add3A_2568 = arith.constant 14 : i32
        %add3A_2569 = arith.addi %mul3A_885, %add3A_2568 : i32
        %get3A_2570 = arith.index_cast %add3A_2569 : i32 to index
        %get3A_2571 = arith.constant 80 : index
        %get3A_2572 = tpu.vector_load %arg19[%get3A_2570, %get3A_2571] {strides = array<i32>} : memref<128x128xf32, #tpu.memory_space<vmem>>, vector<1x16xf32>,
        %get3A_2573 = vector.shape_cast %get3A_2572 : vector<1x16xf32> to vector<16xf32>
        %mul3A_2574 = arith.mulf %get3A_2573, %gather3A_2497 : vector<16xf32>
        %add3A_2575 = arith.constant 14 : i32
        %add3A_2576 = arith.addi %mul3A_885, %add3A_2575 : i32
        %swap3A_2577 = arith.index_cast %add3A_2576 : i32 to index
        %swap3A_2578 = arith.constant 80 : index
        %swap3A_2579 = tpu.vector_load %arg19[%swap3A_2577, %swap3A_2578] {strides = array<i32>} : memref<128x128xf32, #tpu.memory_space<vmem>>, vector<1x16xf32>,
        %swap3A_2580 = vector.shape_cast %swap3A_2579 : vector<1x16xf32> to vector<16xf32>
        %swap3A_2581 = vector.shape_cast %mul3A_2574 : vector<16xf32> to vector<1x16xf32>
        tpu.vector_store %arg19[%swap3A_2577, %swap3A_2578], %swap3A_2581 {strides = array<i32>} : memref<128x128xf32, #tpu.memory_space<vmem>>, vector<1x16xf32>,
        %add3A_2582 = arith.constant 14 : i32
        %add3A_2583 = arith.addi %mul3A_885, %add3A_2582 : i32
        %get3A_2584 = arith.index_cast %add3A_2583 : i32 to index
        %get3A_2585 = arith.constant 96 : index
        %get3A_2586 = tpu.vector_load %arg19[%get3A_2584, %get3A_2585] {strides = array<i32>} : memref<128x128xf32, #tpu.memory_space<vmem>>, vector<1x16xf32>,
        %get3A_2587 = vector.shape_cast %get3A_2586 : vector<1x16xf32> to vector<16xf32>
        %mul3A_2588 = arith.mulf %get3A_2587, %gather3A_2497 : vector<16xf32>
        %add3A_2589 = arith.constant 14 : i32
        %add3A_2590 = arith.addi %mul3A_885, %add3A_2589 : i32
        %swap3A_2591 = arith.index_cast %add3A_2590 : i32 to index
        %swap3A_2592 = arith.constant 96 : index
        %swap3A_2593 = tpu.vector_load %arg19[%swap3A_2591, %swap3A_2592] {strides = array<i32>} : memref<128x128xf32, #tpu.memory_space<vmem>>, vector<1x16xf32>,
        %swap3A_2594 = vector.shape_cast %swap3A_2593 : vector<1x16xf32> to vector<16xf32>
        %swap3A_2595 = vector.shape_cast %mul3A_2588 : vector<16xf32> to vector<1x16xf32>
        tpu.vector_store %arg19[%swap3A_2591, %swap3A_2592], %swap3A_2595 {strides = array<i32>} : memref<128x128xf32, #tpu.memory_space<vmem>>, vector<1x16xf32>,
        %add3A_2596 = arith.constant 14 : i32
        %add3A_2597 = arith.addi %mul3A_885, %add3A_2596 : i32
        %get3A_2598 = arith.index_cast %add3A_2597 : i32 to index
        %get3A_2599 = arith.constant 112 : index
        %get3A_2600 = tpu.vector_load %arg19[%get3A_2598, %get3A_2599] {strides = array<i32>} : memref<128x128xf32, #tpu.memory_space<vmem>>, vector<1x16xf32>,
        %get3A_2601 = vector.shape_cast %get3A_2600 : vector<1x16xf32> to vector<16xf32>
        %mul3A_2602 = arith.mulf %get3A_2601, %gather3A_2497 : vector<16xf32>
        %add3A_2603 = arith.constant 14 : i32
        %add3A_2604 = arith.addi %mul3A_885, %add3A_2603 : i32
        %swap3A_2605 = arith.index_cast %add3A_2604 : i32 to index
        %swap3A_2606 = arith.constant 112 : index
        %swap3A_2607 = tpu.vector_load %arg19[%swap3A_2605, %swap3A_2606] {strides = array<i32>} : memref<128x128xf32, #tpu.memory_space<vmem>>, vector<1x16xf32>,
        %swap3A_2608 = vector.shape_cast %swap3A_2607 : vector<1x16xf32> to vector<16xf32>
        %swap3A_2609 = vector.shape_cast %mul3A_2602 : vector<16xf32> to vector<1x16xf32>
        tpu.vector_store %arg19[%swap3A_2605, %swap3A_2606], %swap3A_2609 {strides = array<i32>} : memref<128x128xf32, #tpu.memory_space<vmem>>, vector<1x16xf32>,
        %broadcast_in_dim3A_2610 = vector.shape_cast %broadcast_in_dim3A_60 : vector<16xi32> to vector<16x1xi32>
        %gather3A_2611 = vector.shape_cast %broadcast_in_dim3A_2610 : vector<16x1xi32> to vector<16xi32>
        %gather3A_2612 = tpu.dynamic_gather %get3A_883[%gather3A_2611] in [0] : vector<16xf32>, vector<16xi32> -> vector<16xf32>
        %add3A_2613 = arith.constant 15 : i32
        %add3A_2614 = arith.addi %mul3A_885, %add3A_2613 : i32
        %get3A_2615 = arith.index_cast %add3A_2614 : i32 to index
        %get3A_2616 = arith.constant 0 : index
        %get3A_2617 = tpu.vector_load %arg19[%get3A_2615, %get3A_2616] {strides = array<i32>} : memref<128x128xf32, #tpu.memory_space<vmem>>, vector<1x16xf32>,
        %get3A_2618 = vector.shape_cast %get3A_2617 : vector<1x16xf32> to vector<16xf32>
        %mul3A_2619 = arith.mulf %get3A_2618, %gather3A_2612 : vector<16xf32>
        %add3A_2620 = arith.constant 15 : i32
        %add3A_2621 = arith.addi %mul3A_885, %add3A_2620 : i32
        %swap3A_2622 = arith.index_cast %add3A_2621 : i32 to index
        %swap3A_2623 = arith.constant 0 : index
        %swap3A_2624 = tpu.vector_load %arg19[%swap3A_2622, %swap3A_2623] {strides = array<i32>} : memref<128x128xf32, #tpu.memory_space<vmem>>, vector<1x16xf32>,
        %swap3A_2625 = vector.shape_cast %swap3A_2624 : vector<1x16xf32> to vector<16xf32>
        %swap3A_2626 = vector.shape_cast %mul3A_2619 : vector<16xf32> to vector<1x16xf32>
        tpu.vector_store %arg19[%swap3A_2622, %swap3A_2623], %swap3A_2626 {strides = array<i32>} : memref<128x128xf32, #tpu.memory_space<vmem>>, vector<1x16xf32>,
        %add3A_2627 = arith.constant 15 : i32
        %add3A_2628 = arith.addi %mul3A_885, %add3A_2627 : i32
        %get3A_2629 = arith.index_cast %add3A_2628 : i32 to index
        %get3A_2630 = arith.constant 16 : index
        %get3A_2631 = tpu.vector_load %arg19[%get3A_2629, %get3A_2630] {strides = array<i32>} : memref<128x128xf32, #tpu.memory_space<vmem>>, vector<1x16xf32>,
        %get3A_2632 = vector.shape_cast %get3A_2631 : vector<1x16xf32> to vector<16xf32>
        %mul3A_2633 = arith.mulf %get3A_2632, %gather3A_2612 : vector<16xf32>
        %add3A_2634 = arith.constant 15 : i32
        %add3A_2635 = arith.addi %mul3A_885, %add3A_2634 : i32
        %swap3A_2636 = arith.index_cast %add3A_2635 : i32 to index
        %swap3A_2637 = arith.constant 16 : index
        %swap3A_2638 = tpu.vector_load %arg19[%swap3A_2636, %swap3A_2637] {strides = array<i32>} : memref<128x128xf32, #tpu.memory_space<vmem>>, vector<1x16xf32>,
        %swap3A_2639 = vector.shape_cast %swap3A_2638 : vector<1x16xf32> to vector<16xf32>
        %swap3A_2640 = vector.shape_cast %mul3A_2633 : vector<16xf32> to vector<1x16xf32>
        tpu.vector_store %arg19[%swap3A_2636, %swap3A_2637], %swap3A_2640 {strides = array<i32>} : memref<128x128xf32, #tpu.memory_space<vmem>>, vector<1x16xf32>,
        %add3A_2641 = arith.constant 15 : i32
        %add3A_2642 = arith.addi %mul3A_885, %add3A_2641 : i32
        %get3A_2643 = arith.index_cast %add3A_2642 : i32 to index
        %get3A_2644 = arith.constant 32 : index
        %get3A_2645 = tpu.vector_load %arg19[%get3A_2643, %get3A_2644] {strides = array<i32>} : memref<128x128xf32, #tpu.memory_space<vmem>>, vector<1x16xf32>,
        %get3A_2646 = vector.shape_cast %get3A_2645 : vector<1x16xf32> to vector<16xf32>
        %mul3A_2647 = arith.mulf %get3A_2646, %gather3A_2612 : vector<16xf32>
        %add3A_2648 = arith.constant 15 : i32
        %add3A_2649 = arith.addi %mul3A_885, %add3A_2648 : i32
        %swap3A_2650 = arith.index_cast %add3A_2649 : i32 to index
        %swap3A_2651 = arith.constant 32 : index
        %swap3A_2652 = tpu.vector_load %arg19[%swap3A_2650, %swap3A_2651] {strides = array<i32>} : memref<128x128xf32, #tpu.memory_space<vmem>>, vector<1x16xf32>,
        %swap3A_2653 = vector.shape_cast %swap3A_2652 : vector<1x16xf32> to vector<16xf32>
        %swap3A_2654 = vector.shape_cast %mul3A_2647 : vector<16xf32> to vector<1x16xf32>
        tpu.vector_store %arg19[%swap3A_2650, %swap3A_2651], %swap3A_2654 {strides = array<i32>} : memref<128x128xf32, #tpu.memory_space<vmem>>, vector<1x16xf32>,
        %add3A_2655 = arith.constant 15 : i32
        %add3A_2656 = arith.addi %mul3A_885, %add3A_2655 : i32
        %get3A_2657 = arith.index_cast %add3A_2656 : i32 to index
        %get3A_2658 = arith.constant 48 : index
        %get3A_2659 = tpu.vector_load %arg19[%get3A_2657, %get3A_2658] {strides = array<i32>} : memref<128x128xf32, #tpu.memory_space<vmem>>, vector<1x16xf32>,
        %get3A_2660 = vector.shape_cast %get3A_2659 : vector<1x16xf32> to vector<16xf32>
        %mul3A_2661 = arith.mulf %get3A_2660, %gather3A_2612 : vector<16xf32>
        %add3A_2662 = arith.constant 15 : i32
        %add3A_2663 = arith.addi %mul3A_885, %add3A_2662 : i32
        %swap3A_2664 = arith.index_cast %add3A_2663 : i32 to index
        %swap3A_2665 = arith.constant 48 : index
        %swap3A_2666 = tpu.vector_load %arg19[%swap3A_2664, %swap3A_2665] {strides = array<i32>} : memref<128x128xf32, #tpu.memory_space<vmem>>, vector<1x16xf32>,
        %swap3A_2667 = vector.shape_cast %swap3A_2666 : vector<1x16xf32> to vector<16xf32>
        %swap3A_2668 = vector.shape_cast %mul3A_2661 : vector<16xf32> to vector<1x16xf32>
        tpu.vector_store %arg19[%swap3A_2664, %swap3A_2665], %swap3A_2668 {strides = array<i32>} : memref<128x128xf32, #tpu.memory_space<vmem>>, vector<1x16xf32>,
        %add3A_2669 = arith.constant 15 : i32
        %add3A_2670 = arith.addi %mul3A_885, %add3A_2669 : i32
        %get3A_2671 = arith.index_cast %add3A_2670 : i32 to index
        %get3A_2672 = arith.constant 64 : index
        %get3A_2673 = tpu.vector_load %arg19[%get3A_2671, %get3A_2672] {strides = array<i32>} : memref<128x128xf32, #tpu.memory_space<vmem>>, vector<1x16xf32>,
        %get3A_2674 = vector.shape_cast %get3A_2673 : vector<1x16xf32> to vector<16xf32>
        %mul3A_2675 = arith.mulf %get3A_2674, %gather3A_2612 : vector<16xf32>
        %add3A_2676 = arith.constant 15 : i32
        %add3A_2677 = arith.addi %mul3A_885, %add3A_2676 : i32
        %swap3A_2678 = arith.index_cast %add3A_2677 : i32 to index
        %swap3A_2679 = arith.constant 64 : index
        %swap3A_2680 = tpu.vector_load %arg19[%swap3A_2678, %swap3A_2679] {strides = array<i32>} : memref<128x128xf32, #tpu.memory_space<vmem>>, vector<1x16xf32>,
        %swap3A_2681 = vector.shape_cast %swap3A_2680 : vector<1x16xf32> to vector<16xf32>
        %swap3A_2682 = vector.shape_cast %mul3A_2675 : vector<16xf32> to vector<1x16xf32>
        tpu.vector_store %arg19[%swap3A_2678, %swap3A_2679], %swap3A_2682 {strides = array<i32>} : memref<128x128xf32, #tpu.memory_space<vmem>>, vector<1x16xf32>,
        %add3A_2683 = arith.constant 15 : i32
        %add3A_2684 = arith.addi %mul3A_885, %add3A_2683 : i32
        %get3A_2685 = arith.index_cast %add3A_2684 : i32 to index
        %get3A_2686 = arith.constant 80 : index
        %get3A_2687 = tpu.vector_load %arg19[%get3A_2685, %get3A_2686] {strides = array<i32>} : memref<128x128xf32, #tpu.memory_space<vmem>>, vector<1x16xf32>,
        %get3A_2688 = vector.shape_cast %get3A_2687 : vector<1x16xf32> to vector<16xf32>
        %mul3A_2689 = arith.mulf %get3A_2688, %gather3A_2612 : vector<16xf32>
        %add3A_2690 = arith.constant 15 : i32
        %add3A_2691 = arith.addi %mul3A_885, %add3A_2690 : i32
        %swap3A_2692 = arith.index_cast %add3A_2691 : i32 to index
        %swap3A_2693 = arith.constant 80 : index
        %swap3A_2694 = tpu.vector_load %arg19[%swap3A_2692, %swap3A_2693] {strides = array<i32>} : memref<128x128xf32, #tpu.memory_space<vmem>>, vector<1x16xf32>,
        %swap3A_2695 = vector.shape_cast %swap3A_2694 : vector<1x16xf32> to vector<16xf32>
        %swap3A_2696 = vector.shape_cast %mul3A_2689 : vector<16xf32> to vector<1x16xf32>
        tpu.vector_store %arg19[%swap3A_2692, %swap3A_2693], %swap3A_2696 {strides = array<i32>} : memref<128x128xf32, #tpu.memory_space<vmem>>, vector<1x16xf32>,
        %add3A_2697 = arith.constant 15 : i32
        %add3A_2698 = arith.addi %mul3A_885, %add3A_2697 : i32
        %get3A_2699 = arith.index_cast %add3A_2698 : i32 to index
        %get3A_2700 = arith.constant 96 : index
        %get3A_2701 = tpu.vector_load %arg19[%get3A_2699, %get3A_2700] {strides = array<i32>} : memref<128x128xf32, #tpu.memory_space<vmem>>, vector<1x16xf32>,
        %get3A_2702 = vector.shape_cast %get3A_2701 : vector<1x16xf32> to vector<16xf32>
        %mul3A_2703 = arith.mulf %get3A_2702, %gather3A_2612 : vector<16xf32>
        %add3A_2704 = arith.constant 15 : i32
        %add3A_2705 = arith.addi %mul3A_885, %add3A_2704 : i32
        %swap3A_2706 = arith.index_cast %add3A_2705 : i32 to index
        %swap3A_2707 = arith.constant 96 : index
        %swap3A_2708 = tpu.vector_load %arg19[%swap3A_2706, %swap3A_2707] {strides = array<i32>} : memref<128x128xf32, #tpu.memory_space<vmem>>, vector<1x16xf32>,
        %swap3A_2709 = vector.shape_cast %swap3A_2708 : vector<1x16xf32> to vector<16xf32>
        %swap3A_2710 = vector.shape_cast %mul3A_2703 : vector<16xf32> to vector<1x16xf32>
        tpu.vector_store %arg19[%swap3A_2706, %swap3A_2707], %swap3A_2710 {strides = array<i32>} : memref<128x128xf32, #tpu.memory_space<vmem>>, vector<1x16xf32>,
        %add3A_2711 = arith.constant 15 : i32
        %add3A_2712 = arith.addi %mul3A_885, %add3A_2711 : i32
        %get3A_2713 = arith.index_cast %add3A_2712 : i32 to index
        %get3A_2714 = arith.constant 112 : index
        %get3A_2715 = tpu.vector_load %arg19[%get3A_2713, %get3A_2714] {strides = array<i32>} : memref<128x128xf32, #tpu.memory_space<vmem>>, vector<1x16xf32>,
        %get3A_2716 = vector.shape_cast %get3A_2715 : vector<1x16xf32> to vector<16xf32>
        %mul3A_2717 = arith.mulf %get3A_2716, %gather3A_2612 : vector<16xf32>
        %add3A_2718 = arith.constant 15 : i32
        %add3A_2719 = arith.addi %mul3A_885, %add3A_2718 : i32
        %swap3A_2720 = arith.index_cast %add3A_2719 : i32 to index
        %swap3A_2721 = arith.constant 112 : index
        %swap3A_2722 = tpu.vector_load %arg19[%swap3A_2720, %swap3A_2721] {strides = array<i32>} : memref<128x128xf32, #tpu.memory_space<vmem>>, vector<1x16xf32>,
        %swap3A_2723 = vector.shape_cast %swap3A_2722 : vector<1x16xf32> to vector<16xf32>
        %swap3A_2724 = vector.shape_cast %mul3A_2717 : vector<16xf32> to vector<1x16xf32>
        tpu.vector_store %arg19[%swap3A_2720, %swap3A_2721], %swap3A_2724 {strides = array<i32>} : memref<128x128xf32, #tpu.memory_space<vmem>>, vector<1x16xf32>,
        %scan3A_2725 = arith.constant 0 : i32
        scf.yield %scan3A_2725 : i32
      }
      %scan3A_875 = arith.constant 8 : i32
      "tpu.region"() ({
        %run_scoped3A = tpu.sem_alloc : memref<!tpu.dma_semaphore, #tpu.memory_space<semaphore_mem>>
        %dma_start3A_877 = arith.constant 0 : i32
        %dma_start3A_878 = arith.constant 0 : i32
        %dma_start3A_879 = tpu.memref_slice %arg21[%dma_start3A_877, %dma_start3A_878] : memref<10240x128xf32, #tpu.memory_space<vmem_shared>> -> memref<10240x128xf32, #tpu.memory_space<vmem_shared>>
        tpu.enqueue_indirect_dma source(%arg19 : memref<128x128xf32, #tpu.memory_space<vmem>>) target(%dma_start3A_879 : memref<10240x128xf32, #tpu.memory_space<vmem_shared>>) offsets(%arg12 : memref<128xi32, #tpu.memory_space<vmem>>) semaphore(%run_scoped3A : memref<!tpu.dma_semaphore, #tpu.memory_space<semaphore_mem>>) {add = true}
        %dma_wait3A_880 = arith.constant 0 : i32
        %dma_wait3A_881 = arith.constant 0 : i32
        %dma_wait3A_882 = tpu.memref_slice %arg21[%dma_wait3A_880, %dma_wait3A_881] : memref<10240x128xf32, #tpu.memory_space<vmem_shared>> -> memref<10240x128xf32, #tpu.memory_space<vmem_shared>>
        tpu.wait_indirect_dma semaphore(%run_scoped3A : memref<!tpu.dma_semaphore, #tpu.memory_space<semaphore_mem>>) src(%arg19 : memref<128x128xf32, #tpu.memory_space<vmem>>) dst(%dma_wait3A_882 : memref<10240x128xf32, #tpu.memory_space<vmem_shared>>)
        tpu.yield
      }) : () -> ()
      %scan3A_876 = arith.constant 0 : i32
      scf.yield %scan3A_876 : i32
    }
    %scan3A_221 = arith.constant 41 : i32
    %barrier3A_222 = arith.constant 0 : index
    tpu.barrier barrier_id(%barrier3A_222)
    %mul3A_223 = arith.constant 10240 : i32
    %mul3A_224 = arith.muli %arg0, %mul3A_223 : i32
    %add3A_225 = arith.addi %mul3A_224, %mul3A_16 : i32
    "tpu.region"() ({
      %run_scoped3A = tpu.sem_alloc : memref<!tpu.dma_semaphore, #tpu.memory_space<semaphore_mem>>
      %dma_start3A_226 = arith.constant 0 : i32
      %dma_start3A_227 = tpu.memref_slice %arg6[%add3A_225, %dma_start3A_226] : memref<20480x128xf32, #tpu.memory_space<hbm>> -> memref<640x128xf32, #tpu.memory_space<hbm>>
      %dma_start3A_228 = arith.constant 0 : i32
      %dma_start3A_229 = tpu.memref_slice %arg21[%mul3A_16, %dma_start3A_228] : memref<10240x128xf32, #tpu.memory_space<vmem_shared>> -> memref<640x128xf32, #tpu.memory_space<vmem_shared>>
      tpu.enqueue_dma source(%dma_start3A_229 : memref<640x128xf32, #tpu.memory_space<vmem_shared>>) target(%dma_start3A_227 : memref<640x128xf32, #tpu.memory_space<hbm>>) target_semaphore(%run_scoped3A : memref<!tpu.dma_semaphore, #tpu.memory_space<semaphore_mem>>)
      %dma_wait3A = arith.constant 0 : i32
      %dma_wait3A_230 = tpu.memref_slice %arg6[%add3A_225, %dma_wait3A] : memref<20480x128xf32, #tpu.memory_space<hbm>> -> memref<640x128xf32, #tpu.memory_space<hbm>>
      %dma_wait3A_231 = arith.constant 0 : i32
      %dma_wait3A_232 = tpu.memref_slice %arg21[%mul3A_16, %dma_wait3A_231] : memref<10240x128xf32, #tpu.memory_space<vmem_shared>> -> memref<640x128xf32, #tpu.memory_space<vmem_shared>>
      tpu.wait_dma2 semaphore(%run_scoped3A : memref<!tpu.dma_semaphore, #tpu.memory_space<semaphore_mem>>) src(%dma_wait3A_232 : memref<640x128xf32, #tpu.memory_space<vmem_shared>>) dst(%dma_wait3A_230 : memref<640x128xf32, #tpu.memory_space<hbm>>)
      tpu.yield
    }) : () -> ()
    "tpu.region"() ({
      %run_scoped3A = tpu.sem_alloc : memref<!tpu.dma_semaphore, #tpu.memory_space<semaphore_mem>>
      %dma_start3A_226 = tpu.memref_slice %arg7[%add3A_225] : memref<20480xf32, #tpu.memory_space<hbm>> -> memref<640xf32, #tpu.memory_space<hbm>>
      %dma_start3A_227 = tpu.memref_slice %arg22[%mul3A_16] : memref<10240xf32, #tpu.memory_space<vmem_shared>> -> memref<640xf32, #tpu.memory_space<vmem_shared>>
      tpu.enqueue_dma source(%dma_start3A_227 : memref<640xf32, #tpu.memory_space<vmem_shared>>) target(%dma_start3A_226 : memref<640xf32, #tpu.memory_space<hbm>>) target_semaphore(%run_scoped3A : memref<!tpu.dma_semaphore, #tpu.memory_space<semaphore_mem>>)
      %dma_wait3A = tpu.memref_slice %arg7[%add3A_225] : memref<20480xf32, #tpu.memory_space<hbm>> -> memref<640xf32, #tpu.memory_space<hbm>>
      %dma_wait3A_228 = tpu.memref_slice %arg22[%mul3A_16] : memref<10240xf32, #tpu.memory_space<vmem_shared>> -> memref<640xf32, #tpu.memory_space<vmem_shared>>
      tpu.wait_dma2 semaphore(%run_scoped3A : memref<!tpu.dma_semaphore, #tpu.memory_space<semaphore_mem>>) src(%dma_wait3A_228 : memref<640xf32, #tpu.memory_space<vmem_shared>>) dst(%dma_wait3A : memref<640xf32, #tpu.memory_space<hbm>>)
      tpu.yield
    }) : () -> ()
    return
  }
}

module attributes {stable_mosaic.version = 14 : i64} {
  func.func @_proj_body(%arg0: i32, %arg1: memref<1024x128xf32, #tpu.memory_space<vmem>>, %arg2: memref<128x128xf32, #tpu.memory_space<vmem>>, %arg3: memref<128x8xf32, #tpu.memory_space<vmem>>, %arg4: memref<1024x128xf32, #tpu.memory_space<vmem>>, %arg5: memref<1024x8xf32, #tpu.memory_space<vmem>>) attributes {dimension_semantics = [#tpu.dimension_semantics<arbitrary>], iteration_bounds = array<i64: 10>, scalar_prefetch = 0 : i64, scratch_operands = 0 : i64, tpu.core_type = #tpu.core_type<tc>, window_params = [{transform_indices = @transform_0, window_bounds = array<i64: 1024, 128>}, {pipeline_mode = #tpu.pipeline_mode<synchronous>, transform_indices = @transform_1, window_bounds = array<i64: 128, 128>}, {pipeline_mode = #tpu.pipeline_mode<synchronous>, transform_indices = @transform_2, window_bounds = array<i64: 128, 8>}, {transform_indices = @transform_3, window_bounds = array<i64: 1024, 128>}, {transform_indices = @transform_4, window_bounds = array<i64: 1024, 8>}]} {
    %get3A = arith.constant 0 : index
    %get3A_0 = arith.constant 0 : index
    %get3A_1 = vector.load %arg1[%get3A, %get3A_0] : memref<1024x128xf32, #tpu.memory_space<vmem>>, vector<1024x128xf32>
    %get3A_2 = arith.constant 0 : index
    %get3A_3 = arith.constant 0 : index
    %get3A_4 = vector.load %arg2[%get3A_2, %get3A_3] : memref<128x128xf32, #tpu.memory_space<vmem>>, vector<128x128xf32>
    %dot_general3A = arith.constant dense<0.000000e+00> : vector<1024x128xf32>
    %dot_general3A_5 = tpu.matmul %get3A_1, %get3A_4, %dot_general3A {dimension_numbers = #tpu.dot_dimension_numbers<[1], [0], [0], [1], [0, 0, 1, 1], [], []>, transpose_lhs_hint = false} : vector<1024x128xf32>, vector<128x128xf32>, vector<1024x128xf32> -> vector<1024x128xf32>
    %swap3A = arith.constant 0 : index
    %swap3A_6 = arith.constant 0 : index
    %swap3A_7 = vector.load %arg4[%swap3A, %swap3A_6] : memref<1024x128xf32, #tpu.memory_space<vmem>>, vector<1024x128xf32>
    tpu.vector_store %arg4[%swap3A, %swap3A_6], %dot_general3A_5 {strides = array<i32>} : memref<1024x128xf32, #tpu.memory_space<vmem>>, vector<1024x128xf32>,
    %get3A_8 = arith.constant 0 : index
    %get3A_9 = arith.constant 0 : index
    %get3A_10 = vector.load %arg3[%get3A_8, %get3A_9] : memref<128x8xf32, #tpu.memory_space<vmem>>, vector<128x8xf32>
    %dot_general3A_11 = arith.constant dense<0.000000e+00> : vector<1024x8xf32>
    %dot_general3A_12 = tpu.matmul %dot_general3A_5, %get3A_10, %dot_general3A_11 {dimension_numbers = #tpu.dot_dimension_numbers<[1], [0], [0], [1], [0, 0, 1, 1], [], []>, transpose_lhs_hint = false} : vector<1024x128xf32>, vector<128x8xf32>, vector<1024x8xf32> -> vector<1024x8xf32>
    %swap3A_13 = arith.constant 0 : index
    %swap3A_14 = arith.constant 0 : index
    %swap3A_15 = vector.load %arg5[%swap3A_13, %swap3A_14] : memref<1024x8xf32, #tpu.memory_space<vmem>>, vector<1024x8xf32>
    tpu.vector_store %arg5[%swap3A_13, %swap3A_14], %dot_general3A_12 {strides = array<i32>} : memref<1024x8xf32, #tpu.memory_space<vmem>>, vector<1024x8xf32>,
    return
  }
  func.func @transform_0(%arg0: i32) -> (i32, i32) {
    %c0_i32 = arith.constant 0 : i32
    %c0_i32_0 = arith.constant 0 : i32
    return %arg0, %c0_i32 : i32, i32
  }
  func.func @transform_1(%arg0: i32) -> (i32, i32) {
    %c0_i32 = arith.constant 0 : i32
    %c0_i32_0 = arith.constant 0 : i32
    %c0_i32_1 = arith.constant 0 : i32
    return %c0_i32, %c0_i32_0 : i32, i32
  }
  func.func @transform_2(%arg0: i32) -> (i32, i32) {
    %c0_i32 = arith.constant 0 : i32
    %c0_i32_0 = arith.constant 0 : i32
    %c0_i32_1 = arith.constant 0 : i32
    return %c0_i32, %c0_i32_0 : i32, i32
  }
  func.func @transform_3(%arg0: i32) -> (i32, i32) {
    %c0_i32 = arith.constant 0 : i32
    %c0_i32_0 = arith.constant 0 : i32
    return %arg0, %c0_i32 : i32, i32
  }
  func.func @transform_4(%arg0: i32) -> (i32, i32) {
    %c0_i32 = arith.constant 0 : i32
    %c0_i32_0 = arith.constant 0 : i32
    return %arg0, %c0_i32 : i32, i32
  }
}

module attributes {stable_mosaic.version = 14 : i64} {
  func.func @_finish_body(%arg0: i32, %arg1: memref<2x1024x128xf32, #tpu.memory_space<vmem>>, %arg2: memref<2x1024x1xf32, #tpu.memory_space<vmem>>, %arg3: memref<1x128xf32, #tpu.memory_space<vmem>>, %arg4: memref<1024x128xf32, #tpu.memory_space<vmem>>) attributes {dimension_semantics = [#tpu.dimension_semantics<arbitrary>], iteration_bounds = array<i64: 10>, scalar_prefetch = 0 : i64, scratch_operands = 0 : i64, tpu.core_type = #tpu.core_type<tc>, window_params = [{transform_indices = @transform_0, window_bounds = array<i64: 2, 1024, 128>}, {transform_indices = @transform_1, window_bounds = array<i64: 2, 1024, 1>}, {pipeline_mode = #tpu.pipeline_mode<synchronous>, transform_indices = @transform_2, window_bounds = array<i64: 1, 128>}, {transform_indices = @transform_3, window_bounds = array<i64: 1024, 128>}]} {
    %get3A = arith.constant 0 : index
    %get3A_0 = arith.constant 0 : index
    %get3A_1 = arith.constant 0 : index
    %get3A_2 = vector.load %arg1[%get3A, %get3A_0, %get3A_1] : memref<2x1024x128xf32, #tpu.memory_space<vmem>>, vector<1x1024x128xf32>
    %get3A_3 = vector.shape_cast %get3A_2 : vector<1x1024x128xf32> to vector<1024x128xf32>
    %get3A_4 = arith.constant 1 : index
    %get3A_5 = arith.constant 0 : index
    %get3A_6 = arith.constant 0 : index
    %get3A_7 = vector.load %arg1[%get3A_4, %get3A_5, %get3A_6] : memref<2x1024x128xf32, #tpu.memory_space<vmem>>, vector<1x1024x128xf32>
    %get3A_8 = vector.shape_cast %get3A_7 : vector<1x1024x128xf32> to vector<1024x128xf32>
    %add3A = arith.addf %get3A_3, %get3A_8 : vector<1024x128xf32>
    %get3A_9 = arith.constant 0 : index
    %get3A_10 = arith.constant 0 : index
    %get3A_11 = arith.constant 0 : index
    %get3A_12 = vector.load %arg2[%get3A_9, %get3A_10, %get3A_11] : memref<2x1024x1xf32, #tpu.memory_space<vmem>>, vector<1x1024x1xf32>
    %get3A_13 = vector.shape_cast %get3A_12 : vector<1x1024x1xf32> to vector<1024x1xf32>
    %get3A_14 = arith.constant 1 : index
    %get3A_15 = arith.constant 0 : index
    %get3A_16 = arith.constant 0 : index
    %get3A_17 = vector.load %arg2[%get3A_14, %get3A_15, %get3A_16] : memref<2x1024x1xf32, #tpu.memory_space<vmem>>, vector<1x1024x1xf32>
    %get3A_18 = vector.shape_cast %get3A_17 : vector<1x1024x1xf32> to vector<1024x1xf32>
    %add3A_19 = arith.addf %get3A_13, %get3A_18 : vector<1024x1xf32>
    %add3A_20 = arith.constant 1.000000e-16 : f32
    %add3A_21 = vector.broadcast %add3A_20 : f32 to vector<1024x1xf32>
    %add3A_22 = arith.addf %add3A_19, %add3A_21 : vector<1024x1xf32>
    %div3A = vector.broadcast %add3A_22 : vector<1024x1xf32> to vector<1024x128xf32>
    %div3A_23 = arith.divf %add3A, %div3A : vector<1024x128xf32>
    %get3A_24 = arith.constant 0 : index
    %get3A_25 = arith.constant 0 : index
    %get3A_26 = vector.load %arg3[%get3A_24, %get3A_25] : memref<1x128xf32, #tpu.memory_space<vmem>>, vector<1x128xf32>
    %add3A_27 = vector.broadcast %get3A_26 : vector<1x128xf32> to vector<1024x128xf32>
    %add3A_28 = arith.addf %div3A_23, %add3A_27 : vector<1024x128xf32>
    %swap3A = arith.constant 0 : index
    %swap3A_29 = arith.constant 0 : index
    %swap3A_30 = vector.load %arg4[%swap3A, %swap3A_29] : memref<1024x128xf32, #tpu.memory_space<vmem>>, vector<1024x128xf32>
    tpu.vector_store %arg4[%swap3A, %swap3A_29], %add3A_28 {strides = array<i32>} : memref<1024x128xf32, #tpu.memory_space<vmem>>, vector<1024x128xf32>,
    return
  }
  func.func @transform_0(%arg0: i32) -> (i32, i32, i32) {
    %c0_i32 = arith.constant 0 : i32
    %c0_i32_0 = arith.constant 0 : i32
    %c0_i32_1 = arith.constant 0 : i32
    return %c0_i32, %arg0, %c0_i32_0 : i32, i32, i32
  }
  func.func @transform_1(%arg0: i32) -> (i32, i32, i32) {
    %c0_i32 = arith.constant 0 : i32
    %c0_i32_0 = arith.constant 0 : i32
    %c0_i32_1 = arith.constant 0 : i32
    return %c0_i32, %arg0, %c0_i32_0 : i32, i32, i32
  }
  func.func @transform_2(%arg0: i32) -> (i32, i32) {
    %c0_i32 = arith.constant 0 : i32
    %c0_i32_0 = arith.constant 0 : i32
    %c0_i32_1 = arith.constant 0 : i32
    return %c0_i32, %c0_i32_0 : i32, i32
  }
  func.func @transform_3(%arg0: i32) -> (i32, i32) {
    %c0_i32 = arith.constant 0 : i32
    %c0_i32_0 = arith.constant 0 : i32
    return %arg0, %c0_i32 : i32, i32
  }
}

</mosaic_0001>

<sc_bundles>
// kernel: kernel.5.cloned.1.call-start
scs
__scs_entry_jumppad:
0x0: {  	(pc) =	sbr.rel $0x88, $3  }
0x1: {  	(tag) =	ssettag $0x0;
	lr =	simm.s32 $0x1  }
0x2: {  	[smem:$0x3F9B] =	sst lr;
	_ =	strace $0xD0000000  }
0x3: {  	_ = 	snop  }
0x4: {  	_ = 	snop  }
0x5: {  	_ = 	snop  }
0x6: {  	_ = 	snop  }
0x7: {  	_ = 	snop  }
__scs_overlays_trampoline_lowered:
0x8: {  	[smem:$0x3FAA] =	sst s0  }
0x9: {  	[smem:$0x3FAB] =	sst s1  }
0xa: {  	[smem:$0x3FAC] =	sst s2  }
0xb: {  	[smem:$0x3FAD] =	sst s3  }
0xc: {  	[smem:$0x3FAE] =	sst s4  }
0xd: {  	[smem:$0x3FAF] =	sst s5  }
0xe: {  	[smem:$0x3FB0] =	sst s6  }
0xf: {  	[smem:$0x3FB1] =	sst s7  }
0x10: {  	[smem:$0x3FB2] =	sst s8  }
0x11: {  	[smem:$0x3FB3] =	sst s9;
	s0 =	simm.s32 @!p0 $0x0  }
0x12: {  	s1 =	sld [smem:$0x3F99];
	s0 =	simm.s32 @p0 $0x1  }
0x13: {  	[smem:$0x3FB4] =	sst s0;
	s0 =	simm.s32 @!p1 $0x0  }
0x14: {  	s2 =	sld [smem:$0x3F98];
	s0 =	simm.s32 @p1 $0x1  }
0x15: {  	[smem:$0x3FB5] =	sst s0;
	s0 =	simm.s32 @!p2 $0x0  }
0x16: {  	s3 =	sld [smem:$0x3FDB];
	s0 =	simm.s32 @p2 $0x1  }
0x17: {  	s4 =	simm.s32 $0x1BF5;
	[smem:$0x3FB7] =	sst s0  }
0x18: {  	s0 =	sld [smem:$0x3F9A];
	_ =	swait.ge [sflag:s4], $0x0  }
0x19: {  	s7 =	sld [smem:$0x3F9B]  }
0x1a: {  	s8 =	sadd.s32 $0xFFFFE003, lr  }
0x1b: {  	s9 =	sadd.s32 $0xFFFFFEF7, lr;
	s5 =	simm.s32 $0xFFFFFFFF;
	p2 =	slt.u32 s8, $0xFFFFF086  }
0x1c: {  	p1 =	slt.u32 s9, $0xF7A;
	s5 =	simm.s32 @!p2 $0x0  }
0x1d: {  	s5 =	simm.s32 @p1 $0x1;
	p0 =	seq.s32 s7, s2  }
0x1e: {  	s7 =	smul.u32 @!p0 $0xF7A, s2;
	p2 =	seq.s32 @!p0 s5, $0x0  }
0x1f: {  	s9 =	smul.u32 $0xF7A, s1;
	s8 =	simm.s32 @!p0 $0x1BF5;
	p2 =	por !p2, p0  }
0x20: {  	[sflag:s8] =	ssyncset.s32 @!p0 $0xFFFFF086;
	s6 =	sadd.s32 @!p0 s3, s7;
	s7 =	simm.s32 @!p0 $0x108  }
0x21: {  	s3 =	sadd.s32 s3, s9;
	s6 =	sadd.s32 @!p0 $0x88, s6;
	s7 =	simm.s32 @p2 $0x1082  }
0x22: {  	[simem:s7], [sflag:s8] =	dma.local @!p0 [hbm:s6], $0xF7A  }
0x23: {  	s9 =	sor.u32 $0xD0000000, s2;
	s6 =	simm.s32 $0x108;
	_ =	swait.ge @!p0 [sflag:s8], $0x0  }
0x24: {  	s3 =	sadd.s32 $0x88, s3;
	s6 =	simm.s32 @!p1 $0x1082;
	[sflag:s4] =	ssyncset.s32 $0xFFFFF086  }
0x25: {  	[simem:s6], [sflag:s4] =	dma.local [hbm:s3], $0xF7A  }
0x26: {  	[smem:$0x3F9B] =	sst s1;
	(tag) =	ssettag s2;
	_ =	strace s9  }
0x27: {  	s1 =	sld [smem:$0x3FAB]  }
0x28: {  	s2 =	sld [smem:$0x3FAC]  }
0x29: {  	s4 =	sld [smem:$0x3FAE]  }
0x2a: {  	p0 =	seq.s32 s5, $0x0;
	s5 =	sld [smem:$0x3FAF]  }
0x2b: {  	s6 =	sld [smem:$0x3FB0]  }
0x2c: {  	s7 =	sld [smem:$0x3FB1]  }
0x2d: {  	s3 =	simm.s32 $0x108;
	s8 =	sld [smem:$0x3FB2]  }
0x2e: {  	s3 =	simm.s32 @!p0 $0x1082;
	s9 =	sld [smem:$0x3FB3]  }
0x2f: {  	lr =	sadd.s32 s0, s3;
	s0 =	sld [smem:$0x3FAA]  }
0x30: {  	s3 =	sld [smem:$0x3FAD]  }
0x31: {  	[smem:$0x3FB6] =	sst s10  }
0x32: {  	s10 =	sld [smem:$0x3FB4];
	_ =	sdelay $0x3  }
0x33: {  	p0 =	seq.s32 s10, $0x1;
	s10 =	sld [smem:$0x3FB6];
	_ =	sdelay $0x3  }
0x34: {  	[smem:$0x3FB6] =	sst s10  }
0x35: {  	s10 =	sld [smem:$0x3FB5];
	_ =	sdelay $0x3  }
0x36: {  	p1 =	seq.s32 s10, $0x1;
	s10 =	sld [smem:$0x3FB6];
	_ =	sdelay $0x3  }
0x37: {  	[smem:$0x3FB6] =	sst s10  }
0x38: {  	s10 =	sld [smem:$0x3FB7]  }
0x39: {  	_ = 	snop;
	(pc) =	sbr.ind lr, $3  }
0x3a: {  	_ = 	snop  }
0x3b: {  	_ = 	snop  }
0x3c: {  	p2 =	seq.s32 s10, $0x1;
	s10 =	sld [smem:$0x3FB6]  }
0x3d: {  	_ =	shalt  }
0x3e: {  	_ =	shalt  }
0x3f: {  	_ =	shalt  }
0x40: {  	_ =	shalt  }
0x41: {  	_ =	shalt  }
0x42: {  	_ =	shalt  }
0x43: {  	_ =	shalt  }
0x44: {  	_ =	shalt  }
0x45: {  	_ =	shalt  }
0x46: {  	_ =	shalt  }
0x47: {  	_ =	shalt  }
0x48: {  	_ =	shalt  }
0x49: {  	_ =	shalt  }
0x4a: {  	_ =	shalt  }
0x4b: {  	_ =	shalt  }
0x4c: {  	_ =	shalt  }
0x4d: {  	_ =	shalt  }
0x4e: {  	_ =	shalt  }
0x4f: {  	_ =	shalt  }
0x50: {  	_ =	shalt  }
0x51: {  	_ =	shalt  }
0x52: {  	_ =	shalt  }
0x53: {  	_ =	shalt  }
0x54: {  	_ =	shalt  }
0x55: {  	_ =	shalt  }
0x56: {  	_ =	shalt  }
0x57: {  	_ =	shalt  }
0x58: {  	_ =	shalt  }
0x59: {  	_ =	shalt  }
0x5a: {  	_ =	shalt  }
0x5b: {  	_ =	shalt  }
0x5c: {  	_ =	shalt  }
0x5d: {  	_ =	shalt  }
0x5e: {  	_ =	shalt  }
0x5f: {  	_ =	shalt  }
0x60: {  	_ =	shalt  }
0x61: {  	_ =	shalt  }
0x62: {  	_ =	shalt  }
0x63: {  	_ =	shalt  }
0x64: {  	_ =	shalt  }
0x65: {  	_ =	shalt  }
0x66: {  	_ =	shalt  }
0x67: {  	_ =	shalt  }
0x68: {  	_ =	shalt  }
0x69: {  	_ =	shalt  }
0x6a: {  	_ =	shalt  }
0x6b: {  	_ =	shalt  }
0x6c: {  	_ =	shalt  }
0x6d: {  	_ =	shalt  }
0x6e: {  	_ =	shalt  }
0x6f: {  	_ =	shalt  }
0x70: {  	_ =	shalt  }
0x71: {  	_ =	shalt  }
0x72: {  	_ =	shalt  }
0x73: {  	_ =	shalt  }
0x74: {  	_ =	shalt  }
0x75: {  	_ =	shalt  }
0x76: {  	_ =	shalt  }
0x77: {  	_ =	shalt  }
0x78: {  	_ =	shalt  }
0x79: {  	_ =	shalt  }
0x7a: {  	_ =	shalt  }
0x7b: {  	_ =	shalt  }
0x7c: {  	_ =	shalt  }
0x7d: {  	_ =	shalt  }
0x7e: {  	_ =	shalt  }
0x7f: {  	_ =	shalt  }
0x80: {  	_ =	shalt  }
0x81: {  	_ =	shalt  }
0x82: {  	_ =	shalt  }
0x83: {  	_ =	shalt  }
0x84: {  	_ =	shalt  }
0x85: {  	_ =	shalt  }
0x86: {  	_ =	shalt  }
0x87: {  	_ =	shalt  }
.Lfunc_end0:
.L_simem_size_0:
called_computation_lowered:
.L_overlay_start_0:
0x88: {  	s2 =	sld [smem:$0x3FD9]  }
0x89: {  	s3 =	sld [smem:$0x3FFE];
	_ =	sdelay $0x1  }
0x8a: {  	s1 =	srdreg.scid  }
0x8b: {  	s0 =	sand.u32 $0x1, s1  }
0x8c: {  	s17 =	sshll.u32 s0, $0xA;
	s2 =	sadd.s32 s3, s2  }
0x8d: {  	s2 =	sadd.s32 s2, s17  }
0x8e: {  	[smem:$0x3FC2] =	sst s2  }
0x8f: {  	_ = 	snop  }
0x90: {  	s2 =	sld [smem:$0x3FD0];
	(tm) =	ssettm $0x1  }
0x91: {  	s18 =	sld [smem:$0x3FFB];
	_ =	sdelay $0x3  }
0x92: {  	_ =	strace s18  }
0x93: {  	s3 =	sld [smem:$0x3FFC];
	_ =	sdelay $0x3  }
0x94: {  	_ =	strace s3  }
0x95: {  	s3 =	sld [smem:$0x3FFD];
	_ =	sdelay $0x3  }
0x96: {  	_ =	strace s3  }
0x97: {  	_ =	strace $0x8FFFFFFF  }
0x98: {  	s19 =	sld [smem:$0x3FDB];
	_ =	sdelay $0x1  }
0x99: {  	s4 =	simm.s32 $_scs_section_size  }
0x9a: {  	s5 =	simm.s32 $_size__tile_overlayer_lowered;
	s6 =	simm.s32 $_tile_overlayer_lowered  }
0x9b: {  	s22 =	simm.s32 $0x1BFF;
	s21 =	sshll.u32 s6, $0x1;
	s3 =	sadd.s32 s4, s19  }
0x9c: {  	s7 =	simm.s32 $0x0;
	s20 =	sshll.u32 s5, $0x1;
	s5 =	sadd.s32 s21, s3  }
0x9d: {  	[timem:s7], [sflag:s22] =	dma.local [hbm:s5], s20  }
0x9e: {  	_ =	swait.ge [sflag:s22], s20  }
0x9f: {  	s4 =	ssub.s32 $0x0, s20;
	[sflag:s22] =	ssyncset.done $0x0  }
0xa0: {  	[sflag:s22] =	ssyncadd.s32 s4;
	_ =	sdelay $0x1  }
0xa1: {  	s23 =	simm.s32 $0x1B8B  }
0xa2: {  	_ =	swait.ge [sflag:s23], $0x1  }
0xa3: {  	[sflag:s23] =	ssyncset.done $0x0  }
0xa4: {  	s25 =	simm.s32 $0x1B8E;
	s24 =	sld [smem:$0x3FFE];
	[sflag:s23] =	ssyncadd.s32 $0xFFFFFFFF  }
0xa5: {  	s26 =	simm.s32 $execute0_lowered;
	[smem:$0x3FD2] =	sst s25  }
0xa6: {  	s5 =	sshll.u32 s26, $0x1;
	_ =	strace $0x80000046;
	[dreg:$0x1] =	wrdreg $0xFFFFFFFF  }
0xa7: {  	s28 =	simm.s32 $_size_execute0_lowered;
	s3 =	sadd.s32 s3, s5;
	[dreg:$0x0] =	wrdreg $0x0  }
0xa8: {  	s5 =	sshll.u32 s28, $0x1;
	[dreg:$0x2] =	wrdreg s3  }
0xa9: {  	[dreg:$0x3] =	wrdreg s5  }
0xaa: {  	[dreg:$0x4] =	wrdreg $0xC0  }
0xab: {  	_ =	task [dreg:s7], $0x5FFFF  }
0xac: {  	[dreg:$0x1] =	wrdreg $0xFFFFFFFF  }
0xad: {  	[dreg:$0x0] =	wrdreg $0x60  }
0xae: {  	[dreg:$0x2] =	wrdreg s24  }
0xaf: {  	[dreg:$0x3] =	wrdreg s2  }
0xb0: {  	[dreg:$0x4] =	wrdreg $0xB3000  }
0xb1: {  	[dreg:$0x5] =	wrdreg $0x1F3000  }
0xb2: {  	[dreg:$0x6] =	wrdreg $0x9  }
0xb3: {  	_ =	task.clear_ibuf [dreg:s7], $0x7FFFF;
	_ =	strace $0x90000046  }
0xb4: {  	s29 =	simm.s32 $0x9;
	_ =	strace $0x80000048  }
0xb5: {  	_ =	swait.ge [sflag:s29], $0x1  }
0xb6: {  	[sflag:s29] =	ssyncadd.s32 $0xFFFFFFFF  }
0xb7: {  	_ =	strace $0x90000048  }
0xb8: {  	_ =	sfence  }
0xb9: {  	s30 =	sld [smem:$0x0];
	_ =	sdelay $0x2  }
0xba: {  	s31 =	sshll.u32 s1, $0xD;
	s1 =	sshrl.u32 s1, $0x2  }
0xbb: {  	s3 =	sand.u32 $0x4000, s31;
	s1 =	sadd.s32 s1, s30  }
0xbc: {  	s0 =	sor.u32 s3, s0;
	s1 =	sshll.u32 s1, $0x11  }
0xbd: {  	s0 =	sor.u32 s1, s0  }
0xbe: {  	s0 =	sadd.s32 $0x8F2B, s0  }
0xbf: {  	[sflag:s0] =	ssyncadd.remote.s32 $0x1  }
0xc0: {  	_ =	sfence.sel $0xFFFF  }
0xc1: {  	[dreg:$0x0] =	wrdreg $0xFFFFFFFF;
	(pc) =	sbr.abs _section_cstart, $3  }
0xc2: {  	[dreg:$0x1] =	wrdreg $0xFFFFFFFF  }
0xc3: {  	_ =	task.clear_ibuf [dreg:s7], $0x2FFFF;
	_ =	strace $0x9FFFFFFF  }
0xc4: {  	(tm) =	ssettm $0x7FFFFFFF  }
0xc5: {  	_ =	shalt  }
tec
execute0_lowered:
.L_overlay_start_1:
0x0: {  	(tag) =	ssettag $0x1  }
0x1: {  	s1 =	rddreg [dreg:$0x0]  }
0x2: {  	s0 =	rddreg [dreg:$0x1]  }
0x3: {  	s3 =	rddreg [dreg:$0x2]  }
0x4: {  	s2 =	srdreg.scid;
	s12 =	stileid.u32  }
0x5: {  	s4 =	rddreg [dreg:$0x3];
	s6 =	simm.s32 $0x0;
	s28 =	simm.s32 $0x2D00  }
0x6: {  	s29 =	simm.s32 $0x7080;
	s30 =	simm.s32 $0x2F00;
	s31 =	simm.s32 $0x2D80  }
0x7: {  	s2 =	sand.u32 $0x1, s2;
	s5 =	smul.u32 $0x280, s12;
	[smem:$0x7FF] =	sst s6  }
0x8: {  	s6 =	sadd.s32 $0x28600, s1;
	s10 =	sshll.u32 s12, $0x1;
	s19 =	smul.u32 $0x50000, s12  }
0x9: {  	s7 =	smul.u32 $0x2800, s2;
	s10 =	sor.u32 s2, s10;
	s2 =	ssub.s32 $0x2, s2  }
0xa: {  	_ =	strace $0x80000047;
	s20 =	smul.u32 $0x580, s10;
	s13 =	sshrl.u32 s2, $0x1  }
0xb: {  	s14 =	sadd.s32 s5, s4;
	s15 =	smul.u32 $0x2900, s10;
	s10 =	simm.s32 $0x0  }
0xc: {  	s8 =	sadd.s32 s5, s7;
	s7 =	sadd.s32 $0x28000, s1;
	s2 =	ssub.s32 s2, s13  }
0xd: {  	s5 =	simm.s32 $0x3000;
	s9 =	sshll.u32 s8, $0x4;
	s8 =	sshrl.u32 s8, $0x3  }
0xe: {  	s0 =	sadd.s32 s0, s20;
	s18 =	smax.u32 s2, $0x1;
	s20 =	simm.s32 $0x3080  }
0xf: {  	s2 =	simm.s32 $0x2F80;
	s11 =	sadd.s32 s9, s1;
	s8 =	sadd.s32 s8, s1  }
0x10: {  	s9 =	sshrl.u32 s19, $0x2;
	[dreg:$0x5] =	wrdreg s0;
	s25 =	sadd.s32 $0x29600, s11  }
0x11: {  	s9 =	sadd.s32 s9, s3;
	s26 =	sadd.s32 $0x28C00, s8;
	[dreg:$0xa] =	wrdreg s25  }
0x12: {  	v0 =	vimm.f32 $0.0e+00;
	v1 =	vimm.s32 $0x0;
	s19 =	simm.s32 $0x7;
	s21 =	sadd.s32 $0x4000, s9;
	[dreg:$0xb] =	wrdreg s26  }
0x13: {  	v2 =	vimm.s32 $0x1;
	v3 =	vimm.s32 $0x2;
	v4 =	vimm.s32 $0x3;
	s0 =	simm.s32 $0x5;
	s22 =	sadd.s32 $0x8000, s9;
	[dreg:$0x6] =	wrdreg s21  }
0x14: {  	v5 =	vimm.s32 $0x4;
	v6 =	vimm.s32 $0x5;
	v7 =	vimm.s32 $0x6;
	s8 =	simm.s32 $0x4;
	s23 =	sadd.s32 $0xC000, s9;
	[dreg:$0x7] =	wrdreg s22  }
0x15: {  	v8 =	vimm.s32 $0x7;
	v9 =	vimm.s32 $0x8;
	v10 =	vimm.s32 $0x9;
	s24 =	sadd.s32 $0x10000, s9;
	s25 =	simm.s32 $0x2C80;
	[dreg:$0x8] =	wrdreg s23  }
0x16: {  	v11 =	vimm.s32 $0xA;
	v12 =	vimm.s32 $0xB;
	v13 =	vimm.s32 $0xC;
	s26 =	simm.s32 $0x1;
	[dreg:$0x9] =	wrdreg s24;
	s22 =	simm.s32 $0x80  }
0x17: {  	v14 =	vimm.s32 $0xD;
	v15 =	vimm.s32 $0xE;
	v16 =	vimm.s32 $0xF;
	s21 =	simm.s32 $0x2;
	s24 =	simm.s32 $0x3;
	s23 =	simm.s32 $0x6  }
.LBB2_1:
0x18: {  	s11 =	simm.s32 $0x0;
	s12 =	rddreg [dreg:$0x5]  }
0x19: {  	[tilespmem:s11], [sflag:$0x7] =	stream.linear.gather [hbm4b:s12+s11], $0x2900, $0x38;
	[tilespmem:$0x1F580] =	vst v63  }
0x1a: {  	_ =	swait.ge [sflag:s19], $0x2900  }
0x1b: {  	[sflag:s19] =	ssyncset.done $0x0  }
0x1c: {  	s11 =	simm.s32 $0x0;
	s12 =	simm.s32 $0x200;
	[sflag:s19] =	ssyncadd.s32 $0xFFFFD700  }
.LBB2_2:
0x1d: {  	p0 =	sne.s32 s12, $0xFE00;
	[tilespmem:s11+$0x30F0] =	vst v0  }
0x1e: {  	[tilespmem:s11+$0x3080] =	vst v0  }
0x1f: {  	[tilespmem:s11+$0x3090] =	vst v0  }
.Ltmp0:
0x20: {  	[tilespmem:s11+$0x30A0] =	vst v0;
	(pc) =	sbr.rel @p0 .LBB2_2-.Ltmp0, $4  }
0x21: {  	[tilespmem:s11+$0x30B0] =	vst v0  }
0x22: {  	[tilespmem:s11+$0x30C0] =	vst v0  }
0x23: {  	[tilespmem:s11+$0x30D0] =	vst v0  }
0x24: {  	[tilespmem:s11+$0x30E0] =	vst v0;
	s11 =	sshra.s32 s12, $0x2;
	s12 =	sadd.s32 $0x200, s12  }
0x25: {  	[tilespmem:s11+$0x30F0] =	vst v0  }
0x26: {  	[tilespmem:s11+$0x3080] =	vst v0  }
0x27: {  	[tilespmem:s11+$0x3090] =	vst v0  }
0x28: {  	[tilespmem:s11+$0x30A0] =	vst v0  }
0x29: {  	[tilespmem:s11+$0x30B0] =	vst v0  }
0x2a: {  	[tilespmem:s11+$0x30C0] =	vst v0  }
0x2b: {  	[tilespmem:s11+$0x30D0] =	vst v0  }
0x2c: {  	[tilespmem:s11+$0x30E0] =	vst v0  }
0x2d: {  	[tilespmem:$0xB080] =	vst v0  }
0x2e: {  	[tilespmem:$0xB090] =	vst v0  }
0x2f: {  	[tilespmem:$0xB0A0] =	vst v0  }
0x30: {  	[tilespmem:$0xB0B0] =	vst v0  }
0x31: {  	[tilespmem:$0xB0C0] =	vst v0  }
0x32: {  	[tilespmem:$0xB0D0] =	vst v0  }
0x33: {  	[tilespmem:$0xB0E0] =	vst v0  }
0x34: {  	[tilespmem:$0xB0F0] =	vst v0  }
0x35: {  	[tilespmem:$0xB100] =	vst v0  }
0x36: {  	[tilespmem:$0xB110] =	vst v0  }
0x37: {  	[tilespmem:$0xB120] =	vst v0  }
0x38: {  	[tilespmem:$0xB130] =	vst v0  }
0x39: {  	[tilespmem:$0xB140] =	vst v0  }
0x3a: {  	[tilespmem:$0xB150] =	vst v0  }
0x3b: {  	[tilespmem:$0xB160] =	vst v0  }
0x3c: {  	[tilespmem:$0xB170] =	vst v0  }
0x3d: {  	[tilespmem:$0xB180] =	vst v0  }
0x3e: {  	[tilespmem:$0xB190] =	vst v0  }
0x3f: {  	[tilespmem:$0xB1A0] =	vst v0  }
0x40: {  	[tilespmem:$0xB1B0] =	vst v0  }
0x41: {  	[tilespmem:$0xB1C0] =	vst v0  }
0x42: {  	[tilespmem:$0xB1D0] =	vst v0  }
0x43: {  	[tilespmem:$0xB1E0] =	vst v0  }
0x44: {  	[tilespmem:$0xB1F0] =	vst v0  }
0x45: {  	[tilespmem:$0xB200] =	vst v0  }
0x46: {  	[tilespmem:$0xB210] =	vst v0  }
0x47: {  	[tilespmem:$0xB220] =	vst v0  }
0x48: {  	[tilespmem:$0xB230] =	vst v0  }
0x49: {  	[tilespmem:$0xB240] =	vst v0  }
0x4a: {  	[tilespmem:$0xB250] =	vst v0  }
0x4b: {  	[tilespmem:$0xB260] =	vst v0  }
0x4c: {  	[tilespmem:$0xB270] =	vst v0  }
0x4d: {  	[tilespmem:$0xB280] =	vst v0  }
0x4e: {  	[tilespmem:$0xB290] =	vst v0  }
0x4f: {  	[tilespmem:$0xB2A0] =	vst v0  }
0x50: {  	[tilespmem:$0xB2B0] =	vst v0  }
0x51: {  	[tilespmem:$0xB2C0] =	vst v0  }
0x52: {  	[tilespmem:$0xB2D0] =	vst v0  }
0x53: {  	[tilespmem:$0xB2E0] =	vst v0  }
0x54: {  	[tilespmem:$0xB2F0] =	vst v0  }
0x55: {  	[spmem:s9] =	stream.linear.scatter [tilespmem:s20], [sflag:$0x7], $0x4000, $0x38;
	[tilespmem:$0x1F580] =	vst v63  }
0x56: {  	_ =	swait.ge [sflag:s19], $0x4000  }
0x57: {  	[sflag:s19] =	ssyncset.done $0x0  }
0x58: {  	s13 =	rddreg [dreg:$0x6];
	[sflag:s19] =	ssyncadd.s32 $0xFFFFC000  }
0x59: {  	[spmem:s13] =	stream.linear.scatter [tilespmem:s20], [sflag:$0x7], $0x4000, $0x38;
	[tilespmem:$0x1F580] =	vst v63  }
0x5a: {  	_ =	swait.ge [sflag:s19], $0x4000  }
0x5b: {  	[sflag:s19] =	ssyncset.done $0x0  }
0x5c: {  	s16 =	rddreg [dreg:$0x7];
	[sflag:s19] =	ssyncadd.s32 $0xFFFFC000  }
0x5d: {  	[spmem:s16] =	stream.linear.scatter [tilespmem:s20], [sflag:$0x7], $0x4000, $0x38;
	[tilespmem:$0x1F580] =	vst v63  }
0x5e: {  	_ =	swait.ge [sflag:s19], $0x4000  }
0x5f: {  	[sflag:s19] =	ssyncset.done $0x0  }
0x60: {  	s17 =	rddreg [dreg:$0x8];
	[sflag:s19] =	ssyncadd.s32 $0xFFFFC000  }
0x61: {  	[spmem:s17] =	stream.linear.scatter [tilespmem:s20], [sflag:$0x7], $0x4000, $0x38;
	[tilespmem:$0x1F580] =	vst v63  }
0x62: {  	_ =	swait.ge [sflag:s19], $0x4000  }
0x63: {  	[sflag:s19] =	ssyncset.done $0x0  }
0x64: {  	s12 =	rddreg [dreg:$0x9];
	[sflag:s19] =	ssyncadd.s32 $0xFFFFC000  }
0x65: {  	[spmem:s12] =	stream.linear.scatter [tilespmem:s20], [sflag:$0x7], $0x4000, $0x38;
	[tilespmem:$0x1F580] =	vst v63  }
0x66: {  	_ =	swait.ge [sflag:s19], $0x4000  }
0x67: {  	[sflag:s19] =	ssyncset.done $0x0  }
0x68: {  	s13 =	simm.s32 $0xB080;
	[sflag:s19] =	ssyncadd.s32 $0xFFFFC000  }
0x69: {  	[spmem:s14] =	stream.linear.scatter [tilespmem:s13], [sflag:$0x7], $0x280, $0x38;
	[tilespmem:$0x1F580] =	vst v63  }
0x6a: {  	_ =	swait.ge [sflag:s19], $0x280  }
0x6b: {  	[sflag:s19] =	ssyncset.done $0x0  }
0x6c: {  	[sflag:s19] =	ssyncadd.s32 $0xFFFFFD80  }
0x6d: {  	[bflag:$0x0] =	sbarrier.arrive $0xFFFF  }
0x6e: {  	v17 =	vld [tilespmem:$0x0];
	_ =	sdelay $0x1  }
0x6f: {  	v18 =	vld [tilespmem:$0x10];
	_ =	sdelay $0x1  }
0x70: {  	v19 =	vld [tilespmem:$0x20]  }
0x71: {  	v20 =	vand.u32 $0x3FFF, v17  }
0x72: {  	v62 =	vld [tilespmem:$0x30];
	v17 =	vshrl.u32 v17, $0xE;
	[tilespmem:$0x2C00] =	vst v20  }
0x73: {  	[tilespmem:$0x2C80] =	vst v17;
	v17 =	vand.u32 $0x3FFF, v18  }
0x74: {  	[tilespmem:$0x2C10] =	vst v17;
	v17 =	vshrl.u32 v18, $0xE;
	v18 =	vld [tilespmem:$0x40]  }
0x75: {  	[tilespmem:$0x2C90] =	vst v17;
	v17 =	vand.u32 $0x3FFF, v19  }
0x76: {  	[tilespmem:$0x2C20] =	vst v17;
	v17 =	vshrl.u32 v19, $0xE;
	v19 =	vld [tilespmem:$0x50]  }
0x77: {  	[tilespmem:$0x2CA0] =	vst v17;
	v17 =	vand.u32 $0x3FFF, v62  }
0x78: {  	v63 =	vld [tilespmem:$0x60];
	[tilespmem:$0x2C30] =	vst v17;
	v17 =	vshrl.u32 v62, $0xE  }
0x79: {  	[tilespmem:$0x2CB0] =	vst v17;
	v17 =	vand.u32 $0x3FFF, v18  }
0x7a: {  	[tilespmem:$0x2C40] =	vst v17;
	v17 =	vshrl.u32 v18, $0xE;
	v18 =	vld [tilespmem:$0x70]  }
0x7b: {  	[tilespmem:$0x2CC0] =	vst v17;
	v17 =	vand.u32 $0x3FFF, v19  }
0x7c: {  	[tilespmem:$0x2C50] =	vst v17;
	v17 =	vshrl.u32 v19, $0xE  }
0x7d: {  	[tilespmem:$0x2CD0] =	vst v17;
	v17 =	vand.u32 $0x3FFF, v63  }
0x7e: {  	[tilespmem:$0x2C60] =	vst v17;
	v17 =	vshrl.u32 v63, $0xE  }
0x7f: {  	[tilespmem:$0x2CE0] =	vst v17;
	v17 =	vand.u32 $0x3FFF, v18  }
0x80: {  	[tilespmem:$0x2C70] =	vst v17;
	v17 =	vshrl.u32 v18, $0xE  }
0x81: {  	s16 =	simm.s32 $0x2C00;
	[tilespmem:$0x2CF0] =	vst v17  }
0x82: {  	[tilespmem:s20], [sflag:$0x1] =	stream.indirect.gather [hbm4b:s1+s22], $0x80, s16, s22, $0xb8;
	[tilespmem:$0x1F580] =	vst v63  }
0x83: {  	s12 =	simm.s32 $0x2E00  }
0x84: {  	[tilespmem:s12], [sflag:$0x2] =	stream.indirect.gather [hbm4b:s6+s22], $0x1, s16, s22, $0xb8;
	[tilespmem:$0x1F580] =	vst v63  }
0x85: {  	s11 =	simm.s32 $0x0;
	s17 =	simm.s32 $0x2E80  }
0x86: {  	[tilespmem:s17], [sflag:$0x3] =	stream.indirect.gather [hbm4b:s7+s22], $0x1, s25, s22, $0xb8;
	[tilespmem:$0x1F580] =	vst v63  }
.LBB2_4:
0x87: {  	s12 =	sshll.u32 s11, $0x8  }
0x88: {  	v17 =	vld [tilespmem:s12+$0x80];
	_ =	sdelay $0x4  }
0x89: {  	v18 =	vand.u32 $0x3FFF, v17  }
0x8a: {  	v17 =	vshrl.u32 v17, $0xE;
	[tilespmem:$0x2D00] =	vst v18  }
0x8b: {  	[tilespmem:$0x2D80] =	vst v17  }
0x8c: {  	v17 =	vld [tilespmem:s12+$0x90];
	_ =	sdelay $0x4  }
0x8d: {  	v18 =	vand.u32 $0x3FFF, v17  }
0x8e: {  	v17 =	vshrl.u32 v17, $0xE;
	[tilespmem:$0x2D10] =	vst v18  }
0x8f: {  	[tilespmem:$0x2D90] =	vst v17  }
0x90: {  	v17 =	vld [tilespmem:s12+$0xA0];
	_ =	sdelay $0x4  }
0x91: {  	v18 =	vand.u32 $0x3FFF, v17  }
0x92: {  	v17 =	vshrl.u32 v17, $0xE;
	[tilespmem:$0x2D20] =	vst v18  }
0x93: {  	[tilespmem:$0x2DA0] =	vst v17  }
0x94: {  	v17 =	vld [tilespmem:s12+$0xB0];
	_ =	sdelay $0x4  }
0x95: {  	v18 =	vand.u32 $0x3FFF, v17  }
0x96: {  	v17 =	vshrl.u32 v17, $0xE;
	[tilespmem:$0x2D30] =	vst v18  }
0x97: {  	[tilespmem:$0x2DB0] =	vst v17  }
0x98: {  	v17 =	vld [tilespmem:s12+$0xC0];
	_ =	sdelay $0x4  }
0x99: {  	v18 =	vand.u32 $0x3FFF, v17  }
0x9a: {  	v17 =	vshrl.u32 v17, $0xE;
	[tilespmem:$0x2D40] =	vst v18  }
0x9b: {  	[tilespmem:$0x2DC0] =	vst v17  }
0x9c: {  	v17 =	vld [tilespmem:s12+$0xD0];
	_ =	sdelay $0x4  }
0x9d: {  	v18 =	vand.u32 $0x3FFF, v17  }
0x9e: {  	v17 =	vshrl.u32 v17, $0xE;
	[tilespmem:$0x2D50] =	vst v18  }
0x9f: {  	[tilespmem:$0x2DD0] =	vst v17  }
0xa0: {  	v17 =	vld [tilespmem:s12+$0xE0];
	_ =	sdelay $0x4  }
0xa1: {  	v18 =	vand.u32 $0x3FFF, v17  }
0xa2: {  	v17 =	vshrl.u32 v17, $0xE;
	[tilespmem:$0x2D60] =	vst v18  }
0xa3: {  	[tilespmem:$0x2DE0] =	vst v17  }
0xa4: {  	v17 =	vld [tilespmem:s12+$0xF0];
	_ =	sdelay $0x4  }
0xa5: {  	v18 =	vand.u32 $0x3FFF, v17  }
0xa6: {  	v17 =	vshrl.u32 v17, $0xE;
	[tilespmem:$0x2D70] =	vst v18  }
0xa7: {  	[tilespmem:$0x2DF0] =	vst v17  }
0xa8: {  	[tilespmem:s29], [sflag:$0x4] =	stream.indirect.gather [hbm4b:s1+s22], $0x80, s28, s22, $0xb8;
	[tilespmem:$0x1F580] =	vst v63  }
0xa9: {  	_ = 	snop  }
0xaa: {  	[tilespmem:s30], [sflag:$0x5] =	stream.indirect.gather [hbm4b:s6+s22], $0x1, s28, s22, $0xb8;
	[tilespmem:$0x1F580] =	vst v63  }
0xab: {  	_ = 	snop  }
0xac: {  	[tilespmem:s2], [sflag:$0x6] =	stream.indirect.gather [hbm4b:s7+s22], $0x1, s31, s22, $0xb8;
	[tilespmem:$0x1F580] =	vst v63  }
0xad: {  	_ =	swait.ge [sflag:s21], $0x80  }
0xae: {  	[sflag:s21] =	ssyncset.done $0x0  }
0xaf: {  	[sflag:s21] =	ssyncadd.s32 $0xFFFFFF80  }
0xb0: {  	_ =	swait.ge [sflag:s24], $0x80  }
0xb1: {  	[sflag:s24] =	ssyncset.done $0x0  }
0xb2: {  	[sflag:s24] =	ssyncadd.s32 $0xFFFFFF80  }
0xb3: {  	v17 =	vld [tilespmem:$0x2E00]  }
0xb4: {  	v18 =	vld [tilespmem:$0x2E80]  }
0xb5: {  	v19 =	vld [tilespmem:$0x2E10]  }
0xb6: {  	v20 =	vld [tilespmem:$0x2E90]  }
0xb7: {  	v21 =	vld [tilespmem:$0x2E20]  }
0xb8: {  	v22 =	vld [tilespmem:$0x2EA0]  }
0xb9: {  	v23 =	vld [tilespmem:$0x2E30]  }
0xba: {  	v24 =	vld [tilespmem:$0x2EB0]  }
0xbb: {  	v25 =	vld [tilespmem:$0x2E40]  }
0xbc: {  	v26 =	vld [tilespmem:$0x2EC0]  }
0xbd: {  	v55 =	vld [tilespmem:$0x2E60]  }
0xbe: {  	v29 =	vld [tilespmem:$0x2EE0]  }
0xbf: {  	v30 =	vld [tilespmem:$0x2E70];
	v17 =	vadd.f32 v18, v17  }
0xc0: {  	v57 =	vld [tilespmem:$0x2EF0];
	v19 =	vadd.f32 v20, v19  }
0xc1: {  	v54 =	vld [tilespmem:$0x2ED0];
	v27 =	vmul.f32 $2.000000030e-01, v17  }
0xc2: {  	v18 =	vld [tilespmem:$0x2E50];
	v28 =	vmul.f32 $2.000000030e-01, v19  }
0xc3: {  	v21 =	vadd.f32 v22, v21;
	v17 =	vmax.f32 v17, v27  }
0xc4: {  	v23 =	vadd.f32 v24, v23;
	v19 =	vmax.f32 v19, v28;
	v17 =	vmul.f32 $1.442695020e+00, v17  }
0xc5: {  	v58 =	vadd.f32 v29, v55;
	v60 =	vadd.f32 v57, v30;
	v19 =	vmul.f32 $1.442695020e+00, v19  }
0xc6: {  	v56 =	vmul.f32 $2.000000030e-01, v21;
	(erf) = vpow2.f32 v17;
	v17 =	vadd.f32 v26, v25  }
0xc7: {  	v18 =	vadd.f32 v54, v18;
	(erf) = vpow2.f32 v19;
	v19 =	vmul.f32 $2.000000030e-01, v23  }
0xc8: {  	v62 =	vmul.f32 $2.000000030e-01, v58;
	v21 =	vmax.f32 v21, v56;
	v59 =	vmul.f32 $2.000000030e-01, v17  }
0xc9: {  	v21 =	vmul.f32 $1.442695020e+00, v21;
	v61 =	vmul.f32 $2.000000030e-01, v18;
	v19 =	vmax.f32 v23, v19  }
0xca: {  	v63 =	vmul.f32 $2.000000030e-01, v60;
	v19 =	vmul.f32 $1.442695020e+00, v19;
	v17 =	vmax.f32 v17, v59  }
0xcb: {  	(erf) = vpow2.f32 v21;
	v18 =	vmax.f32 v18, v61;
	v17 =	vmul.f32 $1.442695020e+00, v17  }
0xcc: {  	v18 =	vmul.f32 $1.442695020e+00, v18;
	(erf) = vpow2.f32 v19;
	v19 =	vmax.f32 v58, v62  }
0xcd: {  	(erf) = vpow2.f32 v17;
	v17 =	vmax.f32 v60, v63;
	v19 =	vmul.f32 $1.442695020e+00, v19  }
0xce: {  	(erf) = vpow2.f32 v18;
	v17 =	vmul.f32 $1.442695020e+00, v17  }
0xcf: {  	(erf) = vpow2.f32 v19  }
0xd0: {  	(erf) = vpow2.f32 v17  }
0xd1: {  	s13 =	sadd.s32 s15, s12  }
0xd2: {  	p0 =	slt.u32 s13, $0x50910;
	s16 =	sor.u32 $0x10, s13;
	v17 =	vpop (erf)  }
0xd3: {  	s17 =	sor.u32 $0x20, s13;
	p6 =	slt.u32 s16, $0x50910;
	v18 =	vpop (erf);
	v17 =	vpsel !p0, $0x0, v17  }
0xd4: {  	p1 =	slt.u32 s17, $0x50910;
	s17 =	sor.u32 $0x30, s13;
	v19 =	vpop (erf);
	[tilespmem:$0x3000] =	vst v17;
	v17 =	vpsel !p6, $0x0, v18  }
0xd5: {  	p2 =	slt.u32 s17, $0x50910;
	s17 =	sor.u32 $0x40, s13;
	v18 =	vpop (erf);
	[tilespmem:$0x3010] =	vst v17;
	v17 =	vpsel !p1, $0x0, v19  }
0xd6: {  	p3 =	slt.u32 s17, $0x50910;
	s17 =	sor.u32 $0x50, s13;
	v19 =	vpop (erf);
	[tilespmem:$0x3020] =	vst v17;
	v17 =	vpsel !p2, $0x0, v18  }
0xd7: {  	p4 =	slt.u32 s17, $0x50910;
	s17 =	sor.u32 $0x60, s13;
	v18 =	vpop (erf);
	[tilespmem:$0x3030] =	vst v17;
	v17 =	vpsel !p3, $0x0, v19  }
0xd8: {  	s13 =	sor.u32 $0x70, s13;
	p5 =	slt.u32 s17, $0x50910;
	v19 =	vpop (erf);
	[tilespmem:$0x3040] =	vst v17;
	v17 =	vpsel !p4, $0x0, v18  }
0xd9: {  	p6 =	slt.u32 s13, $0x50910;
	[tilespmem:$0x3050] =	vst v17;
	v17 =	vpsel !p5, $0x0, v19;
	v18 =	vpop (erf)  }
0xda: {  	[tilespmem:$0x3060] =	vst v17;
	v17 =	vpsel !p6, $0x0, v18  }
0xdb: {  	[tilespmem:$0x3070] =	vst v17  }
0xdc: {  	[spmem:s4] =	stream.indirect.scatter.add.f32 [tilespmem:s5], [sflag:$0x7], $0x1, s25, s22, $0xb8;
	[tilespmem:$0x1F580] =	vst v63  }
0xdd: {  	_ =	swait.ge [sflag:s19], $0x80  }
0xde: {  	[sflag:s19] =	ssyncset.done $0x0  }
0xdf: {  	[sflag:s19] =	ssyncadd.s32 $0xFFFFFF80  }
0xe0: {  	_ =	swait.ge [sflag:s26], $0x4000  }
0xe1: {  	[sflag:s26] =	ssyncset.done $0x0  }
0xe2: {  	s16 =	simm.s32 $0x0;
	s13 =	sor.u32 $0x80, s12;
	[sflag:s26] =	ssyncadd.s32 $0xFFFFC000  }
.LBB2_5:
0xe3: {  	s17 =	sshll.u32 s16, $0x4  }
0xe4: {  	s17 =	sand.u32 $0x3FFFFFF0, s17  }
0xe5: {  	v17 =	vld [tilespmem:s17+$0x3000];
	s17 =	sshll.u32 s16, $0xB  }
0xe6: {  	s17 =	sand.u32 $0x3FFFF800, s17  }
0xe7: {  	v18 =	vld [tilespmem:s17+$0x3080]  }
0xe8: {  	v19 =	vld [tilespmem:s17+$0x3090]  }
0xe9: {  	v20 =	vld [tilespmem:s17+$0x30A0]  }
0xea: {  	v22 =	vld [tilespmem:s17+$0x30B0];
	v21 =	vperm.xlane v17, v1  }
0xeb: {  	v23 =	vld [tilespmem:s17+$0x30C0]  }
0xec: {  	v24 =	vld [tilespmem:s17+$0x30D0];
	v18 =	vmul.f32 v18, v21  }
0xed: {  	v25 =	vld [tilespmem:s17+$0x30E0];
	v19 =	vmul.f32 v19, v21  }
0xee: {  	v38 =	vld [tilespmem:s17+$0x30F0];
	[tilespmem:s17+$0x3080] =	vst v18;
	v18 =	vmul.f32 v20, v21  }
0xef: {  	v39 =	vld [tilespmem:s17+$0x3100];
	[tilespmem:s17+$0x3090] =	vst v19;
	v19 =	vmul.f32 v22, v21  }
0xf0: {  	v40 =	vld [tilespmem:s17+$0x3110];
	[tilespmem:s17+$0x30A0] =	vst v18;
	v18 =	vmul.f32 v23, v21  }
0xf1: {  	v41 =	vld [tilespmem:s17+$0x3120];
	[tilespmem:s17+$0x30B0] =	vst v19;
	v19 =	vmul.f32 v24, v21  }
0xf2: {  	v26 =	vld [tilespmem:s17+$0x3130];
	v42 =	vperm.xlane v17, v2;
	[tilespmem:s17+$0x30C0] =	vst v18;
	v18 =	vmul.f32 v25, v21  }
0xf3: {  	v43 =	vld [tilespmem:s17+$0x3140];
	[tilespmem:s17+$0x30D0] =	vst v19;
	v19 =	vmul.f32 v38, v21  }
0xf4: {  	v44 =	vld [tilespmem:s17+$0x3150];
	[tilespmem:s17+$0x30E0] =	vst v18;
	v18 =	vmul.f32 v39, v42  }
0xf5: {  	v45 =	vld [tilespmem:s17+$0x3160];
	[tilespmem:s17+$0x30F0] =	vst v19;
	v19 =	vmul.f32 v40, v42  }
0xf6: {  	v46 =	vld [tilespmem:s17+$0x3170];
	[tilespmem:s17+$0x3100] =	vst v18;
	v18 =	vmul.f32 v41, v42  }
0xf7: {  	v47 =	vld [tilespmem:s17+$0x3180];
	[tilespmem:s17+$0x3110] =	vst v19;
	v19 =	vmul.f32 v26, v42  }
0xf8: {  	v48 =	vld [tilespmem:s17+$0x3190];
	[tilespmem:s17+$0x3120] =	vst v18;
	v18 =	vmul.f32 v43, v42  }
0xf9: {  	v49 =	vld [tilespmem:s17+$0x31A0];
	[tilespmem:s17+$0x3130] =	vst v19;
	v19 =	vmul.f32 v44, v42  }
0xfa: {  	v51 =	vld [tilespmem:s17+$0x31B0];
	v50 =	vperm.xlane v17, v3;
	[tilespmem:s17+$0x3140] =	vst v18;
	v18 =	vmul.f32 v45, v42  }
0xfb: {  	v52 =	vld [tilespmem:s17+$0x31C0];
	[tilespmem:s17+$0x3150] =	vst v19;
	v19 =	vmul.f32 v46, v42  }
0xfc: {  	v53 =	vld [tilespmem:s17+$0x31D0];
	[tilespmem:s17+$0x3160] =	vst v18;
	v18 =	vmul.f32 v47, v50  }
0xfd: {  	v54 =	vld [tilespmem:s17+$0x31E0];
	[tilespmem:s17+$0x3170] =	vst v19;
	v19 =	vmul.f32 v48, v50  }
0xfe: {  	v55 =	vld [tilespmem:s17+$0x31F0];
	[tilespmem:s17+$0x3180] =	vst v18;
	v18 =	vmul.f32 v49, v50  }
0xff: {  	v56 =	vld [tilespmem:s17+$0x3200];
	[tilespmem:s17+$0x3190] =	vst v19;
	v19 =	vmul.f32 v51, v50  }
0x100: {  	v57 =	vld [tilespmem:s17+$0x3210];
	[tilespmem:s17+$0x31A0] =	vst v18;
	v18 =	vmul.f32 v52, v50  }
0x101: {  	v58 =	vld [tilespmem:s17+$0x3220];
	[tilespmem:s17+$0x31B0] =	vst v19;
	v19 =	vmul.f32 v53, v50  }
0x102: {  	v60 =	vld [tilespmem:s17+$0x3230];
	v59 =	vperm.xlane v17, v4;
	[tilespmem:s17+$0x31C0] =	vst v18;
	v18 =	vmul.f32 v54, v50  }
0x103: {  	v61 =	vld [tilespmem:s17+$0x3240];
	[tilespmem:s17+$0x31D0] =	vst v19;
	v19 =	vmul.f32 v55, v50  }
0x104: {  	v62 =	vld [tilespmem:s17+$0x3250];
	[tilespmem:s17+$0x31E0] =	vst v18;
	v18 =	vmul.f32 v56, v59  }
0x105: {  	v63 =	vld [tilespmem:s17+$0x3260];
	[tilespmem:s17+$0x31F0] =	vst v19;
	v19 =	vmul.f32 v57, v59  }
0x106: {  	v28 =	vld [tilespmem:s17+$0x3270];
	[tilespmem:s17+$0x3200] =	vst v18;
	v18 =	vmul.f32 v58, v59  }
0x107: {  	v29 =	vld [tilespmem:s17+$0x3280];
	[tilespmem:s17+$0x3210] =	vst v19;
	v19 =	vmul.f32 v60, v59  }
0x108: {  	v30 =	vld [tilespmem:s17+$0x3290];
	[tilespmem:s17+$0x3220] =	vst v18;
	v18 =	vmul.f32 v61, v59  }
0x109: {  	v31 =	vld [tilespmem:s17+$0x32A0];
	[tilespmem:s17+$0x3230] =	vst v19;
	v19 =	vmul.f32 v62, v59  }
0x10a: {  	v33 =	vld [tilespmem:s17+$0x32B0];
	v32 =	vperm.xlane v17, v5;
	[tilespmem:s17+$0x3240] =	vst v18;
	v18 =	vmul.f32 v63, v59  }
0x10b: {  	v34 =	vld [tilespmem:s17+$0x32C0];
	[tilespmem:s17+$0x3250] =	vst v19;
	v19 =	vmul.f32 v28, v59  }
0x10c: {  	v35 =	vld [tilespmem:s17+$0x32D0];
	[tilespmem:s17+$0x3260] =	vst v18;
	v18 =	vmul.f32 v29, v32  }
0x10d: {  	v36 =	vld [tilespmem:s17+$0x32E0];
	[tilespmem:s17+$0x3270] =	vst v19;
	v19 =	vmul.f32 v30, v32  }
0x10e: {  	v37 =	vld [tilespmem:s17+$0x32F0];
	[tilespmem:s17+$0x3280] =	vst v18;
	v18 =	vmul.f32 v31, v32  }
0x10f: {  	v38 =	vld [tilespmem:s17+$0x3300];
	[tilespmem:s17+$0x3290] =	vst v19;
	v19 =	vmul.f32 v33, v32  }
0x110: {  	v39 =	vld [tilespmem:s17+$0x3310];
	[tilespmem:s17+$0x32A0] =	vst v18;
	v18 =	vmul.f32 v34, v32  }
0x111: {  	v40 =	vld [tilespmem:s17+$0x3320];
	[tilespmem:s17+$0x32B0] =	vst v19;
	v19 =	vmul.f32 v35, v32  }
0x112: {  	v41 =	vperm.xlane v17, v6;
	v42 =	vld [tilespmem:s17+$0x3330];
	[tilespmem:s17+$0x32C0] =	vst v18;
	v18 =	vmul.f32 v36, v32  }
0x113: {  	v43 =	vld [tilespmem:s17+$0x3340];
	[tilespmem:s17+$0x32D0] =	vst v19;
	v19 =	vmul.f32 v37, v32  }
0x114: {  	v44 =	vld [tilespmem:s17+$0x3350];
	[tilespmem:s17+$0x32E0] =	vst v18;
	v18 =	vmul.f32 v38, v41  }
0x115: {  	v45 =	vld [tilespmem:s17+$0x3360];
	[tilespmem:s17+$0x32F0] =	vst v19;
	v19 =	vmul.f32 v39, v41  }
0x116: {  	v46 =	vld [tilespmem:s17+$0x3370];
	[tilespmem:s17+$0x3300] =	vst v18;
	v18 =	vmul.f32 v40, v41  }
0x117: {  	v47 =	vld [tilespmem:s17+$0x3380];
	[tilespmem:s17+$0x3310] =	vst v19;
	v19 =	vmul.f32 v42, v41  }
0x118: {  	v48 =	vld [tilespmem:s17+$0x3390];
	[tilespmem:s17+$0x3320] =	vst v18;
	v18 =	vmul.f32 v43, v41  }
0x119: {  	v49 =	vld [tilespmem:s17+$0x33A0];
	[tilespmem:s17+$0x3330] =	vst v19;
	v19 =	vmul.f32 v44, v41  }
0x11a: {  	v51 =	vld [tilespmem:s17+$0x33B0];
	v50 =	vperm.xlane v17, v7;
	[tilespmem:s17+$0x3340] =	vst v18;
	v18 =	vmul.f32 v45, v41  }
0x11b: {  	v52 =	vld [tilespmem:s17+$0x33C0];
	[tilespmem:s17+$0x3350] =	vst v19;
	v19 =	vmul.f32 v46, v41  }
0x11c: {  	v53 =	vld [tilespmem:s17+$0x33D0];
	[tilespmem:s17+$0x3360] =	vst v18;
	v18 =	vmul.f32 v47, v50  }
0x11d: {  	v54 =	vld [tilespmem:s17+$0x33E0];
	[tilespmem:s17+$0x3370] =	vst v19;
	v19 =	vmul.f32 v48, v50  }
0x11e: {  	v55 =	vld [tilespmem:s17+$0x33F0];
	[tilespmem:s17+$0x3380] =	vst v18;
	v18 =	vmul.f32 v49, v50  }
0x11f: {  	v56 =	vld [tilespmem:s17+$0x3400];
	[tilespmem:s17+$0x3390] =	vst v19;
	v19 =	vmul.f32 v51, v50  }
0x120: {  	v57 =	vld [tilespmem:s17+$0x3410];
	[tilespmem:s17+$0x33A0] =	vst v18;
	v18 =	vmul.f32 v52, v50  }
0x121: {  	v58 =	vld [tilespmem:s17+$0x3420];
	[tilespmem:s17+$0x33B0] =	vst v19;
	v19 =	vmul.f32 v53, v50  }
0x122: {  	v60 =	vld [tilespmem:s17+$0x3430];
	v59 =	vperm.xlane v17, v8;
	[tilespmem:s17+$0x33C0] =	vst v18;
	v18 =	vmul.f32 v54, v50  }
0x123: {  	v61 =	vld [tilespmem:s17+$0x3440];
	[tilespmem:s17+$0x33D0] =	vst v19;
	v19 =	vmul.f32 v55, v50  }
0x124: {  	v62 =	vld [tilespmem:s17+$0x3450];
	[tilespmem:s17+$0x33E0] =	vst v18;
	v18 =	vmul.f32 v56, v59  }
0x125: {  	v63 =	vld [tilespmem:s17+$0x3460];
	[tilespmem:s17+$0x33F0] =	vst v19;
	v19 =	vmul.f32 v57, v59  }
0x126: {  	v28 =	vld [tilespmem:s17+$0x3470];
	[tilespmem:s17+$0x3400] =	vst v18;
	v18 =	vmul.f32 v58, v59  }
0x127: {  	v29 =	vld [tilespmem:s17+$0x3480];
	[tilespmem:s17+$0x3410] =	vst v19;
	v19 =	vmul.f32 v60, v59  }
0x128: {  	v30 =	vld [tilespmem:s17+$0x3490];
	[tilespmem:s17+$0x3420] =	vst v18;
	v18 =	vmul.f32 v61, v59  }
0x129: {  	v31 =	vld [tilespmem:s17+$0x34A0];
	[tilespmem:s17+$0x3430] =	vst v19;
	v19 =	vmul.f32 v62, v59  }
0x12a: {  	v33 =	vld [tilespmem:s17+$0x34B0];
	v32 =	vperm.xlane v17, v9;
	[tilespmem:s17+$0x3440] =	vst v18;
	v18 =	vmul.f32 v63, v59  }
0x12b: {  	v34 =	vld [tilespmem:s17+$0x34C0];
	[tilespmem:s17+$0x3450] =	vst v19;
	v19 =	vmul.f32 v28, v59  }
0x12c: {  	v35 =	vld [tilespmem:s17+$0x34D0];
	[tilespmem:s17+$0x3460] =	vst v18;
	v18 =	vmul.f32 v29, v32  }
0x12d: {  	v36 =	vld [tilespmem:s17+$0x34E0];
	[tilespmem:s17+$0x3470] =	vst v19;
	v19 =	vmul.f32 v30, v32  }
0x12e: {  	v37 =	vld [tilespmem:s17+$0x34F0];
	[tilespmem:s17+$0x3480] =	vst v18;
	v18 =	vmul.f32 v31, v32  }
0x12f: {  	v38 =	vld [tilespmem:s17+$0x3500];
	[tilespmem:s17+$0x3490] =	vst v19;
	v19 =	vmul.f32 v33, v32  }
0x130: {  	v39 =	vld [tilespmem:s17+$0x3510];
	[tilespmem:s17+$0x34A0] =	vst v18;
	v18 =	vmul.f32 v34, v32  }
0x131: {  	v40 =	vld [tilespmem:s17+$0x3520];
	[tilespmem:s17+$0x34B0] =	vst v19;
	v19 =	vmul.f32 v35, v32  }
0x132: {  	v42 =	vld [tilespmem:s17+$0x3530];
	v41 =	vperm.xlane v17, v10;
	[tilespmem:s17+$0x34C0] =	vst v18;
	v18 =	vmul.f32 v36, v32  }
0x133: {  	v43 =	vld [tilespmem:s17+$0x3540];
	[tilespmem:s17+$0x34D0] =	vst v19;
	v19 =	vmul.f32 v37, v32  }
0x134: {  	v44 =	vld [tilespmem:s17+$0x3550];
	[tilespmem:s17+$0x34E0] =	vst v18;
	v18 =	vmul.f32 v38, v41  }
0x135: {  	v45 =	vld [tilespmem:s17+$0x3560];
	[tilespmem:s17+$0x34F0] =	vst v19;
	v19 =	vmul.f32 v39, v41  }
0x136: {  	v46 =	vld [tilespmem:s17+$0x3570];
	[tilespmem:s17+$0x3500] =	vst v18;
	v18 =	vmul.f32 v40, v41  }
0x137: {  	v47 =	vld [tilespmem:s17+$0x3580];
	[tilespmem:s17+$0x3510] =	vst v19;
	v19 =	vmul.f32 v42, v41  }
0x138: {  	v48 =	vld [tilespmem:s17+$0x3590];
	[tilespmem:s17+$0x3520] =	vst v18;
	v18 =	vmul.f32 v43, v41  }
0x139: {  	v49 =	vld [tilespmem:s17+$0x35A0];
	[tilespmem:s17+$0x3530] =	vst v19;
	v19 =	vmul.f32 v44, v41  }
0x13a: {  	v51 =	vld [tilespmem:s17+$0x35B0];
	v50 =	vperm.xlane v17, v11;
	[tilespmem:s17+$0x3540] =	vst v18;
	v18 =	vmul.f32 v45, v41  }
0x13b: {  	v52 =	vld [tilespmem:s17+$0x35C0];
	[tilespmem:s17+$0x3550] =	vst v19;
	v19 =	vmul.f32 v46, v41  }
0x13c: {  	v53 =	vld [tilespmem:s17+$0x35D0];
	[tilespmem:s17+$0x3560] =	vst v18;
	v18 =	vmul.f32 v47, v50  }
0x13d: {  	v54 =	vld [tilespmem:s17+$0x35E0];
	[tilespmem:s17+$0x3570] =	vst v19;
	v19 =	vmul.f32 v48, v50  }
0x13e: {  	v55 =	vld [tilespmem:s17+$0x35F0];
	[tilespmem:s17+$0x3580] =	vst v18;
	v18 =	vmul.f32 v49, v50  }
0x13f: {  	v56 =	vld [tilespmem:s17+$0x3600];
	[tilespmem:s17+$0x3590] =	vst v19;
	v19 =	vmul.f32 v51, v50  }
0x140: {  	v57 =	vld [tilespmem:s17+$0x3610];
	[tilespmem:s17+$0x35A0] =	vst v18;
	v18 =	vmul.f32 v52, v50  }
0x141: {  	v58 =	vld [tilespmem:s17+$0x3620];
	[tilespmem:s17+$0x35B0] =	vst v19;
	v19 =	vmul.f32 v53, v50  }
0x142: {  	v60 =	vld [tilespmem:s17+$0x3630];
	v59 =	vperm.xlane v17, v12;
	[tilespmem:s17+$0x35C0] =	vst v18;
	v18 =	vmul.f32 v54, v50  }
0x143: {  	v61 =	vld [tilespmem:s17+$0x3640];
	[tilespmem:s17+$0x35D0] =	vst v19;
	v19 =	vmul.f32 v55, v50  }
0x144: {  	v62 =	vld [tilespmem:s17+$0x3650];
	[tilespmem:s17+$0x35E0] =	vst v18;
	v18 =	vmul.f32 v56, v59  }
0x145: {  	v63 =	vld [tilespmem:s17+$0x3660];
	[tilespmem:s17+$0x35F0] =	vst v19;
	v19 =	vmul.f32 v57, v59  }
0x146: {  	v28 =	vld [tilespmem:s17+$0x3670];
	[tilespmem:s17+$0x3600] =	vst v18;
	v18 =	vmul.f32 v58, v59  }
0x147: {  	v29 =	vld [tilespmem:s17+$0x3680];
	[tilespmem:s17+$0x3610] =	vst v19;
	v19 =	vmul.f32 v60, v59  }
0x148: {  	v30 =	vld [tilespmem:s17+$0x3690];
	[tilespmem:s17+$0x3620] =	vst v18;
	v18 =	vmul.f32 v61, v59  }
0x149: {  	v31 =	vld [tilespmem:s17+$0x36A0];
	[tilespmem:s17+$0x3630] =	vst v19;
	v19 =	vmul.f32 v62, v59  }
0x14a: {  	v33 =	vld [tilespmem:s17+$0x36B0];
	v32 =	vperm.xlane v17, v13;
	[tilespmem:s17+$0x3640] =	vst v18;
	v18 =	vmul.f32 v63, v59  }
0x14b: {  	v34 =	vld [tilespmem:s17+$0x36C0];
	[tilespmem:s17+$0x3650] =	vst v19;
	v19 =	vmul.f32 v28, v59  }
0x14c: {  	v35 =	vld [tilespmem:s17+$0x36D0];
	[tilespmem:s17+$0x3660] =	vst v18;
	v18 =	vmul.f32 v29, v32  }
0x14d: {  	v36 =	vld [tilespmem:s17+$0x36E0];
	[tilespmem:s17+$0x3670] =	vst v19;
	v19 =	vmul.f32 v30, v32  }
0x14e: {  	v37 =	vld [tilespmem:s17+$0x36F0];
	[tilespmem:s17+$0x3680] =	vst v18;
	v18 =	vmul.f32 v31, v32  }
0x14f: {  	v38 =	vld [tilespmem:s17+$0x3700];
	[tilespmem:s17+$0x3690] =	vst v19;
	v19 =	vmul.f32 v33, v32  }
0x150: {  	v39 =	vld [tilespmem:s17+$0x3710];
	[tilespmem:s17+$0x36A0] =	vst v18;
	v18 =	vmul.f32 v34, v32  }
0x151: {  	v40 =	vld [tilespmem:s17+$0x3720];
	[tilespmem:s17+$0x36B0] =	vst v19;
	v19 =	vmul.f32 v35, v32  }
0x152: {  	v42 =	vld [tilespmem:s17+$0x3730];
	v41 =	vperm.xlane v17, v14;
	[tilespmem:s17+$0x36C0] =	vst v18;
	v18 =	vmul.f32 v36, v32  }
0x153: {  	v43 =	vld [tilespmem:s17+$0x3740];
	[tilespmem:s17+$0x36D0] =	vst v19;
	v19 =	vmul.f32 v37, v32  }
0x154: {  	v44 =	vld [tilespmem:s17+$0x3750];
	[tilespmem:s17+$0x36E0] =	vst v18;
	v18 =	vmul.f32 v38, v41  }
0x155: {  	v45 =	vld [tilespmem:s17+$0x3760];
	[tilespmem:s17+$0x36F0] =	vst v19;
	v19 =	vmul.f32 v39, v41  }
0x156: {  	v46 =	vld [tilespmem:s17+$0x3770];
	[tilespmem:s17+$0x3700] =	vst v18;
	v18 =	vmul.f32 v40, v41  }
0x157: {  	v47 =	vld [tilespmem:s17+$0x3780];
	[tilespmem:s17+$0x3710] =	vst v19;
	v19 =	vmul.f32 v42, v41  }
0x158: {  	v48 =	vld [tilespmem:s17+$0x3790];
	[tilespmem:s17+$0x3720] =	vst v18;
	v18 =	vmul.f32 v43, v41  }
0x159: {  	v49 =	vld [tilespmem:s17+$0x37A0];
	[tilespmem:s17+$0x3730] =	vst v19;
	v19 =	vmul.f32 v44, v41  }
0x15a: {  	v51 =	vld [tilespmem:s17+$0x37B0];
	v50 =	vperm.xlane v17, v15;
	[tilespmem:s17+$0x3740] =	vst v18;
	v18 =	vmul.f32 v45, v41  }
0x15b: {  	v52 =	vld [tilespmem:s17+$0x37C0];
	[tilespmem:s17+$0x3750] =	vst v19;
	v19 =	vmul.f32 v46, v41  }
0x15c: {  	v53 =	vld [tilespmem:s17+$0x37D0];
	[tilespmem:s17+$0x3760] =	vst v18;
	v18 =	vmul.f32 v47, v50  }
0x15d: {  	v54 =	vld [tilespmem:s17+$0x37E0];
	[tilespmem:s17+$0x3770] =	vst v19;
	v19 =	vmul.f32 v48, v50  }
0x15e: {  	v55 =	vld [tilespmem:s17+$0x37F0];
	[tilespmem:s17+$0x3780] =	vst v18;
	v18 =	vmul.f32 v49, v50  }
0x15f: {  	v56 =	vld [tilespmem:s17+$0x3800];
	[tilespmem:s17+$0x3790] =	vst v19;
	v19 =	vmul.f32 v51, v50  }
0x160: {  	v57 =	vld [tilespmem:s17+$0x3810];
	[tilespmem:s17+$0x37A0] =	vst v18;
	v18 =	vmul.f32 v52, v50  }
0x161: {  	v58 =	vld [tilespmem:s17+$0x3820];
	[tilespmem:s17+$0x37B0] =	vst v19;
	v19 =	vmul.f32 v53, v50  }
0x162: {  	v17 =	vperm.xlane v17, v16;
	v59 =	vld [tilespmem:s17+$0x3830];
	[tilespmem:s17+$0x37C0] =	vst v18;
	v18 =	vmul.f32 v54, v50  }
0x163: {  	v60 =	vld [tilespmem:s17+$0x3840];
	[tilespmem:s17+$0x37D0] =	vst v19;
	v19 =	vmul.f32 v55, v50  }
0x164: {  	v61 =	vld [tilespmem:s17+$0x3850];
	[tilespmem:s17+$0x37E0] =	vst v18;
	v18 =	vmul.f32 v56, v17  }
0x165: {  	v62 =	vld [tilespmem:s17+$0x3860];
	[tilespmem:s17+$0x37F0] =	vst v19;
	v19 =	vmul.f32 v57, v17  }
0x166: {  	v63 =	vld [tilespmem:s17+$0x3870];
	[tilespmem:s17+$0x3800] =	vst v18;
	v18 =	vmul.f32 v58, v17  }
0x167: {  	[tilespmem:s17+$0x3810] =	vst v19;
	v19 =	vmul.f32 v59, v17  }
0x168: {  	p0 =	sne.s32 s16, $0x7;
	[tilespmem:s17+$0x3820] =	vst v18;
	v18 =	vmul.f32 v60, v17  }
.Ltmp1:
0x169: {  	[tilespmem:s17+$0x3830] =	vst v19;
	v19 =	vmul.f32 v61, v17;
	(pc) =	sbr.rel @p0 .LBB2_5-.Ltmp1, $4  }
0x16a: {  	[tilespmem:s17+$0x3840] =	vst v18;
	v18 =	vmul.f32 v62, v17  }
0x16b: {  	[tilespmem:s17+$0x3850] =	vst v19;
	v17 =	vmul.f32 v63, v17  }
0x16c: {  	[tilespmem:s17+$0x3860] =	vst v18  }
0x16d: {  	s16 =	sadd.s32 $0x1, s16;
	[tilespmem:s17+$0x3870] =	vst v17  }
0x16e: {  	[spmem:s3] =	stream.indirect.scatter.add.f32 [tilespmem:s20], [sflag:$0x7], $0x80, s25, s22, $0xb8;
	[tilespmem:$0x1F580] =	vst v63  }
0x16f: {  	_ =	swait.ge [sflag:s19], $0x4000  }
0x170: {  	[sflag:s19] =	ssyncset.done $0x0  }
0x171: {  	p0 =	seq.s32 s11, $0x28;
	[sflag:s19] =	ssyncadd.s32 $0xFFFFC000  }
0x172: {  	v17 =	vld @!p0 [tilespmem:s12+$0x100];
	_ =	sdelay $0x4  }
0x173: {  	v18 =	vand.u32 @!p0 $0x3FFF, v17  }
0x174: {  	v17 =	vshrl.u32 @!p0 v17, $0xE;
	[tilespmem:$0x2C00] =	vst @!p0 v18  }
0x175: {  	[tilespmem:$0x2C80] =	vst @!p0 v17  }
0x176: {  	v17 =	vld @!p0 [tilespmem:s12+$0x110];
	_ =	sdelay $0x4  }
0x177: {  	v18 =	vand.u32 @!p0 $0x3FFF, v17  }
0x178: {  	v17 =	vshrl.u32 @!p0 v17, $0xE;
	[tilespmem:$0x2C10] =	vst @!p0 v18  }
0x179: {  	[tilespmem:$0x2C90] =	vst @!p0 v17  }
0x17a: {  	v17 =	vld @!p0 [tilespmem:s12+$0x120];
	_ =	sdelay $0x4  }
0x17b: {  	v18 =	vand.u32 @!p0 $0x3FFF, v17  }
0x17c: {  	v17 =	vshrl.u32 @!p0 v17, $0xE;
	[tilespmem:$0x2C20] =	vst @!p0 v18  }
0x17d: {  	[tilespmem:$0x2CA0] =	vst @!p0 v17  }
0x17e: {  	v17 =	vld @!p0 [tilespmem:s12+$0x130];
	_ =	sdelay $0x4  }
0x17f: {  	v18 =	vand.u32 @!p0 $0x3FFF, v17  }
0x180: {  	v17 =	vshrl.u32 @!p0 v17, $0xE;
	[tilespmem:$0x2C30] =	vst @!p0 v18  }
0x181: {  	[tilespmem:$0x2CB0] =	vst @!p0 v17  }
0x182: {  	v17 =	vld @!p0 [tilespmem:s12+$0x140];
	_ =	sdelay $0x4  }
0x183: {  	v18 =	vand.u32 @!p0 $0x3FFF, v17  }
0x184: {  	v17 =	vshrl.u32 @!p0 v17, $0xE;
	[tilespmem:$0x2C40] =	vst @!p0 v18  }
0x185: {  	[tilespmem:$0x2CC0] =	vst @!p0 v17  }
0x186: {  	v17 =	vld @!p0 [tilespmem:s12+$0x150];
	_ =	sdelay $0x4  }
0x187: {  	v18 =	vand.u32 @!p0 $0x3FFF, v17  }
0x188: {  	v17 =	vshrl.u32 @!p0 v17, $0xE;
	[tilespmem:$0x2C50] =	vst @!p0 v18  }
0x189: {  	[tilespmem:$0x2CD0] =	vst @!p0 v17  }
0x18a: {  	v17 =	vld @!p0 [tilespmem:s12+$0x160];
	_ =	sdelay $0x4  }
0x18b: {  	v18 =	vand.u32 @!p0 $0x3FFF, v17  }
0x18c: {  	v17 =	vshrl.u32 @!p0 v17, $0xE;
	[tilespmem:$0x2C60] =	vst @!p0 v18  }
0x18d: {  	[tilespmem:$0x2CE0] =	vst @!p0 v17  }
0x18e: {  	v17 =	vld @!p0 [tilespmem:s12+$0x170];
	_ =	sdelay $0x4  }
0x18f: {  	v18 =	vand.u32 @!p0 $0x3FFF, v17  }
0x190: {  	v17 =	vshrl.u32 @!p0 v17, $0xE;
	[tilespmem:$0x2C70] =	vst @!p0 v18  }
0x191: {  	s16 =	simm.s32 @!p0 $0x2C00;
	s17 =	simm.s32 @!p0 $0x3080;
	s12 =	simm.s32 @!p0 $0x80;
	[tilespmem:$0x2CF0] =	vst @!p0 v17  }
0x192: {  	[tilespmem:s17], [sflag:$0x1] =	stream.indirect.gather @!p0 [hbm4b:s1+s12], $0x80, s16, s12, $0xb8;
	[tilespmem:$0x1F580] =	vst v63  }
0x193: {  	s17 =	simm.s32 @!p0 $0x2E00  }
0x194: {  	[tilespmem:s17], [sflag:$0x2] =	stream.indirect.gather @!p0 [hbm4b:s6+s12], $0x1, s16, s12, $0xb8;
	[tilespmem:$0x1F580] =	vst v63  }
0x195: {  	s16 =	simm.s32 @!p0 $0x2C80;
	s17 =	simm.s32 @!p0 $0x2E80  }
0x196: {  	[tilespmem:s17], [sflag:$0x3] =	stream.indirect.gather @!p0 [hbm4b:s7+s12], $0x1, s16, s12, $0xb8;
	[tilespmem:$0x1F580] =	vst v63  }
0x197: {  	_ =	swait.ge [sflag:s0], $0x80  }
0x198: {  	[sflag:s0] =	ssyncset.done $0x0  }
0x199: {  	[sflag:s0] =	ssyncadd.s32 $0xFFFFFF80  }
0x19a: {  	_ =	swait.ge [sflag:s23], $0x80  }
0x19b: {  	[sflag:s23] =	ssyncset.done $0x0  }
0x19c: {  	[sflag:s23] =	ssyncadd.s32 $0xFFFFFF80  }
0x19d: {  	v17 =	vld [tilespmem:$0x2F00]  }
0x19e: {  	v18 =	vld [tilespmem:$0x2F80]  }
0x19f: {  	v19 =	vld [tilespmem:$0x2F10]  }
0x1a0: {  	v20 =	vld [tilespmem:$0x2F90]  }
0x1a1: {  	v21 =	vld [tilespmem:$0x2F20]  }
0x1a2: {  	v22 =	vld [tilespmem:$0x2FA0]  }
0x1a3: {  	v23 =	vld [tilespmem:$0x2F30]  }
0x1a4: {  	v24 =	vld [tilespmem:$0x2FB0]  }
0x1a5: {  	v25 =	vld [tilespmem:$0x2F40]  }
0x1a6: {  	v26 =	vld [tilespmem:$0x2FC0]  }
0x1a7: {  	v55 =	vld [tilespmem:$0x2F60]  }
0x1a8: {  	v29 =	vld [tilespmem:$0x2FE0]  }
0x1a9: {  	v30 =	vld [tilespmem:$0x2F70];
	v17 =	vadd.f32 v18, v17  }
0x1aa: {  	v57 =	vld [tilespmem:$0x2FF0];
	v19 =	vadd.f32 v20, v19  }
0x1ab: {  	v54 =	vld [tilespmem:$0x2FD0];
	v27 =	vmul.f32 $2.000000030e-01, v17  }
0x1ac: {  	v18 =	vld [tilespmem:$0x2F50];
	v28 =	vmul.f32 $2.000000030e-01, v19  }
0x1ad: {  	v21 =	vadd.f32 v22, v21;
	v17 =	vmax.f32 v17, v27  }
0x1ae: {  	v23 =	vadd.f32 v24, v23;
	v19 =	vmax.f32 v19, v28;
	v17 =	vmul.f32 $1.442695020e+00, v17  }
0x1af: {  	v58 =	vadd.f32 v29, v55;
	v60 =	vadd.f32 v57, v30;
	v19 =	vmul.f32 $1.442695020e+00, v19  }
0x1b0: {  	v56 =	vmul.f32 $2.000000030e-01, v21;
	(erf) = vpow2.f32 v17;
	v17 =	vadd.f32 v26, v25  }
0x1b1: {  	v18 =	vadd.f32 v54, v18;
	(erf) = vpow2.f32 v19;
	v19 =	vmul.f32 $2.000000030e-01, v23  }
0x1b2: {  	v62 =	vmul.f32 $2.000000030e-01, v58;
	v21 =	vmax.f32 v21, v56;
	v59 =	vmul.f32 $2.000000030e-01, v17  }
0x1b3: {  	v21 =	vmul.f32 $1.442695020e+00, v21;
	v61 =	vmul.f32 $2.000000030e-01, v18;
	v19 =	vmax.f32 v23, v19  }
0x1b4: {  	v63 =	vmul.f32 $2.000000030e-01, v60;
	v19 =	vmul.f32 $1.442695020e+00, v19;
	v17 =	vmax.f32 v17, v59  }
0x1b5: {  	(erf) = vpow2.f32 v21;
	v18 =	vmax.f32 v18, v61;
	v17 =	vmul.f32 $1.442695020e+00, v17  }
0x1b6: {  	v18 =	vmul.f32 $1.442695020e+00, v18;
	(erf) = vpow2.f32 v19;
	v19 =	vmax.f32 v58, v62  }
0x1b7: {  	(erf) = vpow2.f32 v17;
	v17 =	vmax.f32 v60, v63;
	v19 =	vmul.f32 $1.442695020e+00, v19  }
0x1b8: {  	(erf) = vpow2.f32 v18;
	v17 =	vmul.f32 $1.442695020e+00, v17  }
0x1b9: {  	(erf) = vpow2.f32 v19  }
0x1ba: {  	(erf) = vpow2.f32 v17  }
0x1bb: {  	s12 =	sadd.s32 s15, s13  }
0x1bc: {  	p5 =	slt.u32 s12, $0x50910;
	s13 =	sor.u32 $0x10, s12;
	v17 =	vpop (erf)  }
0x1bd: {  	s17 =	sor.u32 $0x20, s12;
	p6 =	slt.u32 s13, $0x50910;
	v18 =	vpop (erf);
	v17 =	vpsel !p5, $0x0, v17  }
0x1be: {  	s16 =	sor.u32 $0x30, s12;
	p1 =	slt.u32 s17, $0x50910;
	v19 =	vpop (erf);
	[tilespmem:$0x3000] =	vst v17;
	v17 =	vpsel !p6, $0x0, v18  }
0x1bf: {  	p2 =	slt.u32 s16, $0x50910;
	s17 =	sor.u32 $0x40, s12;
	v18 =	vpop (erf);
	[tilespmem:$0x3010] =	vst v17;
	v17 =	vpsel !p1, $0x0, v19  }
0x1c0: {  	s16 =	sor.u32 $0x50, s12;
	p3 =	slt.u32 s17, $0x50910;
	v19 =	vpop (erf);
	[tilespmem:$0x3020] =	vst v17;
	v17 =	vpsel !p2, $0x0, v18  }
0x1c1: {  	p4 =	slt.u32 s16, $0x50910;
	s17 =	sor.u32 $0x60, s12;
	v18 =	vpop (erf);
	[tilespmem:$0x3030] =	vst v17;
	v17 =	vpsel !p3, $0x0, v19  }
0x1c2: {  	s12 =	sor.u32 $0x70, s12;
	p5 =	slt.u32 s17, $0x50910;
	v19 =	vpop (erf);
	[tilespmem:$0x3040] =	vst v17;
	v17 =	vpsel !p4, $0x0, v18  }
0x1c3: {  	p6 =	slt.u32 s12, $0x50910;
	[tilespmem:$0x3050] =	vst v17;
	v17 =	vpsel !p5, $0x0, v19;
	v18 =	vpop (erf)  }
0x1c4: {  	[tilespmem:$0x3060] =	vst v17;
	v17 =	vpsel !p6, $0x0, v18  }
0x1c5: {  	[tilespmem:$0x3070] =	vst v17  }
0x1c6: {  	[spmem:s4] =	stream.indirect.scatter.add.f32 [tilespmem:s5], [sflag:$0x7], $0x1, s31, s22, $0xb8;
	[tilespmem:$0x1F580] =	vst v63  }
0x1c7: {  	_ =	swait.ge [sflag:s19], $0x80  }
0x1c8: {  	[sflag:s19] =	ssyncset.done $0x0  }
0x1c9: {  	[sflag:s19] =	ssyncadd.s32 $0xFFFFFF80  }
0x1ca: {  	_ =	swait.ge [sflag:s8], $0x4000  }
0x1cb: {  	[sflag:s8] =	ssyncset.done $0x0  }
0x1cc: {  	s12 =	simm.s32 $0x0;
	[sflag:s8] =	ssyncadd.s32 $0xFFFFC000  }
.LBB2_7:
0x1cd: {  	s13 =	sshll.u32 s12, $0x4  }
0x1ce: {  	s13 =	sand.u32 $0x3FFFFFF0, s13  }
0x1cf: {  	s17 =	sshll.u32 s12, $0xB;
	v17 =	vld [tilespmem:s13+$0x3000]  }
0x1d0: {  	s13 =	sand.u32 $0x3FFFF800, s17  }
0x1d1: {  	v18 =	vld [tilespmem:s13+$0x7080]  }
0x1d2: {  	v19 =	vld [tilespmem:s13+$0x7090]  }
0x1d3: {  	v20 =	vld [tilespmem:s13+$0x70A0]  }
0x1d4: {  	v22 =	vld [tilespmem:s13+$0x70B0];
	v21 =	vperm.xlane v17, v1  }
0x1d5: {  	v23 =	vld [tilespmem:s13+$0x70C0]  }
0x1d6: {  	v24 =	vld [tilespmem:s13+$0x70D0];
	v18 =	vmul.f32 v18, v21  }
0x1d7: {  	v25 =	vld [tilespmem:s13+$0x70E0];
	v19 =	vmul.f32 v19, v21  }
0x1d8: {  	v38 =	vld [tilespmem:s13+$0x70F0];
	[tilespmem:s13+$0x7080] =	vst v18;
	v18 =	vmul.f32 v20, v21  }
0x1d9: {  	v39 =	vld [tilespmem:s13+$0x7100];
	[tilespmem:s13+$0x7090] =	vst v19;
	v19 =	vmul.f32 v22, v21  }
0x1da: {  	v40 =	vld [tilespmem:s13+$0x7110];
	[tilespmem:s13+$0x70A0] =	vst v18;
	v18 =	vmul.f32 v23, v21  }
0x1db: {  	v41 =	vld [tilespmem:s13+$0x7120];
	[tilespmem:s13+$0x70B0] =	vst v19;
	v19 =	vmul.f32 v24, v21  }
0x1dc: {  	v26 =	vld [tilespmem:s13+$0x7130];
	v42 =	vperm.xlane v17, v2;
	[tilespmem:s13+$0x70C0] =	vst v18;
	v18 =	vmul.f32 v25, v21  }
0x1dd: {  	v43 =	vld [tilespmem:s13+$0x7140];
	[tilespmem:s13+$0x70D0] =	vst v19;
	v19 =	vmul.f32 v38, v21  }
0x1de: {  	v44 =	vld [tilespmem:s13+$0x7150];
	[tilespmem:s13+$0x70E0] =	vst v18;
	v18 =	vmul.f32 v39, v42  }
0x1df: {  	v45 =	vld [tilespmem:s13+$0x7160];
	[tilespmem:s13+$0x70F0] =	vst v19;
	v19 =	vmul.f32 v40, v42  }
0x1e0: {  	v46 =	vld [tilespmem:s13+$0x7170];
	[tilespmem:s13+$0x7100] =	vst v18;
	v18 =	vmul.f32 v41, v42  }
0x1e1: {  	v47 =	vld [tilespmem:s13+$0x7180];
	[tilespmem:s13+$0x7110] =	vst v19;
	v19 =	vmul.f32 v26, v42  }
0x1e2: {  	v48 =	vld [tilespmem:s13+$0x7190];
	[tilespmem:s13+$0x7120] =	vst v18;
	v18 =	vmul.f32 v43, v42  }
0x1e3: {  	v49 =	vld [tilespmem:s13+$0x71A0];
	[tilespmem:s13+$0x7130] =	vst v19;
	v19 =	vmul.f32 v44, v42  }
0x1e4: {  	v51 =	vld [tilespmem:s13+$0x71B0];
	v50 =	vperm.xlane v17, v3;
	[tilespmem:s13+$0x7140] =	vst v18;
	v18 =	vmul.f32 v45, v42  }
0x1e5: {  	v52 =	vld [tilespmem:s13+$0x71C0];
	[tilespmem:s13+$0x7150] =	vst v19;
	v19 =	vmul.f32 v46, v42  }
0x1e6: {  	v53 =	vld [tilespmem:s13+$0x71D0];
	[tilespmem:s13+$0x7160] =	vst v18;
	v18 =	vmul.f32 v47, v50  }
0x1e7: {  	v54 =	vld [tilespmem:s13+$0x71E0];
	[tilespmem:s13+$0x7170] =	vst v19;
	v19 =	vmul.f32 v48, v50  }
0x1e8: {  	v55 =	vld [tilespmem:s13+$0x71F0];
	[tilespmem:s13+$0x7180] =	vst v18;
	v18 =	vmul.f32 v49, v50  }
0x1e9: {  	v56 =	vld [tilespmem:s13+$0x7200];
	[tilespmem:s13+$0x7190] =	vst v19;
	v19 =	vmul.f32 v51, v50  }
0x1ea: {  	v57 =	vld [tilespmem:s13+$0x7210];
	[tilespmem:s13+$0x71A0] =	vst v18;
	v18 =	vmul.f32 v52, v50  }
0x1eb: {  	v58 =	vld [tilespmem:s13+$0x7220];
	[tilespmem:s13+$0x71B0] =	vst v19;
	v19 =	vmul.f32 v53, v50  }
0x1ec: {  	v60 =	vld [tilespmem:s13+$0x7230];
	v59 =	vperm.xlane v17, v4;
	[tilespmem:s13+$0x71C0] =	vst v18;
	v18 =	vmul.f32 v54, v50  }
0x1ed: {  	v61 =	vld [tilespmem:s13+$0x7240];
	[tilespmem:s13+$0x71D0] =	vst v19;
	v19 =	vmul.f32 v55, v50  }
0x1ee: {  	v62 =	vld [tilespmem:s13+$0x7250];
	[tilespmem:s13+$0x71E0] =	vst v18;
	v18 =	vmul.f32 v56, v59  }
0x1ef: {  	v63 =	vld [tilespmem:s13+$0x7260];
	[tilespmem:s13+$0x71F0] =	vst v19;
	v19 =	vmul.f32 v57, v59  }
0x1f0: {  	v28 =	vld [tilespmem:s13+$0x7270];
	[tilespmem:s13+$0x7200] =	vst v18;
	v18 =	vmul.f32 v58, v59  }
0x1f1: {  	v29 =	vld [tilespmem:s13+$0x7280];
	[tilespmem:s13+$0x7210] =	vst v19;
	v19 =	vmul.f32 v60, v59  }
0x1f2: {  	v30 =	vld [tilespmem:s13+$0x7290];
	[tilespmem:s13+$0x7220] =	vst v18;
	v18 =	vmul.f32 v61, v59  }
0x1f3: {  	v31 =	vld [tilespmem:s13+$0x72A0];
	[tilespmem:s13+$0x7230] =	vst v19;
	v19 =	vmul.f32 v62, v59  }
0x1f4: {  	v33 =	vld [tilespmem:s13+$0x72B0];
	v32 =	vperm.xlane v17, v5;
	[tilespmem:s13+$0x7240] =	vst v18;
	v18 =	vmul.f32 v63, v59  }
0x1f5: {  	v34 =	vld [tilespmem:s13+$0x72C0];
	[tilespmem:s13+$0x7250] =	vst v19;
	v19 =	vmul.f32 v28, v59  }
0x1f6: {  	v35 =	vld [tilespmem:s13+$0x72D0];
	[tilespmem:s13+$0x7260] =	vst v18;
	v18 =	vmul.f32 v29, v32  }
0x1f7: {  	v36 =	vld [tilespmem:s13+$0x72E0];
	[tilespmem:s13+$0x7270] =	vst v19;
	v19 =	vmul.f32 v30, v32  }
0x1f8: {  	v37 =	vld [tilespmem:s13+$0x72F0];
	[tilespmem:s13+$0x7280] =	vst v18;
	v18 =	vmul.f32 v31, v32  }
0x1f9: {  	v38 =	vld [tilespmem:s13+$0x7300];
	[tilespmem:s13+$0x7290] =	vst v19;
	v19 =	vmul.f32 v33, v32  }
0x1fa: {  	v39 =	vld [tilespmem:s13+$0x7310];
	[tilespmem:s13+$0x72A0] =	vst v18;
	v18 =	vmul.f32 v34, v32  }
0x1fb: {  	v40 =	vld [tilespmem:s13+$0x7320];
	[tilespmem:s13+$0x72B0] =	vst v19;
	v19 =	vmul.f32 v35, v32  }
0x1fc: {  	v41 =	vperm.xlane v17, v6;
	v42 =	vld [tilespmem:s13+$0x7330];
	[tilespmem:s13+$0x72C0] =	vst v18;
	v18 =	vmul.f32 v36, v32  }
0x1fd: {  	v43 =	vld [tilespmem:s13+$0x7340];
	[tilespmem:s13+$0x72D0] =	vst v19;
	v19 =	vmul.f32 v37, v32  }
0x1fe: {  	v44 =	vld [tilespmem:s13+$0x7350];
	[tilespmem:s13+$0x72E0] =	vst v18;
	v18 =	vmul.f32 v38, v41  }
0x1ff: {  	v45 =	vld [tilespmem:s13+$0x7360];
	[tilespmem:s13+$0x72F0] =	vst v19;
	v19 =	vmul.f32 v39, v41  }
0x200: {  	v46 =	vld [tilespmem:s13+$0x7370];
	[tilespmem:s13+$0x7300] =	vst v18;
	v18 =	vmul.f32 v40, v41  }
0x201: {  	v47 =	vld [tilespmem:s13+$0x7380];
	[tilespmem:s13+$0x7310] =	vst v19;
	v19 =	vmul.f32 v42, v41  }
0x202: {  	v48 =	vld [tilespmem:s13+$0x7390];
	[tilespmem:s13+$0x7320] =	vst v18;
	v18 =	vmul.f32 v43, v41  }
0x203: {  	v49 =	vld [tilespmem:s13+$0x73A0];
	[tilespmem:s13+$0x7330] =	vst v19;
	v19 =	vmul.f32 v44, v41  }
0x204: {  	v51 =	vld [tilespmem:s13+$0x73B0];
	v50 =	vperm.xlane v17, v7;
	[tilespmem:s13+$0x7340] =	vst v18;
	v18 =	vmul.f32 v45, v41  }
0x205: {  	v52 =	vld [tilespmem:s13+$0x73C0];
	[tilespmem:s13+$0x7350] =	vst v19;
	v19 =	vmul.f32 v46, v41  }
0x206: {  	v53 =	vld [tilespmem:s13+$0x73D0];
	[tilespmem:s13+$0x7360] =	vst v18;
	v18 =	vmul.f32 v47, v50  }
0x207: {  	v54 =	vld [tilespmem:s13+$0x73E0];
	[tilespmem:s13+$0x7370] =	vst v19;
	v19 =	vmul.f32 v48, v50  }
0x208: {  	v55 =	vld [tilespmem:s13+$0x73F0];
	[tilespmem:s13+$0x7380] =	vst v18;
	v18 =	vmul.f32 v49, v50  }
0x209: {  	v56 =	vld [tilespmem:s13+$0x7400];
	[tilespmem:s13+$0x7390] =	vst v19;
	v19 =	vmul.f32 v51, v50  }
0x20a: {  	v57 =	vld [tilespmem:s13+$0x7410];
	[tilespmem:s13+$0x73A0] =	vst v18;
	v18 =	vmul.f32 v52, v50  }
0x20b: {  	v58 =	vld [tilespmem:s13+$0x7420];
	[tilespmem:s13+$0x73B0] =	vst v19;
	v19 =	vmul.f32 v53, v50  }
0x20c: {  	v60 =	vld [tilespmem:s13+$0x7430];
	v59 =	vperm.xlane v17, v8;
	[tilespmem:s13+$0x73C0] =	vst v18;
	v18 =	vmul.f32 v54, v50  }
0x20d: {  	v61 =	vld [tilespmem:s13+$0x7440];
	[tilespmem:s13+$0x73D0] =	vst v19;
	v19 =	vmul.f32 v55, v50  }
0x20e: {  	v62 =	vld [tilespmem:s13+$0x7450];
	[tilespmem:s13+$0x73E0] =	vst v18;
	v18 =	vmul.f32 v56, v59  }
0x20f: {  	v63 =	vld [tilespmem:s13+$0x7460];
	[tilespmem:s13+$0x73F0] =	vst v19;
	v19 =	vmul.f32 v57, v59  }
0x210: {  	v28 =	vld [tilespmem:s13+$0x7470];
	[tilespmem:s13+$0x7400] =	vst v18;
	v18 =	vmul.f32 v58, v59  }
0x211: {  	v29 =	vld [tilespmem:s13+$0x7480];
	[tilespmem:s13+$0x7410] =	vst v19;
	v19 =	vmul.f32 v60, v59  }
0x212: {  	v30 =	vld [tilespmem:s13+$0x7490];
	[tilespmem:s13+$0x7420] =	vst v18;
	v18 =	vmul.f32 v61, v59  }
0x213: {  	v31 =	vld [tilespmem:s13+$0x74A0];
	[tilespmem:s13+$0x7430] =	vst v19;
	v19 =	vmul.f32 v62, v59  }
0x214: {  	v33 =	vld [tilespmem:s13+$0x74B0];
	v32 =	vperm.xlane v17, v9;
	[tilespmem:s13+$0x7440] =	vst v18;
	v18 =	vmul.f32 v63, v59  }
0x215: {  	v34 =	vld [tilespmem:s13+$0x74C0];
	[tilespmem:s13+$0x7450] =	vst v19;
	v19 =	vmul.f32 v28, v59  }
0x216: {  	v35 =	vld [tilespmem:s13+$0x74D0];
	[tilespmem:s13+$0x7460] =	vst v18;
	v18 =	vmul.f32 v29, v32  }
0x217: {  	v36 =	vld [tilespmem:s13+$0x74E0];
	[tilespmem:s13+$0x7470] =	vst v19;
	v19 =	vmul.f32 v30, v32  }
0x218: {  	v37 =	vld [tilespmem:s13+$0x74F0];
	[tilespmem:s13+$0x7480] =	vst v18;
	v18 =	vmul.f32 v31, v32  }
0x219: {  	v38 =	vld [tilespmem:s13+$0x7500];
	[tilespmem:s13+$0x7490] =	vst v19;
	v19 =	vmul.f32 v33, v32  }
0x21a: {  	v39 =	vld [tilespmem:s13+$0x7510];
	[tilespmem:s13+$0x74A0] =	vst v18;
	v18 =	vmul.f32 v34, v32  }
0x21b: {  	v40 =	vld [tilespmem:s13+$0x7520];
	[tilespmem:s13+$0x74B0] =	vst v19;
	v19 =	vmul.f32 v35, v32  }
0x21c: {  	v42 =	vld [tilespmem:s13+$0x7530];
	v41 =	vperm.xlane v17, v10;
	[tilespmem:s13+$0x74C0] =	vst v18;
	v18 =	vmul.f32 v36, v32  }
0x21d: {  	v43 =	vld [tilespmem:s13+$0x7540];
	[tilespmem:s13+$0x74D0] =	vst v19;
	v19 =	vmul.f32 v37, v32  }
0x21e: {  	v44 =	vld [tilespmem:s13+$0x7550];
	[tilespmem:s13+$0x74E0] =	vst v18;
	v18 =	vmul.f32 v38, v41  }
0x21f: {  	v45 =	vld [tilespmem:s13+$0x7560];
	[tilespmem:s13+$0x74F0] =	vst v19;
	v19 =	vmul.f32 v39, v41  }
0x220: {  	v46 =	vld [tilespmem:s13+$0x7570];
	[tilespmem:s13+$0x7500] =	vst v18;
	v18 =	vmul.f32 v40, v41  }
0x221: {  	v47 =	vld [tilespmem:s13+$0x7580];
	[tilespmem:s13+$0x7510] =	vst v19;
	v19 =	vmul.f32 v42, v41  }
0x222: {  	v48 =	vld [tilespmem:s13+$0x7590];
	[tilespmem:s13+$0x7520] =	vst v18;
	v18 =	vmul.f32 v43, v41  }
0x223: {  	v49 =	vld [tilespmem:s13+$0x75A0];
	[tilespmem:s13+$0x7530] =	vst v19;
	v19 =	vmul.f32 v44, v41  }
0x224: {  	v51 =	vld [tilespmem:s13+$0x75B0];
	v50 =	vperm.xlane v17, v11;
	[tilespmem:s13+$0x7540] =	vst v18;
	v18 =	vmul.f32 v45, v41  }
0x225: {  	v52 =	vld [tilespmem:s13+$0x75C0];
	[tilespmem:s13+$0x7550] =	vst v19;
	v19 =	vmul.f32 v46, v41  }
0x226: {  	v53 =	vld [tilespmem:s13+$0x75D0];
	[tilespmem:s13+$0x7560] =	vst v18;
	v18 =	vmul.f32 v47, v50  }
0x227: {  	v54 =	vld [tilespmem:s13+$0x75E0];
	[tilespmem:s13+$0x7570] =	vst v19;
	v19 =	vmul.f32 v48, v50  }
0x228: {  	v55 =	vld [tilespmem:s13+$0x75F0];
	[tilespmem:s13+$0x7580] =	vst v18;
	v18 =	vmul.f32 v49, v50  }
0x229: {  	v56 =	vld [tilespmem:s13+$0x7600];
	[tilespmem:s13+$0x7590] =	vst v19;
	v19 =	vmul.f32 v51, v50  }
0x22a: {  	v57 =	vld [tilespmem:s13+$0x7610];
	[tilespmem:s13+$0x75A0] =	vst v18;
	v18 =	vmul.f32 v52, v50  }
0x22b: {  	v58 =	vld [tilespmem:s13+$0x7620];
	[tilespmem:s13+$0x75B0] =	vst v19;
	v19 =	vmul.f32 v53, v50  }
0x22c: {  	v60 =	vld [tilespmem:s13+$0x7630];
	v59 =	vperm.xlane v17, v12;
	[tilespmem:s13+$0x75C0] =	vst v18;
	v18 =	vmul.f32 v54, v50  }
0x22d: {  	v61 =	vld [tilespmem:s13+$0x7640];
	[tilespmem:s13+$0x75D0] =	vst v19;
	v19 =	vmul.f32 v55, v50  }
0x22e: {  	v62 =	vld [tilespmem:s13+$0x7650];
	[tilespmem:s13+$0x75E0] =	vst v18;
	v18 =	vmul.f32 v56, v59  }
0x22f: {  	v63 =	vld [tilespmem:s13+$0x7660];
	[tilespmem:s13+$0x75F0] =	vst v19;
	v19 =	vmul.f32 v57, v59  }
0x230: {  	v28 =	vld [tilespmem:s13+$0x7670];
	[tilespmem:s13+$0x7600] =	vst v18;
	v18 =	vmul.f32 v58, v59  }
0x231: {  	v29 =	vld [tilespmem:s13+$0x7680];
	[tilespmem:s13+$0x7610] =	vst v19;
	v19 =	vmul.f32 v60, v59  }
0x232: {  	v30 =	vld [tilespmem:s13+$0x7690];
	[tilespmem:s13+$0x7620] =	vst v18;
	v18 =	vmul.f32 v61, v59  }
0x233: {  	v31 =	vld [tilespmem:s13+$0x76A0];
	[tilespmem:s13+$0x7630] =	vst v19;
	v19 =	vmul.f32 v62, v59  }
0x234: {  	v33 =	vld [tilespmem:s13+$0x76B0];
	v32 =	vperm.xlane v17, v13;
	[tilespmem:s13+$0x7640] =	vst v18;
	v18 =	vmul.f32 v63, v59  }
0x235: {  	v34 =	vld [tilespmem:s13+$0x76C0];
	[tilespmem:s13+$0x7650] =	vst v19;
	v19 =	vmul.f32 v28, v59  }
0x236: {  	v35 =	vld [tilespmem:s13+$0x76D0];
	[tilespmem:s13+$0x7660] =	vst v18;
	v18 =	vmul.f32 v29, v32  }
0x237: {  	v36 =	vld [tilespmem:s13+$0x76E0];
	[tilespmem:s13+$0x7670] =	vst v19;
	v19 =	vmul.f32 v30, v32  }
0x238: {  	v37 =	vld [tilespmem:s13+$0x76F0];
	[tilespmem:s13+$0x7680] =	vst v18;
	v18 =	vmul.f32 v31, v32  }
0x239: {  	v38 =	vld [tilespmem:s13+$0x7700];
	[tilespmem:s13+$0x7690] =	vst v19;
	v19 =	vmul.f32 v33, v32  }
0x23a: {  	v39 =	vld [tilespmem:s13+$0x7710];
	[tilespmem:s13+$0x76A0] =	vst v18;
	v18 =	vmul.f32 v34, v32  }
0x23b: {  	v40 =	vld [tilespmem:s13+$0x7720];
	[tilespmem:s13+$0x76B0] =	vst v19;
	v19 =	vmul.f32 v35, v32  }
0x23c: {  	v42 =	vld [tilespmem:s13+$0x7730];
	v41 =	vperm.xlane v17, v14;
	[tilespmem:s13+$0x76C0] =	vst v18;
	v18 =	vmul.f32 v36, v32  }
0x23d: {  	v43 =	vld [tilespmem:s13+$0x7740];
	[tilespmem:s13+$0x76D0] =	vst v19;
	v19 =	vmul.f32 v37, v32  }
0x23e: {  	v44 =	vld [tilespmem:s13+$0x7750];
	[tilespmem:s13+$0x76E0] =	vst v18;
	v18 =	vmul.f32 v38, v41  }
0x23f: {  	v45 =	vld [tilespmem:s13+$0x7760];
	[tilespmem:s13+$0x76F0] =	vst v19;
	v19 =	vmul.f32 v39, v41  }
0x240: {  	v46 =	vld [tilespmem:s13+$0x7770];
	[tilespmem:s13+$0x7700] =	vst v18;
	v18 =	vmul.f32 v40, v41  }
0x241: {  	v47 =	vld [tilespmem:s13+$0x7780];
	[tilespmem:s13+$0x7710] =	vst v19;
	v19 =	vmul.f32 v42, v41  }
0x242: {  	v48 =	vld [tilespmem:s13+$0x7790];
	[tilespmem:s13+$0x7720] =	vst v18;
	v18 =	vmul.f32 v43, v41  }
0x243: {  	v49 =	vld [tilespmem:s13+$0x77A0];
	[tilespmem:s13+$0x7730] =	vst v19;
	v19 =	vmul.f32 v44, v41  }
0x244: {  	v51 =	vld [tilespmem:s13+$0x77B0];
	v50 =	vperm.xlane v17, v15;
	[tilespmem:s13+$0x7740] =	vst v18;
	v18 =	vmul.f32 v45, v41  }
0x245: {  	v52 =	vld [tilespmem:s13+$0x77C0];
	[tilespmem:s13+$0x7750] =	vst v19;
	v19 =	vmul.f32 v46, v41  }
0x246: {  	v53 =	vld [tilespmem:s13+$0x77D0];
	[tilespmem:s13+$0x7760] =	vst v18;
	v18 =	vmul.f32 v47, v50  }
0x247: {  	v54 =	vld [tilespmem:s13+$0x77E0];
	[tilespmem:s13+$0x7770] =	vst v19;
	v19 =	vmul.f32 v48, v50  }
0x248: {  	v55 =	vld [tilespmem:s13+$0x77F0];
	[tilespmem:s13+$0x7780] =	vst v18;
	v18 =	vmul.f32 v49, v50  }
0x249: {  	v56 =	vld [tilespmem:s13+$0x7800];
	[tilespmem:s13+$0x7790] =	vst v19;
	v19 =	vmul.f32 v51, v50  }
0x24a: {  	v57 =	vld [tilespmem:s13+$0x7810];
	[tilespmem:s13+$0x77A0] =	vst v18;
	v18 =	vmul.f32 v52, v50  }
0x24b: {  	v58 =	vld [tilespmem:s13+$0x7820];
	[tilespmem:s13+$0x77B0] =	vst v19;
	v19 =	vmul.f32 v53, v50  }
0x24c: {  	v17 =	vperm.xlane v17, v16;
	v59 =	vld [tilespmem:s13+$0x7830];
	[tilespmem:s13+$0x77C0] =	vst v18;
	v18 =	vmul.f32 v54, v50  }
0x24d: {  	v60 =	vld [tilespmem:s13+$0x7840];
	[tilespmem:s13+$0x77D0] =	vst v19;
	v19 =	vmul.f32 v55, v50  }
0x24e: {  	v61 =	vld [tilespmem:s13+$0x7850];
	[tilespmem:s13+$0x77E0] =	vst v18;
	v18 =	vmul.f32 v56, v17  }
0x24f: {  	v62 =	vld [tilespmem:s13+$0x7860];
	[tilespmem:s13+$0x77F0] =	vst v19;
	v19 =	vmul.f32 v57, v17  }
0x250: {  	v63 =	vld [tilespmem:s13+$0x7870];
	[tilespmem:s13+$0x7800] =	vst v18;
	v18 =	vmul.f32 v58, v17  }
0x251: {  	[tilespmem:s13+$0x7810] =	vst v19;
	v19 =	vmul.f32 v59, v17  }
0x252: {  	p0 =	sne.s32 s12, $0x7;
	[tilespmem:s13+$0x7820] =	vst v18;
	v18 =	vmul.f32 v60, v17  }
.Ltmp2:
0x253: {  	[tilespmem:s13+$0x7830] =	vst v19;
	v19 =	vmul.f32 v61, v17;
	(pc) =	sbr.rel @p0 .LBB2_7-.Ltmp2, $4  }
0x254: {  	[tilespmem:s13+$0x7840] =	vst v18;
	v18 =	vmul.f32 v62, v17  }
0x255: {  	[tilespmem:s13+$0x7850] =	vst v19;
	v17 =	vmul.f32 v63, v17  }
0x256: {  	[tilespmem:s13+$0x7860] =	vst v18  }
0x257: {  	s12 =	sadd.s32 $0x1, s12;
	[tilespmem:s13+$0x7870] =	vst v17  }
0x258: {  	s11 =	sadd.s32 $0x1, s11  }
0x259: {  	p0 =	sne.s32 s11, $0x29  }
.Ltmp3:
0x25a: {  	_ = 	snop;
	(pc) =	sbr.rel @p0 .LBB2_4-.Ltmp3, $4  }
0x25b: {  	[spmem:s3] =	stream.indirect.scatter.add.f32 [tilespmem:s29], [sflag:$0x7], $0x80, s31, s22, $0xb8;
	[tilespmem:$0x1F580] =	vst v63  }
0x25c: {  	_ =	swait.ge [sflag:s19], $0x4000  }
0x25d: {  	[sflag:s19] =	ssyncset.done $0x0  }
0x25e: {  	[sflag:s19] =	ssyncadd.s32 $0xFFFFC000  }
0x25f: {  	s11 =	stileid.u32  }
0x260: {  	[bflag:$0x0] =	sbarrier.arrive $0xFFFF;
	s11 =	sshll.u32 s11, $0x6  }
0x261: {  	s12 =	sshrl.u32 s9, $0x3;
	s13 =	rddreg [dreg:$0xa];
	s11 =	sor.u32 $0x1C07, s11  }
0x262: {  	[hbm:s13], [sflag:s11] =	dma.local [spmem:s12], $0x2800  }
0x263: {  	s10 =	sadd.s32 $0x1, s10;
	_ =	swait.ge [sflag:s19], $0x2800  }
0x264: {  	s16 =	sshrl.u32 s14, $0x3;
	p0 =	sne.s32 s10, s18;
	[sflag:s19] =	ssyncset.done $0x0  }
.Ltmp4:
0x265: {  	s17 =	rddreg [dreg:$0xb];
	[sflag:s19] =	ssyncadd.s32 $0xFFFFD800;
	(pc) =	sbr.rel @p0 .LBB2_1-.Ltmp4, $4  }
0x266: {  	[hbm:s17], [sflag:s11] =	dma.local [spmem:s16], $0x50  }
0x267: {  	_ =	swait.ge [sflag:s19], $0x50  }
0x268: {  	[sflag:s19] =	ssyncset.done $0x0  }
0x269: {  	[sflag:s19] =	ssyncadd.s32 $0xFFFFFFB0  }
0x26a: {  	_ =	sfence.sel $0x180000  }
0x26b: {  	[bflag:$0x0] =	sbarrier.arrive $0xFFFF  }
0x26c: {  	_ =	strace $0x90000047  }
0x26d: {  	s0 =	stileid.u32;
	[bflag:$0x2] =	sbarrier.arrive $0xFFFF  }
0x26e: {  	p0 =	sne.s32 s0, $0x0;
	s0 =	rddreg [dreg:$0x4]  }
0x26f: {  	s0 =	sadd.s32 @!p0 $0x100000, s0  }
0x270: {  	[sflag:s0] =	ssyncadd.tile.s32 @!p0 $0x1;
	_ =	shalt  }
.Lfunc_end2:
_tile_overlayer_lowered:
.L_overlay_start_2:
0x271: {  	(tag) =	ssettag $0x2  }
0x272: {  	s0 =	rddreg [dreg:$0x0];
	s2 =	stileid.u32  }
0x273: {  	s1 =	rddreg [dreg:$0x1];
	p0 =	sne.s32 s2, $0x0  }
0x274: {  	s3 =	rddreg [dreg:$0x2];
	[bflag:$0x3] =	sbarrier.arrive $0xFFFF;
	s2 =	simm.s32 @!p0 $0x1C07  }
0x275: {  	[timem:s3], [sflag:s2] =	dma.local @!p0 [hbm:s0], s1  }
0x276: {  	s0 =	simm.s32 @!p0 $0x7  }
0x277: {  	_ =	swait.ge @!p0 [sflag:s0], s1  }
0x278: {  	s1 =	ssub.s32 @!p0 $0x0, s1;
	[sflag:s0] =	ssyncset.done @!p0 $0x0  }
0x279: {  	[sflag:s0] =	ssyncadd.s32 @!p0 s1  }
0x27a: {  	[bflag:$0x3] =	sbarrier.arrive $0xFFFF  }
0x27b: {  	_ =	shalt  }

</sc_bundles>
